<compile_context>
chip_gen: v7x
topology: tpu7x:2x2x1
jax: 0.10.2.dev20260603
libtpu: 0.0.44.dev20260713+nightly
codegen_flags: <defaults>
</compile_context>

<pallas_src>
import functools

import jax
import jax.numpy as jnp
from jax import lax
from jax.experimental import pallas as pl
from jax.experimental.pallas import tpu as pltpu
from jax.experimental.pallas import tpu_sc as plsc

_D, _H, _W = 32, 128, 128
_R = _D * _H
_N = _D * _H * _W
_KP = 64
_MINC = 50.0
_NC, _NS = 2, 16
_NWORK = _NC * _NS
_RPW = _R // _NWORK
_EPW = _N // _NWORK
_SLC = _N // _NS


def _vote_idx_body(ez_ref, ey_ref, ex_ref, idx_ref):
    zi = jnp.clip(jnp.floor(ez_ref[...] * 0.5).astype(jnp.int32), 0, _D - 1)
    yi = jnp.clip(jnp.floor(ey_ref[...]).astype(jnp.int32), 0, _H - 1)
    xi = jnp.clip(jnp.floor(ex_ref[...]).astype(jnp.int32), 0, _W - 1)
    idx_ref[...] = (zi * _H + yi) * _W + xi


def _vote_idx(ez, ey, ex, interpret=False):
    blk = pl.BlockSpec((1024, _W), lambda i: (i, 0))
    return pl.pallas_call(
        _vote_idx_body,
        grid=(4,),
        in_specs=[blk] * 3,
        out_specs=blk,
        out_shape=jax.ShapeDtypeStruct((_R, _W), jnp.int32),
        interpret=interpret,
    )(ez, ey, ex)


def _sc_scatter_body(idx_hbm, val_hbm, out_hbm, idx_v, val_v, zb,
                     votes_sh, sem):
    c = lax.axis_index("c")
    s = lax.axis_index("s")
    wid = c * _NS + s

    el0 = wid * _EPW
    in0 = pltpu.async_copy(idx_hbm.at[pl.ds(el0, _EPW)], idx_v, sem)
    in1 = pltpu.async_copy(val_hbm.at[pl.ds(el0, _EPW)], val_v, sem)

    zv = jnp.zeros((16,), jnp.float32)

    def zbody(i, carry):
        base = i * 512
        for u in range(32):
            zb[pl.ds(base + u * 16, 16)] = zv
        return carry

    lax.fori_loop(0, _SLC // 512, zbody, 0)

    base = s * _SLC
    pltpu.sync_copy(zb, votes_sh.at[pl.ds(base, _SLC)])
    in0.wait()
    in1.wait()
    plsc.subcore_barrier()

    pltpu.sync_copy(val_v, votes_sh.at[idx_v], add=True)
    plsc.subcore_barrier()

    pltpu.sync_copy(votes_sh.at[pl.ds(base, _SLC)], zb)
    pltpu.sync_copy(zb, out_hbm.at[c, pl.ds(base, _SLC)])


@functools.cache
def _sc_scatter():
    return functools.partial(
        pl.kernel,
        mesh=plsc.VectorSubcoreMesh(core_axis_name="c", subcore_axis_name="s"),
        out_type=jax.ShapeDtypeStruct((_NC, _N), jnp.float32),
        scratch_types=[
            pltpu.VMEM((_EPW,), jnp.int32),
            pltpu.VMEM((_EPW,), jnp.float32),
            pltpu.VMEM((_SLC,), jnp.float32),
            pltpu.VMEM_SHARED((_N,), jnp.float32),
            pltpu.SemaphoreType.DMA,
        ],
    )(_sc_scatter_body)


def _shl_lanes(x, s):
    r, w = x.shape
    return jnp.concatenate([x[:, s:], jnp.zeros((r, s), x.dtype)], axis=1)


def _shr_lanes(x, s):
    r, w = x.shape
    return jnp.concatenate([jnp.zeros((r, s), x.dtype), x[:, : w - s]], axis=1)


def _shl_rows(x, s):
    r, w = x.shape
    return jnp.concatenate([x[s:, :], jnp.zeros((s, w), x.dtype)], axis=0)


def _shr_rows(x, s):
    r, w = x.shape
    return jnp.concatenate([jnp.zeros((s, w), x.dtype), x[: r - s, :]], axis=0)


def _win11(x, shl, shr):
    m2 = jnp.maximum(x, shl(x, 1))
    m3 = jnp.maximum(m2, shl(x, 2))
    m4 = jnp.maximum(m2, shl(m2, 2))
    m8 = jnp.maximum(m4, shl(m4, 4))
    m11 = jnp.maximum(m8, shl(m3, 8))
    return shr(m11, 5)


def _peaks_body(pv_ref, ez_hbm, ey_hbm, ex_hbm, fgf_hbm, out_ref,
                votes_ref, t0_ref, t1_ref, gmax_ref, vals_ref, flats_ref,
                posv_ref, pos_sm, ez_s, ey_s, ex_s, fgf_s, sem):
    for b in range(8):
        sl = pl.ds(b * 512, 512)
        v = pv_ref[0, sl, :] + pv_ref[1, sl, :]
        votes_ref[sl, :] = v
        t0_ref[sl, :] = _win11(v, _shl_lanes, _shr_lanes)

    for d in range(_D):
        sl = pl.ds(d * _H, _H)
        t1_ref[sl, :] = _win11(t0_ref[sl, :], _shl_rows, _shr_rows)

    for d in range(_D):
        m = t1_ref[pl.ds(d * _H, _H), :]
        for o in range(-3, 4):
            dd = d + o
            if 0 <= dd < _D and o != 0:
                m = jnp.maximum(m, t1_ref[pl.ds(dd * _H, _H), :])
        v = votes_ref[pl.ds(d * _H, _H), :]
        sc = jnp.where((v >= m) & (v >= _MINC), v, 0.0)
        t0_ref[pl.ds(d * _H, _H), :] = sc
        gmax_ref[pl.ds(d * 2, 2), :] = jnp.max(sc.reshape(2, 64, _W), axis=1)

    vals_ref[...] = jnp.zeros((1, 128), jnp.float32)
    flats_ref[...] = jnp.zeros((1, 128), jnp.int32)

    g_iota = lax.broadcasted_iota(jnp.int32, (64, 128), 0)
    r_iota = lax.broadcasted_iota(jnp.int32, (64, 128), 0)
    w_iota = lax.broadcasted_iota(jnp.int32, (64, 128), 1)
    l_iota = lax.broadcasted_iota(jnp.int32, (1, 128), 1)

    @pl.when(jnp.max(gmax_ref[...]) >= _MINC)
    def _():
        def tk_body(k, carry):
            gm = gmax_ref[...]
            m = jnp.max(gm)

            @pl.when(m >= _MINC)
            def _():
                g = jnp.min(jnp.where(gm == m, g_iota, _N))
                slab = t0_ref[pl.ds(g * 64, 64), :]
                rank = jnp.min(jnp.where(slab == m, r_iota * _W + w_iota, _N))
                flat = g * (64 * _W) + rank
                newslab = jnp.where(r_iota * _W + w_iota == rank, -1.0, slab)
                t0_ref[pl.ds(g * 64, 64), :] = newslab
                gmax_ref[pl.ds(g, 1), :] = jnp.max(newslab.reshape(1, 64, _W),
                                                   axis=1)
                vals_ref[...] = jnp.where(l_iota == k, m, vals_ref[...])
                flats_ref[...] = jnp.where(l_iota == k, flat, flats_ref[...])

            return carry

        lax.fori_loop(0, _KP, tk_body, 0)

    vals = vals_ref[...]
    flats = flats_ref[...]
    z = flats >> 14
    y = (flats >> 7) & (_H - 1)
    x = flats & (_W - 1)
    validf = jnp.where(vals >= _MINC, 1.0, 0.0)
    nv = jnp.sum(validf).astype(jnp.int32)

    @pl.when(nv == 0)
    def _():
        for b in range(16):
            out_ref[pl.ds(b * 256, 256), :] = jnp.zeros((256, _W), jnp.int32)

    @pl.when(nv > 0)
    def _():
        posv_ref[pl.ds(0, 1), :] = (z.astype(jnp.float32) + 0.5) * 2.0
        posv_ref[pl.ds(1, 1), :] = y.astype(jnp.float32) + 0.5
        posv_ref[pl.ds(2, 1), :] = x.astype(jnp.float32) + 0.5
        posv_ref[pl.ds(3, 1), :] = validf
        posv_ref[pl.ds(4, 4), :] = jnp.zeros((4, 128), jnp.float32)
        cps = [pltpu.make_async_copy(h, s, sem)
               for h, s in ((ez_hbm, ez_s), (ey_hbm, ey_s),
                            (ex_hbm, ex_s), (fgf_hbm, fgf_s),
                            (posv_ref, pos_sm))]
        for cp in cps:
            cp.start()
        for cp in cps:
            cp.wait()
        inf = jnp.float32(jnp.inf)
        for b in range(16):
            sl = pl.ds(b * 256, 256)
            ez = ez_s[sl, :]
            ey = ey_s[sl, :]
            ex = ex_s[sl, :]
            e2 = (ez * ez + ey * ey) + ex * ex

            def body(k, carry):
                bd, bi = carry
                pz = pos_sm[0, k]
                py = pos_sm[1, k]
                px = pos_sm[2, k]
                vk = pos_sm[3, k]
                p2 = (pz * pz + py * py) + px * px
                dot = (ez * pz + ey * py) + ex * px
                d = (e2 + p2) - 2.0 * dot
                d = jnp.where(vk > 0.0, d, inf)
                better = d < bd
                return jnp.where(better, d, bd), jnp.where(better, k, bi)

            bd0 = jnp.full((256, _W), inf, jnp.float32)
            bi0 = jnp.zeros((256, _W), jnp.int32)
            bd, bi = lax.fori_loop(0, _KP, body, (bd0, bi0))
            out_ref[sl, :] = jnp.where(fgf_s[sl, :] > 0.0, bi + 1, 0)


def _peaks(partials, ez, ey, ex, fgf, interpret=False):
    return pl.pallas_call(
        _peaks_body,
        in_specs=[
            pl.BlockSpec((_NC, _R, _W), lambda: (0, 0, 0)),
            pl.BlockSpec(memory_space=pltpu.HBM),
            pl.BlockSpec(memory_space=pltpu.HBM),
            pl.BlockSpec(memory_space=pltpu.HBM),
            pl.BlockSpec(memory_space=pltpu.HBM),
        ],
        out_shape=jax.ShapeDtypeStruct((_R, _W), jnp.int32),
        scratch_shapes=[
            pltpu.VMEM((_R, _W), jnp.float32),
            pltpu.VMEM((_R, _W), jnp.float32),
            pltpu.VMEM((_R, _W), jnp.float32),
            pltpu.VMEM((64, 128), jnp.float32),
            pltpu.VMEM((1, 128), jnp.float32),
            pltpu.VMEM((1, 128), jnp.int32),
            pltpu.VMEM((8, 128), jnp.float32),
            pltpu.SMEM((8, 128), jnp.float32),
            pltpu.VMEM((_R, _W), jnp.float32),
            pltpu.VMEM((_R, _W), jnp.float32),
            pltpu.VMEM((_R, _W), jnp.float32),
            pltpu.VMEM((_R, _W), jnp.float32),
            pltpu.SemaphoreType.DMA,
        ],
        interpret=interpret,
    )(partials, ez, ey, ex, fgf)


def kernel(embeddings, fg_mask):
    ez = embeddings[..., 0].reshape(_R, _W)
    ey = embeddings[..., 1].reshape(_R, _W)
    ex = embeddings[..., 2].reshape(_R, _W)
    fgf = fg_mask.reshape(_R, _W).astype(jnp.float32)

    idx = _vote_idx(ez, ey, ex)
    partials = _sc_scatter()(idx.reshape(_N), fgf.reshape(_N))
    labels = _peaks(partials.reshape(_NC, _R, _W), ez, ey, ex, fgf)
    return labels.reshape(_D, _H, _W)

# --- scband reference (transcript-rebuilt; emitter-appended) ---
"""Pipeline reference for scband-postprocessing-layer-1082331759351 (READ-ONLY COPY).

The authoritative reference and input builder live on the scoring server;
editing this copy changes nothing except your own understanding.
"""

import jax, jax.numpy as jnp
import numpy as np

PEAK_MIN_DISTANCE = 5.0
SPACING = (2.0, 1.0, 1.0)
MIN_COUNT = 50
GRID = (32, 128, 128)
K_PEAKS = 64


def setup_inputs(seed: int = 0):
    key = jax.random.key(seed)
    k1, k2 = jax.random.split(key)
    D, H, W = GRID
    extent = jnp.array([D * SPACING[0], H * SPACING[1], W * SPACING[2]], dtype=jnp.float32)
    embeddings = jax.random.uniform(k1, (D, H, W, 3), dtype=jnp.float32) * extent
    fg_mask = jax.random.uniform(k2, (D, H, W)) < 0.5
    return {"embeddings": embeddings, "fg_mask": fg_mask}


def embeddings_to_labels(embeddings, fg_mask, peak_min_distance, spacing, min_count):
    spacing_arr = jnp.array(spacing, dtype=jnp.float32)
    D, H, W = fg_mask.shape
    grid = jnp.array([D, H, W], dtype=jnp.int32)
    # 1) vote accumulation: each voxel's embedding points at a voxel; fg voxels vote there
    idx = jnp.floor(embeddings / spacing_arr).astype(jnp.int32)
    idx = jnp.clip(idx, 0, grid - 1)
    flat_idx = ((idx[..., 0] * H + idx[..., 1]) * W + idx[..., 2]).reshape(-1)
    votes = jnp.zeros(D * H * W, dtype=jnp.float32).at[flat_idx].add(
        fg_mask.reshape(-1).astype(jnp.float32))
    votes3 = votes.reshape(D, H, W)
    # 2) peak detection: local maxima within peak_min_distance (physical units, per-axis)
    win = tuple(int(2 * np.ceil(peak_min_distance / s) + 1) for s in spacing)
    local_max = jax.lax.reduce_window(votes3, -jnp.inf, jax.lax.max, win, (1, 1, 1), "SAME")
    is_peak = (votes3 >= local_max) & (votes3 >= float(min_count))
    peak_scores = jnp.where(is_peak, votes3, 0.0).reshape(-1)
    top_v, top_i = jax.lax.top_k(peak_scores, K_PEAKS)
    pz = top_i // (H * W)
    py = (top_i // W) % H
    px = top_i % W
    peak_pos = (jnp.stack([pz, py, px], axis=-1).astype(jnp.float32) + 0.5) * spacing_arr
    valid = top_v >= float(min_count)
    # 3) assign every fg voxel to its nearest valid peak (min_count enforced at peaks)
    emb_flat = embeddings.reshape(-1, 3)
    e2 = jnp.sum(emb_flat * emb_flat, axis=1, keepdims=True)
    p2 = jnp.sum(peak_pos * peak_pos, axis=1)
    d2 = e2 + p2[None, :] - 2.0 * (emb_flat @ peak_pos.T)
    d2 = jnp.where(valid[None, :], d2, jnp.inf)
    nearest = jnp.argmin(d2, axis=1)
    min_d = jnp.min(d2, axis=1)
    lbl = jnp.where(jnp.isfinite(min_d), nearest + 1, 0)
    labels = jnp.where(fg_mask.reshape(-1), lbl, 0).reshape(D, H, W)
    return labels.astype(jnp.int32)


def reference(embeddings, fg_mask):
    return embeddings_to_labels(embeddings, fg_mask, PEAK_MIN_DISTANCE, SPACING, MIN_COUNT)

if __name__ == "__main__":
    import jax
    _d = setup_inputs()
    print(jax.jit(kernel)(*tuple(_d.values())))

</pallas_src>

<mosaic_0001>
#map = affine_map<(d0, d1) -> (0)>
#map1 = affine_map<(d0, d1) -> (0, 0)>
module attributes {stable_mosaic.version = 14 : i64} {
  func.func @_sc_scatter_body(%arg0: i32, %arg1: i32, %arg2: memref<524288xi32, #tpu.memory_space<hbm>>, %arg3: memref<524288xf32, #tpu.memory_space<hbm>>, %arg4: memref<2x524288xf32, #tpu.memory_space<hbm>>, %arg5: memref<16384xi32, #tpu.memory_space<vmem>>, %arg6: memref<16384xf32, #tpu.memory_space<vmem>>, %arg7: memref<32768xf32, #tpu.memory_space<vmem>>, %arg8: memref<524288xf32, #tpu.memory_space<vmem_shared>>, %arg9: memref<!tpu.dma_semaphore, #tpu.memory_space<semaphore_mem>>) attributes {dimension_semantics = [#tpu.dimension_semantics<core_parallel>, #tpu.dimension_semantics<subcore_parallel>], iteration_bounds = array<i64: 2, 16>, scalar_prefetch = 0 : i64, scratch_operands = 5 : i64, tpu.core_type = #tpu.core_type<sc_vector_subcore>, window_params = [{transform_indices = #map}, {transform_indices = #map}, {transform_indices = #map1}]} {
    %mul3A = arith.constant 16 : i32
    %mul3A_0 = arith.muli %arg0, %mul3A : i32
    %add3A = arith.addi %mul3A_0, %arg1 : i32
    %mul3A_1 = arith.constant 16384 : i32
    %mul3A_2 = arith.muli %add3A, %mul3A_1 : i32
    %dma_start3A = tpu.memref_slice %arg2[%mul3A_2] : memref<524288xi32, #tpu.memory_space<hbm>> -> memref<16384xi32, #tpu.memory_space<hbm>>
    %dma_start3A_3 = tpu.memref_slice %arg2[%mul3A_2] : memref<524288xi32, #tpu.memory_space<hbm>> -> memref<16384xi32, #tpu.memory_space<hbm>>
    tpu.enqueue_dma source(%dma_start3A_3 : memref<16384xi32, #tpu.memory_space<hbm>>) target(%arg5 : memref<16384xi32, #tpu.memory_space<vmem>>) target_semaphore(%arg9 : memref<!tpu.dma_semaphore, #tpu.memory_space<semaphore_mem>>)
    %dma_start3A_4 = tpu.memref_slice %arg3[%mul3A_2] : memref<524288xf32, #tpu.memory_space<hbm>> -> memref<16384xf32, #tpu.memory_space<hbm>>
    %dma_start3A_5 = tpu.memref_slice %arg3[%mul3A_2] : memref<524288xf32, #tpu.memory_space<hbm>> -> memref<16384xf32, #tpu.memory_space<hbm>>
    tpu.enqueue_dma source(%dma_start3A_5 : memref<16384xf32, #tpu.memory_space<hbm>>) target(%arg6 : memref<16384xf32, #tpu.memory_space<vmem>>) target_semaphore(%arg9 : memref<!tpu.dma_semaphore, #tpu.memory_space<semaphore_mem>>)
    %broadcast_in_dim3A = arith.constant 0.000000e+00 : f32
    %broadcast_in_dim3A_6 = vector.broadcast %broadcast_in_dim3A : f32 to vector<16xf32>
    %scan3A = arith.constant 0 : i32
    %scan3A_7 = arith.constant 0 : i32
    %scan3A_8 = arith.constant 64 : i32
    %scan3A_9 = arith.addi %scan3A_7, %scan3A_8 : i32
    %scan3A_10 = arith.constant 1 : i32
    scf.for %scan3A_18 = %scan3A_7 to %scan3A_9 step %scan3A_10  : i32 {
      %mul3A_19 = arith.constant 512 : i32
      %mul3A_20 = arith.muli %scan3A_18, %mul3A_19 : i32
      %add3A_21 = arith.constant 0 : i32
      %add3A_22 = arith.addi %mul3A_20, %add3A_21 : i32
      %swap3A = arith.index_cast %add3A_22 : i32 to index
      %swap3A_23 = tpu.vector_load %arg7[%swap3A] {strides = array<i32>} : memref<32768xf32, #tpu.memory_space<vmem>>, vector<16xf32>,
      %swap3A_24 = vector.shape_cast %swap3A_23 : vector<16xf32> to vector<16xf32>
      %swap3A_25 = vector.shape_cast %broadcast_in_dim3A_6 : vector<16xf32> to vector<16xf32>
      tpu.vector_store %arg7[%swap3A], %swap3A_25 {strides = array<i32>} : memref<32768xf32, #tpu.memory_space<vmem>>, vector<16xf32>,
      %add3A_26 = arith.constant 16 : i32
      %add3A_27 = arith.addi %mul3A_20, %add3A_26 : i32
      %swap3A_28 = arith.index_cast %add3A_27 : i32 to index
      %swap3A_29 = tpu.vector_load %arg7[%swap3A_28] {strides = array<i32>} : memref<32768xf32, #tpu.memory_space<vmem>>, vector<16xf32>,
      %swap3A_30 = vector.shape_cast %swap3A_29 : vector<16xf32> to vector<16xf32>
      %swap3A_31 = vector.shape_cast %broadcast_in_dim3A_6 : vector<16xf32> to vector<16xf32>
      tpu.vector_store %arg7[%swap3A_28], %swap3A_31 {strides = array<i32>} : memref<32768xf32, #tpu.memory_space<vmem>>, vector<16xf32>,
      %add3A_32 = arith.constant 32 : i32
      %add3A_33 = arith.addi %mul3A_20, %add3A_32 : i32
      %swap3A_34 = arith.index_cast %add3A_33 : i32 to index
      %swap3A_35 = tpu.vector_load %arg7[%swap3A_34] {strides = array<i32>} : memref<32768xf32, #tpu.memory_space<vmem>>, vector<16xf32>,
      %swap3A_36 = vector.shape_cast %swap3A_35 : vector<16xf32> to vector<16xf32>
      %swap3A_37 = vector.shape_cast %broadcast_in_dim3A_6 : vector<16xf32> to vector<16xf32>
      tpu.vector_store %arg7[%swap3A_34], %swap3A_37 {strides = array<i32>} : memref<32768xf32, #tpu.memory_space<vmem>>, vector<16xf32>,
      %add3A_38 = arith.constant 48 : i32
      %add3A_39 = arith.addi %mul3A_20, %add3A_38 : i32
      %swap3A_40 = arith.index_cast %add3A_39 : i32 to index
      %swap3A_41 = tpu.vector_load %arg7[%swap3A_40] {strides = array<i32>} : memref<32768xf32, #tpu.memory_space<vmem>>, vector<16xf32>,
      %swap3A_42 = vector.shape_cast %swap3A_41 : vector<16xf32> to vector<16xf32>
      %swap3A_43 = vector.shape_cast %broadcast_in_dim3A_6 : vector<16xf32> to vector<16xf32>
      tpu.vector_store %arg7[%swap3A_40], %swap3A_43 {strides = array<i32>} : memref<32768xf32, #tpu.memory_space<vmem>>, vector<16xf32>,
      %add3A_44 = arith.constant 64 : i32
      %add3A_45 = arith.addi %mul3A_20, %add3A_44 : i32
      %swap3A_46 = arith.index_cast %add3A_45 : i32 to index
      %swap3A_47 = tpu.vector_load %arg7[%swap3A_46] {strides = array<i32>} : memref<32768xf32, #tpu.memory_space<vmem>>, vector<16xf32>,
      %swap3A_48 = vector.shape_cast %swap3A_47 : vector<16xf32> to vector<16xf32>
      %swap3A_49 = vector.shape_cast %broadcast_in_dim3A_6 : vector<16xf32> to vector<16xf32>
      tpu.vector_store %arg7[%swap3A_46], %swap3A_49 {strides = array<i32>} : memref<32768xf32, #tpu.memory_space<vmem>>, vector<16xf32>,
      %add3A_50 = arith.constant 80 : i32
      %add3A_51 = arith.addi %mul3A_20, %add3A_50 : i32
      %swap3A_52 = arith.index_cast %add3A_51 : i32 to index
      %swap3A_53 = tpu.vector_load %arg7[%swap3A_52] {strides = array<i32>} : memref<32768xf32, #tpu.memory_space<vmem>>, vector<16xf32>,
      %swap3A_54 = vector.shape_cast %swap3A_53 : vector<16xf32> to vector<16xf32>
      %swap3A_55 = vector.shape_cast %broadcast_in_dim3A_6 : vector<16xf32> to vector<16xf32>
      tpu.vector_store %arg7[%swap3A_52], %swap3A_55 {strides = array<i32>} : memref<32768xf32, #tpu.memory_space<vmem>>, vector<16xf32>,
      %add3A_56 = arith.constant 96 : i32
      %add3A_57 = arith.addi %mul3A_20, %add3A_56 : i32
      %swap3A_58 = arith.index_cast %add3A_57 : i32 to index
      %swap3A_59 = tpu.vector_load %arg7[%swap3A_58] {strides = array<i32>} : memref<32768xf32, #tpu.memory_space<vmem>>, vector<16xf32>,
      %swap3A_60 = vector.shape_cast %swap3A_59 : vector<16xf32> to vector<16xf32>
      %swap3A_61 = vector.shape_cast %broadcast_in_dim3A_6 : vector<16xf32> to vector<16xf32>
      tpu.vector_store %arg7[%swap3A_58], %swap3A_61 {strides = array<i32>} : memref<32768xf32, #tpu.memory_space<vmem>>, vector<16xf32>,
      %add3A_62 = arith.constant 112 : i32
      %add3A_63 = arith.addi %mul3A_20, %add3A_62 : i32
      %swap3A_64 = arith.index_cast %add3A_63 : i32 to index
      %swap3A_65 = tpu.vector_load %arg7[%swap3A_64] {strides = array<i32>} : memref<32768xf32, #tpu.memory_space<vmem>>, vector<16xf32>,
      %swap3A_66 = vector.shape_cast %swap3A_65 : vector<16xf32> to vector<16xf32>
      %swap3A_67 = vector.shape_cast %broadcast_in_dim3A_6 : vector<16xf32> to vector<16xf32>
      tpu.vector_store %arg7[%swap3A_64], %swap3A_67 {strides = array<i32>} : memref<32768xf32, #tpu.memory_space<vmem>>, vector<16xf32>,
      %add3A_68 = arith.constant 128 : i32
      %add3A_69 = arith.addi %mul3A_20, %add3A_68 : i32
      %swap3A_70 = arith.index_cast %add3A_69 : i32 to index
      %swap3A_71 = tpu.vector_load %arg7[%swap3A_70] {strides = array<i32>} : memref<32768xf32, #tpu.memory_space<vmem>>, vector<16xf32>,
      %swap3A_72 = vector.shape_cast %swap3A_71 : vector<16xf32> to vector<16xf32>
      %swap3A_73 = vector.shape_cast %broadcast_in_dim3A_6 : vector<16xf32> to vector<16xf32>
      tpu.vector_store %arg7[%swap3A_70], %swap3A_73 {strides = array<i32>} : memref<32768xf32, #tpu.memory_space<vmem>>, vector<16xf32>,
      %add3A_74 = arith.constant 144 : i32
      %add3A_75 = arith.addi %mul3A_20, %add3A_74 : i32
      %swap3A_76 = arith.index_cast %add3A_75 : i32 to index
      %swap3A_77 = tpu.vector_load %arg7[%swap3A_76] {strides = array<i32>} : memref<32768xf32, #tpu.memory_space<vmem>>, vector<16xf32>,
      %swap3A_78 = vector.shape_cast %swap3A_77 : vector<16xf32> to vector<16xf32>
      %swap3A_79 = vector.shape_cast %broadcast_in_dim3A_6 : vector<16xf32> to vector<16xf32>
      tpu.vector_store %arg7[%swap3A_76], %swap3A_79 {strides = array<i32>} : memref<32768xf32, #tpu.memory_space<vmem>>, vector<16xf32>,
      %add3A_80 = arith.constant 160 : i32
      %add3A_81 = arith.addi %mul3A_20, %add3A_80 : i32
      %swap3A_82 = arith.index_cast %add3A_81 : i32 to index
      %swap3A_83 = tpu.vector_load %arg7[%swap3A_82] {strides = array<i32>} : memref<32768xf32, #tpu.memory_space<vmem>>, vector<16xf32>,
      %swap3A_84 = vector.shape_cast %swap3A_83 : vector<16xf32> to vector<16xf32>
      %swap3A_85 = vector.shape_cast %broadcast_in_dim3A_6 : vector<16xf32> to vector<16xf32>
      tpu.vector_store %arg7[%swap3A_82], %swap3A_85 {strides = array<i32>} : memref<32768xf32, #tpu.memory_space<vmem>>, vector<16xf32>,
      %add3A_86 = arith.constant 176 : i32
      %add3A_87 = arith.addi %mul3A_20, %add3A_86 : i32
      %swap3A_88 = arith.index_cast %add3A_87 : i32 to index
      %swap3A_89 = tpu.vector_load %arg7[%swap3A_88] {strides = array<i32>} : memref<32768xf32, #tpu.memory_space<vmem>>, vector<16xf32>,
      %swap3A_90 = vector.shape_cast %swap3A_89 : vector<16xf32> to vector<16xf32>
      %swap3A_91 = vector.shape_cast %broadcast_in_dim3A_6 : vector<16xf32> to vector<16xf32>
      tpu.vector_store %arg7[%swap3A_88], %swap3A_91 {strides = array<i32>} : memref<32768xf32, #tpu.memory_space<vmem>>, vector<16xf32>,
      %add3A_92 = arith.constant 192 : i32
      %add3A_93 = arith.addi %mul3A_20, %add3A_92 : i32
      %swap3A_94 = arith.index_cast %add3A_93 : i32 to index
      %swap3A_95 = tpu.vector_load %arg7[%swap3A_94] {strides = array<i32>} : memref<32768xf32, #tpu.memory_space<vmem>>, vector<16xf32>,
      %swap3A_96 = vector.shape_cast %swap3A_95 : vector<16xf32> to vector<16xf32>
      %swap3A_97 = vector.shape_cast %broadcast_in_dim3A_6 : vector<16xf32> to vector<16xf32>
      tpu.vector_store %arg7[%swap3A_94], %swap3A_97 {strides = array<i32>} : memref<32768xf32, #tpu.memory_space<vmem>>, vector<16xf32>,
      %add3A_98 = arith.constant 208 : i32
      %add3A_99 = arith.addi %mul3A_20, %add3A_98 : i32
      %swap3A_100 = arith.index_cast %add3A_99 : i32 to index
      %swap3A_101 = tpu.vector_load %arg7[%swap3A_100] {strides = array<i32>} : memref<32768xf32, #tpu.memory_space<vmem>>, vector<16xf32>,
      %swap3A_102 = vector.shape_cast %swap3A_101 : vector<16xf32> to vector<16xf32>
      %swap3A_103 = vector.shape_cast %broadcast_in_dim3A_6 : vector<16xf32> to vector<16xf32>
      tpu.vector_store %arg7[%swap3A_100], %swap3A_103 {strides = array<i32>} : memref<32768xf32, #tpu.memory_space<vmem>>, vector<16xf32>,
      %add3A_104 = arith.constant 224 : i32
      %add3A_105 = arith.addi %mul3A_20, %add3A_104 : i32
      %swap3A_106 = arith.index_cast %add3A_105 : i32 to index
      %swap3A_107 = tpu.vector_load %arg7[%swap3A_106] {strides = array<i32>} : memref<32768xf32, #tpu.memory_space<vmem>>, vector<16xf32>,
      %swap3A_108 = vector.shape_cast %swap3A_107 : vector<16xf32> to vector<16xf32>
      %swap3A_109 = vector.shape_cast %broadcast_in_dim3A_6 : vector<16xf32> to vector<16xf32>
      tpu.vector_store %arg7[%swap3A_106], %swap3A_109 {strides = array<i32>} : memref<32768xf32, #tpu.memory_space<vmem>>, vector<16xf32>,
      %add3A_110 = arith.constant 240 : i32
      %add3A_111 = arith.addi %mul3A_20, %add3A_110 : i32
      %swap3A_112 = arith.index_cast %add3A_111 : i32 to index
      %swap3A_113 = tpu.vector_load %arg7[%swap3A_112] {strides = array<i32>} : memref<32768xf32, #tpu.memory_space<vmem>>, vector<16xf32>,
      %swap3A_114 = vector.shape_cast %swap3A_113 : vector<16xf32> to vector<16xf32>
      %swap3A_115 = vector.shape_cast %broadcast_in_dim3A_6 : vector<16xf32> to vector<16xf32>
      tpu.vector_store %arg7[%swap3A_112], %swap3A_115 {strides = array<i32>} : memref<32768xf32, #tpu.memory_space<vmem>>, vector<16xf32>,
      %add3A_116 = arith.constant 256 : i32
      %add3A_117 = arith.addi %mul3A_20, %add3A_116 : i32
      %swap3A_118 = arith.index_cast %add3A_117 : i32 to index
      %swap3A_119 = tpu.vector_load %arg7[%swap3A_118] {strides = array<i32>} : memref<32768xf32, #tpu.memory_space<vmem>>, vector<16xf32>,
      %swap3A_120 = vector.shape_cast %swap3A_119 : vector<16xf32> to vector<16xf32>
      %swap3A_121 = vector.shape_cast %broadcast_in_dim3A_6 : vector<16xf32> to vector<16xf32>
      tpu.vector_store %arg7[%swap3A_118], %swap3A_121 {strides = array<i32>} : memref<32768xf32, #tpu.memory_space<vmem>>, vector<16xf32>,
      %add3A_122 = arith.constant 272 : i32
      %add3A_123 = arith.addi %mul3A_20, %add3A_122 : i32
      %swap3A_124 = arith.index_cast %add3A_123 : i32 to index
      %swap3A_125 = tpu.vector_load %arg7[%swap3A_124] {strides = array<i32>} : memref<32768xf32, #tpu.memory_space<vmem>>, vector<16xf32>,
      %swap3A_126 = vector.shape_cast %swap3A_125 : vector<16xf32> to vector<16xf32>
      %swap3A_127 = vector.shape_cast %broadcast_in_dim3A_6 : vector<16xf32> to vector<16xf32>
      tpu.vector_store %arg7[%swap3A_124], %swap3A_127 {strides = array<i32>} : memref<32768xf32, #tpu.memory_space<vmem>>, vector<16xf32>,
      %add3A_128 = arith.constant 288 : i32
      %add3A_129 = arith.addi %mul3A_20, %add3A_128 : i32
      %swap3A_130 = arith.index_cast %add3A_129 : i32 to index
      %swap3A_131 = tpu.vector_load %arg7[%swap3A_130] {strides = array<i32>} : memref<32768xf32, #tpu.memory_space<vmem>>, vector<16xf32>,
      %swap3A_132 = vector.shape_cast %swap3A_131 : vector<16xf32> to vector<16xf32>
      %swap3A_133 = vector.shape_cast %broadcast_in_dim3A_6 : vector<16xf32> to vector<16xf32>
      tpu.vector_store %arg7[%swap3A_130], %swap3A_133 {strides = array<i32>} : memref<32768xf32, #tpu.memory_space<vmem>>, vector<16xf32>,
      %add3A_134 = arith.constant 304 : i32
      %add3A_135 = arith.addi %mul3A_20, %add3A_134 : i32
      %swap3A_136 = arith.index_cast %add3A_135 : i32 to index
      %swap3A_137 = tpu.vector_load %arg7[%swap3A_136] {strides = array<i32>} : memref<32768xf32, #tpu.memory_space<vmem>>, vector<16xf32>,
      %swap3A_138 = vector.shape_cast %swap3A_137 : vector<16xf32> to vector<16xf32>
      %swap3A_139 = vector.shape_cast %broadcast_in_dim3A_6 : vector<16xf32> to vector<16xf32>
      tpu.vector_store %arg7[%swap3A_136], %swap3A_139 {strides = array<i32>} : memref<32768xf32, #tpu.memory_space<vmem>>, vector<16xf32>,
      %add3A_140 = arith.constant 320 : i32
      %add3A_141 = arith.addi %mul3A_20, %add3A_140 : i32
      %swap3A_142 = arith.index_cast %add3A_141 : i32 to index
      %swap3A_143 = tpu.vector_load %arg7[%swap3A_142] {strides = array<i32>} : memref<32768xf32, #tpu.memory_space<vmem>>, vector<16xf32>,
      %swap3A_144 = vector.shape_cast %swap3A_143 : vector<16xf32> to vector<16xf32>
      %swap3A_145 = vector.shape_cast %broadcast_in_dim3A_6 : vector<16xf32> to vector<16xf32>
      tpu.vector_store %arg7[%swap3A_142], %swap3A_145 {strides = array<i32>} : memref<32768xf32, #tpu.memory_space<vmem>>, vector<16xf32>,
      %add3A_146 = arith.constant 336 : i32
      %add3A_147 = arith.addi %mul3A_20, %add3A_146 : i32
      %swap3A_148 = arith.index_cast %add3A_147 : i32 to index
      %swap3A_149 = tpu.vector_load %arg7[%swap3A_148] {strides = array<i32>} : memref<32768xf32, #tpu.memory_space<vmem>>, vector<16xf32>,
      %swap3A_150 = vector.shape_cast %swap3A_149 : vector<16xf32> to vector<16xf32>
      %swap3A_151 = vector.shape_cast %broadcast_in_dim3A_6 : vector<16xf32> to vector<16xf32>
      tpu.vector_store %arg7[%swap3A_148], %swap3A_151 {strides = array<i32>} : memref<32768xf32, #tpu.memory_space<vmem>>, vector<16xf32>,
      %add3A_152 = arith.constant 352 : i32
      %add3A_153 = arith.addi %mul3A_20, %add3A_152 : i32
      %swap3A_154 = arith.index_cast %add3A_153 : i32 to index
      %swap3A_155 = tpu.vector_load %arg7[%swap3A_154] {strides = array<i32>} : memref<32768xf32, #tpu.memory_space<vmem>>, vector<16xf32>,
      %swap3A_156 = vector.shape_cast %swap3A_155 : vector<16xf32> to vector<16xf32>
      %swap3A_157 = vector.shape_cast %broadcast_in_dim3A_6 : vector<16xf32> to vector<16xf32>
      tpu.vector_store %arg7[%swap3A_154], %swap3A_157 {strides = array<i32>} : memref<32768xf32, #tpu.memory_space<vmem>>, vector<16xf32>,
      %add3A_158 = arith.constant 368 : i32
      %add3A_159 = arith.addi %mul3A_20, %add3A_158 : i32
      %swap3A_160 = arith.index_cast %add3A_159 : i32 to index
      %swap3A_161 = tpu.vector_load %arg7[%swap3A_160] {strides = array<i32>} : memref<32768xf32, #tpu.memory_space<vmem>>, vector<16xf32>,
      %swap3A_162 = vector.shape_cast %swap3A_161 : vector<16xf32> to vector<16xf32>
      %swap3A_163 = vector.shape_cast %broadcast_in_dim3A_6 : vector<16xf32> to vector<16xf32>
      tpu.vector_store %arg7[%swap3A_160], %swap3A_163 {strides = array<i32>} : memref<32768xf32, #tpu.memory_space<vmem>>, vector<16xf32>,
      %add3A_164 = arith.constant 384 : i32
      %add3A_165 = arith.addi %mul3A_20, %add3A_164 : i32
      %swap3A_166 = arith.index_cast %add3A_165 : i32 to index
      %swap3A_167 = tpu.vector_load %arg7[%swap3A_166] {strides = array<i32>} : memref<32768xf32, #tpu.memory_space<vmem>>, vector<16xf32>,
      %swap3A_168 = vector.shape_cast %swap3A_167 : vector<16xf32> to vector<16xf32>
      %swap3A_169 = vector.shape_cast %broadcast_in_dim3A_6 : vector<16xf32> to vector<16xf32>
      tpu.vector_store %arg7[%swap3A_166], %swap3A_169 {strides = array<i32>} : memref<32768xf32, #tpu.memory_space<vmem>>, vector<16xf32>,
      %add3A_170 = arith.constant 400 : i32
      %add3A_171 = arith.addi %mul3A_20, %add3A_170 : i32
      %swap3A_172 = arith.index_cast %add3A_171 : i32 to index
      %swap3A_173 = tpu.vector_load %arg7[%swap3A_172] {strides = array<i32>} : memref<32768xf32, #tpu.memory_space<vmem>>, vector<16xf32>,
      %swap3A_174 = vector.shape_cast %swap3A_173 : vector<16xf32> to vector<16xf32>
      %swap3A_175 = vector.shape_cast %broadcast_in_dim3A_6 : vector<16xf32> to vector<16xf32>
      tpu.vector_store %arg7[%swap3A_172], %swap3A_175 {strides = array<i32>} : memref<32768xf32, #tpu.memory_space<vmem>>, vector<16xf32>,
      %add3A_176 = arith.constant 416 : i32
      %add3A_177 = arith.addi %mul3A_20, %add3A_176 : i32
      %swap3A_178 = arith.index_cast %add3A_177 : i32 to index
      %swap3A_179 = tpu.vector_load %arg7[%swap3A_178] {strides = array<i32>} : memref<32768xf32, #tpu.memory_space<vmem>>, vector<16xf32>,
      %swap3A_180 = vector.shape_cast %swap3A_179 : vector<16xf32> to vector<16xf32>
      %swap3A_181 = vector.shape_cast %broadcast_in_dim3A_6 : vector<16xf32> to vector<16xf32>
      tpu.vector_store %arg7[%swap3A_178], %swap3A_181 {strides = array<i32>} : memref<32768xf32, #tpu.memory_space<vmem>>, vector<16xf32>,
      %add3A_182 = arith.constant 432 : i32
      %add3A_183 = arith.addi %mul3A_20, %add3A_182 : i32
      %swap3A_184 = arith.index_cast %add3A_183 : i32 to index
      %swap3A_185 = tpu.vector_load %arg7[%swap3A_184] {strides = array<i32>} : memref<32768xf32, #tpu.memory_space<vmem>>, vector<16xf32>,
      %swap3A_186 = vector.shape_cast %swap3A_185 : vector<16xf32> to vector<16xf32>
      %swap3A_187 = vector.shape_cast %broadcast_in_dim3A_6 : vector<16xf32> to vector<16xf32>
      tpu.vector_store %arg7[%swap3A_184], %swap3A_187 {strides = array<i32>} : memref<32768xf32, #tpu.memory_space<vmem>>, vector<16xf32>,
      %add3A_188 = arith.constant 448 : i32
      %add3A_189 = arith.addi %mul3A_20, %add3A_188 : i32
      %swap3A_190 = arith.index_cast %add3A_189 : i32 to index
      %swap3A_191 = tpu.vector_load %arg7[%swap3A_190] {strides = array<i32>} : memref<32768xf32, #tpu.memory_space<vmem>>, vector<16xf32>,
      %swap3A_192 = vector.shape_cast %swap3A_191 : vector<16xf32> to vector<16xf32>
      %swap3A_193 = vector.shape_cast %broadcast_in_dim3A_6 : vector<16xf32> to vector<16xf32>
      tpu.vector_store %arg7[%swap3A_190], %swap3A_193 {strides = array<i32>} : memref<32768xf32, #tpu.memory_space<vmem>>, vector<16xf32>,
      %add3A_194 = arith.constant 464 : i32
      %add3A_195 = arith.addi %mul3A_20, %add3A_194 : i32
      %swap3A_196 = arith.index_cast %add3A_195 : i32 to index
      %swap3A_197 = tpu.vector_load %arg7[%swap3A_196] {strides = array<i32>} : memref<32768xf32, #tpu.memory_space<vmem>>, vector<16xf32>,
      %swap3A_198 = vector.shape_cast %swap3A_197 : vector<16xf32> to vector<16xf32>
      %swap3A_199 = vector.shape_cast %broadcast_in_dim3A_6 : vector<16xf32> to vector<16xf32>
      tpu.vector_store %arg7[%swap3A_196], %swap3A_199 {strides = array<i32>} : memref<32768xf32, #tpu.memory_space<vmem>>, vector<16xf32>,
      %add3A_200 = arith.constant 480 : i32
      %add3A_201 = arith.addi %mul3A_20, %add3A_200 : i32
      %swap3A_202 = arith.index_cast %add3A_201 : i32 to index
      %swap3A_203 = tpu.vector_load %arg7[%swap3A_202] {strides = array<i32>} : memref<32768xf32, #tpu.memory_space<vmem>>, vector<16xf32>,
      %swap3A_204 = vector.shape_cast %swap3A_203 : vector<16xf32> to vector<16xf32>
      %swap3A_205 = vector.shape_cast %broadcast_in_dim3A_6 : vector<16xf32> to vector<16xf32>
      tpu.vector_store %arg7[%swap3A_202], %swap3A_205 {strides = array<i32>} : memref<32768xf32, #tpu.memory_space<vmem>>, vector<16xf32>,
      %add3A_206 = arith.constant 496 : i32
      %add3A_207 = arith.addi %mul3A_20, %add3A_206 : i32
      %swap3A_208 = arith.index_cast %add3A_207 : i32 to index
      %swap3A_209 = tpu.vector_load %arg7[%swap3A_208] {strides = array<i32>} : memref<32768xf32, #tpu.memory_space<vmem>>, vector<16xf32>,
      %swap3A_210 = vector.shape_cast %swap3A_209 : vector<16xf32> to vector<16xf32>
      %swap3A_211 = vector.shape_cast %broadcast_in_dim3A_6 : vector<16xf32> to vector<16xf32>
      tpu.vector_store %arg7[%swap3A_208], %swap3A_211 {strides = array<i32>} : memref<32768xf32, #tpu.memory_space<vmem>>, vector<16xf32>,
    }
    %scan3A_11 = arith.constant 64 : i32
    %mul3A_12 = arith.constant 32768 : i32
    %mul3A_13 = arith.muli %arg1, %mul3A_12 : i32
    "tpu.region"() ({
      %run_scoped3A = tpu.sem_alloc : memref<!tpu.dma_semaphore, #tpu.memory_space<semaphore_mem>>
      %dma_start3A_18 = tpu.memref_slice %arg8[%mul3A_13] : memref<524288xf32, #tpu.memory_space<vmem_shared>> -> memref<32768xf32, #tpu.memory_space<vmem_shared>>
      %dma_start3A_19 = tpu.memref_slice %arg8[%mul3A_13] : memref<524288xf32, #tpu.memory_space<vmem_shared>> -> memref<32768xf32, #tpu.memory_space<vmem_shared>>
      tpu.enqueue_dma source(%arg7 : memref<32768xf32, #tpu.memory_space<vmem>>) target(%dma_start3A_19 : memref<32768xf32, #tpu.memory_space<vmem_shared>>) target_semaphore(%run_scoped3A : memref<!tpu.dma_semaphore, #tpu.memory_space<semaphore_mem>>)
      %dma_wait3A_20 = tpu.memref_slice %arg8[%mul3A_13] : memref<524288xf32, #tpu.memory_space<vmem_shared>> -> memref<32768xf32, #tpu.memory_space<vmem_shared>>
      %dma_wait3A_21 = tpu.memref_slice %arg8[%mul3A_13] : memref<524288xf32, #tpu.memory_space<vmem_shared>> -> memref<32768xf32, #tpu.memory_space<vmem_shared>>
      tpu.wait_dma2 semaphore(%run_scoped3A : memref<!tpu.dma_semaphore, #tpu.memory_space<semaphore_mem>>) src(%arg7 : memref<32768xf32, #tpu.memory_space<vmem>>) dst(%dma_wait3A_21 : memref<32768xf32, #tpu.memory_space<vmem_shared>>)
      tpu.yield
    }) : () -> ()
    %dma_wait3A = tpu.memref_slice %arg2[%mul3A_2] : memref<524288xi32, #tpu.memory_space<hbm>> -> memref<16384xi32, #tpu.memory_space<hbm>>
    %dma_wait3A_14 = tpu.memref_slice %arg2[%mul3A_2] : memref<524288xi32, #tpu.memory_space<hbm>> -> memref<16384xi32, #tpu.memory_space<hbm>>
    tpu.wait_dma2 semaphore(%arg9 : memref<!tpu.dma_semaphore, #tpu.memory_space<semaphore_mem>>) src(%dma_wait3A_14 : memref<16384xi32, #tpu.memory_space<hbm>>) dst(%arg5 : memref<16384xi32, #tpu.memory_space<vmem>>)
    %dma_wait3A_15 = tpu.memref_slice %arg3[%mul3A_2] : memref<524288xf32, #tpu.memory_space<hbm>> -> memref<16384xf32, #tpu.memory_space<hbm>>
    %dma_wait3A_16 = tpu.memref_slice %arg3[%mul3A_2] : memref<524288xf32, #tpu.memory_space<hbm>> -> memref<16384xf32, #tpu.memory_space<hbm>>
    tpu.wait_dma2 semaphore(%arg9 : memref<!tpu.dma_semaphore, #tpu.memory_space<semaphore_mem>>) src(%dma_wait3A_16 : memref<16384xf32, #tpu.memory_space<hbm>>) dst(%arg6 : memref<16384xf32, #tpu.memory_space<vmem>>)
    %barrier3A = arith.constant 0 : index
    tpu.barrier barrier_id(%barrier3A)
    "tpu.region"() ({
      %run_scoped3A = tpu.sem_alloc : memref<!tpu.dma_semaphore, #tpu.memory_space<semaphore_mem>>
      %dma_start3A_18 = arith.constant 0 : i32
      %dma_start3A_19 = tpu.memref_slice %arg8[%dma_start3A_18] : memref<524288xf32, #tpu.memory_space<vmem_shared>> -> memref<524288xf32, #tpu.memory_space<vmem_shared>>
      tpu.enqueue_indirect_dma source(%arg6 : memref<16384xf32, #tpu.memory_space<vmem>>) target(%dma_start3A_19 : memref<524288xf32, #tpu.memory_space<vmem_shared>>) offsets(%arg5 : memref<16384xi32, #tpu.memory_space<vmem>>) semaphore(%run_scoped3A : memref<!tpu.dma_semaphore, #tpu.memory_space<semaphore_mem>>) {add = true}
      %dma_wait3A_20 = arith.constant 0 : i32
      %dma_wait3A_21 = tpu.memref_slice %arg8[%dma_wait3A_20] : memref<524288xf32, #tpu.memory_space<vmem_shared>> -> memref<524288xf32, #tpu.memory_space<vmem_shared>>
      tpu.wait_indirect_dma semaphore(%run_scoped3A : memref<!tpu.dma_semaphore, #tpu.memory_space<semaphore_mem>>) src(%arg6 : memref<16384xf32, #tpu.memory_space<vmem>>) dst(%dma_wait3A_21 : memref<524288xf32, #tpu.memory_space<vmem_shared>>)
      tpu.yield
    }) : () -> ()
    %barrier3A_17 = arith.constant 0 : index
    tpu.barrier barrier_id(%barrier3A_17)
    "tpu.region"() ({
      %run_scoped3A = tpu.sem_alloc : memref<!tpu.dma_semaphore, #tpu.memory_space<semaphore_mem>>
      %dma_start3A_18 = tpu.memref_slice %arg8[%mul3A_13] : memref<524288xf32, #tpu.memory_space<vmem_shared>> -> memref<32768xf32, #tpu.memory_space<vmem_shared>>
      %dma_start3A_19 = tpu.memref_slice %arg8[%mul3A_13] : memref<524288xf32, #tpu.memory_space<vmem_shared>> -> memref<32768xf32, #tpu.memory_space<vmem_shared>>
      tpu.enqueue_dma source(%dma_start3A_19 : memref<32768xf32, #tpu.memory_space<vmem_shared>>) target(%arg7 : memref<32768xf32, #tpu.memory_space<vmem>>) target_semaphore(%run_scoped3A : memref<!tpu.dma_semaphore, #tpu.memory_space<semaphore_mem>>)
      %dma_wait3A_20 = tpu.memref_slice %arg8[%mul3A_13] : memref<524288xf32, #tpu.memory_space<vmem_shared>> -> memref<32768xf32, #tpu.memory_space<vmem_shared>>
      %dma_wait3A_21 = tpu.memref_slice %arg8[%mul3A_13] : memref<524288xf32, #tpu.memory_space<vmem_shared>> -> memref<32768xf32, #tpu.memory_space<vmem_shared>>
      tpu.wait_dma2 semaphore(%run_scoped3A : memref<!tpu.dma_semaphore, #tpu.memory_space<semaphore_mem>>) src(%dma_wait3A_21 : memref<32768xf32, #tpu.memory_space<vmem_shared>>) dst(%arg7 : memref<32768xf32, #tpu.memory_space<vmem>>)
      tpu.yield
    }) : () -> ()
    "tpu.region"() ({
      %run_scoped3A = tpu.sem_alloc : memref<!tpu.dma_semaphore, #tpu.memory_space<semaphore_mem>>
      %dma_start3A_18 = tpu.memref_slice %arg4[%arg0, %mul3A_13] : memref<2x524288xf32, #tpu.memory_space<hbm>> -> memref<1x32768xf32, #tpu.memory_space<hbm>>
      %dma_start3A_19 = tpu.memref_squeeze %dma_start3A_18 : memref<1x32768xf32, #tpu.memory_space<hbm>> -> memref<32768xf32, #tpu.memory_space<hbm>>
      %dma_start3A_20 = tpu.memref_slice %arg4[%arg0, %mul3A_13] : memref<2x524288xf32, #tpu.memory_space<hbm>> -> memref<1x32768xf32, #tpu.memory_space<hbm>>
      %dma_start3A_21 = tpu.memref_squeeze %dma_start3A_20 : memref<1x32768xf32, #tpu.memory_space<hbm>> -> memref<32768xf32, #tpu.memory_space<hbm>>
      tpu.enqueue_dma source(%arg7 : memref<32768xf32, #tpu.memory_space<vmem>>) target(%dma_start3A_21 : memref<32768xf32, #tpu.memory_space<hbm>>) target_semaphore(%run_scoped3A : memref<!tpu.dma_semaphore, #tpu.memory_space<semaphore_mem>>)
      %dma_wait3A_22 = tpu.memref_slice %arg4[%arg0, %mul3A_13] : memref<2x524288xf32, #tpu.memory_space<hbm>> -> memref<1x32768xf32, #tpu.memory_space<hbm>>
      %dma_wait3A_23 = tpu.memref_squeeze %dma_wait3A_22 : memref<1x32768xf32, #tpu.memory_space<hbm>> -> memref<32768xf32, #tpu.memory_space<hbm>>
      %dma_wait3A_24 = tpu.memref_slice %arg4[%arg0, %mul3A_13] : memref<2x524288xf32, #tpu.memory_space<hbm>> -> memref<1x32768xf32, #tpu.memory_space<hbm>>
      %dma_wait3A_25 = tpu.memref_squeeze %dma_wait3A_24 : memref<1x32768xf32, #tpu.memory_space<hbm>> -> memref<32768xf32, #tpu.memory_space<hbm>>
      tpu.wait_dma2 semaphore(%run_scoped3A : memref<!tpu.dma_semaphore, #tpu.memory_space<semaphore_mem>>) src(%arg7 : memref<32768xf32, #tpu.memory_space<vmem>>) dst(%dma_wait3A_25 : memref<32768xf32, #tpu.memory_space<hbm>>)
      tpu.yield
    }) : () -> ()
    return
  }
}

module attributes {stable_mosaic.version = 14 : i64} {
  func.func @_vote_idx_body(%arg0: i32, %arg1: memref<1024x128xf32, #tpu.memory_space<vmem>>, %arg2: memref<1024x128xf32, #tpu.memory_space<vmem>>, %arg3: memref<1024x128xf32, #tpu.memory_space<vmem>>, %arg4: memref<1024x128xi32, #tpu.memory_space<vmem>>) attributes {dimension_semantics = [#tpu.dimension_semantics<arbitrary>], iteration_bounds = array<i64: 4>, scalar_prefetch = 0 : i64, scratch_operands = 0 : i64, tpu.core_type = #tpu.core_type<tc>, window_params = [{transform_indices = @transform_0, window_bounds = array<i64: 1024, 128>}, {transform_indices = @transform_1, window_bounds = array<i64: 1024, 128>}, {transform_indices = @transform_2, window_bounds = array<i64: 1024, 128>}, {transform_indices = @transform_3, window_bounds = array<i64: 1024, 128>}]} {
    %get3A = arith.constant 0 : index
    %get3A_0 = arith.constant 0 : index
    %get3A_1 = vector.load %arg1[%get3A, %get3A_0] : memref<1024x128xf32, #tpu.memory_space<vmem>>, vector<1024x128xf32>
    %mul3A = arith.constant 5.000000e-01 : f32
    %mul3A_2 = vector.broadcast %mul3A : f32 to vector<1024x128xf32>
    %mul3A_3 = arith.mulf %get3A_1, %mul3A_2 : vector<1024x128xf32>
    %floor3A = math.floor %mul3A_3 : vector<1024x128xf32>
    %convert_element_type3A = arith.fptosi %floor3A : vector<1024x128xf32> to vector<1024x128xi32>
    %jit3A = arith.constant 0 : i32
    %jit3A_4 = arith.constant 31 : i32
    %max3A = vector.broadcast %jit3A : i32 to vector<1024x128xi32>
    %max3A_5 = arith.maxsi %max3A, %convert_element_type3A : vector<1024x128xi32>
    %min3A = vector.broadcast %jit3A_4 : i32 to vector<1024x128xi32>
    %min3A_6 = arith.minsi %min3A, %max3A_5 : vector<1024x128xi32>
    %get3A_7 = arith.constant 0 : index
    %get3A_8 = arith.constant 0 : index
    %get3A_9 = vector.load %arg2[%get3A_7, %get3A_8] : memref<1024x128xf32, #tpu.memory_space<vmem>>, vector<1024x128xf32>
    %floor3A_10 = math.floor %get3A_9 : vector<1024x128xf32>
    %convert_element_type3A_11 = arith.fptosi %floor3A_10 : vector<1024x128xf32> to vector<1024x128xi32>
    %jit3A_12 = arith.constant 0 : i32
    %jit3A_13 = arith.constant 127 : i32
    %max3A_14 = vector.broadcast %jit3A_12 : i32 to vector<1024x128xi32>
    %max3A_15 = arith.maxsi %max3A_14, %convert_element_type3A_11 : vector<1024x128xi32>
    %min3A_16 = vector.broadcast %jit3A_13 : i32 to vector<1024x128xi32>
    %min3A_17 = arith.minsi %min3A_16, %max3A_15 : vector<1024x128xi32>
    %get3A_18 = arith.constant 0 : index
    %get3A_19 = arith.constant 0 : index
    %get3A_20 = vector.load %arg3[%get3A_18, %get3A_19] : memref<1024x128xf32, #tpu.memory_space<vmem>>, vector<1024x128xf32>
    %floor3A_21 = math.floor %get3A_20 : vector<1024x128xf32>
    %convert_element_type3A_22 = arith.fptosi %floor3A_21 : vector<1024x128xf32> to vector<1024x128xi32>
    %jit3A_23 = arith.constant 0 : i32
    %jit3A_24 = arith.constant 127 : i32
    %max3A_25 = vector.broadcast %jit3A_23 : i32 to vector<1024x128xi32>
    %max3A_26 = arith.maxsi %max3A_25, %convert_element_type3A_22 : vector<1024x128xi32>
    %min3A_27 = vector.broadcast %jit3A_24 : i32 to vector<1024x128xi32>
    %min3A_28 = arith.minsi %min3A_27, %max3A_26 : vector<1024x128xi32>
    %mul3A_29 = arith.constant 128 : i32
    %mul3A_30 = vector.broadcast %mul3A_29 : i32 to vector<1024x128xi32>
    %mul3A_31 = arith.muli %min3A_6, %mul3A_30 : vector<1024x128xi32>
    %add3A = arith.addi %mul3A_31, %min3A_17 : vector<1024x128xi32>
    %mul3A_32 = arith.constant 128 : i32
    %mul3A_33 = vector.broadcast %mul3A_32 : i32 to vector<1024x128xi32>
    %mul3A_34 = arith.muli %add3A, %mul3A_33 : vector<1024x128xi32>
    %add3A_35 = arith.addi %mul3A_34, %min3A_28 : vector<1024x128xi32>
    %swap3A = arith.constant 0 : index
    %swap3A_36 = arith.constant 0 : index
    %swap3A_37 = vector.load %arg4[%swap3A, %swap3A_36] : memref<1024x128xi32, #tpu.memory_space<vmem>>, vector<1024x128xi32>
    tpu.vector_store %arg4[%swap3A, %swap3A_36], %add3A_35 {strides = array<i32>} : memref<1024x128xi32, #tpu.memory_space<vmem>>, vector<1024x128xi32>,
    return
  }
  func.func @transform_0(%arg0: i32) -> (i32, i32) {
    %c0_i32 = arith.constant 0 : i32
    %c0_i32_0 = arith.constant 0 : i32
    return %arg0, %c0_i32 : i32, i32
  }
  func.func @transform_1(%arg0: i32) -> (i32, i32) {
    %c0_i32 = arith.constant 0 : i32
    %c0_i32_0 = arith.constant 0 : i32
    return %arg0, %c0_i32 : i32, i32
  }
  func.func @transform_2(%arg0: i32) -> (i32, i32) {
    %c0_i32 = arith.constant 0 : i32
    %c0_i32_0 = arith.constant 0 : i32
    return %arg0, %c0_i32 : i32, i32
  }
  func.func @transform_3(%arg0: i32) -> (i32, i32) {
    %c0_i32 = arith.constant 0 : i32
    %c0_i32_0 = arith.constant 0 : i32
    return %arg0, %c0_i32 : i32, i32
  }
}

module attributes {stable_mosaic.version = 14 : i64} {
  func.func @_peaks_body(%arg0: memref<2x4096x128xf32, #tpu.memory_space<vmem>>, %arg1: memref<4096x128xf32, #tpu.memory_space<hbm>>, %arg2: memref<4096x128xf32, #tpu.memory_space<hbm>>, %arg3: memref<4096x128xf32, #tpu.memory_space<hbm>>, %arg4: memref<4096x128xf32, #tpu.memory_space<hbm>>, %arg5: memref<4096x128xi32, #tpu.memory_space<vmem>>, %arg6: memref<4096x128xf32, #tpu.memory_space<vmem>>, %arg7: memref<4096x128xf32, #tpu.memory_space<vmem>>, %arg8: memref<4096x128xf32, #tpu.memory_space<vmem>>, %arg9: memref<64x128xf32, #tpu.memory_space<vmem>>, %arg10: memref<1x128xf32, #tpu.memory_space<vmem>>, %arg11: memref<1x128xi32, #tpu.memory_space<vmem>>, %arg12: memref<8x128xf32, #tpu.memory_space<vmem>>, %arg13: memref<8x128xf32, #tpu.memory_space<smem>>, %arg14: memref<4096x128xf32, #tpu.memory_space<vmem>>, %arg15: memref<4096x128xf32, #tpu.memory_space<vmem>>, %arg16: memref<4096x128xf32, #tpu.memory_space<vmem>>, %arg17: memref<4096x128xf32, #tpu.memory_space<vmem>>, %arg18: memref<!tpu.dma_semaphore, #tpu.memory_space<semaphore_mem>>) attributes {dimension_semantics = [], scalar_prefetch = 0 : i64, scratch_operands = 13 : i64, tpu.core_type = #tpu.core_type<tc>} {
    %get3A = arith.constant 0 : index
    %get3A_0 = arith.constant 0 : index
    %get3A_1 = arith.constant 0 : index
    %get3A_2 = vector.load %arg0[%get3A, %get3A_0, %get3A_1] : memref<2x4096x128xf32, #tpu.memory_space<vmem>>, vector<1x512x128xf32>
    %get3A_3 = vector.shape_cast %get3A_2 : vector<1x512x128xf32> to vector<512x128xf32>
    %get3A_4 = arith.constant 1 : index
    %get3A_5 = arith.constant 0 : index
    %get3A_6 = arith.constant 0 : index
    %get3A_7 = vector.load %arg0[%get3A_4, %get3A_5, %get3A_6] : memref<2x4096x128xf32, #tpu.memory_space<vmem>>, vector<1x512x128xf32>
    %get3A_8 = vector.shape_cast %get3A_7 : vector<1x512x128xf32> to vector<512x128xf32>
    %add3A = arith.addf %get3A_3, %get3A_8 : vector<512x128xf32>
    %swap3A = arith.constant 0 : index
    %swap3A_9 = arith.constant 0 : index
    %swap3A_10 = vector.load %arg6[%swap3A, %swap3A_9] : memref<4096x128xf32, #tpu.memory_space<vmem>>, vector<512x128xf32>
    tpu.vector_store %arg6[%swap3A, %swap3A_9], %add3A {strides = array<i32>} : memref<4096x128xf32, #tpu.memory_space<vmem>>, vector<512x128xf32>,
    %slice3A = vector.extract_strided_slice %add3A {offsets = [0, 1], sizes = [512, 127], strides = [1, 1]} : vector<512x128xf32> to vector<512x127xf32>
    %broadcast_in_dim3A = arith.constant 0.000000e+00 : f32
    %broadcast_in_dim3A_11 = vector.broadcast %broadcast_in_dim3A : f32 to vector<512x1xf32>
    %concatenate3A = tpu.concatenate %slice3A, %broadcast_in_dim3A_11 in 1 : vector<512x127xf32>, vector<512x1xf32> -> vector<512x128xf32>
    %max3A = arith.maximumf %add3A, %concatenate3A : vector<512x128xf32>
    %slice3A_12 = vector.extract_strided_slice %add3A {offsets = [0, 2], sizes = [512, 126], strides = [1, 1]} : vector<512x128xf32> to vector<512x126xf32>
    %broadcast_in_dim3A_13 = arith.constant 0.000000e+00 : f32
    %broadcast_in_dim3A_14 = vector.broadcast %broadcast_in_dim3A_13 : f32 to vector<512x2xf32>
    %concatenate3A_15 = tpu.concatenate %slice3A_12, %broadcast_in_dim3A_14 in 1 : vector<512x126xf32>, vector<512x2xf32> -> vector<512x128xf32>
    %max3A_16 = arith.maximumf %max3A, %concatenate3A_15 : vector<512x128xf32>
    %slice3A_17 = vector.extract_strided_slice %max3A {offsets = [0, 2], sizes = [512, 126], strides = [1, 1]} : vector<512x128xf32> to vector<512x126xf32>
    %broadcast_in_dim3A_18 = arith.constant 0.000000e+00 : f32
    %broadcast_in_dim3A_19 = vector.broadcast %broadcast_in_dim3A_18 : f32 to vector<512x2xf32>
    %concatenate3A_20 = tpu.concatenate %slice3A_17, %broadcast_in_dim3A_19 in 1 : vector<512x126xf32>, vector<512x2xf32> -> vector<512x128xf32>
    %max3A_21 = arith.maximumf %max3A, %concatenate3A_20 : vector<512x128xf32>
    %slice3A_22 = vector.extract_strided_slice %max3A_21 {offsets = [0, 4], sizes = [512, 124], strides = [1, 1]} : vector<512x128xf32> to vector<512x124xf32>
    %broadcast_in_dim3A_23 = arith.constant 0.000000e+00 : f32
    %broadcast_in_dim3A_24 = vector.broadcast %broadcast_in_dim3A_23 : f32 to vector<512x4xf32>
    %concatenate3A_25 = tpu.concatenate %slice3A_22, %broadcast_in_dim3A_24 in 1 : vector<512x124xf32>, vector<512x4xf32> -> vector<512x128xf32>
    %max3A_26 = arith.maximumf %max3A_21, %concatenate3A_25 : vector<512x128xf32>
    %slice3A_27 = vector.extract_strided_slice %max3A_16 {offsets = [0, 8], sizes = [512, 120], strides = [1, 1]} : vector<512x128xf32> to vector<512x120xf32>
    %broadcast_in_dim3A_28 = arith.constant 0.000000e+00 : f32
    %broadcast_in_dim3A_29 = vector.broadcast %broadcast_in_dim3A_28 : f32 to vector<512x8xf32>
    %concatenate3A_30 = tpu.concatenate %slice3A_27, %broadcast_in_dim3A_29 in 1 : vector<512x120xf32>, vector<512x8xf32> -> vector<512x128xf32>
    %max3A_31 = arith.maximumf %max3A_26, %concatenate3A_30 : vector<512x128xf32>
    %broadcast_in_dim3A_32 = arith.constant 0.000000e+00 : f32
    %broadcast_in_dim3A_33 = vector.broadcast %broadcast_in_dim3A_32 : f32 to vector<512x5xf32>
    %slice3A_34 = vector.extract_strided_slice %max3A_31 {offsets = [0, 0], sizes = [512, 123], strides = [1, 1]} : vector<512x128xf32> to vector<512x123xf32>
    %concatenate3A_35 = tpu.concatenate %broadcast_in_dim3A_33, %slice3A_34 in 1 : vector<512x5xf32>, vector<512x123xf32> -> vector<512x128xf32>
    %swap3A_36 = arith.constant 0 : index
    %swap3A_37 = arith.constant 0 : index
    %swap3A_38 = vector.load %arg7[%swap3A_36, %swap3A_37] : memref<4096x128xf32, #tpu.memory_space<vmem>>, vector<512x128xf32>
    tpu.vector_store %arg7[%swap3A_36, %swap3A_37], %concatenate3A_35 {strides = array<i32>} : memref<4096x128xf32, #tpu.memory_space<vmem>>, vector<512x128xf32>,
    %get3A_39 = arith.constant 0 : index
    %get3A_40 = arith.constant 512 : index
    %get3A_41 = arith.constant 0 : index
    %get3A_42 = vector.load %arg0[%get3A_39, %get3A_40, %get3A_41] : memref<2x4096x128xf32, #tpu.memory_space<vmem>>, vector<1x512x128xf32>
    %get3A_43 = vector.shape_cast %get3A_42 : vector<1x512x128xf32> to vector<512x128xf32>
    %get3A_44 = arith.constant 1 : index
    %get3A_45 = arith.constant 512 : index
    %get3A_46 = arith.constant 0 : index
    %get3A_47 = vector.load %arg0[%get3A_44, %get3A_45, %get3A_46] : memref<2x4096x128xf32, #tpu.memory_space<vmem>>, vector<1x512x128xf32>
    %get3A_48 = vector.shape_cast %get3A_47 : vector<1x512x128xf32> to vector<512x128xf32>
    %add3A_49 = arith.addf %get3A_43, %get3A_48 : vector<512x128xf32>
    %swap3A_50 = arith.constant 512 : index
    %swap3A_51 = arith.constant 0 : index
    %swap3A_52 = vector.load %arg6[%swap3A_50, %swap3A_51] : memref<4096x128xf32, #tpu.memory_space<vmem>>, vector<512x128xf32>
    tpu.vector_store %arg6[%swap3A_50, %swap3A_51], %add3A_49 {strides = array<i32>} : memref<4096x128xf32, #tpu.memory_space<vmem>>, vector<512x128xf32>,
    %slice3A_53 = vector.extract_strided_slice %add3A_49 {offsets = [0, 1], sizes = [512, 127], strides = [1, 1]} : vector<512x128xf32> to vector<512x127xf32>
    %broadcast_in_dim3A_54 = arith.constant 0.000000e+00 : f32
    %broadcast_in_dim3A_55 = vector.broadcast %broadcast_in_dim3A_54 : f32 to vector<512x1xf32>
    %concatenate3A_56 = tpu.concatenate %slice3A_53, %broadcast_in_dim3A_55 in 1 : vector<512x127xf32>, vector<512x1xf32> -> vector<512x128xf32>
    %max3A_57 = arith.maximumf %add3A_49, %concatenate3A_56 : vector<512x128xf32>
    %slice3A_58 = vector.extract_strided_slice %add3A_49 {offsets = [0, 2], sizes = [512, 126], strides = [1, 1]} : vector<512x128xf32> to vector<512x126xf32>
    %broadcast_in_dim3A_59 = arith.constant 0.000000e+00 : f32
    %broadcast_in_dim3A_60 = vector.broadcast %broadcast_in_dim3A_59 : f32 to vector<512x2xf32>
    %concatenate3A_61 = tpu.concatenate %slice3A_58, %broadcast_in_dim3A_60 in 1 : vector<512x126xf32>, vector<512x2xf32> -> vector<512x128xf32>
    %max3A_62 = arith.maximumf %max3A_57, %concatenate3A_61 : vector<512x128xf32>
    %slice3A_63 = vector.extract_strided_slice %max3A_57 {offsets = [0, 2], sizes = [512, 126], strides = [1, 1]} : vector<512x128xf32> to vector<512x126xf32>
    %broadcast_in_dim3A_64 = arith.constant 0.000000e+00 : f32
    %broadcast_in_dim3A_65 = vector.broadcast %broadcast_in_dim3A_64 : f32 to vector<512x2xf32>
    %concatenate3A_66 = tpu.concatenate %slice3A_63, %broadcast_in_dim3A_65 in 1 : vector<512x126xf32>, vector<512x2xf32> -> vector<512x128xf32>
    %max3A_67 = arith.maximumf %max3A_57, %concatenate3A_66 : vector<512x128xf32>
    %slice3A_68 = vector.extract_strided_slice %max3A_67 {offsets = [0, 4], sizes = [512, 124], strides = [1, 1]} : vector<512x128xf32> to vector<512x124xf32>
    %broadcast_in_dim3A_69 = arith.constant 0.000000e+00 : f32
    %broadcast_in_dim3A_70 = vector.broadcast %broadcast_in_dim3A_69 : f32 to vector<512x4xf32>
    %concatenate3A_71 = tpu.concatenate %slice3A_68, %broadcast_in_dim3A_70 in 1 : vector<512x124xf32>, vector<512x4xf32> -> vector<512x128xf32>
    %max3A_72 = arith.maximumf %max3A_67, %concatenate3A_71 : vector<512x128xf32>
    %slice3A_73 = vector.extract_strided_slice %max3A_62 {offsets = [0, 8], sizes = [512, 120], strides = [1, 1]} : vector<512x128xf32> to vector<512x120xf32>
    %broadcast_in_dim3A_74 = arith.constant 0.000000e+00 : f32
    %broadcast_in_dim3A_75 = vector.broadcast %broadcast_in_dim3A_74 : f32 to vector<512x8xf32>
    %concatenate3A_76 = tpu.concatenate %slice3A_73, %broadcast_in_dim3A_75 in 1 : vector<512x120xf32>, vector<512x8xf32> -> vector<512x128xf32>
    %max3A_77 = arith.maximumf %max3A_72, %concatenate3A_76 : vector<512x128xf32>
    %broadcast_in_dim3A_78 = arith.constant 0.000000e+00 : f32
    %broadcast_in_dim3A_79 = vector.broadcast %broadcast_in_dim3A_78 : f32 to vector<512x5xf32>
    %slice3A_80 = vector.extract_strided_slice %max3A_77 {offsets = [0, 0], sizes = [512, 123], strides = [1, 1]} : vector<512x128xf32> to vector<512x123xf32>
    %concatenate3A_81 = tpu.concatenate %broadcast_in_dim3A_79, %slice3A_80 in 1 : vector<512x5xf32>, vector<512x123xf32> -> vector<512x128xf32>
    %swap3A_82 = arith.constant 512 : index
    %swap3A_83 = arith.constant 0 : index
    %swap3A_84 = vector.load %arg7[%swap3A_82, %swap3A_83] : memref<4096x128xf32, #tpu.memory_space<vmem>>, vector<512x128xf32>
    tpu.vector_store %arg7[%swap3A_82, %swap3A_83], %concatenate3A_81 {strides = array<i32>} : memref<4096x128xf32, #tpu.memory_space<vmem>>, vector<512x128xf32>,
    %get3A_85 = arith.constant 0 : index
    %get3A_86 = arith.constant 1024 : index
    %get3A_87 = arith.constant 0 : index
    %get3A_88 = vector.load %arg0[%get3A_85, %get3A_86, %get3A_87] : memref<2x4096x128xf32, #tpu.memory_space<vmem>>, vector<1x512x128xf32>
    %get3A_89 = vector.shape_cast %get3A_88 : vector<1x512x128xf32> to vector<512x128xf32>
    %get3A_90 = arith.constant 1 : index
    %get3A_91 = arith.constant 1024 : index
    %get3A_92 = arith.constant 0 : index
    %get3A_93 = vector.load %arg0[%get3A_90, %get3A_91, %get3A_92] : memref<2x4096x128xf32, #tpu.memory_space<vmem>>, vector<1x512x128xf32>
    %get3A_94 = vector.shape_cast %get3A_93 : vector<1x512x128xf32> to vector<512x128xf32>
    %add3A_95 = arith.addf %get3A_89, %get3A_94 : vector<512x128xf32>
    %swap3A_96 = arith.constant 1024 : index
    %swap3A_97 = arith.constant 0 : index
    %swap3A_98 = vector.load %arg6[%swap3A_96, %swap3A_97] : memref<4096x128xf32, #tpu.memory_space<vmem>>, vector<512x128xf32>
    tpu.vector_store %arg6[%swap3A_96, %swap3A_97], %add3A_95 {strides = array<i32>} : memref<4096x128xf32, #tpu.memory_space<vmem>>, vector<512x128xf32>,
    %slice3A_99 = vector.extract_strided_slice %add3A_95 {offsets = [0, 1], sizes = [512, 127], strides = [1, 1]} : vector<512x128xf32> to vector<512x127xf32>
    %broadcast_in_dim3A_100 = arith.constant 0.000000e+00 : f32
    %broadcast_in_dim3A_101 = vector.broadcast %broadcast_in_dim3A_100 : f32 to vector<512x1xf32>
    %concatenate3A_102 = tpu.concatenate %slice3A_99, %broadcast_in_dim3A_101 in 1 : vector<512x127xf32>, vector<512x1xf32> -> vector<512x128xf32>
    %max3A_103 = arith.maximumf %add3A_95, %concatenate3A_102 : vector<512x128xf32>
    %slice3A_104 = vector.extract_strided_slice %add3A_95 {offsets = [0, 2], sizes = [512, 126], strides = [1, 1]} : vector<512x128xf32> to vector<512x126xf32>
    %broadcast_in_dim3A_105 = arith.constant 0.000000e+00 : f32
    %broadcast_in_dim3A_106 = vector.broadcast %broadcast_in_dim3A_105 : f32 to vector<512x2xf32>
    %concatenate3A_107 = tpu.concatenate %slice3A_104, %broadcast_in_dim3A_106 in 1 : vector<512x126xf32>, vector<512x2xf32> -> vector<512x128xf32>
    %max3A_108 = arith.maximumf %max3A_103, %concatenate3A_107 : vector<512x128xf32>
    %slice3A_109 = vector.extract_strided_slice %max3A_103 {offsets = [0, 2], sizes = [512, 126], strides = [1, 1]} : vector<512x128xf32> to vector<512x126xf32>
    %broadcast_in_dim3A_110 = arith.constant 0.000000e+00 : f32
    %broadcast_in_dim3A_111 = vector.broadcast %broadcast_in_dim3A_110 : f32 to vector<512x2xf32>
    %concatenate3A_112 = tpu.concatenate %slice3A_109, %broadcast_in_dim3A_111 in 1 : vector<512x126xf32>, vector<512x2xf32> -> vector<512x128xf32>
    %max3A_113 = arith.maximumf %max3A_103, %concatenate3A_112 : vector<512x128xf32>
    %slice3A_114 = vector.extract_strided_slice %max3A_113 {offsets = [0, 4], sizes = [512, 124], strides = [1, 1]} : vector<512x128xf32> to vector<512x124xf32>
    %broadcast_in_dim3A_115 = arith.constant 0.000000e+00 : f32
    %broadcast_in_dim3A_116 = vector.broadcast %broadcast_in_dim3A_115 : f32 to vector<512x4xf32>
    %concatenate3A_117 = tpu.concatenate %slice3A_114, %broadcast_in_dim3A_116 in 1 : vector<512x124xf32>, vector<512x4xf32> -> vector<512x128xf32>
    %max3A_118 = arith.maximumf %max3A_113, %concatenate3A_117 : vector<512x128xf32>
    %slice3A_119 = vector.extract_strided_slice %max3A_108 {offsets = [0, 8], sizes = [512, 120], strides = [1, 1]} : vector<512x128xf32> to vector<512x120xf32>
    %broadcast_in_dim3A_120 = arith.constant 0.000000e+00 : f32
    %broadcast_in_dim3A_121 = vector.broadcast %broadcast_in_dim3A_120 : f32 to vector<512x8xf32>
    %concatenate3A_122 = tpu.concatenate %slice3A_119, %broadcast_in_dim3A_121 in 1 : vector<512x120xf32>, vector<512x8xf32> -> vector<512x128xf32>
    %max3A_123 = arith.maximumf %max3A_118, %concatenate3A_122 : vector<512x128xf32>
    %broadcast_in_dim3A_124 = arith.constant 0.000000e+00 : f32
    %broadcast_in_dim3A_125 = vector.broadcast %broadcast_in_dim3A_124 : f32 to vector<512x5xf32>
    %slice3A_126 = vector.extract_strided_slice %max3A_123 {offsets = [0, 0], sizes = [512, 123], strides = [1, 1]} : vector<512x128xf32> to vector<512x123xf32>
    %concatenate3A_127 = tpu.concatenate %broadcast_in_dim3A_125, %slice3A_126 in 1 : vector<512x5xf32>, vector<512x123xf32> -> vector<512x128xf32>
    %swap3A_128 = arith.constant 1024 : index
    %swap3A_129 = arith.constant 0 : index
    %swap3A_130 = vector.load %arg7[%swap3A_128, %swap3A_129] : memref<4096x128xf32, #tpu.memory_space<vmem>>, vector<512x128xf32>
    tpu.vector_store %arg7[%swap3A_128, %swap3A_129], %concatenate3A_127 {strides = array<i32>} : memref<4096x128xf32, #tpu.memory_space<vmem>>, vector<512x128xf32>,
    %get3A_131 = arith.constant 0 : index
    %get3A_132 = arith.constant 1536 : index
    %get3A_133 = arith.constant 0 : index
    %get3A_134 = vector.load %arg0[%get3A_131, %get3A_132, %get3A_133] : memref<2x4096x128xf32, #tpu.memory_space<vmem>>, vector<1x512x128xf32>
    %get3A_135 = vector.shape_cast %get3A_134 : vector<1x512x128xf32> to vector<512x128xf32>
    %get3A_136 = arith.constant 1 : index
    %get3A_137 = arith.constant 1536 : index
    %get3A_138 = arith.constant 0 : index
    %get3A_139 = vector.load %arg0[%get3A_136, %get3A_137, %get3A_138] : memref<2x4096x128xf32, #tpu.memory_space<vmem>>, vector<1x512x128xf32>
    %get3A_140 = vector.shape_cast %get3A_139 : vector<1x512x128xf32> to vector<512x128xf32>
    %add3A_141 = arith.addf %get3A_135, %get3A_140 : vector<512x128xf32>
    %swap3A_142 = arith.constant 1536 : index
    %swap3A_143 = arith.constant 0 : index
    %swap3A_144 = vector.load %arg6[%swap3A_142, %swap3A_143] : memref<4096x128xf32, #tpu.memory_space<vmem>>, vector<512x128xf32>
    tpu.vector_store %arg6[%swap3A_142, %swap3A_143], %add3A_141 {strides = array<i32>} : memref<4096x128xf32, #tpu.memory_space<vmem>>, vector<512x128xf32>,
    %slice3A_145 = vector.extract_strided_slice %add3A_141 {offsets = [0, 1], sizes = [512, 127], strides = [1, 1]} : vector<512x128xf32> to vector<512x127xf32>
    %broadcast_in_dim3A_146 = arith.constant 0.000000e+00 : f32
    %broadcast_in_dim3A_147 = vector.broadcast %broadcast_in_dim3A_146 : f32 to vector<512x1xf32>
    %concatenate3A_148 = tpu.concatenate %slice3A_145, %broadcast_in_dim3A_147 in 1 : vector<512x127xf32>, vector<512x1xf32> -> vector<512x128xf32>
    %max3A_149 = arith.maximumf %add3A_141, %concatenate3A_148 : vector<512x128xf32>
    %slice3A_150 = vector.extract_strided_slice %add3A_141 {offsets = [0, 2], sizes = [512, 126], strides = [1, 1]} : vector<512x128xf32> to vector<512x126xf32>
    %broadcast_in_dim3A_151 = arith.constant 0.000000e+00 : f32
    %broadcast_in_dim3A_152 = vector.broadcast %broadcast_in_dim3A_151 : f32 to vector<512x2xf32>
    %concatenate3A_153 = tpu.concatenate %slice3A_150, %broadcast_in_dim3A_152 in 1 : vector<512x126xf32>, vector<512x2xf32> -> vector<512x128xf32>
    %max3A_154 = arith.maximumf %max3A_149, %concatenate3A_153 : vector<512x128xf32>
    %slice3A_155 = vector.extract_strided_slice %max3A_149 {offsets = [0, 2], sizes = [512, 126], strides = [1, 1]} : vector<512x128xf32> to vector<512x126xf32>
    %broadcast_in_dim3A_156 = arith.constant 0.000000e+00 : f32
    %broadcast_in_dim3A_157 = vector.broadcast %broadcast_in_dim3A_156 : f32 to vector<512x2xf32>
    %concatenate3A_158 = tpu.concatenate %slice3A_155, %broadcast_in_dim3A_157 in 1 : vector<512x126xf32>, vector<512x2xf32> -> vector<512x128xf32>
    %max3A_159 = arith.maximumf %max3A_149, %concatenate3A_158 : vector<512x128xf32>
    %slice3A_160 = vector.extract_strided_slice %max3A_159 {offsets = [0, 4], sizes = [512, 124], strides = [1, 1]} : vector<512x128xf32> to vector<512x124xf32>
    %broadcast_in_dim3A_161 = arith.constant 0.000000e+00 : f32
    %broadcast_in_dim3A_162 = vector.broadcast %broadcast_in_dim3A_161 : f32 to vector<512x4xf32>
    %concatenate3A_163 = tpu.concatenate %slice3A_160, %broadcast_in_dim3A_162 in 1 : vector<512x124xf32>, vector<512x4xf32> -> vector<512x128xf32>
    %max3A_164 = arith.maximumf %max3A_159, %concatenate3A_163 : vector<512x128xf32>
    %slice3A_165 = vector.extract_strided_slice %max3A_154 {offsets = [0, 8], sizes = [512, 120], strides = [1, 1]} : vector<512x128xf32> to vector<512x120xf32>
    %broadcast_in_dim3A_166 = arith.constant 0.000000e+00 : f32
    %broadcast_in_dim3A_167 = vector.broadcast %broadcast_in_dim3A_166 : f32 to vector<512x8xf32>
    %concatenate3A_168 = tpu.concatenate %slice3A_165, %broadcast_in_dim3A_167 in 1 : vector<512x120xf32>, vector<512x8xf32> -> vector<512x128xf32>
    %max3A_169 = arith.maximumf %max3A_164, %concatenate3A_168 : vector<512x128xf32>
    %broadcast_in_dim3A_170 = arith.constant 0.000000e+00 : f32
    %broadcast_in_dim3A_171 = vector.broadcast %broadcast_in_dim3A_170 : f32 to vector<512x5xf32>
    %slice3A_172 = vector.extract_strided_slice %max3A_169 {offsets = [0, 0], sizes = [512, 123], strides = [1, 1]} : vector<512x128xf32> to vector<512x123xf32>
    %concatenate3A_173 = tpu.concatenate %broadcast_in_dim3A_171, %slice3A_172 in 1 : vector<512x5xf32>, vector<512x123xf32> -> vector<512x128xf32>
    %swap3A_174 = arith.constant 1536 : index
    %swap3A_175 = arith.constant 0 : index
    %swap3A_176 = vector.load %arg7[%swap3A_174, %swap3A_175] : memref<4096x128xf32, #tpu.memory_space<vmem>>, vector<512x128xf32>
    tpu.vector_store %arg7[%swap3A_174, %swap3A_175], %concatenate3A_173 {strides = array<i32>} : memref<4096x128xf32, #tpu.memory_space<vmem>>, vector<512x128xf32>,
    %get3A_177 = arith.constant 0 : index
    %get3A_178 = arith.constant 2048 : index
    %get3A_179 = arith.constant 0 : index
    %get3A_180 = vector.load %arg0[%get3A_177, %get3A_178, %get3A_179] : memref<2x4096x128xf32, #tpu.memory_space<vmem>>, vector<1x512x128xf32>
    %get3A_181 = vector.shape_cast %get3A_180 : vector<1x512x128xf32> to vector<512x128xf32>
    %get3A_182 = arith.constant 1 : index
    %get3A_183 = arith.constant 2048 : index
    %get3A_184 = arith.constant 0 : index
    %get3A_185 = vector.load %arg0[%get3A_182, %get3A_183, %get3A_184] : memref<2x4096x128xf32, #tpu.memory_space<vmem>>, vector<1x512x128xf32>
    %get3A_186 = vector.shape_cast %get3A_185 : vector<1x512x128xf32> to vector<512x128xf32>
    %add3A_187 = arith.addf %get3A_181, %get3A_186 : vector<512x128xf32>
    %swap3A_188 = arith.constant 2048 : index
    %swap3A_189 = arith.constant 0 : index
    %swap3A_190 = vector.load %arg6[%swap3A_188, %swap3A_189] : memref<4096x128xf32, #tpu.memory_space<vmem>>, vector<512x128xf32>
    tpu.vector_store %arg6[%swap3A_188, %swap3A_189], %add3A_187 {strides = array<i32>} : memref<4096x128xf32, #tpu.memory_space<vmem>>, vector<512x128xf32>,
    %slice3A_191 = vector.extract_strided_slice %add3A_187 {offsets = [0, 1], sizes = [512, 127], strides = [1, 1]} : vector<512x128xf32> to vector<512x127xf32>
    %broadcast_in_dim3A_192 = arith.constant 0.000000e+00 : f32
    %broadcast_in_dim3A_193 = vector.broadcast %broadcast_in_dim3A_192 : f32 to vector<512x1xf32>
    %concatenate3A_194 = tpu.concatenate %slice3A_191, %broadcast_in_dim3A_193 in 1 : vector<512x127xf32>, vector<512x1xf32> -> vector<512x128xf32>
    %max3A_195 = arith.maximumf %add3A_187, %concatenate3A_194 : vector<512x128xf32>
    %slice3A_196 = vector.extract_strided_slice %add3A_187 {offsets = [0, 2], sizes = [512, 126], strides = [1, 1]} : vector<512x128xf32> to vector<512x126xf32>
    %broadcast_in_dim3A_197 = arith.constant 0.000000e+00 : f32
    %broadcast_in_dim3A_198 = vector.broadcast %broadcast_in_dim3A_197 : f32 to vector<512x2xf32>
    %concatenate3A_199 = tpu.concatenate %slice3A_196, %broadcast_in_dim3A_198 in 1 : vector<512x126xf32>, vector<512x2xf32> -> vector<512x128xf32>
    %max3A_200 = arith.maximumf %max3A_195, %concatenate3A_199 : vector<512x128xf32>
    %slice3A_201 = vector.extract_strided_slice %max3A_195 {offsets = [0, 2], sizes = [512, 126], strides = [1, 1]} : vector<512x128xf32> to vector<512x126xf32>
    %broadcast_in_dim3A_202 = arith.constant 0.000000e+00 : f32
    %broadcast_in_dim3A_203 = vector.broadcast %broadcast_in_dim3A_202 : f32 to vector<512x2xf32>
    %concatenate3A_204 = tpu.concatenate %slice3A_201, %broadcast_in_dim3A_203 in 1 : vector<512x126xf32>, vector<512x2xf32> -> vector<512x128xf32>
    %max3A_205 = arith.maximumf %max3A_195, %concatenate3A_204 : vector<512x128xf32>
    %slice3A_206 = vector.extract_strided_slice %max3A_205 {offsets = [0, 4], sizes = [512, 124], strides = [1, 1]} : vector<512x128xf32> to vector<512x124xf32>
    %broadcast_in_dim3A_207 = arith.constant 0.000000e+00 : f32
    %broadcast_in_dim3A_208 = vector.broadcast %broadcast_in_dim3A_207 : f32 to vector<512x4xf32>
    %concatenate3A_209 = tpu.concatenate %slice3A_206, %broadcast_in_dim3A_208 in 1 : vector<512x124xf32>, vector<512x4xf32> -> vector<512x128xf32>
    %max3A_210 = arith.maximumf %max3A_205, %concatenate3A_209 : vector<512x128xf32>
    %slice3A_211 = vector.extract_strided_slice %max3A_200 {offsets = [0, 8], sizes = [512, 120], strides = [1, 1]} : vector<512x128xf32> to vector<512x120xf32>
    %broadcast_in_dim3A_212 = arith.constant 0.000000e+00 : f32
    %broadcast_in_dim3A_213 = vector.broadcast %broadcast_in_dim3A_212 : f32 to vector<512x8xf32>
    %concatenate3A_214 = tpu.concatenate %slice3A_211, %broadcast_in_dim3A_213 in 1 : vector<512x120xf32>, vector<512x8xf32> -> vector<512x128xf32>
    %max3A_215 = arith.maximumf %max3A_210, %concatenate3A_214 : vector<512x128xf32>
    %broadcast_in_dim3A_216 = arith.constant 0.000000e+00 : f32
    %broadcast_in_dim3A_217 = vector.broadcast %broadcast_in_dim3A_216 : f32 to vector<512x5xf32>
    %slice3A_218 = vector.extract_strided_slice %max3A_215 {offsets = [0, 0], sizes = [512, 123], strides = [1, 1]} : vector<512x128xf32> to vector<512x123xf32>
    %concatenate3A_219 = tpu.concatenate %broadcast_in_dim3A_217, %slice3A_218 in 1 : vector<512x5xf32>, vector<512x123xf32> -> vector<512x128xf32>
    %swap3A_220 = arith.constant 2048 : index
    %swap3A_221 = arith.constant 0 : index
    %swap3A_222 = vector.load %arg7[%swap3A_220, %swap3A_221] : memref<4096x128xf32, #tpu.memory_space<vmem>>, vector<512x128xf32>
    tpu.vector_store %arg7[%swap3A_220, %swap3A_221], %concatenate3A_219 {strides = array<i32>} : memref<4096x128xf32, #tpu.memory_space<vmem>>, vector<512x128xf32>,
    %get3A_223 = arith.constant 0 : index
    %get3A_224 = arith.constant 2560 : index
    %get3A_225 = arith.constant 0 : index
    %get3A_226 = vector.load %arg0[%get3A_223, %get3A_224, %get3A_225] : memref<2x4096x128xf32, #tpu.memory_space<vmem>>, vector<1x512x128xf32>
    %get3A_227 = vector.shape_cast %get3A_226 : vector<1x512x128xf32> to vector<512x128xf32>
    %get3A_228 = arith.constant 1 : index
    %get3A_229 = arith.constant 2560 : index
    %get3A_230 = arith.constant 0 : index
    %get3A_231 = vector.load %arg0[%get3A_228, %get3A_229, %get3A_230] : memref<2x4096x128xf32, #tpu.memory_space<vmem>>, vector<1x512x128xf32>
    %get3A_232 = vector.shape_cast %get3A_231 : vector<1x512x128xf32> to vector<512x128xf32>
    %add3A_233 = arith.addf %get3A_227, %get3A_232 : vector<512x128xf32>
    %swap3A_234 = arith.constant 2560 : index
    %swap3A_235 = arith.constant 0 : index
    %swap3A_236 = vector.load %arg6[%swap3A_234, %swap3A_235] : memref<4096x128xf32, #tpu.memory_space<vmem>>, vector<512x128xf32>
    tpu.vector_store %arg6[%swap3A_234, %swap3A_235], %add3A_233 {strides = array<i32>} : memref<4096x128xf32, #tpu.memory_space<vmem>>, vector<512x128xf32>,
    %slice3A_237 = vector.extract_strided_slice %add3A_233 {offsets = [0, 1], sizes = [512, 127], strides = [1, 1]} : vector<512x128xf32> to vector<512x127xf32>
    %broadcast_in_dim3A_238 = arith.constant 0.000000e+00 : f32
    %broadcast_in_dim3A_239 = vector.broadcast %broadcast_in_dim3A_238 : f32 to vector<512x1xf32>
    %concatenate3A_240 = tpu.concatenate %slice3A_237, %broadcast_in_dim3A_239 in 1 : vector<512x127xf32>, vector<512x1xf32> -> vector<512x128xf32>
    %max3A_241 = arith.maximumf %add3A_233, %concatenate3A_240 : vector<512x128xf32>
    %slice3A_242 = vector.extract_strided_slice %add3A_233 {offsets = [0, 2], sizes = [512, 126], strides = [1, 1]} : vector<512x128xf32> to vector<512x126xf32>
    %broadcast_in_dim3A_243 = arith.constant 0.000000e+00 : f32
    %broadcast_in_dim3A_244 = vector.broadcast %broadcast_in_dim3A_243 : f32 to vector<512x2xf32>
    %concatenate3A_245 = tpu.concatenate %slice3A_242, %broadcast_in_dim3A_244 in 1 : vector<512x126xf32>, vector<512x2xf32> -> vector<512x128xf32>
    %max3A_246 = arith.maximumf %max3A_241, %concatenate3A_245 : vector<512x128xf32>
    %slice3A_247 = vector.extract_strided_slice %max3A_241 {offsets = [0, 2], sizes = [512, 126], strides = [1, 1]} : vector<512x128xf32> to vector<512x126xf32>
    %broadcast_in_dim3A_248 = arith.constant 0.000000e+00 : f32
    %broadcast_in_dim3A_249 = vector.broadcast %broadcast_in_dim3A_248 : f32 to vector<512x2xf32>
    %concatenate3A_250 = tpu.concatenate %slice3A_247, %broadcast_in_dim3A_249 in 1 : vector<512x126xf32>, vector<512x2xf32> -> vector<512x128xf32>
    %max3A_251 = arith.maximumf %max3A_241, %concatenate3A_250 : vector<512x128xf32>
    %slice3A_252 = vector.extract_strided_slice %max3A_251 {offsets = [0, 4], sizes = [512, 124], strides = [1, 1]} : vector<512x128xf32> to vector<512x124xf32>
    %broadcast_in_dim3A_253 = arith.constant 0.000000e+00 : f32
    %broadcast_in_dim3A_254 = vector.broadcast %broadcast_in_dim3A_253 : f32 to vector<512x4xf32>
    %concatenate3A_255 = tpu.concatenate %slice3A_252, %broadcast_in_dim3A_254 in 1 : vector<512x124xf32>, vector<512x4xf32> -> vector<512x128xf32>
    %max3A_256 = arith.maximumf %max3A_251, %concatenate3A_255 : vector<512x128xf32>
    %slice3A_257 = vector.extract_strided_slice %max3A_246 {offsets = [0, 8], sizes = [512, 120], strides = [1, 1]} : vector<512x128xf32> to vector<512x120xf32>
    %broadcast_in_dim3A_258 = arith.constant 0.000000e+00 : f32
    %broadcast_in_dim3A_259 = vector.broadcast %broadcast_in_dim3A_258 : f32 to vector<512x8xf32>
    %concatenate3A_260 = tpu.concatenate %slice3A_257, %broadcast_in_dim3A_259 in 1 : vector<512x120xf32>, vector<512x8xf32> -> vector<512x128xf32>
    %max3A_261 = arith.maximumf %max3A_256, %concatenate3A_260 : vector<512x128xf32>
    %broadcast_in_dim3A_262 = arith.constant 0.000000e+00 : f32
    %broadcast_in_dim3A_263 = vector.broadcast %broadcast_in_dim3A_262 : f32 to vector<512x5xf32>
    %slice3A_264 = vector.extract_strided_slice %max3A_261 {offsets = [0, 0], sizes = [512, 123], strides = [1, 1]} : vector<512x128xf32> to vector<512x123xf32>
    %concatenate3A_265 = tpu.concatenate %broadcast_in_dim3A_263, %slice3A_264 in 1 : vector<512x5xf32>, vector<512x123xf32> -> vector<512x128xf32>
    %swap3A_266 = arith.constant 2560 : index
    %swap3A_267 = arith.constant 0 : index
    %swap3A_268 = vector.load %arg7[%swap3A_266, %swap3A_267] : memref<4096x128xf32, #tpu.memory_space<vmem>>, vector<512x128xf32>
    tpu.vector_store %arg7[%swap3A_266, %swap3A_267], %concatenate3A_265 {strides = array<i32>} : memref<4096x128xf32, #tpu.memory_space<vmem>>, vector<512x128xf32>,
    %get3A_269 = arith.constant 0 : index
    %get3A_270 = arith.constant 3072 : index
    %get3A_271 = arith.constant 0 : index
    %get3A_272 = vector.load %arg0[%get3A_269, %get3A_270, %get3A_271] : memref<2x4096x128xf32, #tpu.memory_space<vmem>>, vector<1x512x128xf32>
    %get3A_273 = vector.shape_cast %get3A_272 : vector<1x512x128xf32> to vector<512x128xf32>
    %get3A_274 = arith.constant 1 : index
    %get3A_275 = arith.constant 3072 : index
    %get3A_276 = arith.constant 0 : index
    %get3A_277 = vector.load %arg0[%get3A_274, %get3A_275, %get3A_276] : memref<2x4096x128xf32, #tpu.memory_space<vmem>>, vector<1x512x128xf32>
    %get3A_278 = vector.shape_cast %get3A_277 : vector<1x512x128xf32> to vector<512x128xf32>
    %add3A_279 = arith.addf %get3A_273, %get3A_278 : vector<512x128xf32>
    %swap3A_280 = arith.constant 3072 : index
    %swap3A_281 = arith.constant 0 : index
    %swap3A_282 = vector.load %arg6[%swap3A_280, %swap3A_281] : memref<4096x128xf32, #tpu.memory_space<vmem>>, vector<512x128xf32>
    tpu.vector_store %arg6[%swap3A_280, %swap3A_281], %add3A_279 {strides = array<i32>} : memref<4096x128xf32, #tpu.memory_space<vmem>>, vector<512x128xf32>,
    %slice3A_283 = vector.extract_strided_slice %add3A_279 {offsets = [0, 1], sizes = [512, 127], strides = [1, 1]} : vector<512x128xf32> to vector<512x127xf32>
    %broadcast_in_dim3A_284 = arith.constant 0.000000e+00 : f32
    %broadcast_in_dim3A_285 = vector.broadcast %broadcast_in_dim3A_284 : f32 to vector<512x1xf32>
    %concatenate3A_286 = tpu.concatenate %slice3A_283, %broadcast_in_dim3A_285 in 1 : vector<512x127xf32>, vector<512x1xf32> -> vector<512x128xf32>
    %max3A_287 = arith.maximumf %add3A_279, %concatenate3A_286 : vector<512x128xf32>
    %slice3A_288 = vector.extract_strided_slice %add3A_279 {offsets = [0, 2], sizes = [512, 126], strides = [1, 1]} : vector<512x128xf32> to vector<512x126xf32>
    %broadcast_in_dim3A_289 = arith.constant 0.000000e+00 : f32
    %broadcast_in_dim3A_290 = vector.broadcast %broadcast_in_dim3A_289 : f32 to vector<512x2xf32>
    %concatenate3A_291 = tpu.concatenate %slice3A_288, %broadcast_in_dim3A_290 in 1 : vector<512x126xf32>, vector<512x2xf32> -> vector<512x128xf32>
    %max3A_292 = arith.maximumf %max3A_287, %concatenate3A_291 : vector<512x128xf32>
    %slice3A_293 = vector.extract_strided_slice %max3A_287 {offsets = [0, 2], sizes = [512, 126], strides = [1, 1]} : vector<512x128xf32> to vector<512x126xf32>
    %broadcast_in_dim3A_294 = arith.constant 0.000000e+00 : f32
    %broadcast_in_dim3A_295 = vector.broadcast %broadcast_in_dim3A_294 : f32 to vector<512x2xf32>
    %concatenate3A_296 = tpu.concatenate %slice3A_293, %broadcast_in_dim3A_295 in 1 : vector<512x126xf32>, vector<512x2xf32> -> vector<512x128xf32>
    %max3A_297 = arith.maximumf %max3A_287, %concatenate3A_296 : vector<512x128xf32>
    %slice3A_298 = vector.extract_strided_slice %max3A_297 {offsets = [0, 4], sizes = [512, 124], strides = [1, 1]} : vector<512x128xf32> to vector<512x124xf32>
    %broadcast_in_dim3A_299 = arith.constant 0.000000e+00 : f32
    %broadcast_in_dim3A_300 = vector.broadcast %broadcast_in_dim3A_299 : f32 to vector<512x4xf32>
    %concatenate3A_301 = tpu.concatenate %slice3A_298, %broadcast_in_dim3A_300 in 1 : vector<512x124xf32>, vector<512x4xf32> -> vector<512x128xf32>
    %max3A_302 = arith.maximumf %max3A_297, %concatenate3A_301 : vector<512x128xf32>
    %slice3A_303 = vector.extract_strided_slice %max3A_292 {offsets = [0, 8], sizes = [512, 120], strides = [1, 1]} : vector<512x128xf32> to vector<512x120xf32>
    %broadcast_in_dim3A_304 = arith.constant 0.000000e+00 : f32
    %broadcast_in_dim3A_305 = vector.broadcast %broadcast_in_dim3A_304 : f32 to vector<512x8xf32>
    %concatenate3A_306 = tpu.concatenate %slice3A_303, %broadcast_in_dim3A_305 in 1 : vector<512x120xf32>, vector<512x8xf32> -> vector<512x128xf32>
    %max3A_307 = arith.maximumf %max3A_302, %concatenate3A_306 : vector<512x128xf32>
    %broadcast_in_dim3A_308 = arith.constant 0.000000e+00 : f32
    %broadcast_in_dim3A_309 = vector.broadcast %broadcast_in_dim3A_308 : f32 to vector<512x5xf32>
    %slice3A_310 = vector.extract_strided_slice %max3A_307 {offsets = [0, 0], sizes = [512, 123], strides = [1, 1]} : vector<512x128xf32> to vector<512x123xf32>
    %concatenate3A_311 = tpu.concatenate %broadcast_in_dim3A_309, %slice3A_310 in 1 : vector<512x5xf32>, vector<512x123xf32> -> vector<512x128xf32>
    %swap3A_312 = arith.constant 3072 : index
    %swap3A_313 = arith.constant 0 : index
    %swap3A_314 = vector.load %arg7[%swap3A_312, %swap3A_313] : memref<4096x128xf32, #tpu.memory_space<vmem>>, vector<512x128xf32>
    tpu.vector_store %arg7[%swap3A_312, %swap3A_313], %concatenate3A_311 {strides = array<i32>} : memref<4096x128xf32, #tpu.memory_space<vmem>>, vector<512x128xf32>,
    %get3A_315 = arith.constant 0 : index
    %get3A_316 = arith.constant 3584 : index
    %get3A_317 = arith.constant 0 : index
    %get3A_318 = vector.load %arg0[%get3A_315, %get3A_316, %get3A_317] : memref<2x4096x128xf32, #tpu.memory_space<vmem>>, vector<1x512x128xf32>
    %get3A_319 = vector.shape_cast %get3A_318 : vector<1x512x128xf32> to vector<512x128xf32>
    %get3A_320 = arith.constant 1 : index
    %get3A_321 = arith.constant 3584 : index
    %get3A_322 = arith.constant 0 : index
    %get3A_323 = vector.load %arg0[%get3A_320, %get3A_321, %get3A_322] : memref<2x4096x128xf32, #tpu.memory_space<vmem>>, vector<1x512x128xf32>
    %get3A_324 = vector.shape_cast %get3A_323 : vector<1x512x128xf32> to vector<512x128xf32>
    %add3A_325 = arith.addf %get3A_319, %get3A_324 : vector<512x128xf32>
    %swap3A_326 = arith.constant 3584 : index
    %swap3A_327 = arith.constant 0 : index
    %swap3A_328 = vector.load %arg6[%swap3A_326, %swap3A_327] : memref<4096x128xf32, #tpu.memory_space<vmem>>, vector<512x128xf32>
    tpu.vector_store %arg6[%swap3A_326, %swap3A_327], %add3A_325 {strides = array<i32>} : memref<4096x128xf32, #tpu.memory_space<vmem>>, vector<512x128xf32>,
    %slice3A_329 = vector.extract_strided_slice %add3A_325 {offsets = [0, 1], sizes = [512, 127], strides = [1, 1]} : vector<512x128xf32> to vector<512x127xf32>
    %broadcast_in_dim3A_330 = arith.constant 0.000000e+00 : f32
    %broadcast_in_dim3A_331 = vector.broadcast %broadcast_in_dim3A_330 : f32 to vector<512x1xf32>
    %concatenate3A_332 = tpu.concatenate %slice3A_329, %broadcast_in_dim3A_331 in 1 : vector<512x127xf32>, vector<512x1xf32> -> vector<512x128xf32>
    %max3A_333 = arith.maximumf %add3A_325, %concatenate3A_332 : vector<512x128xf32>
    %slice3A_334 = vector.extract_strided_slice %add3A_325 {offsets = [0, 2], sizes = [512, 126], strides = [1, 1]} : vector<512x128xf32> to vector<512x126xf32>
    %broadcast_in_dim3A_335 = arith.constant 0.000000e+00 : f32
    %broadcast_in_dim3A_336 = vector.broadcast %broadcast_in_dim3A_335 : f32 to vector<512x2xf32>
    %concatenate3A_337 = tpu.concatenate %slice3A_334, %broadcast_in_dim3A_336 in 1 : vector<512x126xf32>, vector<512x2xf32> -> vector<512x128xf32>
    %max3A_338 = arith.maximumf %max3A_333, %concatenate3A_337 : vector<512x128xf32>
    %slice3A_339 = vector.extract_strided_slice %max3A_333 {offsets = [0, 2], sizes = [512, 126], strides = [1, 1]} : vector<512x128xf32> to vector<512x126xf32>
    %broadcast_in_dim3A_340 = arith.constant 0.000000e+00 : f32
    %broadcast_in_dim3A_341 = vector.broadcast %broadcast_in_dim3A_340 : f32 to vector<512x2xf32>
    %concatenate3A_342 = tpu.concatenate %slice3A_339, %broadcast_in_dim3A_341 in 1 : vector<512x126xf32>, vector<512x2xf32> -> vector<512x128xf32>
    %max3A_343 = arith.maximumf %max3A_333, %concatenate3A_342 : vector<512x128xf32>
    %slice3A_344 = vector.extract_strided_slice %max3A_343 {offsets = [0, 4], sizes = [512, 124], strides = [1, 1]} : vector<512x128xf32> to vector<512x124xf32>
    %broadcast_in_dim3A_345 = arith.constant 0.000000e+00 : f32
    %broadcast_in_dim3A_346 = vector.broadcast %broadcast_in_dim3A_345 : f32 to vector<512x4xf32>
    %concatenate3A_347 = tpu.concatenate %slice3A_344, %broadcast_in_dim3A_346 in 1 : vector<512x124xf32>, vector<512x4xf32> -> vector<512x128xf32>
    %max3A_348 = arith.maximumf %max3A_343, %concatenate3A_347 : vector<512x128xf32>
    %slice3A_349 = vector.extract_strided_slice %max3A_338 {offsets = [0, 8], sizes = [512, 120], strides = [1, 1]} : vector<512x128xf32> to vector<512x120xf32>
    %broadcast_in_dim3A_350 = arith.constant 0.000000e+00 : f32
    %broadcast_in_dim3A_351 = vector.broadcast %broadcast_in_dim3A_350 : f32 to vector<512x8xf32>
    %concatenate3A_352 = tpu.concatenate %slice3A_349, %broadcast_in_dim3A_351 in 1 : vector<512x120xf32>, vector<512x8xf32> -> vector<512x128xf32>
    %max3A_353 = arith.maximumf %max3A_348, %concatenate3A_352 : vector<512x128xf32>
    %broadcast_in_dim3A_354 = arith.constant 0.000000e+00 : f32
    %broadcast_in_dim3A_355 = vector.broadcast %broadcast_in_dim3A_354 : f32 to vector<512x5xf32>
    %slice3A_356 = vector.extract_strided_slice %max3A_353 {offsets = [0, 0], sizes = [512, 123], strides = [1, 1]} : vector<512x128xf32> to vector<512x123xf32>
    %concatenate3A_357 = tpu.concatenate %broadcast_in_dim3A_355, %slice3A_356 in 1 : vector<512x5xf32>, vector<512x123xf32> -> vector<512x128xf32>
    %swap3A_358 = arith.constant 3584 : index
    %swap3A_359 = arith.constant 0 : index
    %swap3A_360 = vector.load %arg7[%swap3A_358, %swap3A_359] : memref<4096x128xf32, #tpu.memory_space<vmem>>, vector<512x128xf32>
    tpu.vector_store %arg7[%swap3A_358, %swap3A_359], %concatenate3A_357 {strides = array<i32>} : memref<4096x128xf32, #tpu.memory_space<vmem>>, vector<512x128xf32>,
    %get3A_361 = arith.constant 0 : index
    %get3A_362 = arith.constant 0 : index
    %get3A_363 = vector.load %arg7[%get3A_361, %get3A_362] : memref<4096x128xf32, #tpu.memory_space<vmem>>, vector<128x128xf32>
    %slice3A_364 = vector.extract_strided_slice %get3A_363 {offsets = [1, 0], sizes = [127, 128], strides = [1, 1]} : vector<128x128xf32> to vector<127x128xf32>
    %broadcast_in_dim3A_365 = arith.constant 0.000000e+00 : f32
    %broadcast_in_dim3A_366 = vector.broadcast %broadcast_in_dim3A_365 : f32 to vector<1x128xf32>
    %concatenate3A_367 = tpu.concatenate %slice3A_364, %broadcast_in_dim3A_366 in 0 : vector<127x128xf32>, vector<1x128xf32> -> vector<128x128xf32>
    %max3A_368 = arith.maximumf %get3A_363, %concatenate3A_367 : vector<128x128xf32>
    %slice3A_369 = vector.extract_strided_slice %get3A_363 {offsets = [2, 0], sizes = [126, 128], strides = [1, 1]} : vector<128x128xf32> to vector<126x128xf32>
    %broadcast_in_dim3A_370 = arith.constant 0.000000e+00 : f32
    %broadcast_in_dim3A_371 = vector.broadcast %broadcast_in_dim3A_370 : f32 to vector<2x128xf32>
    %concatenate3A_372 = tpu.concatenate %slice3A_369, %broadcast_in_dim3A_371 in 0 : vector<126x128xf32>, vector<2x128xf32> -> vector<128x128xf32>
    %max3A_373 = arith.maximumf %max3A_368, %concatenate3A_372 : vector<128x128xf32>
    %slice3A_374 = vector.extract_strided_slice %max3A_368 {offsets = [2, 0], sizes = [126, 128], strides = [1, 1]} : vector<128x128xf32> to vector<126x128xf32>
    %broadcast_in_dim3A_375 = arith.constant 0.000000e+00 : f32
    %broadcast_in_dim3A_376 = vector.broadcast %broadcast_in_dim3A_375 : f32 to vector<2x128xf32>
    %concatenate3A_377 = tpu.concatenate %slice3A_374, %broadcast_in_dim3A_376 in 0 : vector<126x128xf32>, vector<2x128xf32> -> vector<128x128xf32>
    %max3A_378 = arith.maximumf %max3A_368, %concatenate3A_377 : vector<128x128xf32>
    %slice3A_379 = vector.extract_strided_slice %max3A_378 {offsets = [4, 0], sizes = [124, 128], strides = [1, 1]} : vector<128x128xf32> to vector<124x128xf32>
    %broadcast_in_dim3A_380 = arith.constant 0.000000e+00 : f32
    %broadcast_in_dim3A_381 = vector.broadcast %broadcast_in_dim3A_380 : f32 to vector<4x128xf32>
    %concatenate3A_382 = tpu.concatenate %slice3A_379, %broadcast_in_dim3A_381 in 0 : vector<124x128xf32>, vector<4x128xf32> -> vector<128x128xf32>
    %max3A_383 = arith.maximumf %max3A_378, %concatenate3A_382 : vector<128x128xf32>
    %slice3A_384 = vector.extract_strided_slice %max3A_373 {offsets = [8, 0], sizes = [120, 128], strides = [1, 1]} : vector<128x128xf32> to vector<120x128xf32>
    %broadcast_in_dim3A_385 = arith.constant 0.000000e+00 : f32
    %broadcast_in_dim3A_386 = vector.broadcast %broadcast_in_dim3A_385 : f32 to vector<8x128xf32>
    %concatenate3A_387 = tpu.concatenate %slice3A_384, %broadcast_in_dim3A_386 in 0 : vector<120x128xf32>, vector<8x128xf32> -> vector<128x128xf32>
    %max3A_388 = arith.maximumf %max3A_383, %concatenate3A_387 : vector<128x128xf32>
    %broadcast_in_dim3A_389 = arith.constant 0.000000e+00 : f32
    %broadcast_in_dim3A_390 = vector.broadcast %broadcast_in_dim3A_389 : f32 to vector<5x128xf32>
    %slice3A_391 = vector.extract_strided_slice %max3A_388 {offsets = [0, 0], sizes = [123, 128], strides = [1, 1]} : vector<128x128xf32> to vector<123x128xf32>
    %concatenate3A_392 = tpu.concatenate %broadcast_in_dim3A_390, %slice3A_391 in 0 : vector<5x128xf32>, vector<123x128xf32> -> vector<128x128xf32>
    %swap3A_393 = arith.constant 0 : index
    %swap3A_394 = arith.constant 0 : index
    %swap3A_395 = vector.load %arg8[%swap3A_393, %swap3A_394] : memref<4096x128xf32, #tpu.memory_space<vmem>>, vector<128x128xf32>
    tpu.vector_store %arg8[%swap3A_393, %swap3A_394], %concatenate3A_392 {strides = array<i32>} : memref<4096x128xf32, #tpu.memory_space<vmem>>, vector<128x128xf32>,
    %get3A_396 = arith.constant 128 : index
    %get3A_397 = arith.constant 0 : index
    %get3A_398 = vector.load %arg7[%get3A_396, %get3A_397] : memref<4096x128xf32, #tpu.memory_space<vmem>>, vector<128x128xf32>
    %slice3A_399 = vector.extract_strided_slice %get3A_398 {offsets = [1, 0], sizes = [127, 128], strides = [1, 1]} : vector<128x128xf32> to vector<127x128xf32>
    %broadcast_in_dim3A_400 = arith.constant 0.000000e+00 : f32
    %broadcast_in_dim3A_401 = vector.broadcast %broadcast_in_dim3A_400 : f32 to vector<1x128xf32>
    %concatenate3A_402 = tpu.concatenate %slice3A_399, %broadcast_in_dim3A_401 in 0 : vector<127x128xf32>, vector<1x128xf32> -> vector<128x128xf32>
    %max3A_403 = arith.maximumf %get3A_398, %concatenate3A_402 : vector<128x128xf32>
    %slice3A_404 = vector.extract_strided_slice %get3A_398 {offsets = [2, 0], sizes = [126, 128], strides = [1, 1]} : vector<128x128xf32> to vector<126x128xf32>
    %broadcast_in_dim3A_405 = arith.constant 0.000000e+00 : f32
    %broadcast_in_dim3A_406 = vector.broadcast %broadcast_in_dim3A_405 : f32 to vector<2x128xf32>
    %concatenate3A_407 = tpu.concatenate %slice3A_404, %broadcast_in_dim3A_406 in 0 : vector<126x128xf32>, vector<2x128xf32> -> vector<128x128xf32>
    %max3A_408 = arith.maximumf %max3A_403, %concatenate3A_407 : vector<128x128xf32>
    %slice3A_409 = vector.extract_strided_slice %max3A_403 {offsets = [2, 0], sizes = [126, 128], strides = [1, 1]} : vector<128x128xf32> to vector<126x128xf32>
    %broadcast_in_dim3A_410 = arith.constant 0.000000e+00 : f32
    %broadcast_in_dim3A_411 = vector.broadcast %broadcast_in_dim3A_410 : f32 to vector<2x128xf32>
    %concatenate3A_412 = tpu.concatenate %slice3A_409, %broadcast_in_dim3A_411 in 0 : vector<126x128xf32>, vector<2x128xf32> -> vector<128x128xf32>
    %max3A_413 = arith.maximumf %max3A_403, %concatenate3A_412 : vector<128x128xf32>
    %slice3A_414 = vector.extract_strided_slice %max3A_413 {offsets = [4, 0], sizes = [124, 128], strides = [1, 1]} : vector<128x128xf32> to vector<124x128xf32>
    %broadcast_in_dim3A_415 = arith.constant 0.000000e+00 : f32
    %broadcast_in_dim3A_416 = vector.broadcast %broadcast_in_dim3A_415 : f32 to vector<4x128xf32>
    %concatenate3A_417 = tpu.concatenate %slice3A_414, %broadcast_in_dim3A_416 in 0 : vector<124x128xf32>, vector<4x128xf32> -> vector<128x128xf32>
    %max3A_418 = arith.maximumf %max3A_413, %concatenate3A_417 : vector<128x128xf32>
    %slice3A_419 = vector.extract_strided_slice %max3A_408 {offsets = [8, 0], sizes = [120, 128], strides = [1, 1]} : vector<128x128xf32> to vector<120x128xf32>
    %broadcast_in_dim3A_420 = arith.constant 0.000000e+00 : f32
    %broadcast_in_dim3A_421 = vector.broadcast %broadcast_in_dim3A_420 : f32 to vector<8x128xf32>
    %concatenate3A_422 = tpu.concatenate %slice3A_419, %broadcast_in_dim3A_421 in 0 : vector<120x128xf32>, vector<8x128xf32> -> vector<128x128xf32>
    %max3A_423 = arith.maximumf %max3A_418, %concatenate3A_422 : vector<128x128xf32>
    %broadcast_in_dim3A_424 = arith.constant 0.000000e+00 : f32
    %broadcast_in_dim3A_425 = vector.broadcast %broadcast_in_dim3A_424 : f32 to vector<5x128xf32>
    %slice3A_426 = vector.extract_strided_slice %max3A_423 {offsets = [0, 0], sizes = [123, 128], strides = [1, 1]} : vector<128x128xf32> to vector<123x128xf32>
    %concatenate3A_427 = tpu.concatenate %broadcast_in_dim3A_425, %slice3A_426 in 0 : vector<5x128xf32>, vector<123x128xf32> -> vector<128x128xf32>
    %swap3A_428 = arith.constant 128 : index
    %swap3A_429 = arith.constant 0 : index
    %swap3A_430 = vector.load %arg8[%swap3A_428, %swap3A_429] : memref<4096x128xf32, #tpu.memory_space<vmem>>, vector<128x128xf32>
    tpu.vector_store %arg8[%swap3A_428, %swap3A_429], %concatenate3A_427 {strides = array<i32>} : memref<4096x128xf32, #tpu.memory_space<vmem>>, vector<128x128xf32>,
    %get3A_431 = arith.constant 256 : index
    %get3A_432 = arith.constant 0 : index
    %get3A_433 = vector.load %arg7[%get3A_431, %get3A_432] : memref<4096x128xf32, #tpu.memory_space<vmem>>, vector<128x128xf32>
    %slice3A_434 = vector.extract_strided_slice %get3A_433 {offsets = [1, 0], sizes = [127, 128], strides = [1, 1]} : vector<128x128xf32> to vector<127x128xf32>
    %broadcast_in_dim3A_435 = arith.constant 0.000000e+00 : f32
    %broadcast_in_dim3A_436 = vector.broadcast %broadcast_in_dim3A_435 : f32 to vector<1x128xf32>
    %concatenate3A_437 = tpu.concatenate %slice3A_434, %broadcast_in_dim3A_436 in 0 : vector<127x128xf32>, vector<1x128xf32> -> vector<128x128xf32>
    %max3A_438 = arith.maximumf %get3A_433, %concatenate3A_437 : vector<128x128xf32>
    %slice3A_439 = vector.extract_strided_slice %get3A_433 {offsets = [2, 0], sizes = [126, 128], strides = [1, 1]} : vector<128x128xf32> to vector<126x128xf32>
    %broadcast_in_dim3A_440 = arith.constant 0.000000e+00 : f32
    %broadcast_in_dim3A_441 = vector.broadcast %broadcast_in_dim3A_440 : f32 to vector<2x128xf32>
    %concatenate3A_442 = tpu.concatenate %slice3A_439, %broadcast_in_dim3A_441 in 0 : vector<126x128xf32>, vector<2x128xf32> -> vector<128x128xf32>
    %max3A_443 = arith.maximumf %max3A_438, %concatenate3A_442 : vector<128x128xf32>
    %slice3A_444 = vector.extract_strided_slice %max3A_438 {offsets = [2, 0], sizes = [126, 128], strides = [1, 1]} : vector<128x128xf32> to vector<126x128xf32>
    %broadcast_in_dim3A_445 = arith.constant 0.000000e+00 : f32
    %broadcast_in_dim3A_446 = vector.broadcast %broadcast_in_dim3A_445 : f32 to vector<2x128xf32>
    %concatenate3A_447 = tpu.concatenate %slice3A_444, %broadcast_in_dim3A_446 in 0 : vector<126x128xf32>, vector<2x128xf32> -> vector<128x128xf32>
    %max3A_448 = arith.maximumf %max3A_438, %concatenate3A_447 : vector<128x128xf32>
    %slice3A_449 = vector.extract_strided_slice %max3A_448 {offsets = [4, 0], sizes = [124, 128], strides = [1, 1]} : vector<128x128xf32> to vector<124x128xf32>
    %broadcast_in_dim3A_450 = arith.constant 0.000000e+00 : f32
    %broadcast_in_dim3A_451 = vector.broadcast %broadcast_in_dim3A_450 : f32 to vector<4x128xf32>
    %concatenate3A_452 = tpu.concatenate %slice3A_449, %broadcast_in_dim3A_451 in 0 : vector<124x128xf32>, vector<4x128xf32> -> vector<128x128xf32>
    %max3A_453 = arith.maximumf %max3A_448, %concatenate3A_452 : vector<128x128xf32>
    %slice3A_454 = vector.extract_strided_slice %max3A_443 {offsets = [8, 0], sizes = [120, 128], strides = [1, 1]} : vector<128x128xf32> to vector<120x128xf32>
    %broadcast_in_dim3A_455 = arith.constant 0.000000e+00 : f32
    %broadcast_in_dim3A_456 = vector.broadcast %broadcast_in_dim3A_455 : f32 to vector<8x128xf32>
    %concatenate3A_457 = tpu.concatenate %slice3A_454, %broadcast_in_dim3A_456 in 0 : vector<120x128xf32>, vector<8x128xf32> -> vector<128x128xf32>
    %max3A_458 = arith.maximumf %max3A_453, %concatenate3A_457 : vector<128x128xf32>
    %broadcast_in_dim3A_459 = arith.constant 0.000000e+00 : f32
    %broadcast_in_dim3A_460 = vector.broadcast %broadcast_in_dim3A_459 : f32 to vector<5x128xf32>
    %slice3A_461 = vector.extract_strided_slice %max3A_458 {offsets = [0, 0], sizes = [123, 128], strides = [1, 1]} : vector<128x128xf32> to vector<123x128xf32>
    %concatenate3A_462 = tpu.concatenate %broadcast_in_dim3A_460, %slice3A_461 in 0 : vector<5x128xf32>, vector<123x128xf32> -> vector<128x128xf32>
    %swap3A_463 = arith.constant 256 : index
    %swap3A_464 = arith.constant 0 : index
    %swap3A_465 = vector.load %arg8[%swap3A_463, %swap3A_464] : memref<4096x128xf32, #tpu.memory_space<vmem>>, vector<128x128xf32>
    tpu.vector_store %arg8[%swap3A_463, %swap3A_464], %concatenate3A_462 {strides = array<i32>} : memref<4096x128xf32, #tpu.memory_space<vmem>>, vector<128x128xf32>,
    %get3A_466 = arith.constant 384 : index
    %get3A_467 = arith.constant 0 : index
    %get3A_468 = vector.load %arg7[%get3A_466, %get3A_467] : memref<4096x128xf32, #tpu.memory_space<vmem>>, vector<128x128xf32>
    %slice3A_469 = vector.extract_strided_slice %get3A_468 {offsets = [1, 0], sizes = [127, 128], strides = [1, 1]} : vector<128x128xf32> to vector<127x128xf32>
    %broadcast_in_dim3A_470 = arith.constant 0.000000e+00 : f32
    %broadcast_in_dim3A_471 = vector.broadcast %broadcast_in_dim3A_470 : f32 to vector<1x128xf32>
    %concatenate3A_472 = tpu.concatenate %slice3A_469, %broadcast_in_dim3A_471 in 0 : vector<127x128xf32>, vector<1x128xf32> -> vector<128x128xf32>
    %max3A_473 = arith.maximumf %get3A_468, %concatenate3A_472 : vector<128x128xf32>
    %slice3A_474 = vector.extract_strided_slice %get3A_468 {offsets = [2, 0], sizes = [126, 128], strides = [1, 1]} : vector<128x128xf32> to vector<126x128xf32>
    %broadcast_in_dim3A_475 = arith.constant 0.000000e+00 : f32
    %broadcast_in_dim3A_476 = vector.broadcast %broadcast_in_dim3A_475 : f32 to vector<2x128xf32>
    %concatenate3A_477 = tpu.concatenate %slice3A_474, %broadcast_in_dim3A_476 in 0 : vector<126x128xf32>, vector<2x128xf32> -> vector<128x128xf32>
    %max3A_478 = arith.maximumf %max3A_473, %concatenate3A_477 : vector<128x128xf32>
    %slice3A_479 = vector.extract_strided_slice %max3A_473 {offsets = [2, 0], sizes = [126, 128], strides = [1, 1]} : vector<128x128xf32> to vector<126x128xf32>
    %broadcast_in_dim3A_480 = arith.constant 0.000000e+00 : f32
    %broadcast_in_dim3A_481 = vector.broadcast %broadcast_in_dim3A_480 : f32 to vector<2x128xf32>
    %concatenate3A_482 = tpu.concatenate %slice3A_479, %broadcast_in_dim3A_481 in 0 : vector<126x128xf32>, vector<2x128xf32> -> vector<128x128xf32>
    %max3A_483 = arith.maximumf %max3A_473, %concatenate3A_482 : vector<128x128xf32>
    %slice3A_484 = vector.extract_strided_slice %max3A_483 {offsets = [4, 0], sizes = [124, 128], strides = [1, 1]} : vector<128x128xf32> to vector<124x128xf32>
    %broadcast_in_dim3A_485 = arith.constant 0.000000e+00 : f32
    %broadcast_in_dim3A_486 = vector.broadcast %broadcast_in_dim3A_485 : f32 to vector<4x128xf32>
    %concatenate3A_487 = tpu.concatenate %slice3A_484, %broadcast_in_dim3A_486 in 0 : vector<124x128xf32>, vector<4x128xf32> -> vector<128x128xf32>
    %max3A_488 = arith.maximumf %max3A_483, %concatenate3A_487 : vector<128x128xf32>
    %slice3A_489 = vector.extract_strided_slice %max3A_478 {offsets = [8, 0], sizes = [120, 128], strides = [1, 1]} : vector<128x128xf32> to vector<120x128xf32>
    %broadcast_in_dim3A_490 = arith.constant 0.000000e+00 : f32
    %broadcast_in_dim3A_491 = vector.broadcast %broadcast_in_dim3A_490 : f32 to vector<8x128xf32>
    %concatenate3A_492 = tpu.concatenate %slice3A_489, %broadcast_in_dim3A_491 in 0 : vector<120x128xf32>, vector<8x128xf32> -> vector<128x128xf32>
    %max3A_493 = arith.maximumf %max3A_488, %concatenate3A_492 : vector<128x128xf32>
    %broadcast_in_dim3A_494 = arith.constant 0.000000e+00 : f32
    %broadcast_in_dim3A_495 = vector.broadcast %broadcast_in_dim3A_494 : f32 to vector<5x128xf32>
    %slice3A_496 = vector.extract_strided_slice %max3A_493 {offsets = [0, 0], sizes = [123, 128], strides = [1, 1]} : vector<128x128xf32> to vector<123x128xf32>
    %concatenate3A_497 = tpu.concatenate %broadcast_in_dim3A_495, %slice3A_496 in 0 : vector<5x128xf32>, vector<123x128xf32> -> vector<128x128xf32>
    %swap3A_498 = arith.constant 384 : index
    %swap3A_499 = arith.constant 0 : index
    %swap3A_500 = vector.load %arg8[%swap3A_498, %swap3A_499] : memref<4096x128xf32, #tpu.memory_space<vmem>>, vector<128x128xf32>
    tpu.vector_store %arg8[%swap3A_498, %swap3A_499], %concatenate3A_497 {strides = array<i32>} : memref<4096x128xf32, #tpu.memory_space<vmem>>, vector<128x128xf32>,
    %get3A_501 = arith.constant 512 : index
    %get3A_502 = arith.constant 0 : index
    %get3A_503 = vector.load %arg7[%get3A_501, %get3A_502] : memref<4096x128xf32, #tpu.memory_space<vmem>>, vector<128x128xf32>
    %slice3A_504 = vector.extract_strided_slice %get3A_503 {offsets = [1, 0], sizes = [127, 128], strides = [1, 1]} : vector<128x128xf32> to vector<127x128xf32>
    %broadcast_in_dim3A_505 = arith.constant 0.000000e+00 : f32
    %broadcast_in_dim3A_506 = vector.broadcast %broadcast_in_dim3A_505 : f32 to vector<1x128xf32>
    %concatenate3A_507 = tpu.concatenate %slice3A_504, %broadcast_in_dim3A_506 in 0 : vector<127x128xf32>, vector<1x128xf32> -> vector<128x128xf32>
    %max3A_508 = arith.maximumf %get3A_503, %concatenate3A_507 : vector<128x128xf32>
    %slice3A_509 = vector.extract_strided_slice %get3A_503 {offsets = [2, 0], sizes = [126, 128], strides = [1, 1]} : vector<128x128xf32> to vector<126x128xf32>
    %broadcast_in_dim3A_510 = arith.constant 0.000000e+00 : f32
    %broadcast_in_dim3A_511 = vector.broadcast %broadcast_in_dim3A_510 : f32 to vector<2x128xf32>
    %concatenate3A_512 = tpu.concatenate %slice3A_509, %broadcast_in_dim3A_511 in 0 : vector<126x128xf32>, vector<2x128xf32> -> vector<128x128xf32>
    %max3A_513 = arith.maximumf %max3A_508, %concatenate3A_512 : vector<128x128xf32>
    %slice3A_514 = vector.extract_strided_slice %max3A_508 {offsets = [2, 0], sizes = [126, 128], strides = [1, 1]} : vector<128x128xf32> to vector<126x128xf32>
    %broadcast_in_dim3A_515 = arith.constant 0.000000e+00 : f32
    %broadcast_in_dim3A_516 = vector.broadcast %broadcast_in_dim3A_515 : f32 to vector<2x128xf32>
    %concatenate3A_517 = tpu.concatenate %slice3A_514, %broadcast_in_dim3A_516 in 0 : vector<126x128xf32>, vector<2x128xf32> -> vector<128x128xf32>
    %max3A_518 = arith.maximumf %max3A_508, %concatenate3A_517 : vector<128x128xf32>
    %slice3A_519 = vector.extract_strided_slice %max3A_518 {offsets = [4, 0], sizes = [124, 128], strides = [1, 1]} : vector<128x128xf32> to vector<124x128xf32>
    %broadcast_in_dim3A_520 = arith.constant 0.000000e+00 : f32
    %broadcast_in_dim3A_521 = vector.broadcast %broadcast_in_dim3A_520 : f32 to vector<4x128xf32>
    %concatenate3A_522 = tpu.concatenate %slice3A_519, %broadcast_in_dim3A_521 in 0 : vector<124x128xf32>, vector<4x128xf32> -> vector<128x128xf32>
    %max3A_523 = arith.maximumf %max3A_518, %concatenate3A_522 : vector<128x128xf32>
    %slice3A_524 = vector.extract_strided_slice %max3A_513 {offsets = [8, 0], sizes = [120, 128], strides = [1, 1]} : vector<128x128xf32> to vector<120x128xf32>
    %broadcast_in_dim3A_525 = arith.constant 0.000000e+00 : f32
    %broadcast_in_dim3A_526 = vector.broadcast %broadcast_in_dim3A_525 : f32 to vector<8x128xf32>
    %concatenate3A_527 = tpu.concatenate %slice3A_524, %broadcast_in_dim3A_526 in 0 : vector<120x128xf32>, vector<8x128xf32> -> vector<128x128xf32>
    %max3A_528 = arith.maximumf %max3A_523, %concatenate3A_527 : vector<128x128xf32>
    %broadcast_in_dim3A_529 = arith.constant 0.000000e+00 : f32
    %broadcast_in_dim3A_530 = vector.broadcast %broadcast_in_dim3A_529 : f32 to vector<5x128xf32>
    %slice3A_531 = vector.extract_strided_slice %max3A_528 {offsets = [0, 0], sizes = [123, 128], strides = [1, 1]} : vector<128x128xf32> to vector<123x128xf32>
    %concatenate3A_532 = tpu.concatenate %broadcast_in_dim3A_530, %slice3A_531 in 0 : vector<5x128xf32>, vector<123x128xf32> -> vector<128x128xf32>
    %swap3A_533 = arith.constant 512 : index
    %swap3A_534 = arith.constant 0 : index
    %swap3A_535 = vector.load %arg8[%swap3A_533, %swap3A_534] : memref<4096x128xf32, #tpu.memory_space<vmem>>, vector<128x128xf32>
    tpu.vector_store %arg8[%swap3A_533, %swap3A_534], %concatenate3A_532 {strides = array<i32>} : memref<4096x128xf32, #tpu.memory_space<vmem>>, vector<128x128xf32>,
    %get3A_536 = arith.constant 640 : index
    %get3A_537 = arith.constant 0 : index
    %get3A_538 = vector.load %arg7[%get3A_536, %get3A_537] : memref<4096x128xf32, #tpu.memory_space<vmem>>, vector<128x128xf32>
    %slice3A_539 = vector.extract_strided_slice %get3A_538 {offsets = [1, 0], sizes = [127, 128], strides = [1, 1]} : vector<128x128xf32> to vector<127x128xf32>
    %broadcast_in_dim3A_540 = arith.constant 0.000000e+00 : f32
    %broadcast_in_dim3A_541 = vector.broadcast %broadcast_in_dim3A_540 : f32 to vector<1x128xf32>
    %concatenate3A_542 = tpu.concatenate %slice3A_539, %broadcast_in_dim3A_541 in 0 : vector<127x128xf32>, vector<1x128xf32> -> vector<128x128xf32>
    %max3A_543 = arith.maximumf %get3A_538, %concatenate3A_542 : vector<128x128xf32>
    %slice3A_544 = vector.extract_strided_slice %get3A_538 {offsets = [2, 0], sizes = [126, 128], strides = [1, 1]} : vector<128x128xf32> to vector<126x128xf32>
    %broadcast_in_dim3A_545 = arith.constant 0.000000e+00 : f32
    %broadcast_in_dim3A_546 = vector.broadcast %broadcast_in_dim3A_545 : f32 to vector<2x128xf32>
    %concatenate3A_547 = tpu.concatenate %slice3A_544, %broadcast_in_dim3A_546 in 0 : vector<126x128xf32>, vector<2x128xf32> -> vector<128x128xf32>
    %max3A_548 = arith.maximumf %max3A_543, %concatenate3A_547 : vector<128x128xf32>
    %slice3A_549 = vector.extract_strided_slice %max3A_543 {offsets = [2, 0], sizes = [126, 128], strides = [1, 1]} : vector<128x128xf32> to vector<126x128xf32>
    %broadcast_in_dim3A_550 = arith.constant 0.000000e+00 : f32
    %broadcast_in_dim3A_551 = vector.broadcast %broadcast_in_dim3A_550 : f32 to vector<2x128xf32>
    %concatenate3A_552 = tpu.concatenate %slice3A_549, %broadcast_in_dim3A_551 in 0 : vector<126x128xf32>, vector<2x128xf32> -> vector<128x128xf32>
    %max3A_553 = arith.maximumf %max3A_543, %concatenate3A_552 : vector<128x128xf32>
    %slice3A_554 = vector.extract_strided_slice %max3A_553 {offsets = [4, 0], sizes = [124, 128], strides = [1, 1]} : vector<128x128xf32> to vector<124x128xf32>
    %broadcast_in_dim3A_555 = arith.constant 0.000000e+00 : f32
    %broadcast_in_dim3A_556 = vector.broadcast %broadcast_in_dim3A_555 : f32 to vector<4x128xf32>
    %concatenate3A_557 = tpu.concatenate %slice3A_554, %broadcast_in_dim3A_556 in 0 : vector<124x128xf32>, vector<4x128xf32> -> vector<128x128xf32>
    %max3A_558 = arith.maximumf %max3A_553, %concatenate3A_557 : vector<128x128xf32>
    %slice3A_559 = vector.extract_strided_slice %max3A_548 {offsets = [8, 0], sizes = [120, 128], strides = [1, 1]} : vector<128x128xf32> to vector<120x128xf32>
    %broadcast_in_dim3A_560 = arith.constant 0.000000e+00 : f32
    %broadcast_in_dim3A_561 = vector.broadcast %broadcast_in_dim3A_560 : f32 to vector<8x128xf32>
    %concatenate3A_562 = tpu.concatenate %slice3A_559, %broadcast_in_dim3A_561 in 0 : vector<120x128xf32>, vector<8x128xf32> -> vector<128x128xf32>
    %max3A_563 = arith.maximumf %max3A_558, %concatenate3A_562 : vector<128x128xf32>
    %broadcast_in_dim3A_564 = arith.constant 0.000000e+00 : f32
    %broadcast_in_dim3A_565 = vector.broadcast %broadcast_in_dim3A_564 : f32 to vector<5x128xf32>
    %slice3A_566 = vector.extract_strided_slice %max3A_563 {offsets = [0, 0], sizes = [123, 128], strides = [1, 1]} : vector<128x128xf32> to vector<123x128xf32>
    %concatenate3A_567 = tpu.concatenate %broadcast_in_dim3A_565, %slice3A_566 in 0 : vector<5x128xf32>, vector<123x128xf32> -> vector<128x128xf32>
    %swap3A_568 = arith.constant 640 : index
    %swap3A_569 = arith.constant 0 : index
    %swap3A_570 = vector.load %arg8[%swap3A_568, %swap3A_569] : memref<4096x128xf32, #tpu.memory_space<vmem>>, vector<128x128xf32>
    tpu.vector_store %arg8[%swap3A_568, %swap3A_569], %concatenate3A_567 {strides = array<i32>} : memref<4096x128xf32, #tpu.memory_space<vmem>>, vector<128x128xf32>,
    %get3A_571 = arith.constant 768 : index
    %get3A_572 = arith.constant 0 : index
    %get3A_573 = vector.load %arg7[%get3A_571, %get3A_572] : memref<4096x128xf32, #tpu.memory_space<vmem>>, vector<128x128xf32>
    %slice3A_574 = vector.extract_strided_slice %get3A_573 {offsets = [1, 0], sizes = [127, 128], strides = [1, 1]} : vector<128x128xf32> to vector<127x128xf32>
    %broadcast_in_dim3A_575 = arith.constant 0.000000e+00 : f32
    %broadcast_in_dim3A_576 = vector.broadcast %broadcast_in_dim3A_575 : f32 to vector<1x128xf32>
    %concatenate3A_577 = tpu.concatenate %slice3A_574, %broadcast_in_dim3A_576 in 0 : vector<127x128xf32>, vector<1x128xf32> -> vector<128x128xf32>
    %max3A_578 = arith.maximumf %get3A_573, %concatenate3A_577 : vector<128x128xf32>
    %slice3A_579 = vector.extract_strided_slice %get3A_573 {offsets = [2, 0], sizes = [126, 128], strides = [1, 1]} : vector<128x128xf32> to vector<126x128xf32>
    %broadcast_in_dim3A_580 = arith.constant 0.000000e+00 : f32
    %broadcast_in_dim3A_581 = vector.broadcast %broadcast_in_dim3A_580 : f32 to vector<2x128xf32>
    %concatenate3A_582 = tpu.concatenate %slice3A_579, %broadcast_in_dim3A_581 in 0 : vector<126x128xf32>, vector<2x128xf32> -> vector<128x128xf32>
    %max3A_583 = arith.maximumf %max3A_578, %concatenate3A_582 : vector<128x128xf32>
    %slice3A_584 = vector.extract_strided_slice %max3A_578 {offsets = [2, 0], sizes = [126, 128], strides = [1, 1]} : vector<128x128xf32> to vector<126x128xf32>
    %broadcast_in_dim3A_585 = arith.constant 0.000000e+00 : f32
    %broadcast_in_dim3A_586 = vector.broadcast %broadcast_in_dim3A_585 : f32 to vector<2x128xf32>
    %concatenate3A_587 = tpu.concatenate %slice3A_584, %broadcast_in_dim3A_586 in 0 : vector<126x128xf32>, vector<2x128xf32> -> vector<128x128xf32>
    %max3A_588 = arith.maximumf %max3A_578, %concatenate3A_587 : vector<128x128xf32>
    %slice3A_589 = vector.extract_strided_slice %max3A_588 {offsets = [4, 0], sizes = [124, 128], strides = [1, 1]} : vector<128x128xf32> to vector<124x128xf32>
    %broadcast_in_dim3A_590 = arith.constant 0.000000e+00 : f32
    %broadcast_in_dim3A_591 = vector.broadcast %broadcast_in_dim3A_590 : f32 to vector<4x128xf32>
    %concatenate3A_592 = tpu.concatenate %slice3A_589, %broadcast_in_dim3A_591 in 0 : vector<124x128xf32>, vector<4x128xf32> -> vector<128x128xf32>
    %max3A_593 = arith.maximumf %max3A_588, %concatenate3A_592 : vector<128x128xf32>
    %slice3A_594 = vector.extract_strided_slice %max3A_583 {offsets = [8, 0], sizes = [120, 128], strides = [1, 1]} : vector<128x128xf32> to vector<120x128xf32>
    %broadcast_in_dim3A_595 = arith.constant 0.000000e+00 : f32
    %broadcast_in_dim3A_596 = vector.broadcast %broadcast_in_dim3A_595 : f32 to vector<8x128xf32>
    %concatenate3A_597 = tpu.concatenate %slice3A_594, %broadcast_in_dim3A_596 in 0 : vector<120x128xf32>, vector<8x128xf32> -> vector<128x128xf32>
    %max3A_598 = arith.maximumf %max3A_593, %concatenate3A_597 : vector<128x128xf32>
    %broadcast_in_dim3A_599 = arith.constant 0.000000e+00 : f32
    %broadcast_in_dim3A_600 = vector.broadcast %broadcast_in_dim3A_599 : f32 to vector<5x128xf32>
    %slice3A_601 = vector.extract_strided_slice %max3A_598 {offsets = [0, 0], sizes = [123, 128], strides = [1, 1]} : vector<128x128xf32> to vector<123x128xf32>
    %concatenate3A_602 = tpu.concatenate %broadcast_in_dim3A_600, %slice3A_601 in 0 : vector<5x128xf32>, vector<123x128xf32> -> vector<128x128xf32>
    %swap3A_603 = arith.constant 768 : index
    %swap3A_604 = arith.constant 0 : index
    %swap3A_605 = vector.load %arg8[%swap3A_603, %swap3A_604] : memref<4096x128xf32, #tpu.memory_space<vmem>>, vector<128x128xf32>
    tpu.vector_store %arg8[%swap3A_603, %swap3A_604], %concatenate3A_602 {strides = array<i32>} : memref<4096x128xf32, #tpu.memory_space<vmem>>, vector<128x128xf32>,
    %get3A_606 = arith.constant 896 : index
    %get3A_607 = arith.constant 0 : index
    %get3A_608 = vector.load %arg7[%get3A_606, %get3A_607] : memref<4096x128xf32, #tpu.memory_space<vmem>>, vector<128x128xf32>
    %slice3A_609 = vector.extract_strided_slice %get3A_608 {offsets = [1, 0], sizes = [127, 128], strides = [1, 1]} : vector<128x128xf32> to vector<127x128xf32>
    %broadcast_in_dim3A_610 = arith.constant 0.000000e+00 : f32
    %broadcast_in_dim3A_611 = vector.broadcast %broadcast_in_dim3A_610 : f32 to vector<1x128xf32>
    %concatenate3A_612 = tpu.concatenate %slice3A_609, %broadcast_in_dim3A_611 in 0 : vector<127x128xf32>, vector<1x128xf32> -> vector<128x128xf32>
    %max3A_613 = arith.maximumf %get3A_608, %concatenate3A_612 : vector<128x128xf32>
    %slice3A_614 = vector.extract_strided_slice %get3A_608 {offsets = [2, 0], sizes = [126, 128], strides = [1, 1]} : vector<128x128xf32> to vector<126x128xf32>
    %broadcast_in_dim3A_615 = arith.constant 0.000000e+00 : f32
    %broadcast_in_dim3A_616 = vector.broadcast %broadcast_in_dim3A_615 : f32 to vector<2x128xf32>
    %concatenate3A_617 = tpu.concatenate %slice3A_614, %broadcast_in_dim3A_616 in 0 : vector<126x128xf32>, vector<2x128xf32> -> vector<128x128xf32>
    %max3A_618 = arith.maximumf %max3A_613, %concatenate3A_617 : vector<128x128xf32>
    %slice3A_619 = vector.extract_strided_slice %max3A_613 {offsets = [2, 0], sizes = [126, 128], strides = [1, 1]} : vector<128x128xf32> to vector<126x128xf32>
    %broadcast_in_dim3A_620 = arith.constant 0.000000e+00 : f32
    %broadcast_in_dim3A_621 = vector.broadcast %broadcast_in_dim3A_620 : f32 to vector<2x128xf32>
    %concatenate3A_622 = tpu.concatenate %slice3A_619, %broadcast_in_dim3A_621 in 0 : vector<126x128xf32>, vector<2x128xf32> -> vector<128x128xf32>
    %max3A_623 = arith.maximumf %max3A_613, %concatenate3A_622 : vector<128x128xf32>
    %slice3A_624 = vector.extract_strided_slice %max3A_623 {offsets = [4, 0], sizes = [124, 128], strides = [1, 1]} : vector<128x128xf32> to vector<124x128xf32>
    %broadcast_in_dim3A_625 = arith.constant 0.000000e+00 : f32
    %broadcast_in_dim3A_626 = vector.broadcast %broadcast_in_dim3A_625 : f32 to vector<4x128xf32>
    %concatenate3A_627 = tpu.concatenate %slice3A_624, %broadcast_in_dim3A_626 in 0 : vector<124x128xf32>, vector<4x128xf32> -> vector<128x128xf32>
    %max3A_628 = arith.maximumf %max3A_623, %concatenate3A_627 : vector<128x128xf32>
    %slice3A_629 = vector.extract_strided_slice %max3A_618 {offsets = [8, 0], sizes = [120, 128], strides = [1, 1]} : vector<128x128xf32> to vector<120x128xf32>
    %broadcast_in_dim3A_630 = arith.constant 0.000000e+00 : f32
    %broadcast_in_dim3A_631 = vector.broadcast %broadcast_in_dim3A_630 : f32 to vector<8x128xf32>
    %concatenate3A_632 = tpu.concatenate %slice3A_629, %broadcast_in_dim3A_631 in 0 : vector<120x128xf32>, vector<8x128xf32> -> vector<128x128xf32>
    %max3A_633 = arith.maximumf %max3A_628, %concatenate3A_632 : vector<128x128xf32>
    %broadcast_in_dim3A_634 = arith.constant 0.000000e+00 : f32
    %broadcast_in_dim3A_635 = vector.broadcast %broadcast_in_dim3A_634 : f32 to vector<5x128xf32>
    %slice3A_636 = vector.extract_strided_slice %max3A_633 {offsets = [0, 0], sizes = [123, 128], strides = [1, 1]} : vector<128x128xf32> to vector<123x128xf32>
    %concatenate3A_637 = tpu.concatenate %broadcast_in_dim3A_635, %slice3A_636 in 0 : vector<5x128xf32>, vector<123x128xf32> -> vector<128x128xf32>
    %swap3A_638 = arith.constant 896 : index
    %swap3A_639 = arith.constant 0 : index
    %swap3A_640 = vector.load %arg8[%swap3A_638, %swap3A_639] : memref<4096x128xf32, #tpu.memory_space<vmem>>, vector<128x128xf32>
    tpu.vector_store %arg8[%swap3A_638, %swap3A_639], %concatenate3A_637 {strides = array<i32>} : memref<4096x128xf32, #tpu.memory_space<vmem>>, vector<128x128xf32>,
    %get3A_641 = arith.constant 1024 : index
    %get3A_642 = arith.constant 0 : index
    %get3A_643 = vector.load %arg7[%get3A_641, %get3A_642] : memref<4096x128xf32, #tpu.memory_space<vmem>>, vector<128x128xf32>
    %slice3A_644 = vector.extract_strided_slice %get3A_643 {offsets = [1, 0], sizes = [127, 128], strides = [1, 1]} : vector<128x128xf32> to vector<127x128xf32>
    %broadcast_in_dim3A_645 = arith.constant 0.000000e+00 : f32
    %broadcast_in_dim3A_646 = vector.broadcast %broadcast_in_dim3A_645 : f32 to vector<1x128xf32>
    %concatenate3A_647 = tpu.concatenate %slice3A_644, %broadcast_in_dim3A_646 in 0 : vector<127x128xf32>, vector<1x128xf32> -> vector<128x128xf32>
    %max3A_648 = arith.maximumf %get3A_643, %concatenate3A_647 : vector<128x128xf32>
    %slice3A_649 = vector.extract_strided_slice %get3A_643 {offsets = [2, 0], sizes = [126, 128], strides = [1, 1]} : vector<128x128xf32> to vector<126x128xf32>
    %broadcast_in_dim3A_650 = arith.constant 0.000000e+00 : f32
    %broadcast_in_dim3A_651 = vector.broadcast %broadcast_in_dim3A_650 : f32 to vector<2x128xf32>
    %concatenate3A_652 = tpu.concatenate %slice3A_649, %broadcast_in_dim3A_651 in 0 : vector<126x128xf32>, vector<2x128xf32> -> vector<128x128xf32>
    %max3A_653 = arith.maximumf %max3A_648, %concatenate3A_652 : vector<128x128xf32>
    %slice3A_654 = vector.extract_strided_slice %max3A_648 {offsets = [2, 0], sizes = [126, 128], strides = [1, 1]} : vector<128x128xf32> to vector<126x128xf32>
    %broadcast_in_dim3A_655 = arith.constant 0.000000e+00 : f32
    %broadcast_in_dim3A_656 = vector.broadcast %broadcast_in_dim3A_655 : f32 to vector<2x128xf32>
    %concatenate3A_657 = tpu.concatenate %slice3A_654, %broadcast_in_dim3A_656 in 0 : vector<126x128xf32>, vector<2x128xf32> -> vector<128x128xf32>
    %max3A_658 = arith.maximumf %max3A_648, %concatenate3A_657 : vector<128x128xf32>
    %slice3A_659 = vector.extract_strided_slice %max3A_658 {offsets = [4, 0], sizes = [124, 128], strides = [1, 1]} : vector<128x128xf32> to vector<124x128xf32>
    %broadcast_in_dim3A_660 = arith.constant 0.000000e+00 : f32
    %broadcast_in_dim3A_661 = vector.broadcast %broadcast_in_dim3A_660 : f32 to vector<4x128xf32>
    %concatenate3A_662 = tpu.concatenate %slice3A_659, %broadcast_in_dim3A_661 in 0 : vector<124x128xf32>, vector<4x128xf32> -> vector<128x128xf32>
    %max3A_663 = arith.maximumf %max3A_658, %concatenate3A_662 : vector<128x128xf32>
    %slice3A_664 = vector.extract_strided_slice %max3A_653 {offsets = [8, 0], sizes = [120, 128], strides = [1, 1]} : vector<128x128xf32> to vector<120x128xf32>
    %broadcast_in_dim3A_665 = arith.constant 0.000000e+00 : f32
    %broadcast_in_dim3A_666 = vector.broadcast %broadcast_in_dim3A_665 : f32 to vector<8x128xf32>
    %concatenate3A_667 = tpu.concatenate %slice3A_664, %broadcast_in_dim3A_666 in 0 : vector<120x128xf32>, vector<8x128xf32> -> vector<128x128xf32>
    %max3A_668 = arith.maximumf %max3A_663, %concatenate3A_667 : vector<128x128xf32>
    %broadcast_in_dim3A_669 = arith.constant 0.000000e+00 : f32
    %broadcast_in_dim3A_670 = vector.broadcast %broadcast_in_dim3A_669 : f32 to vector<5x128xf32>
    %slice3A_671 = vector.extract_strided_slice %max3A_668 {offsets = [0, 0], sizes = [123, 128], strides = [1, 1]} : vector<128x128xf32> to vector<123x128xf32>
    %concatenate3A_672 = tpu.concatenate %broadcast_in_dim3A_670, %slice3A_671 in 0 : vector<5x128xf32>, vector<123x128xf32> -> vector<128x128xf32>
    %swap3A_673 = arith.constant 1024 : index
    %swap3A_674 = arith.constant 0 : index
    %swap3A_675 = vector.load %arg8[%swap3A_673, %swap3A_674] : memref<4096x128xf32, #tpu.memory_space<vmem>>, vector<128x128xf32>
    tpu.vector_store %arg8[%swap3A_673, %swap3A_674], %concatenate3A_672 {strides = array<i32>} : memref<4096x128xf32, #tpu.memory_space<vmem>>, vector<128x128xf32>,
    %get3A_676 = arith.constant 1152 : index
    %get3A_677 = arith.constant 0 : index
    %get3A_678 = vector.load %arg7[%get3A_676, %get3A_677] : memref<4096x128xf32, #tpu.memory_space<vmem>>, vector<128x128xf32>
    %slice3A_679 = vector.extract_strided_slice %get3A_678 {offsets = [1, 0], sizes = [127, 128], strides = [1, 1]} : vector<128x128xf32> to vector<127x128xf32>
    %broadcast_in_dim3A_680 = arith.constant 0.000000e+00 : f32
    %broadcast_in_dim3A_681 = vector.broadcast %broadcast_in_dim3A_680 : f32 to vector<1x128xf32>
    %concatenate3A_682 = tpu.concatenate %slice3A_679, %broadcast_in_dim3A_681 in 0 : vector<127x128xf32>, vector<1x128xf32> -> vector<128x128xf32>
    %max3A_683 = arith.maximumf %get3A_678, %concatenate3A_682 : vector<128x128xf32>
    %slice3A_684 = vector.extract_strided_slice %get3A_678 {offsets = [2, 0], sizes = [126, 128], strides = [1, 1]} : vector<128x128xf32> to vector<126x128xf32>
    %broadcast_in_dim3A_685 = arith.constant 0.000000e+00 : f32
    %broadcast_in_dim3A_686 = vector.broadcast %broadcast_in_dim3A_685 : f32 to vector<2x128xf32>
    %concatenate3A_687 = tpu.concatenate %slice3A_684, %broadcast_in_dim3A_686 in 0 : vector<126x128xf32>, vector<2x128xf32> -> vector<128x128xf32>
    %max3A_688 = arith.maximumf %max3A_683, %concatenate3A_687 : vector<128x128xf32>
    %slice3A_689 = vector.extract_strided_slice %max3A_683 {offsets = [2, 0], sizes = [126, 128], strides = [1, 1]} : vector<128x128xf32> to vector<126x128xf32>
    %broadcast_in_dim3A_690 = arith.constant 0.000000e+00 : f32
    %broadcast_in_dim3A_691 = vector.broadcast %broadcast_in_dim3A_690 : f32 to vector<2x128xf32>
    %concatenate3A_692 = tpu.concatenate %slice3A_689, %broadcast_in_dim3A_691 in 0 : vector<126x128xf32>, vector<2x128xf32> -> vector<128x128xf32>
    %max3A_693 = arith.maximumf %max3A_683, %concatenate3A_692 : vector<128x128xf32>
    %slice3A_694 = vector.extract_strided_slice %max3A_693 {offsets = [4, 0], sizes = [124, 128], strides = [1, 1]} : vector<128x128xf32> to vector<124x128xf32>
    %broadcast_in_dim3A_695 = arith.constant 0.000000e+00 : f32
    %broadcast_in_dim3A_696 = vector.broadcast %broadcast_in_dim3A_695 : f32 to vector<4x128xf32>
    %concatenate3A_697 = tpu.concatenate %slice3A_694, %broadcast_in_dim3A_696 in 0 : vector<124x128xf32>, vector<4x128xf32> -> vector<128x128xf32>
    %max3A_698 = arith.maximumf %max3A_693, %concatenate3A_697 : vector<128x128xf32>
    %slice3A_699 = vector.extract_strided_slice %max3A_688 {offsets = [8, 0], sizes = [120, 128], strides = [1, 1]} : vector<128x128xf32> to vector<120x128xf32>
    %broadcast_in_dim3A_700 = arith.constant 0.000000e+00 : f32
    %broadcast_in_dim3A_701 = vector.broadcast %broadcast_in_dim3A_700 : f32 to vector<8x128xf32>
    %concatenate3A_702 = tpu.concatenate %slice3A_699, %broadcast_in_dim3A_701 in 0 : vector<120x128xf32>, vector<8x128xf32> -> vector<128x128xf32>
    %max3A_703 = arith.maximumf %max3A_698, %concatenate3A_702 : vector<128x128xf32>
    %broadcast_in_dim3A_704 = arith.constant 0.000000e+00 : f32
    %broadcast_in_dim3A_705 = vector.broadcast %broadcast_in_dim3A_704 : f32 to vector<5x128xf32>
    %slice3A_706 = vector.extract_strided_slice %max3A_703 {offsets = [0, 0], sizes = [123, 128], strides = [1, 1]} : vector<128x128xf32> to vector<123x128xf32>
    %concatenate3A_707 = tpu.concatenate %broadcast_in_dim3A_705, %slice3A_706 in 0 : vector<5x128xf32>, vector<123x128xf32> -> vector<128x128xf32>
    %swap3A_708 = arith.constant 1152 : index
    %swap3A_709 = arith.constant 0 : index
    %swap3A_710 = vector.load %arg8[%swap3A_708, %swap3A_709] : memref<4096x128xf32, #tpu.memory_space<vmem>>, vector<128x128xf32>
    tpu.vector_store %arg8[%swap3A_708, %swap3A_709], %concatenate3A_707 {strides = array<i32>} : memref<4096x128xf32, #tpu.memory_space<vmem>>, vector<128x128xf32>,
    %get3A_711 = arith.constant 1280 : index
    %get3A_712 = arith.constant 0 : index
    %get3A_713 = vector.load %arg7[%get3A_711, %get3A_712] : memref<4096x128xf32, #tpu.memory_space<vmem>>, vector<128x128xf32>
    %slice3A_714 = vector.extract_strided_slice %get3A_713 {offsets = [1, 0], sizes = [127, 128], strides = [1, 1]} : vector<128x128xf32> to vector<127x128xf32>
    %broadcast_in_dim3A_715 = arith.constant 0.000000e+00 : f32
    %broadcast_in_dim3A_716 = vector.broadcast %broadcast_in_dim3A_715 : f32 to vector<1x128xf32>
    %concatenate3A_717 = tpu.concatenate %slice3A_714, %broadcast_in_dim3A_716 in 0 : vector<127x128xf32>, vector<1x128xf32> -> vector<128x128xf32>
    %max3A_718 = arith.maximumf %get3A_713, %concatenate3A_717 : vector<128x128xf32>
    %slice3A_719 = vector.extract_strided_slice %get3A_713 {offsets = [2, 0], sizes = [126, 128], strides = [1, 1]} : vector<128x128xf32> to vector<126x128xf32>
    %broadcast_in_dim3A_720 = arith.constant 0.000000e+00 : f32
    %broadcast_in_dim3A_721 = vector.broadcast %broadcast_in_dim3A_720 : f32 to vector<2x128xf32>
    %concatenate3A_722 = tpu.concatenate %slice3A_719, %broadcast_in_dim3A_721 in 0 : vector<126x128xf32>, vector<2x128xf32> -> vector<128x128xf32>
    %max3A_723 = arith.maximumf %max3A_718, %concatenate3A_722 : vector<128x128xf32>
    %slice3A_724 = vector.extract_strided_slice %max3A_718 {offsets = [2, 0], sizes = [126, 128], strides = [1, 1]} : vector<128x128xf32> to vector<126x128xf32>
    %broadcast_in_dim3A_725 = arith.constant 0.000000e+00 : f32
    %broadcast_in_dim3A_726 = vector.broadcast %broadcast_in_dim3A_725 : f32 to vector<2x128xf32>
    %concatenate3A_727 = tpu.concatenate %slice3A_724, %broadcast_in_dim3A_726 in 0 : vector<126x128xf32>, vector<2x128xf32> -> vector<128x128xf32>
    %max3A_728 = arith.maximumf %max3A_718, %concatenate3A_727 : vector<128x128xf32>
    %slice3A_729 = vector.extract_strided_slice %max3A_728 {offsets = [4, 0], sizes = [124, 128], strides = [1, 1]} : vector<128x128xf32> to vector<124x128xf32>
    %broadcast_in_dim3A_730 = arith.constant 0.000000e+00 : f32
    %broadcast_in_dim3A_731 = vector.broadcast %broadcast_in_dim3A_730 : f32 to vector<4x128xf32>
    %concatenate3A_732 = tpu.concatenate %slice3A_729, %broadcast_in_dim3A_731 in 0 : vector<124x128xf32>, vector<4x128xf32> -> vector<128x128xf32>
    %max3A_733 = arith.maximumf %max3A_728, %concatenate3A_732 : vector<128x128xf32>
    %slice3A_734 = vector.extract_strided_slice %max3A_723 {offsets = [8, 0], sizes = [120, 128], strides = [1, 1]} : vector<128x128xf32> to vector<120x128xf32>
    %broadcast_in_dim3A_735 = arith.constant 0.000000e+00 : f32
    %broadcast_in_dim3A_736 = vector.broadcast %broadcast_in_dim3A_735 : f32 to vector<8x128xf32>
    %concatenate3A_737 = tpu.concatenate %slice3A_734, %broadcast_in_dim3A_736 in 0 : vector<120x128xf32>, vector<8x128xf32> -> vector<128x128xf32>
    %max3A_738 = arith.maximumf %max3A_733, %concatenate3A_737 : vector<128x128xf32>
    %broadcast_in_dim3A_739 = arith.constant 0.000000e+00 : f32
    %broadcast_in_dim3A_740 = vector.broadcast %broadcast_in_dim3A_739 : f32 to vector<5x128xf32>
    %slice3A_741 = vector.extract_strided_slice %max3A_738 {offsets = [0, 0], sizes = [123, 128], strides = [1, 1]} : vector<128x128xf32> to vector<123x128xf32>
    %concatenate3A_742 = tpu.concatenate %broadcast_in_dim3A_740, %slice3A_741 in 0 : vector<5x128xf32>, vector<123x128xf32> -> vector<128x128xf32>
    %swap3A_743 = arith.constant 1280 : index
    %swap3A_744 = arith.constant 0 : index
    %swap3A_745 = vector.load %arg8[%swap3A_743, %swap3A_744] : memref<4096x128xf32, #tpu.memory_space<vmem>>, vector<128x128xf32>
    tpu.vector_store %arg8[%swap3A_743, %swap3A_744], %concatenate3A_742 {strides = array<i32>} : memref<4096x128xf32, #tpu.memory_space<vmem>>, vector<128x128xf32>,
    %get3A_746 = arith.constant 1408 : index
    %get3A_747 = arith.constant 0 : index
    %get3A_748 = vector.load %arg7[%get3A_746, %get3A_747] : memref<4096x128xf32, #tpu.memory_space<vmem>>, vector<128x128xf32>
    %slice3A_749 = vector.extract_strided_slice %get3A_748 {offsets = [1, 0], sizes = [127, 128], strides = [1, 1]} : vector<128x128xf32> to vector<127x128xf32>
    %broadcast_in_dim3A_750 = arith.constant 0.000000e+00 : f32
    %broadcast_in_dim3A_751 = vector.broadcast %broadcast_in_dim3A_750 : f32 to vector<1x128xf32>
    %concatenate3A_752 = tpu.concatenate %slice3A_749, %broadcast_in_dim3A_751 in 0 : vector<127x128xf32>, vector<1x128xf32> -> vector<128x128xf32>
    %max3A_753 = arith.maximumf %get3A_748, %concatenate3A_752 : vector<128x128xf32>
    %slice3A_754 = vector.extract_strided_slice %get3A_748 {offsets = [2, 0], sizes = [126, 128], strides = [1, 1]} : vector<128x128xf32> to vector<126x128xf32>
    %broadcast_in_dim3A_755 = arith.constant 0.000000e+00 : f32
    %broadcast_in_dim3A_756 = vector.broadcast %broadcast_in_dim3A_755 : f32 to vector<2x128xf32>
    %concatenate3A_757 = tpu.concatenate %slice3A_754, %broadcast_in_dim3A_756 in 0 : vector<126x128xf32>, vector<2x128xf32> -> vector<128x128xf32>
    %max3A_758 = arith.maximumf %max3A_753, %concatenate3A_757 : vector<128x128xf32>
    %slice3A_759 = vector.extract_strided_slice %max3A_753 {offsets = [2, 0], sizes = [126, 128], strides = [1, 1]} : vector<128x128xf32> to vector<126x128xf32>
    %broadcast_in_dim3A_760 = arith.constant 0.000000e+00 : f32
    %broadcast_in_dim3A_761 = vector.broadcast %broadcast_in_dim3A_760 : f32 to vector<2x128xf32>
    %concatenate3A_762 = tpu.concatenate %slice3A_759, %broadcast_in_dim3A_761 in 0 : vector<126x128xf32>, vector<2x128xf32> -> vector<128x128xf32>
    %max3A_763 = arith.maximumf %max3A_753, %concatenate3A_762 : vector<128x128xf32>
    %slice3A_764 = vector.extract_strided_slice %max3A_763 {offsets = [4, 0], sizes = [124, 128], strides = [1, 1]} : vector<128x128xf32> to vector<124x128xf32>
    %broadcast_in_dim3A_765 = arith.constant 0.000000e+00 : f32
    %broadcast_in_dim3A_766 = vector.broadcast %broadcast_in_dim3A_765 : f32 to vector<4x128xf32>
    %concatenate3A_767 = tpu.concatenate %slice3A_764, %broadcast_in_dim3A_766 in 0 : vector<124x128xf32>, vector<4x128xf32> -> vector<128x128xf32>
    %max3A_768 = arith.maximumf %max3A_763, %concatenate3A_767 : vector<128x128xf32>
    %slice3A_769 = vector.extract_strided_slice %max3A_758 {offsets = [8, 0], sizes = [120, 128], strides = [1, 1]} : vector<128x128xf32> to vector<120x128xf32>
    %broadcast_in_dim3A_770 = arith.constant 0.000000e+00 : f32
    %broadcast_in_dim3A_771 = vector.broadcast %broadcast_in_dim3A_770 : f32 to vector<8x128xf32>
    %concatenate3A_772 = tpu.concatenate %slice3A_769, %broadcast_in_dim3A_771 in 0 : vector<120x128xf32>, vector<8x128xf32> -> vector<128x128xf32>
    %max3A_773 = arith.maximumf %max3A_768, %concatenate3A_772 : vector<128x128xf32>
    %broadcast_in_dim3A_774 = arith.constant 0.000000e+00 : f32
    %broadcast_in_dim3A_775 = vector.broadcast %broadcast_in_dim3A_774 : f32 to vector<5x128xf32>
    %slice3A_776 = vector.extract_strided_slice %max3A_773 {offsets = [0, 0], sizes = [123, 128], strides = [1, 1]} : vector<128x128xf32> to vector<123x128xf32>
    %concatenate3A_777 = tpu.concatenate %broadcast_in_dim3A_775, %slice3A_776 in 0 : vector<5x128xf32>, vector<123x128xf32> -> vector<128x128xf32>
    %swap3A_778 = arith.constant 1408 : index
    %swap3A_779 = arith.constant 0 : index
    %swap3A_780 = vector.load %arg8[%swap3A_778, %swap3A_779] : memref<4096x128xf32, #tpu.memory_space<vmem>>, vector<128x128xf32>
    tpu.vector_store %arg8[%swap3A_778, %swap3A_779], %concatenate3A_777 {strides = array<i32>} : memref<4096x128xf32, #tpu.memory_space<vmem>>, vector<128x128xf32>,
    %get3A_781 = arith.constant 1536 : index
    %get3A_782 = arith.constant 0 : index
    %get3A_783 = vector.load %arg7[%get3A_781, %get3A_782] : memref<4096x128xf32, #tpu.memory_space<vmem>>, vector<128x128xf32>
    %slice3A_784 = vector.extract_strided_slice %get3A_783 {offsets = [1, 0], sizes = [127, 128], strides = [1, 1]} : vector<128x128xf32> to vector<127x128xf32>
    %broadcast_in_dim3A_785 = arith.constant 0.000000e+00 : f32
    %broadcast_in_dim3A_786 = vector.broadcast %broadcast_in_dim3A_785 : f32 to vector<1x128xf32>
    %concatenate3A_787 = tpu.concatenate %slice3A_784, %broadcast_in_dim3A_786 in 0 : vector<127x128xf32>, vector<1x128xf32> -> vector<128x128xf32>
    %max3A_788 = arith.maximumf %get3A_783, %concatenate3A_787 : vector<128x128xf32>
    %slice3A_789 = vector.extract_strided_slice %get3A_783 {offsets = [2, 0], sizes = [126, 128], strides = [1, 1]} : vector<128x128xf32> to vector<126x128xf32>
    %broadcast_in_dim3A_790 = arith.constant 0.000000e+00 : f32
    %broadcast_in_dim3A_791 = vector.broadcast %broadcast_in_dim3A_790 : f32 to vector<2x128xf32>
    %concatenate3A_792 = tpu.concatenate %slice3A_789, %broadcast_in_dim3A_791 in 0 : vector<126x128xf32>, vector<2x128xf32> -> vector<128x128xf32>
    %max3A_793 = arith.maximumf %max3A_788, %concatenate3A_792 : vector<128x128xf32>
    %slice3A_794 = vector.extract_strided_slice %max3A_788 {offsets = [2, 0], sizes = [126, 128], strides = [1, 1]} : vector<128x128xf32> to vector<126x128xf32>
    %broadcast_in_dim3A_795 = arith.constant 0.000000e+00 : f32
    %broadcast_in_dim3A_796 = vector.broadcast %broadcast_in_dim3A_795 : f32 to vector<2x128xf32>
    %concatenate3A_797 = tpu.concatenate %slice3A_794, %broadcast_in_dim3A_796 in 0 : vector<126x128xf32>, vector<2x128xf32> -> vector<128x128xf32>
    %max3A_798 = arith.maximumf %max3A_788, %concatenate3A_797 : vector<128x128xf32>
    %slice3A_799 = vector.extract_strided_slice %max3A_798 {offsets = [4, 0], sizes = [124, 128], strides = [1, 1]} : vector<128x128xf32> to vector<124x128xf32>
    %broadcast_in_dim3A_800 = arith.constant 0.000000e+00 : f32
    %broadcast_in_dim3A_801 = vector.broadcast %broadcast_in_dim3A_800 : f32 to vector<4x128xf32>
    %concatenate3A_802 = tpu.concatenate %slice3A_799, %broadcast_in_dim3A_801 in 0 : vector<124x128xf32>, vector<4x128xf32> -> vector<128x128xf32>
    %max3A_803 = arith.maximumf %max3A_798, %concatenate3A_802 : vector<128x128xf32>
    %slice3A_804 = vector.extract_strided_slice %max3A_793 {offsets = [8, 0], sizes = [120, 128], strides = [1, 1]} : vector<128x128xf32> to vector<120x128xf32>
    %broadcast_in_dim3A_805 = arith.constant 0.000000e+00 : f32
    %broadcast_in_dim3A_806 = vector.broadcast %broadcast_in_dim3A_805 : f32 to vector<8x128xf32>
    %concatenate3A_807 = tpu.concatenate %slice3A_804, %broadcast_in_dim3A_806 in 0 : vector<120x128xf32>, vector<8x128xf32> -> vector<128x128xf32>
    %max3A_808 = arith.maximumf %max3A_803, %concatenate3A_807 : vector<128x128xf32>
    %broadcast_in_dim3A_809 = arith.constant 0.000000e+00 : f32
    %broadcast_in_dim3A_810 = vector.broadcast %broadcast_in_dim3A_809 : f32 to vector<5x128xf32>
    %slice3A_811 = vector.extract_strided_slice %max3A_808 {offsets = [0, 0], sizes = [123, 128], strides = [1, 1]} : vector<128x128xf32> to vector<123x128xf32>
    %concatenate3A_812 = tpu.concatenate %broadcast_in_dim3A_810, %slice3A_811 in 0 : vector<5x128xf32>, vector<123x128xf32> -> vector<128x128xf32>
    %swap3A_813 = arith.constant 1536 : index
    %swap3A_814 = arith.constant 0 : index
    %swap3A_815 = vector.load %arg8[%swap3A_813, %swap3A_814] : memref<4096x128xf32, #tpu.memory_space<vmem>>, vector<128x128xf32>
    tpu.vector_store %arg8[%swap3A_813, %swap3A_814], %concatenate3A_812 {strides = array<i32>} : memref<4096x128xf32, #tpu.memory_space<vmem>>, vector<128x128xf32>,
    %get3A_816 = arith.constant 1664 : index
    %get3A_817 = arith.constant 0 : index
    %get3A_818 = vector.load %arg7[%get3A_816, %get3A_817] : memref<4096x128xf32, #tpu.memory_space<vmem>>, vector<128x128xf32>
    %slice3A_819 = vector.extract_strided_slice %get3A_818 {offsets = [1, 0], sizes = [127, 128], strides = [1, 1]} : vector<128x128xf32> to vector<127x128xf32>
    %broadcast_in_dim3A_820 = arith.constant 0.000000e+00 : f32
    %broadcast_in_dim3A_821 = vector.broadcast %broadcast_in_dim3A_820 : f32 to vector<1x128xf32>
    %concatenate3A_822 = tpu.concatenate %slice3A_819, %broadcast_in_dim3A_821 in 0 : vector<127x128xf32>, vector<1x128xf32> -> vector<128x128xf32>
    %max3A_823 = arith.maximumf %get3A_818, %concatenate3A_822 : vector<128x128xf32>
    %slice3A_824 = vector.extract_strided_slice %get3A_818 {offsets = [2, 0], sizes = [126, 128], strides = [1, 1]} : vector<128x128xf32> to vector<126x128xf32>
    %broadcast_in_dim3A_825 = arith.constant 0.000000e+00 : f32
    %broadcast_in_dim3A_826 = vector.broadcast %broadcast_in_dim3A_825 : f32 to vector<2x128xf32>
    %concatenate3A_827 = tpu.concatenate %slice3A_824, %broadcast_in_dim3A_826 in 0 : vector<126x128xf32>, vector<2x128xf32> -> vector<128x128xf32>
    %max3A_828 = arith.maximumf %max3A_823, %concatenate3A_827 : vector<128x128xf32>
    %slice3A_829 = vector.extract_strided_slice %max3A_823 {offsets = [2, 0], sizes = [126, 128], strides = [1, 1]} : vector<128x128xf32> to vector<126x128xf32>
    %broadcast_in_dim3A_830 = arith.constant 0.000000e+00 : f32
    %broadcast_in_dim3A_831 = vector.broadcast %broadcast_in_dim3A_830 : f32 to vector<2x128xf32>
    %concatenate3A_832 = tpu.concatenate %slice3A_829, %broadcast_in_dim3A_831 in 0 : vector<126x128xf32>, vector<2x128xf32> -> vector<128x128xf32>
    %max3A_833 = arith.maximumf %max3A_823, %concatenate3A_832 : vector<128x128xf32>
    %slice3A_834 = vector.extract_strided_slice %max3A_833 {offsets = [4, 0], sizes = [124, 128], strides = [1, 1]} : vector<128x128xf32> to vector<124x128xf32>
    %broadcast_in_dim3A_835 = arith.constant 0.000000e+00 : f32
    %broadcast_in_dim3A_836 = vector.broadcast %broadcast_in_dim3A_835 : f32 to vector<4x128xf32>
    %concatenate3A_837 = tpu.concatenate %slice3A_834, %broadcast_in_dim3A_836 in 0 : vector<124x128xf32>, vector<4x128xf32> -> vector<128x128xf32>
    %max3A_838 = arith.maximumf %max3A_833, %concatenate3A_837 : vector<128x128xf32>
    %slice3A_839 = vector.extract_strided_slice %max3A_828 {offsets = [8, 0], sizes = [120, 128], strides = [1, 1]} : vector<128x128xf32> to vector<120x128xf32>
    %broadcast_in_dim3A_840 = arith.constant 0.000000e+00 : f32
    %broadcast_in_dim3A_841 = vector.broadcast %broadcast_in_dim3A_840 : f32 to vector<8x128xf32>
    %concatenate3A_842 = tpu.concatenate %slice3A_839, %broadcast_in_dim3A_841 in 0 : vector<120x128xf32>, vector<8x128xf32> -> vector<128x128xf32>
    %max3A_843 = arith.maximumf %max3A_838, %concatenate3A_842 : vector<128x128xf32>
    %broadcast_in_dim3A_844 = arith.constant 0.000000e+00 : f32
    %broadcast_in_dim3A_845 = vector.broadcast %broadcast_in_dim3A_844 : f32 to vector<5x128xf32>
    %slice3A_846 = vector.extract_strided_slice %max3A_843 {offsets = [0, 0], sizes = [123, 128], strides = [1, 1]} : vector<128x128xf32> to vector<123x128xf32>
    %concatenate3A_847 = tpu.concatenate %broadcast_in_dim3A_845, %slice3A_846 in 0 : vector<5x128xf32>, vector<123x128xf32> -> vector<128x128xf32>
    %swap3A_848 = arith.constant 1664 : index
    %swap3A_849 = arith.constant 0 : index
    %swap3A_850 = vector.load %arg8[%swap3A_848, %swap3A_849] : memref<4096x128xf32, #tpu.memory_space<vmem>>, vector<128x128xf32>
    tpu.vector_store %arg8[%swap3A_848, %swap3A_849], %concatenate3A_847 {strides = array<i32>} : memref<4096x128xf32, #tpu.memory_space<vmem>>, vector<128x128xf32>,
    %get3A_851 = arith.constant 1792 : index
    %get3A_852 = arith.constant 0 : index
    %get3A_853 = vector.load %arg7[%get3A_851, %get3A_852] : memref<4096x128xf32, #tpu.memory_space<vmem>>, vector<128x128xf32>
    %slice3A_854 = vector.extract_strided_slice %get3A_853 {offsets = [1, 0], sizes = [127, 128], strides = [1, 1]} : vector<128x128xf32> to vector<127x128xf32>
    %broadcast_in_dim3A_855 = arith.constant 0.000000e+00 : f32
    %broadcast_in_dim3A_856 = vector.broadcast %broadcast_in_dim3A_855 : f32 to vector<1x128xf32>
    %concatenate3A_857 = tpu.concatenate %slice3A_854, %broadcast_in_dim3A_856 in 0 : vector<127x128xf32>, vector<1x128xf32> -> vector<128x128xf32>
    %max3A_858 = arith.maximumf %get3A_853, %concatenate3A_857 : vector<128x128xf32>
    %slice3A_859 = vector.extract_strided_slice %get3A_853 {offsets = [2, 0], sizes = [126, 128], strides = [1, 1]} : vector<128x128xf32> to vector<126x128xf32>
    %broadcast_in_dim3A_860 = arith.constant 0.000000e+00 : f32
    %broadcast_in_dim3A_861 = vector.broadcast %broadcast_in_dim3A_860 : f32 to vector<2x128xf32>
    %concatenate3A_862 = tpu.concatenate %slice3A_859, %broadcast_in_dim3A_861 in 0 : vector<126x128xf32>, vector<2x128xf32> -> vector<128x128xf32>
    %max3A_863 = arith.maximumf %max3A_858, %concatenate3A_862 : vector<128x128xf32>
    %slice3A_864 = vector.extract_strided_slice %max3A_858 {offsets = [2, 0], sizes = [126, 128], strides = [1, 1]} : vector<128x128xf32> to vector<126x128xf32>
    %broadcast_in_dim3A_865 = arith.constant 0.000000e+00 : f32
    %broadcast_in_dim3A_866 = vector.broadcast %broadcast_in_dim3A_865 : f32 to vector<2x128xf32>
    %concatenate3A_867 = tpu.concatenate %slice3A_864, %broadcast_in_dim3A_866 in 0 : vector<126x128xf32>, vector<2x128xf32> -> vector<128x128xf32>
    %max3A_868 = arith.maximumf %max3A_858, %concatenate3A_867 : vector<128x128xf32>
    %slice3A_869 = vector.extract_strided_slice %max3A_868 {offsets = [4, 0], sizes = [124, 128], strides = [1, 1]} : vector<128x128xf32> to vector<124x128xf32>
    %broadcast_in_dim3A_870 = arith.constant 0.000000e+00 : f32
    %broadcast_in_dim3A_871 = vector.broadcast %broadcast_in_dim3A_870 : f32 to vector<4x128xf32>
    %concatenate3A_872 = tpu.concatenate %slice3A_869, %broadcast_in_dim3A_871 in 0 : vector<124x128xf32>, vector<4x128xf32> -> vector<128x128xf32>
    %max3A_873 = arith.maximumf %max3A_868, %concatenate3A_872 : vector<128x128xf32>
    %slice3A_874 = vector.extract_strided_slice %max3A_863 {offsets = [8, 0], sizes = [120, 128], strides = [1, 1]} : vector<128x128xf32> to vector<120x128xf32>
    %broadcast_in_dim3A_875 = arith.constant 0.000000e+00 : f32
    %broadcast_in_dim3A_876 = vector.broadcast %broadcast_in_dim3A_875 : f32 to vector<8x128xf32>
    %concatenate3A_877 = tpu.concatenate %slice3A_874, %broadcast_in_dim3A_876 in 0 : vector<120x128xf32>, vector<8x128xf32> -> vector<128x128xf32>
    %max3A_878 = arith.maximumf %max3A_873, %concatenate3A_877 : vector<128x128xf32>
    %broadcast_in_dim3A_879 = arith.constant 0.000000e+00 : f32
    %broadcast_in_dim3A_880 = vector.broadcast %broadcast_in_dim3A_879 : f32 to vector<5x128xf32>
    %slice3A_881 = vector.extract_strided_slice %max3A_878 {offsets = [0, 0], sizes = [123, 128], strides = [1, 1]} : vector<128x128xf32> to vector<123x128xf32>
    %concatenate3A_882 = tpu.concatenate %broadcast_in_dim3A_880, %slice3A_881 in 0 : vector<5x128xf32>, vector<123x128xf32> -> vector<128x128xf32>
    %swap3A_883 = arith.constant 1792 : index
    %swap3A_884 = arith.constant 0 : index
    %swap3A_885 = vector.load %arg8[%swap3A_883, %swap3A_884] : memref<4096x128xf32, #tpu.memory_space<vmem>>, vector<128x128xf32>
    tpu.vector_store %arg8[%swap3A_883, %swap3A_884], %concatenate3A_882 {strides = array<i32>} : memref<4096x128xf32, #tpu.memory_space<vmem>>, vector<128x128xf32>,
    %get3A_886 = arith.constant 1920 : index
    %get3A_887 = arith.constant 0 : index
    %get3A_888 = vector.load %arg7[%get3A_886, %get3A_887] : memref<4096x128xf32, #tpu.memory_space<vmem>>, vector<128x128xf32>
    %slice3A_889 = vector.extract_strided_slice %get3A_888 {offsets = [1, 0], sizes = [127, 128], strides = [1, 1]} : vector<128x128xf32> to vector<127x128xf32>
    %broadcast_in_dim3A_890 = arith.constant 0.000000e+00 : f32
    %broadcast_in_dim3A_891 = vector.broadcast %broadcast_in_dim3A_890 : f32 to vector<1x128xf32>
    %concatenate3A_892 = tpu.concatenate %slice3A_889, %broadcast_in_dim3A_891 in 0 : vector<127x128xf32>, vector<1x128xf32> -> vector<128x128xf32>
    %max3A_893 = arith.maximumf %get3A_888, %concatenate3A_892 : vector<128x128xf32>
    %slice3A_894 = vector.extract_strided_slice %get3A_888 {offsets = [2, 0], sizes = [126, 128], strides = [1, 1]} : vector<128x128xf32> to vector<126x128xf32>
    %broadcast_in_dim3A_895 = arith.constant 0.000000e+00 : f32
    %broadcast_in_dim3A_896 = vector.broadcast %broadcast_in_dim3A_895 : f32 to vector<2x128xf32>
    %concatenate3A_897 = tpu.concatenate %slice3A_894, %broadcast_in_dim3A_896 in 0 : vector<126x128xf32>, vector<2x128xf32> -> vector<128x128xf32>
    %max3A_898 = arith.maximumf %max3A_893, %concatenate3A_897 : vector<128x128xf32>
    %slice3A_899 = vector.extract_strided_slice %max3A_893 {offsets = [2, 0], sizes = [126, 128], strides = [1, 1]} : vector<128x128xf32> to vector<126x128xf32>
    %broadcast_in_dim3A_900 = arith.constant 0.000000e+00 : f32
    %broadcast_in_dim3A_901 = vector.broadcast %broadcast_in_dim3A_900 : f32 to vector<2x128xf32>
    %concatenate3A_902 = tpu.concatenate %slice3A_899, %broadcast_in_dim3A_901 in 0 : vector<126x128xf32>, vector<2x128xf32> -> vector<128x128xf32>
    %max3A_903 = arith.maximumf %max3A_893, %concatenate3A_902 : vector<128x128xf32>
    %slice3A_904 = vector.extract_strided_slice %max3A_903 {offsets = [4, 0], sizes = [124, 128], strides = [1, 1]} : vector<128x128xf32> to vector<124x128xf32>
    %broadcast_in_dim3A_905 = arith.constant 0.000000e+00 : f32
    %broadcast_in_dim3A_906 = vector.broadcast %broadcast_in_dim3A_905 : f32 to vector<4x128xf32>
    %concatenate3A_907 = tpu.concatenate %slice3A_904, %broadcast_in_dim3A_906 in 0 : vector<124x128xf32>, vector<4x128xf32> -> vector<128x128xf32>
    %max3A_908 = arith.maximumf %max3A_903, %concatenate3A_907 : vector<128x128xf32>
    %slice3A_909 = vector.extract_strided_slice %max3A_898 {offsets = [8, 0], sizes = [120, 128], strides = [1, 1]} : vector<128x128xf32> to vector<120x128xf32>
    %broadcast_in_dim3A_910 = arith.constant 0.000000e+00 : f32
    %broadcast_in_dim3A_911 = vector.broadcast %broadcast_in_dim3A_910 : f32 to vector<8x128xf32>
    %concatenate3A_912 = tpu.concatenate %slice3A_909, %broadcast_in_dim3A_911 in 0 : vector<120x128xf32>, vector<8x128xf32> -> vector<128x128xf32>
    %max3A_913 = arith.maximumf %max3A_908, %concatenate3A_912 : vector<128x128xf32>
    %broadcast_in_dim3A_914 = arith.constant 0.000000e+00 : f32
    %broadcast_in_dim3A_915 = vector.broadcast %broadcast_in_dim3A_914 : f32 to vector<5x128xf32>
    %slice3A_916 = vector.extract_strided_slice %max3A_913 {offsets = [0, 0], sizes = [123, 128], strides = [1, 1]} : vector<128x128xf32> to vector<123x128xf32>
    %concatenate3A_917 = tpu.concatenate %broadcast_in_dim3A_915, %slice3A_916 in 0 : vector<5x128xf32>, vector<123x128xf32> -> vector<128x128xf32>
    %swap3A_918 = arith.constant 1920 : index
    %swap3A_919 = arith.constant 0 : index
    %swap3A_920 = vector.load %arg8[%swap3A_918, %swap3A_919] : memref<4096x128xf32, #tpu.memory_space<vmem>>, vector<128x128xf32>
    tpu.vector_store %arg8[%swap3A_918, %swap3A_919], %concatenate3A_917 {strides = array<i32>} : memref<4096x128xf32, #tpu.memory_space<vmem>>, vector<128x128xf32>,
    %get3A_921 = arith.constant 2048 : index
    %get3A_922 = arith.constant 0 : index
    %get3A_923 = vector.load %arg7[%get3A_921, %get3A_922] : memref<4096x128xf32, #tpu.memory_space<vmem>>, vector<128x128xf32>
    %slice3A_924 = vector.extract_strided_slice %get3A_923 {offsets = [1, 0], sizes = [127, 128], strides = [1, 1]} : vector<128x128xf32> to vector<127x128xf32>
    %broadcast_in_dim3A_925 = arith.constant 0.000000e+00 : f32
    %broadcast_in_dim3A_926 = vector.broadcast %broadcast_in_dim3A_925 : f32 to vector<1x128xf32>
    %concatenate3A_927 = tpu.concatenate %slice3A_924, %broadcast_in_dim3A_926 in 0 : vector<127x128xf32>, vector<1x128xf32> -> vector<128x128xf32>
    %max3A_928 = arith.maximumf %get3A_923, %concatenate3A_927 : vector<128x128xf32>
    %slice3A_929 = vector.extract_strided_slice %get3A_923 {offsets = [2, 0], sizes = [126, 128], strides = [1, 1]} : vector<128x128xf32> to vector<126x128xf32>
    %broadcast_in_dim3A_930 = arith.constant 0.000000e+00 : f32
    %broadcast_in_dim3A_931 = vector.broadcast %broadcast_in_dim3A_930 : f32 to vector<2x128xf32>
    %concatenate3A_932 = tpu.concatenate %slice3A_929, %broadcast_in_dim3A_931 in 0 : vector<126x128xf32>, vector<2x128xf32> -> vector<128x128xf32>
    %max3A_933 = arith.maximumf %max3A_928, %concatenate3A_932 : vector<128x128xf32>
    %slice3A_934 = vector.extract_strided_slice %max3A_928 {offsets = [2, 0], sizes = [126, 128], strides = [1, 1]} : vector<128x128xf32> to vector<126x128xf32>
    %broadcast_in_dim3A_935 = arith.constant 0.000000e+00 : f32
    %broadcast_in_dim3A_936 = vector.broadcast %broadcast_in_dim3A_935 : f32 to vector<2x128xf32>
    %concatenate3A_937 = tpu.concatenate %slice3A_934, %broadcast_in_dim3A_936 in 0 : vector<126x128xf32>, vector<2x128xf32> -> vector<128x128xf32>
    %max3A_938 = arith.maximumf %max3A_928, %concatenate3A_937 : vector<128x128xf32>
    %slice3A_939 = vector.extract_strided_slice %max3A_938 {offsets = [4, 0], sizes = [124, 128], strides = [1, 1]} : vector<128x128xf32> to vector<124x128xf32>
    %broadcast_in_dim3A_940 = arith.constant 0.000000e+00 : f32
    %broadcast_in_dim3A_941 = vector.broadcast %broadcast_in_dim3A_940 : f32 to vector<4x128xf32>
    %concatenate3A_942 = tpu.concatenate %slice3A_939, %broadcast_in_dim3A_941 in 0 : vector<124x128xf32>, vector<4x128xf32> -> vector<128x128xf32>
    %max3A_943 = arith.maximumf %max3A_938, %concatenate3A_942 : vector<128x128xf32>
    %slice3A_944 = vector.extract_strided_slice %max3A_933 {offsets = [8, 0], sizes = [120, 128], strides = [1, 1]} : vector<128x128xf32> to vector<120x128xf32>
    %broadcast_in_dim3A_945 = arith.constant 0.000000e+00 : f32
    %broadcast_in_dim3A_946 = vector.broadcast %broadcast_in_dim3A_945 : f32 to vector<8x128xf32>
    %concatenate3A_947 = tpu.concatenate %slice3A_944, %broadcast_in_dim3A_946 in 0 : vector<120x128xf32>, vector<8x128xf32> -> vector<128x128xf32>
    %max3A_948 = arith.maximumf %max3A_943, %concatenate3A_947 : vector<128x128xf32>
    %broadcast_in_dim3A_949 = arith.constant 0.000000e+00 : f32
    %broadcast_in_dim3A_950 = vector.broadcast %broadcast_in_dim3A_949 : f32 to vector<5x128xf32>
    %slice3A_951 = vector.extract_strided_slice %max3A_948 {offsets = [0, 0], sizes = [123, 128], strides = [1, 1]} : vector<128x128xf32> to vector<123x128xf32>
    %concatenate3A_952 = tpu.concatenate %broadcast_in_dim3A_950, %slice3A_951 in 0 : vector<5x128xf32>, vector<123x128xf32> -> vector<128x128xf32>
    %swap3A_953 = arith.constant 2048 : index
    %swap3A_954 = arith.constant 0 : index
    %swap3A_955 = vector.load %arg8[%swap3A_953, %swap3A_954] : memref<4096x128xf32, #tpu.memory_space<vmem>>, vector<128x128xf32>
    tpu.vector_store %arg8[%swap3A_953, %swap3A_954], %concatenate3A_952 {strides = array<i32>} : memref<4096x128xf32, #tpu.memory_space<vmem>>, vector<128x128xf32>,
    %get3A_956 = arith.constant 2176 : index
    %get3A_957 = arith.constant 0 : index
    %get3A_958 = vector.load %arg7[%get3A_956, %get3A_957] : memref<4096x128xf32, #tpu.memory_space<vmem>>, vector<128x128xf32>
    %slice3A_959 = vector.extract_strided_slice %get3A_958 {offsets = [1, 0], sizes = [127, 128], strides = [1, 1]} : vector<128x128xf32> to vector<127x128xf32>
    %broadcast_in_dim3A_960 = arith.constant 0.000000e+00 : f32
    %broadcast_in_dim3A_961 = vector.broadcast %broadcast_in_dim3A_960 : f32 to vector<1x128xf32>
    %concatenate3A_962 = tpu.concatenate %slice3A_959, %broadcast_in_dim3A_961 in 0 : vector<127x128xf32>, vector<1x128xf32> -> vector<128x128xf32>
    %max3A_963 = arith.maximumf %get3A_958, %concatenate3A_962 : vector<128x128xf32>
    %slice3A_964 = vector.extract_strided_slice %get3A_958 {offsets = [2, 0], sizes = [126, 128], strides = [1, 1]} : vector<128x128xf32> to vector<126x128xf32>
    %broadcast_in_dim3A_965 = arith.constant 0.000000e+00 : f32
    %broadcast_in_dim3A_966 = vector.broadcast %broadcast_in_dim3A_965 : f32 to vector<2x128xf32>
    %concatenate3A_967 = tpu.concatenate %slice3A_964, %broadcast_in_dim3A_966 in 0 : vector<126x128xf32>, vector<2x128xf32> -> vector<128x128xf32>
    %max3A_968 = arith.maximumf %max3A_963, %concatenate3A_967 : vector<128x128xf32>
    %slice3A_969 = vector.extract_strided_slice %max3A_963 {offsets = [2, 0], sizes = [126, 128], strides = [1, 1]} : vector<128x128xf32> to vector<126x128xf32>
    %broadcast_in_dim3A_970 = arith.constant 0.000000e+00 : f32
    %broadcast_in_dim3A_971 = vector.broadcast %broadcast_in_dim3A_970 : f32 to vector<2x128xf32>
    %concatenate3A_972 = tpu.concatenate %slice3A_969, %broadcast_in_dim3A_971 in 0 : vector<126x128xf32>, vector<2x128xf32> -> vector<128x128xf32>
    %max3A_973 = arith.maximumf %max3A_963, %concatenate3A_972 : vector<128x128xf32>
    %slice3A_974 = vector.extract_strided_slice %max3A_973 {offsets = [4, 0], sizes = [124, 128], strides = [1, 1]} : vector<128x128xf32> to vector<124x128xf32>
    %broadcast_in_dim3A_975 = arith.constant 0.000000e+00 : f32
    %broadcast_in_dim3A_976 = vector.broadcast %broadcast_in_dim3A_975 : f32 to vector<4x128xf32>
    %concatenate3A_977 = tpu.concatenate %slice3A_974, %broadcast_in_dim3A_976 in 0 : vector<124x128xf32>, vector<4x128xf32> -> vector<128x128xf32>
    %max3A_978 = arith.maximumf %max3A_973, %concatenate3A_977 : vector<128x128xf32>
    %slice3A_979 = vector.extract_strided_slice %max3A_968 {offsets = [8, 0], sizes = [120, 128], strides = [1, 1]} : vector<128x128xf32> to vector<120x128xf32>
    %broadcast_in_dim3A_980 = arith.constant 0.000000e+00 : f32
    %broadcast_in_dim3A_981 = vector.broadcast %broadcast_in_dim3A_980 : f32 to vector<8x128xf32>
    %concatenate3A_982 = tpu.concatenate %slice3A_979, %broadcast_in_dim3A_981 in 0 : vector<120x128xf32>, vector<8x128xf32> -> vector<128x128xf32>
    %max3A_983 = arith.maximumf %max3A_978, %concatenate3A_982 : vector<128x128xf32>
    %broadcast_in_dim3A_984 = arith.constant 0.000000e+00 : f32
    %broadcast_in_dim3A_985 = vector.broadcast %broadcast_in_dim3A_984 : f32 to vector<5x128xf32>
    %slice3A_986 = vector.extract_strided_slice %max3A_983 {offsets = [0, 0], sizes = [123, 128], strides = [1, 1]} : vector<128x128xf32> to vector<123x128xf32>
    %concatenate3A_987 = tpu.concatenate %broadcast_in_dim3A_985, %slice3A_986 in 0 : vector<5x128xf32>, vector<123x128xf32> -> vector<128x128xf32>
    %swap3A_988 = arith.constant 2176 : index
    %swap3A_989 = arith.constant 0 : index
    %swap3A_990 = vector.load %arg8[%swap3A_988, %swap3A_989] : memref<4096x128xf32, #tpu.memory_space<vmem>>, vector<128x128xf32>
    tpu.vector_store %arg8[%swap3A_988, %swap3A_989], %concatenate3A_987 {strides = array<i32>} : memref<4096x128xf32, #tpu.memory_space<vmem>>, vector<128x128xf32>,
    %get3A_991 = arith.constant 2304 : index
    %get3A_992 = arith.constant 0 : index
    %get3A_993 = vector.load %arg7[%get3A_991, %get3A_992] : memref<4096x128xf32, #tpu.memory_space<vmem>>, vector<128x128xf32>
    %slice3A_994 = vector.extract_strided_slice %get3A_993 {offsets = [1, 0], sizes = [127, 128], strides = [1, 1]} : vector<128x128xf32> to vector<127x128xf32>
    %broadcast_in_dim3A_995 = arith.constant 0.000000e+00 : f32
    %broadcast_in_dim3A_996 = vector.broadcast %broadcast_in_dim3A_995 : f32 to vector<1x128xf32>
    %concatenate3A_997 = tpu.concatenate %slice3A_994, %broadcast_in_dim3A_996 in 0 : vector<127x128xf32>, vector<1x128xf32> -> vector<128x128xf32>
    %max3A_998 = arith.maximumf %get3A_993, %concatenate3A_997 : vector<128x128xf32>
    %slice3A_999 = vector.extract_strided_slice %get3A_993 {offsets = [2, 0], sizes = [126, 128], strides = [1, 1]} : vector<128x128xf32> to vector<126x128xf32>
    %broadcast_in_dim3A_1000 = arith.constant 0.000000e+00 : f32
    %broadcast_in_dim3A_1001 = vector.broadcast %broadcast_in_dim3A_1000 : f32 to vector<2x128xf32>
    %concatenate3A_1002 = tpu.concatenate %slice3A_999, %broadcast_in_dim3A_1001 in 0 : vector<126x128xf32>, vector<2x128xf32> -> vector<128x128xf32>
    %max3A_1003 = arith.maximumf %max3A_998, %concatenate3A_1002 : vector<128x128xf32>
    %slice3A_1004 = vector.extract_strided_slice %max3A_998 {offsets = [2, 0], sizes = [126, 128], strides = [1, 1]} : vector<128x128xf32> to vector<126x128xf32>
    %broadcast_in_dim3A_1005 = arith.constant 0.000000e+00 : f32
    %broadcast_in_dim3A_1006 = vector.broadcast %broadcast_in_dim3A_1005 : f32 to vector<2x128xf32>
    %concatenate3A_1007 = tpu.concatenate %slice3A_1004, %broadcast_in_dim3A_1006 in 0 : vector<126x128xf32>, vector<2x128xf32> -> vector<128x128xf32>
    %max3A_1008 = arith.maximumf %max3A_998, %concatenate3A_1007 : vector<128x128xf32>
    %slice3A_1009 = vector.extract_strided_slice %max3A_1008 {offsets = [4, 0], sizes = [124, 128], strides = [1, 1]} : vector<128x128xf32> to vector<124x128xf32>
    %broadcast_in_dim3A_1010 = arith.constant 0.000000e+00 : f32
    %broadcast_in_dim3A_1011 = vector.broadcast %broadcast_in_dim3A_1010 : f32 to vector<4x128xf32>
    %concatenate3A_1012 = tpu.concatenate %slice3A_1009, %broadcast_in_dim3A_1011 in 0 : vector<124x128xf32>, vector<4x128xf32> -> vector<128x128xf32>
    %max3A_1013 = arith.maximumf %max3A_1008, %concatenate3A_1012 : vector<128x128xf32>
    %slice3A_1014 = vector.extract_strided_slice %max3A_1003 {offsets = [8, 0], sizes = [120, 128], strides = [1, 1]} : vector<128x128xf32> to vector<120x128xf32>
    %broadcast_in_dim3A_1015 = arith.constant 0.000000e+00 : f32
    %broadcast_in_dim3A_1016 = vector.broadcast %broadcast_in_dim3A_1015 : f32 to vector<8x128xf32>
    %concatenate3A_1017 = tpu.concatenate %slice3A_1014, %broadcast_in_dim3A_1016 in 0 : vector<120x128xf32>, vector<8x128xf32> -> vector<128x128xf32>
    %max3A_1018 = arith.maximumf %max3A_1013, %concatenate3A_1017 : vector<128x128xf32>
    %broadcast_in_dim3A_1019 = arith.constant 0.000000e+00 : f32
    %broadcast_in_dim3A_1020 = vector.broadcast %broadcast_in_dim3A_1019 : f32 to vector<5x128xf32>
    %slice3A_1021 = vector.extract_strided_slice %max3A_1018 {offsets = [0, 0], sizes = [123, 128], strides = [1, 1]} : vector<128x128xf32> to vector<123x128xf32>
    %concatenate3A_1022 = tpu.concatenate %broadcast_in_dim3A_1020, %slice3A_1021 in 0 : vector<5x128xf32>, vector<123x128xf32> -> vector<128x128xf32>
    %swap3A_1023 = arith.constant 2304 : index
    %swap3A_1024 = arith.constant 0 : index
    %swap3A_1025 = vector.load %arg8[%swap3A_1023, %swap3A_1024] : memref<4096x128xf32, #tpu.memory_space<vmem>>, vector<128x128xf32>
    tpu.vector_store %arg8[%swap3A_1023, %swap3A_1024], %concatenate3A_1022 {strides = array<i32>} : memref<4096x128xf32, #tpu.memory_space<vmem>>, vector<128x128xf32>,
    %get3A_1026 = arith.constant 2432 : index
    %get3A_1027 = arith.constant 0 : index
    %get3A_1028 = vector.load %arg7[%get3A_1026, %get3A_1027] : memref<4096x128xf32, #tpu.memory_space<vmem>>, vector<128x128xf32>
    %slice3A_1029 = vector.extract_strided_slice %get3A_1028 {offsets = [1, 0], sizes = [127, 128], strides = [1, 1]} : vector<128x128xf32> to vector<127x128xf32>
    %broadcast_in_dim3A_1030 = arith.constant 0.000000e+00 : f32
    %broadcast_in_dim3A_1031 = vector.broadcast %broadcast_in_dim3A_1030 : f32 to vector<1x128xf32>
    %concatenate3A_1032 = tpu.concatenate %slice3A_1029, %broadcast_in_dim3A_1031 in 0 : vector<127x128xf32>, vector<1x128xf32> -> vector<128x128xf32>
    %max3A_1033 = arith.maximumf %get3A_1028, %concatenate3A_1032 : vector<128x128xf32>
    %slice3A_1034 = vector.extract_strided_slice %get3A_1028 {offsets = [2, 0], sizes = [126, 128], strides = [1, 1]} : vector<128x128xf32> to vector<126x128xf32>
    %broadcast_in_dim3A_1035 = arith.constant 0.000000e+00 : f32
    %broadcast_in_dim3A_1036 = vector.broadcast %broadcast_in_dim3A_1035 : f32 to vector<2x128xf32>
    %concatenate3A_1037 = tpu.concatenate %slice3A_1034, %broadcast_in_dim3A_1036 in 0 : vector<126x128xf32>, vector<2x128xf32> -> vector<128x128xf32>
    %max3A_1038 = arith.maximumf %max3A_1033, %concatenate3A_1037 : vector<128x128xf32>
    %slice3A_1039 = vector.extract_strided_slice %max3A_1033 {offsets = [2, 0], sizes = [126, 128], strides = [1, 1]} : vector<128x128xf32> to vector<126x128xf32>
    %broadcast_in_dim3A_1040 = arith.constant 0.000000e+00 : f32
    %broadcast_in_dim3A_1041 = vector.broadcast %broadcast_in_dim3A_1040 : f32 to vector<2x128xf32>
    %concatenate3A_1042 = tpu.concatenate %slice3A_1039, %broadcast_in_dim3A_1041 in 0 : vector<126x128xf32>, vector<2x128xf32> -> vector<128x128xf32>
    %max3A_1043 = arith.maximumf %max3A_1033, %concatenate3A_1042 : vector<128x128xf32>
    %slice3A_1044 = vector.extract_strided_slice %max3A_1043 {offsets = [4, 0], sizes = [124, 128], strides = [1, 1]} : vector<128x128xf32> to vector<124x128xf32>
    %broadcast_in_dim3A_1045 = arith.constant 0.000000e+00 : f32
    %broadcast_in_dim3A_1046 = vector.broadcast %broadcast_in_dim3A_1045 : f32 to vector<4x128xf32>
    %concatenate3A_1047 = tpu.concatenate %slice3A_1044, %broadcast_in_dim3A_1046 in 0 : vector<124x128xf32>, vector<4x128xf32> -> vector<128x128xf32>
    %max3A_1048 = arith.maximumf %max3A_1043, %concatenate3A_1047 : vector<128x128xf32>
    %slice3A_1049 = vector.extract_strided_slice %max3A_1038 {offsets = [8, 0], sizes = [120, 128], strides = [1, 1]} : vector<128x128xf32> to vector<120x128xf32>
    %broadcast_in_dim3A_1050 = arith.constant 0.000000e+00 : f32
    %broadcast_in_dim3A_1051 = vector.broadcast %broadcast_in_dim3A_1050 : f32 to vector<8x128xf32>
    %concatenate3A_1052 = tpu.concatenate %slice3A_1049, %broadcast_in_dim3A_1051 in 0 : vector<120x128xf32>, vector<8x128xf32> -> vector<128x128xf32>
    %max3A_1053 = arith.maximumf %max3A_1048, %concatenate3A_1052 : vector<128x128xf32>
    %broadcast_in_dim3A_1054 = arith.constant 0.000000e+00 : f32
    %broadcast_in_dim3A_1055 = vector.broadcast %broadcast_in_dim3A_1054 : f32 to vector<5x128xf32>
    %slice3A_1056 = vector.extract_strided_slice %max3A_1053 {offsets = [0, 0], sizes = [123, 128], strides = [1, 1]} : vector<128x128xf32> to vector<123x128xf32>
    %concatenate3A_1057 = tpu.concatenate %broadcast_in_dim3A_1055, %slice3A_1056 in 0 : vector<5x128xf32>, vector<123x128xf32> -> vector<128x128xf32>
    %swap3A_1058 = arith.constant 2432 : index
    %swap3A_1059 = arith.constant 0 : index
    %swap3A_1060 = vector.load %arg8[%swap3A_1058, %swap3A_1059] : memref<4096x128xf32, #tpu.memory_space<vmem>>, vector<128x128xf32>
    tpu.vector_store %arg8[%swap3A_1058, %swap3A_1059], %concatenate3A_1057 {strides = array<i32>} : memref<4096x128xf32, #tpu.memory_space<vmem>>, vector<128x128xf32>,
    %get3A_1061 = arith.constant 2560 : index
    %get3A_1062 = arith.constant 0 : index
    %get3A_1063 = vector.load %arg7[%get3A_1061, %get3A_1062] : memref<4096x128xf32, #tpu.memory_space<vmem>>, vector<128x128xf32>
    %slice3A_1064 = vector.extract_strided_slice %get3A_1063 {offsets = [1, 0], sizes = [127, 128], strides = [1, 1]} : vector<128x128xf32> to vector<127x128xf32>
    %broadcast_in_dim3A_1065 = arith.constant 0.000000e+00 : f32
    %broadcast_in_dim3A_1066 = vector.broadcast %broadcast_in_dim3A_1065 : f32 to vector<1x128xf32>
    %concatenate3A_1067 = tpu.concatenate %slice3A_1064, %broadcast_in_dim3A_1066 in 0 : vector<127x128xf32>, vector<1x128xf32> -> vector<128x128xf32>
    %max3A_1068 = arith.maximumf %get3A_1063, %concatenate3A_1067 : vector<128x128xf32>
    %slice3A_1069 = vector.extract_strided_slice %get3A_1063 {offsets = [2, 0], sizes = [126, 128], strides = [1, 1]} : vector<128x128xf32> to vector<126x128xf32>
    %broadcast_in_dim3A_1070 = arith.constant 0.000000e+00 : f32
    %broadcast_in_dim3A_1071 = vector.broadcast %broadcast_in_dim3A_1070 : f32 to vector<2x128xf32>
    %concatenate3A_1072 = tpu.concatenate %slice3A_1069, %broadcast_in_dim3A_1071 in 0 : vector<126x128xf32>, vector<2x128xf32> -> vector<128x128xf32>
    %max3A_1073 = arith.maximumf %max3A_1068, %concatenate3A_1072 : vector<128x128xf32>
    %slice3A_1074 = vector.extract_strided_slice %max3A_1068 {offsets = [2, 0], sizes = [126, 128], strides = [1, 1]} : vector<128x128xf32> to vector<126x128xf32>
    %broadcast_in_dim3A_1075 = arith.constant 0.000000e+00 : f32
    %broadcast_in_dim3A_1076 = vector.broadcast %broadcast_in_dim3A_1075 : f32 to vector<2x128xf32>
    %concatenate3A_1077 = tpu.concatenate %slice3A_1074, %broadcast_in_dim3A_1076 in 0 : vector<126x128xf32>, vector<2x128xf32> -> vector<128x128xf32>
    %max3A_1078 = arith.maximumf %max3A_1068, %concatenate3A_1077 : vector<128x128xf32>
    %slice3A_1079 = vector.extract_strided_slice %max3A_1078 {offsets = [4, 0], sizes = [124, 128], strides = [1, 1]} : vector<128x128xf32> to vector<124x128xf32>
    %broadcast_in_dim3A_1080 = arith.constant 0.000000e+00 : f32
    %broadcast_in_dim3A_1081 = vector.broadcast %broadcast_in_dim3A_1080 : f32 to vector<4x128xf32>
    %concatenate3A_1082 = tpu.concatenate %slice3A_1079, %broadcast_in_dim3A_1081 in 0 : vector<124x128xf32>, vector<4x128xf32> -> vector<128x128xf32>
    %max3A_1083 = arith.maximumf %max3A_1078, %concatenate3A_1082 : vector<128x128xf32>
    %slice3A_1084 = vector.extract_strided_slice %max3A_1073 {offsets = [8, 0], sizes = [120, 128], strides = [1, 1]} : vector<128x128xf32> to vector<120x128xf32>
    %broadcast_in_dim3A_1085 = arith.constant 0.000000e+00 : f32
    %broadcast_in_dim3A_1086 = vector.broadcast %broadcast_in_dim3A_1085 : f32 to vector<8x128xf32>
    %concatenate3A_1087 = tpu.concatenate %slice3A_1084, %broadcast_in_dim3A_1086 in 0 : vector<120x128xf32>, vector<8x128xf32> -> vector<128x128xf32>
    %max3A_1088 = arith.maximumf %max3A_1083, %concatenate3A_1087 : vector<128x128xf32>
    %broadcast_in_dim3A_1089 = arith.constant 0.000000e+00 : f32
    %broadcast_in_dim3A_1090 = vector.broadcast %broadcast_in_dim3A_1089 : f32 to vector<5x128xf32>
    %slice3A_1091 = vector.extract_strided_slice %max3A_1088 {offsets = [0, 0], sizes = [123, 128], strides = [1, 1]} : vector<128x128xf32> to vector<123x128xf32>
    %concatenate3A_1092 = tpu.concatenate %broadcast_in_dim3A_1090, %slice3A_1091 in 0 : vector<5x128xf32>, vector<123x128xf32> -> vector<128x128xf32>
    %swap3A_1093 = arith.constant 2560 : index
    %swap3A_1094 = arith.constant 0 : index
    %swap3A_1095 = vector.load %arg8[%swap3A_1093, %swap3A_1094] : memref<4096x128xf32, #tpu.memory_space<vmem>>, vector<128x128xf32>
    tpu.vector_store %arg8[%swap3A_1093, %swap3A_1094], %concatenate3A_1092 {strides = array<i32>} : memref<4096x128xf32, #tpu.memory_space<vmem>>, vector<128x128xf32>,
    %get3A_1096 = arith.constant 2688 : index
    %get3A_1097 = arith.constant 0 : index
    %get3A_1098 = vector.load %arg7[%get3A_1096, %get3A_1097] : memref<4096x128xf32, #tpu.memory_space<vmem>>, vector<128x128xf32>
    %slice3A_1099 = vector.extract_strided_slice %get3A_1098 {offsets = [1, 0], sizes = [127, 128], strides = [1, 1]} : vector<128x128xf32> to vector<127x128xf32>
    %broadcast_in_dim3A_1100 = arith.constant 0.000000e+00 : f32
    %broadcast_in_dim3A_1101 = vector.broadcast %broadcast_in_dim3A_1100 : f32 to vector<1x128xf32>
    %concatenate3A_1102 = tpu.concatenate %slice3A_1099, %broadcast_in_dim3A_1101 in 0 : vector<127x128xf32>, vector<1x128xf32> -> vector<128x128xf32>
    %max3A_1103 = arith.maximumf %get3A_1098, %concatenate3A_1102 : vector<128x128xf32>
    %slice3A_1104 = vector.extract_strided_slice %get3A_1098 {offsets = [2, 0], sizes = [126, 128], strides = [1, 1]} : vector<128x128xf32> to vector<126x128xf32>
    %broadcast_in_dim3A_1105 = arith.constant 0.000000e+00 : f32
    %broadcast_in_dim3A_1106 = vector.broadcast %broadcast_in_dim3A_1105 : f32 to vector<2x128xf32>
    %concatenate3A_1107 = tpu.concatenate %slice3A_1104, %broadcast_in_dim3A_1106 in 0 : vector<126x128xf32>, vector<2x128xf32> -> vector<128x128xf32>
    %max3A_1108 = arith.maximumf %max3A_1103, %concatenate3A_1107 : vector<128x128xf32>
    %slice3A_1109 = vector.extract_strided_slice %max3A_1103 {offsets = [2, 0], sizes = [126, 128], strides = [1, 1]} : vector<128x128xf32> to vector<126x128xf32>
    %broadcast_in_dim3A_1110 = arith.constant 0.000000e+00 : f32
    %broadcast_in_dim3A_1111 = vector.broadcast %broadcast_in_dim3A_1110 : f32 to vector<2x128xf32>
    %concatenate3A_1112 = tpu.concatenate %slice3A_1109, %broadcast_in_dim3A_1111 in 0 : vector<126x128xf32>, vector<2x128xf32> -> vector<128x128xf32>
    %max3A_1113 = arith.maximumf %max3A_1103, %concatenate3A_1112 : vector<128x128xf32>
    %slice3A_1114 = vector.extract_strided_slice %max3A_1113 {offsets = [4, 0], sizes = [124, 128], strides = [1, 1]} : vector<128x128xf32> to vector<124x128xf32>
    %broadcast_in_dim3A_1115 = arith.constant 0.000000e+00 : f32
    %broadcast_in_dim3A_1116 = vector.broadcast %broadcast_in_dim3A_1115 : f32 to vector<4x128xf32>
    %concatenate3A_1117 = tpu.concatenate %slice3A_1114, %broadcast_in_dim3A_1116 in 0 : vector<124x128xf32>, vector<4x128xf32> -> vector<128x128xf32>
    %max3A_1118 = arith.maximumf %max3A_1113, %concatenate3A_1117 : vector<128x128xf32>
    %slice3A_1119 = vector.extract_strided_slice %max3A_1108 {offsets = [8, 0], sizes = [120, 128], strides = [1, 1]} : vector<128x128xf32> to vector<120x128xf32>
    %broadcast_in_dim3A_1120 = arith.constant 0.000000e+00 : f32
    %broadcast_in_dim3A_1121 = vector.broadcast %broadcast_in_dim3A_1120 : f32 to vector<8x128xf32>
    %concatenate3A_1122 = tpu.concatenate %slice3A_1119, %broadcast_in_dim3A_1121 in 0 : vector<120x128xf32>, vector<8x128xf32> -> vector<128x128xf32>
    %max3A_1123 = arith.maximumf %max3A_1118, %concatenate3A_1122 : vector<128x128xf32>
    %broadcast_in_dim3A_1124 = arith.constant 0.000000e+00 : f32
    %broadcast_in_dim3A_1125 = vector.broadcast %broadcast_in_dim3A_1124 : f32 to vector<5x128xf32>
    %slice3A_1126 = vector.extract_strided_slice %max3A_1123 {offsets = [0, 0], sizes = [123, 128], strides = [1, 1]} : vector<128x128xf32> to vector<123x128xf32>
    %concatenate3A_1127 = tpu.concatenate %broadcast_in_dim3A_1125, %slice3A_1126 in 0 : vector<5x128xf32>, vector<123x128xf32> -> vector<128x128xf32>
    %swap3A_1128 = arith.constant 2688 : index
    %swap3A_1129 = arith.constant 0 : index
    %swap3A_1130 = vector.load %arg8[%swap3A_1128, %swap3A_1129] : memref<4096x128xf32, #tpu.memory_space<vmem>>, vector<128x128xf32>
    tpu.vector_store %arg8[%swap3A_1128, %swap3A_1129], %concatenate3A_1127 {strides = array<i32>} : memref<4096x128xf32, #tpu.memory_space<vmem>>, vector<128x128xf32>,
    %get3A_1131 = arith.constant 2816 : index
    %get3A_1132 = arith.constant 0 : index
    %get3A_1133 = vector.load %arg7[%get3A_1131, %get3A_1132] : memref<4096x128xf32, #tpu.memory_space<vmem>>, vector<128x128xf32>
    %slice3A_1134 = vector.extract_strided_slice %get3A_1133 {offsets = [1, 0], sizes = [127, 128], strides = [1, 1]} : vector<128x128xf32> to vector<127x128xf32>
    %broadcast_in_dim3A_1135 = arith.constant 0.000000e+00 : f32
    %broadcast_in_dim3A_1136 = vector.broadcast %broadcast_in_dim3A_1135 : f32 to vector<1x128xf32>
    %concatenate3A_1137 = tpu.concatenate %slice3A_1134, %broadcast_in_dim3A_1136 in 0 : vector<127x128xf32>, vector<1x128xf32> -> vector<128x128xf32>
    %max3A_1138 = arith.maximumf %get3A_1133, %concatenate3A_1137 : vector<128x128xf32>
    %slice3A_1139 = vector.extract_strided_slice %get3A_1133 {offsets = [2, 0], sizes = [126, 128], strides = [1, 1]} : vector<128x128xf32> to vector<126x128xf32>
    %broadcast_in_dim3A_1140 = arith.constant 0.000000e+00 : f32
    %broadcast_in_dim3A_1141 = vector.broadcast %broadcast_in_dim3A_1140 : f32 to vector<2x128xf32>
    %concatenate3A_1142 = tpu.concatenate %slice3A_1139, %broadcast_in_dim3A_1141 in 0 : vector<126x128xf32>, vector<2x128xf32> -> vector<128x128xf32>
    %max3A_1143 = arith.maximumf %max3A_1138, %concatenate3A_1142 : vector<128x128xf32>
    %slice3A_1144 = vector.extract_strided_slice %max3A_1138 {offsets = [2, 0], sizes = [126, 128], strides = [1, 1]} : vector<128x128xf32> to vector<126x128xf32>
    %broadcast_in_dim3A_1145 = arith.constant 0.000000e+00 : f32
    %broadcast_in_dim3A_1146 = vector.broadcast %broadcast_in_dim3A_1145 : f32 to vector<2x128xf32>
    %concatenate3A_1147 = tpu.concatenate %slice3A_1144, %broadcast_in_dim3A_1146 in 0 : vector<126x128xf32>, vector<2x128xf32> -> vector<128x128xf32>
    %max3A_1148 = arith.maximumf %max3A_1138, %concatenate3A_1147 : vector<128x128xf32>
    %slice3A_1149 = vector.extract_strided_slice %max3A_1148 {offsets = [4, 0], sizes = [124, 128], strides = [1, 1]} : vector<128x128xf32> to vector<124x128xf32>
    %broadcast_in_dim3A_1150 = arith.constant 0.000000e+00 : f32
    %broadcast_in_dim3A_1151 = vector.broadcast %broadcast_in_dim3A_1150 : f32 to vector<4x128xf32>
    %concatenate3A_1152 = tpu.concatenate %slice3A_1149, %broadcast_in_dim3A_1151 in 0 : vector<124x128xf32>, vector<4x128xf32> -> vector<128x128xf32>
    %max3A_1153 = arith.maximumf %max3A_1148, %concatenate3A_1152 : vector<128x128xf32>
    %slice3A_1154 = vector.extract_strided_slice %max3A_1143 {offsets = [8, 0], sizes = [120, 128], strides = [1, 1]} : vector<128x128xf32> to vector<120x128xf32>
    %broadcast_in_dim3A_1155 = arith.constant 0.000000e+00 : f32
    %broadcast_in_dim3A_1156 = vector.broadcast %broadcast_in_dim3A_1155 : f32 to vector<8x128xf32>
    %concatenate3A_1157 = tpu.concatenate %slice3A_1154, %broadcast_in_dim3A_1156 in 0 : vector<120x128xf32>, vector<8x128xf32> -> vector<128x128xf32>
    %max3A_1158 = arith.maximumf %max3A_1153, %concatenate3A_1157 : vector<128x128xf32>
    %broadcast_in_dim3A_1159 = arith.constant 0.000000e+00 : f32
    %broadcast_in_dim3A_1160 = vector.broadcast %broadcast_in_dim3A_1159 : f32 to vector<5x128xf32>
    %slice3A_1161 = vector.extract_strided_slice %max3A_1158 {offsets = [0, 0], sizes = [123, 128], strides = [1, 1]} : vector<128x128xf32> to vector<123x128xf32>
    %concatenate3A_1162 = tpu.concatenate %broadcast_in_dim3A_1160, %slice3A_1161 in 0 : vector<5x128xf32>, vector<123x128xf32> -> vector<128x128xf32>
    %swap3A_1163 = arith.constant 2816 : index
    %swap3A_1164 = arith.constant 0 : index
    %swap3A_1165 = vector.load %arg8[%swap3A_1163, %swap3A_1164] : memref<4096x128xf32, #tpu.memory_space<vmem>>, vector<128x128xf32>
    tpu.vector_store %arg8[%swap3A_1163, %swap3A_1164], %concatenate3A_1162 {strides = array<i32>} : memref<4096x128xf32, #tpu.memory_space<vmem>>, vector<128x128xf32>,
    %get3A_1166 = arith.constant 2944 : index
    %get3A_1167 = arith.constant 0 : index
    %get3A_1168 = vector.load %arg7[%get3A_1166, %get3A_1167] : memref<4096x128xf32, #tpu.memory_space<vmem>>, vector<128x128xf32>
    %slice3A_1169 = vector.extract_strided_slice %get3A_1168 {offsets = [1, 0], sizes = [127, 128], strides = [1, 1]} : vector<128x128xf32> to vector<127x128xf32>
    %broadcast_in_dim3A_1170 = arith.constant 0.000000e+00 : f32
    %broadcast_in_dim3A_1171 = vector.broadcast %broadcast_in_dim3A_1170 : f32 to vector<1x128xf32>
    %concatenate3A_1172 = tpu.concatenate %slice3A_1169, %broadcast_in_dim3A_1171 in 0 : vector<127x128xf32>, vector<1x128xf32> -> vector<128x128xf32>
    %max3A_1173 = arith.maximumf %get3A_1168, %concatenate3A_1172 : vector<128x128xf32>
    %slice3A_1174 = vector.extract_strided_slice %get3A_1168 {offsets = [2, 0], sizes = [126, 128], strides = [1, 1]} : vector<128x128xf32> to vector<126x128xf32>
    %broadcast_in_dim3A_1175 = arith.constant 0.000000e+00 : f32
    %broadcast_in_dim3A_1176 = vector.broadcast %broadcast_in_dim3A_1175 : f32 to vector<2x128xf32>
    %concatenate3A_1177 = tpu.concatenate %slice3A_1174, %broadcast_in_dim3A_1176 in 0 : vector<126x128xf32>, vector<2x128xf32> -> vector<128x128xf32>
    %max3A_1178 = arith.maximumf %max3A_1173, %concatenate3A_1177 : vector<128x128xf32>
    %slice3A_1179 = vector.extract_strided_slice %max3A_1173 {offsets = [2, 0], sizes = [126, 128], strides = [1, 1]} : vector<128x128xf32> to vector<126x128xf32>
    %broadcast_in_dim3A_1180 = arith.constant 0.000000e+00 : f32
    %broadcast_in_dim3A_1181 = vector.broadcast %broadcast_in_dim3A_1180 : f32 to vector<2x128xf32>
    %concatenate3A_1182 = tpu.concatenate %slice3A_1179, %broadcast_in_dim3A_1181 in 0 : vector<126x128xf32>, vector<2x128xf32> -> vector<128x128xf32>
    %max3A_1183 = arith.maximumf %max3A_1173, %concatenate3A_1182 : vector<128x128xf32>
    %slice3A_1184 = vector.extract_strided_slice %max3A_1183 {offsets = [4, 0], sizes = [124, 128], strides = [1, 1]} : vector<128x128xf32> to vector<124x128xf32>
    %broadcast_in_dim3A_1185 = arith.constant 0.000000e+00 : f32
    %broadcast_in_dim3A_1186 = vector.broadcast %broadcast_in_dim3A_1185 : f32 to vector<4x128xf32>
    %concatenate3A_1187 = tpu.concatenate %slice3A_1184, %broadcast_in_dim3A_1186 in 0 : vector<124x128xf32>, vector<4x128xf32> -> vector<128x128xf32>
    %max3A_1188 = arith.maximumf %max3A_1183, %concatenate3A_1187 : vector<128x128xf32>
    %slice3A_1189 = vector.extract_strided_slice %max3A_1178 {offsets = [8, 0], sizes = [120, 128], strides = [1, 1]} : vector<128x128xf32> to vector<120x128xf32>
    %broadcast_in_dim3A_1190 = arith.constant 0.000000e+00 : f32
    %broadcast_in_dim3A_1191 = vector.broadcast %broadcast_in_dim3A_1190 : f32 to vector<8x128xf32>
    %concatenate3A_1192 = tpu.concatenate %slice3A_1189, %broadcast_in_dim3A_1191 in 0 : vector<120x128xf32>, vector<8x128xf32> -> vector<128x128xf32>
    %max3A_1193 = arith.maximumf %max3A_1188, %concatenate3A_1192 : vector<128x128xf32>
    %broadcast_in_dim3A_1194 = arith.constant 0.000000e+00 : f32
    %broadcast_in_dim3A_1195 = vector.broadcast %broadcast_in_dim3A_1194 : f32 to vector<5x128xf32>
    %slice3A_1196 = vector.extract_strided_slice %max3A_1193 {offsets = [0, 0], sizes = [123, 128], strides = [1, 1]} : vector<128x128xf32> to vector<123x128xf32>
    %concatenate3A_1197 = tpu.concatenate %broadcast_in_dim3A_1195, %slice3A_1196 in 0 : vector<5x128xf32>, vector<123x128xf32> -> vector<128x128xf32>
    %swap3A_1198 = arith.constant 2944 : index
    %swap3A_1199 = arith.constant 0 : index
    %swap3A_1200 = vector.load %arg8[%swap3A_1198, %swap3A_1199] : memref<4096x128xf32, #tpu.memory_space<vmem>>, vector<128x128xf32>
    tpu.vector_store %arg8[%swap3A_1198, %swap3A_1199], %concatenate3A_1197 {strides = array<i32>} : memref<4096x128xf32, #tpu.memory_space<vmem>>, vector<128x128xf32>,
    %get3A_1201 = arith.constant 3072 : index
    %get3A_1202 = arith.constant 0 : index
    %get3A_1203 = vector.load %arg7[%get3A_1201, %get3A_1202] : memref<4096x128xf32, #tpu.memory_space<vmem>>, vector<128x128xf32>
    %slice3A_1204 = vector.extract_strided_slice %get3A_1203 {offsets = [1, 0], sizes = [127, 128], strides = [1, 1]} : vector<128x128xf32> to vector<127x128xf32>
    %broadcast_in_dim3A_1205 = arith.constant 0.000000e+00 : f32
    %broadcast_in_dim3A_1206 = vector.broadcast %broadcast_in_dim3A_1205 : f32 to vector<1x128xf32>
    %concatenate3A_1207 = tpu.concatenate %slice3A_1204, %broadcast_in_dim3A_1206 in 0 : vector<127x128xf32>, vector<1x128xf32> -> vector<128x128xf32>
    %max3A_1208 = arith.maximumf %get3A_1203, %concatenate3A_1207 : vector<128x128xf32>
    %slice3A_1209 = vector.extract_strided_slice %get3A_1203 {offsets = [2, 0], sizes = [126, 128], strides = [1, 1]} : vector<128x128xf32> to vector<126x128xf32>
    %broadcast_in_dim3A_1210 = arith.constant 0.000000e+00 : f32
    %broadcast_in_dim3A_1211 = vector.broadcast %broadcast_in_dim3A_1210 : f32 to vector<2x128xf32>
    %concatenate3A_1212 = tpu.concatenate %slice3A_1209, %broadcast_in_dim3A_1211 in 0 : vector<126x128xf32>, vector<2x128xf32> -> vector<128x128xf32>
    %max3A_1213 = arith.maximumf %max3A_1208, %concatenate3A_1212 : vector<128x128xf32>
    %slice3A_1214 = vector.extract_strided_slice %max3A_1208 {offsets = [2, 0], sizes = [126, 128], strides = [1, 1]} : vector<128x128xf32> to vector<126x128xf32>
    %broadcast_in_dim3A_1215 = arith.constant 0.000000e+00 : f32
    %broadcast_in_dim3A_1216 = vector.broadcast %broadcast_in_dim3A_1215 : f32 to vector<2x128xf32>
    %concatenate3A_1217 = tpu.concatenate %slice3A_1214, %broadcast_in_dim3A_1216 in 0 : vector<126x128xf32>, vector<2x128xf32> -> vector<128x128xf32>
    %max3A_1218 = arith.maximumf %max3A_1208, %concatenate3A_1217 : vector<128x128xf32>
    %slice3A_1219 = vector.extract_strided_slice %max3A_1218 {offsets = [4, 0], sizes = [124, 128], strides = [1, 1]} : vector<128x128xf32> to vector<124x128xf32>
    %broadcast_in_dim3A_1220 = arith.constant 0.000000e+00 : f32
    %broadcast_in_dim3A_1221 = vector.broadcast %broadcast_in_dim3A_1220 : f32 to vector<4x128xf32>
    %concatenate3A_1222 = tpu.concatenate %slice3A_1219, %broadcast_in_dim3A_1221 in 0 : vector<124x128xf32>, vector<4x128xf32> -> vector<128x128xf32>
    %max3A_1223 = arith.maximumf %max3A_1218, %concatenate3A_1222 : vector<128x128xf32>
    %slice3A_1224 = vector.extract_strided_slice %max3A_1213 {offsets = [8, 0], sizes = [120, 128], strides = [1, 1]} : vector<128x128xf32> to vector<120x128xf32>
    %broadcast_in_dim3A_1225 = arith.constant 0.000000e+00 : f32
    %broadcast_in_dim3A_1226 = vector.broadcast %broadcast_in_dim3A_1225 : f32 to vector<8x128xf32>
    %concatenate3A_1227 = tpu.concatenate %slice3A_1224, %broadcast_in_dim3A_1226 in 0 : vector<120x128xf32>, vector<8x128xf32> -> vector<128x128xf32>
    %max3A_1228 = arith.maximumf %max3A_1223, %concatenate3A_1227 : vector<128x128xf32>
    %broadcast_in_dim3A_1229 = arith.constant 0.000000e+00 : f32
    %broadcast_in_dim3A_1230 = vector.broadcast %broadcast_in_dim3A_1229 : f32 to vector<5x128xf32>
    %slice3A_1231 = vector.extract_strided_slice %max3A_1228 {offsets = [0, 0], sizes = [123, 128], strides = [1, 1]} : vector<128x128xf32> to vector<123x128xf32>
    %concatenate3A_1232 = tpu.concatenate %broadcast_in_dim3A_1230, %slice3A_1231 in 0 : vector<5x128xf32>, vector<123x128xf32> -> vector<128x128xf32>
    %swap3A_1233 = arith.constant 3072 : index
    %swap3A_1234 = arith.constant 0 : index
    %swap3A_1235 = vector.load %arg8[%swap3A_1233, %swap3A_1234] : memref<4096x128xf32, #tpu.memory_space<vmem>>, vector<128x128xf32>
    tpu.vector_store %arg8[%swap3A_1233, %swap3A_1234], %concatenate3A_1232 {strides = array<i32>} : memref<4096x128xf32, #tpu.memory_space<vmem>>, vector<128x128xf32>,
    %get3A_1236 = arith.constant 3200 : index
    %get3A_1237 = arith.constant 0 : index
    %get3A_1238 = vector.load %arg7[%get3A_1236, %get3A_1237] : memref<4096x128xf32, #tpu.memory_space<vmem>>, vector<128x128xf32>
    %slice3A_1239 = vector.extract_strided_slice %get3A_1238 {offsets = [1, 0], sizes = [127, 128], strides = [1, 1]} : vector<128x128xf32> to vector<127x128xf32>
    %broadcast_in_dim3A_1240 = arith.constant 0.000000e+00 : f32
    %broadcast_in_dim3A_1241 = vector.broadcast %broadcast_in_dim3A_1240 : f32 to vector<1x128xf32>
    %concatenate3A_1242 = tpu.concatenate %slice3A_1239, %broadcast_in_dim3A_1241 in 0 : vector<127x128xf32>, vector<1x128xf32> -> vector<128x128xf32>
    %max3A_1243 = arith.maximumf %get3A_1238, %concatenate3A_1242 : vector<128x128xf32>
    %slice3A_1244 = vector.extract_strided_slice %get3A_1238 {offsets = [2, 0], sizes = [126, 128], strides = [1, 1]} : vector<128x128xf32> to vector<126x128xf32>
    %broadcast_in_dim3A_1245 = arith.constant 0.000000e+00 : f32
    %broadcast_in_dim3A_1246 = vector.broadcast %broadcast_in_dim3A_1245 : f32 to vector<2x128xf32>
    %concatenate3A_1247 = tpu.concatenate %slice3A_1244, %broadcast_in_dim3A_1246 in 0 : vector<126x128xf32>, vector<2x128xf32> -> vector<128x128xf32>
    %max3A_1248 = arith.maximumf %max3A_1243, %concatenate3A_1247 : vector<128x128xf32>
    %slice3A_1249 = vector.extract_strided_slice %max3A_1243 {offsets = [2, 0], sizes = [126, 128], strides = [1, 1]} : vector<128x128xf32> to vector<126x128xf32>
    %broadcast_in_dim3A_1250 = arith.constant 0.000000e+00 : f32
    %broadcast_in_dim3A_1251 = vector.broadcast %broadcast_in_dim3A_1250 : f32 to vector<2x128xf32>
    %concatenate3A_1252 = tpu.concatenate %slice3A_1249, %broadcast_in_dim3A_1251 in 0 : vector<126x128xf32>, vector<2x128xf32> -> vector<128x128xf32>
    %max3A_1253 = arith.maximumf %max3A_1243, %concatenate3A_1252 : vector<128x128xf32>
    %slice3A_1254 = vector.extract_strided_slice %max3A_1253 {offsets = [4, 0], sizes = [124, 128], strides = [1, 1]} : vector<128x128xf32> to vector<124x128xf32>
    %broadcast_in_dim3A_1255 = arith.constant 0.000000e+00 : f32
    %broadcast_in_dim3A_1256 = vector.broadcast %broadcast_in_dim3A_1255 : f32 to vector<4x128xf32>
    %concatenate3A_1257 = tpu.concatenate %slice3A_1254, %broadcast_in_dim3A_1256 in 0 : vector<124x128xf32>, vector<4x128xf32> -> vector<128x128xf32>
    %max3A_1258 = arith.maximumf %max3A_1253, %concatenate3A_1257 : vector<128x128xf32>
    %slice3A_1259 = vector.extract_strided_slice %max3A_1248 {offsets = [8, 0], sizes = [120, 128], strides = [1, 1]} : vector<128x128xf32> to vector<120x128xf32>
    %broadcast_in_dim3A_1260 = arith.constant 0.000000e+00 : f32
    %broadcast_in_dim3A_1261 = vector.broadcast %broadcast_in_dim3A_1260 : f32 to vector<8x128xf32>
    %concatenate3A_1262 = tpu.concatenate %slice3A_1259, %broadcast_in_dim3A_1261 in 0 : vector<120x128xf32>, vector<8x128xf32> -> vector<128x128xf32>
    %max3A_1263 = arith.maximumf %max3A_1258, %concatenate3A_1262 : vector<128x128xf32>
    %broadcast_in_dim3A_1264 = arith.constant 0.000000e+00 : f32
    %broadcast_in_dim3A_1265 = vector.broadcast %broadcast_in_dim3A_1264 : f32 to vector<5x128xf32>
    %slice3A_1266 = vector.extract_strided_slice %max3A_1263 {offsets = [0, 0], sizes = [123, 128], strides = [1, 1]} : vector<128x128xf32> to vector<123x128xf32>
    %concatenate3A_1267 = tpu.concatenate %broadcast_in_dim3A_1265, %slice3A_1266 in 0 : vector<5x128xf32>, vector<123x128xf32> -> vector<128x128xf32>
    %swap3A_1268 = arith.constant 3200 : index
    %swap3A_1269 = arith.constant 0 : index
    %swap3A_1270 = vector.load %arg8[%swap3A_1268, %swap3A_1269] : memref<4096x128xf32, #tpu.memory_space<vmem>>, vector<128x128xf32>
    tpu.vector_store %arg8[%swap3A_1268, %swap3A_1269], %concatenate3A_1267 {strides = array<i32>} : memref<4096x128xf32, #tpu.memory_space<vmem>>, vector<128x128xf32>,
    %get3A_1271 = arith.constant 3328 : index
    %get3A_1272 = arith.constant 0 : index
    %get3A_1273 = vector.load %arg7[%get3A_1271, %get3A_1272] : memref<4096x128xf32, #tpu.memory_space<vmem>>, vector<128x128xf32>
    %slice3A_1274 = vector.extract_strided_slice %get3A_1273 {offsets = [1, 0], sizes = [127, 128], strides = [1, 1]} : vector<128x128xf32> to vector<127x128xf32>
    %broadcast_in_dim3A_1275 = arith.constant 0.000000e+00 : f32
    %broadcast_in_dim3A_1276 = vector.broadcast %broadcast_in_dim3A_1275 : f32 to vector<1x128xf32>
    %concatenate3A_1277 = tpu.concatenate %slice3A_1274, %broadcast_in_dim3A_1276 in 0 : vector<127x128xf32>, vector<1x128xf32> -> vector<128x128xf32>
    %max3A_1278 = arith.maximumf %get3A_1273, %concatenate3A_1277 : vector<128x128xf32>
    %slice3A_1279 = vector.extract_strided_slice %get3A_1273 {offsets = [2, 0], sizes = [126, 128], strides = [1, 1]} : vector<128x128xf32> to vector<126x128xf32>
    %broadcast_in_dim3A_1280 = arith.constant 0.000000e+00 : f32
    %broadcast_in_dim3A_1281 = vector.broadcast %broadcast_in_dim3A_1280 : f32 to vector<2x128xf32>
    %concatenate3A_1282 = tpu.concatenate %slice3A_1279, %broadcast_in_dim3A_1281 in 0 : vector<126x128xf32>, vector<2x128xf32> -> vector<128x128xf32>
    %max3A_1283 = arith.maximumf %max3A_1278, %concatenate3A_1282 : vector<128x128xf32>
    %slice3A_1284 = vector.extract_strided_slice %max3A_1278 {offsets = [2, 0], sizes = [126, 128], strides = [1, 1]} : vector<128x128xf32> to vector<126x128xf32>
    %broadcast_in_dim3A_1285 = arith.constant 0.000000e+00 : f32
    %broadcast_in_dim3A_1286 = vector.broadcast %broadcast_in_dim3A_1285 : f32 to vector<2x128xf32>
    %concatenate3A_1287 = tpu.concatenate %slice3A_1284, %broadcast_in_dim3A_1286 in 0 : vector<126x128xf32>, vector<2x128xf32> -> vector<128x128xf32>
    %max3A_1288 = arith.maximumf %max3A_1278, %concatenate3A_1287 : vector<128x128xf32>
    %slice3A_1289 = vector.extract_strided_slice %max3A_1288 {offsets = [4, 0], sizes = [124, 128], strides = [1, 1]} : vector<128x128xf32> to vector<124x128xf32>
    %broadcast_in_dim3A_1290 = arith.constant 0.000000e+00 : f32
    %broadcast_in_dim3A_1291 = vector.broadcast %broadcast_in_dim3A_1290 : f32 to vector<4x128xf32>
    %concatenate3A_1292 = tpu.concatenate %slice3A_1289, %broadcast_in_dim3A_1291 in 0 : vector<124x128xf32>, vector<4x128xf32> -> vector<128x128xf32>
    %max3A_1293 = arith.maximumf %max3A_1288, %concatenate3A_1292 : vector<128x128xf32>
    %slice3A_1294 = vector.extract_strided_slice %max3A_1283 {offsets = [8, 0], sizes = [120, 128], strides = [1, 1]} : vector<128x128xf32> to vector<120x128xf32>
    %broadcast_in_dim3A_1295 = arith.constant 0.000000e+00 : f32
    %broadcast_in_dim3A_1296 = vector.broadcast %broadcast_in_dim3A_1295 : f32 to vector<8x128xf32>
    %concatenate3A_1297 = tpu.concatenate %slice3A_1294, %broadcast_in_dim3A_1296 in 0 : vector<120x128xf32>, vector<8x128xf32> -> vector<128x128xf32>
    %max3A_1298 = arith.maximumf %max3A_1293, %concatenate3A_1297 : vector<128x128xf32>
    %broadcast_in_dim3A_1299 = arith.constant 0.000000e+00 : f32
    %broadcast_in_dim3A_1300 = vector.broadcast %broadcast_in_dim3A_1299 : f32 to vector<5x128xf32>
    %slice3A_1301 = vector.extract_strided_slice %max3A_1298 {offsets = [0, 0], sizes = [123, 128], strides = [1, 1]} : vector<128x128xf32> to vector<123x128xf32>
    %concatenate3A_1302 = tpu.concatenate %broadcast_in_dim3A_1300, %slice3A_1301 in 0 : vector<5x128xf32>, vector<123x128xf32> -> vector<128x128xf32>
    %swap3A_1303 = arith.constant 3328 : index
    %swap3A_1304 = arith.constant 0 : index
    %swap3A_1305 = vector.load %arg8[%swap3A_1303, %swap3A_1304] : memref<4096x128xf32, #tpu.memory_space<vmem>>, vector<128x128xf32>
    tpu.vector_store %arg8[%swap3A_1303, %swap3A_1304], %concatenate3A_1302 {strides = array<i32>} : memref<4096x128xf32, #tpu.memory_space<vmem>>, vector<128x128xf32>,
    %get3A_1306 = arith.constant 3456 : index
    %get3A_1307 = arith.constant 0 : index
    %get3A_1308 = vector.load %arg7[%get3A_1306, %get3A_1307] : memref<4096x128xf32, #tpu.memory_space<vmem>>, vector<128x128xf32>
    %slice3A_1309 = vector.extract_strided_slice %get3A_1308 {offsets = [1, 0], sizes = [127, 128], strides = [1, 1]} : vector<128x128xf32> to vector<127x128xf32>
    %broadcast_in_dim3A_1310 = arith.constant 0.000000e+00 : f32
    %broadcast_in_dim3A_1311 = vector.broadcast %broadcast_in_dim3A_1310 : f32 to vector<1x128xf32>
    %concatenate3A_1312 = tpu.concatenate %slice3A_1309, %broadcast_in_dim3A_1311 in 0 : vector<127x128xf32>, vector<1x128xf32> -> vector<128x128xf32>
    %max3A_1313 = arith.maximumf %get3A_1308, %concatenate3A_1312 : vector<128x128xf32>
    %slice3A_1314 = vector.extract_strided_slice %get3A_1308 {offsets = [2, 0], sizes = [126, 128], strides = [1, 1]} : vector<128x128xf32> to vector<126x128xf32>
    %broadcast_in_dim3A_1315 = arith.constant 0.000000e+00 : f32
    %broadcast_in_dim3A_1316 = vector.broadcast %broadcast_in_dim3A_1315 : f32 to vector<2x128xf32>
    %concatenate3A_1317 = tpu.concatenate %slice3A_1314, %broadcast_in_dim3A_1316 in 0 : vector<126x128xf32>, vector<2x128xf32> -> vector<128x128xf32>
    %max3A_1318 = arith.maximumf %max3A_1313, %concatenate3A_1317 : vector<128x128xf32>
    %slice3A_1319 = vector.extract_strided_slice %max3A_1313 {offsets = [2, 0], sizes = [126, 128], strides = [1, 1]} : vector<128x128xf32> to vector<126x128xf32>
    %broadcast_in_dim3A_1320 = arith.constant 0.000000e+00 : f32
    %broadcast_in_dim3A_1321 = vector.broadcast %broadcast_in_dim3A_1320 : f32 to vector<2x128xf32>
    %concatenate3A_1322 = tpu.concatenate %slice3A_1319, %broadcast_in_dim3A_1321 in 0 : vector<126x128xf32>, vector<2x128xf32> -> vector<128x128xf32>
    %max3A_1323 = arith.maximumf %max3A_1313, %concatenate3A_1322 : vector<128x128xf32>
    %slice3A_1324 = vector.extract_strided_slice %max3A_1323 {offsets = [4, 0], sizes = [124, 128], strides = [1, 1]} : vector<128x128xf32> to vector<124x128xf32>
    %broadcast_in_dim3A_1325 = arith.constant 0.000000e+00 : f32
    %broadcast_in_dim3A_1326 = vector.broadcast %broadcast_in_dim3A_1325 : f32 to vector<4x128xf32>
    %concatenate3A_1327 = tpu.concatenate %slice3A_1324, %broadcast_in_dim3A_1326 in 0 : vector<124x128xf32>, vector<4x128xf32> -> vector<128x128xf32>
    %max3A_1328 = arith.maximumf %max3A_1323, %concatenate3A_1327 : vector<128x128xf32>
    %slice3A_1329 = vector.extract_strided_slice %max3A_1318 {offsets = [8, 0], sizes = [120, 128], strides = [1, 1]} : vector<128x128xf32> to vector<120x128xf32>
    %broadcast_in_dim3A_1330 = arith.constant 0.000000e+00 : f32
    %broadcast_in_dim3A_1331 = vector.broadcast %broadcast_in_dim3A_1330 : f32 to vector<8x128xf32>
    %concatenate3A_1332 = tpu.concatenate %slice3A_1329, %broadcast_in_dim3A_1331 in 0 : vector<120x128xf32>, vector<8x128xf32> -> vector<128x128xf32>
    %max3A_1333 = arith.maximumf %max3A_1328, %concatenate3A_1332 : vector<128x128xf32>
    %broadcast_in_dim3A_1334 = arith.constant 0.000000e+00 : f32
    %broadcast_in_dim3A_1335 = vector.broadcast %broadcast_in_dim3A_1334 : f32 to vector<5x128xf32>
    %slice3A_1336 = vector.extract_strided_slice %max3A_1333 {offsets = [0, 0], sizes = [123, 128], strides = [1, 1]} : vector<128x128xf32> to vector<123x128xf32>
    %concatenate3A_1337 = tpu.concatenate %broadcast_in_dim3A_1335, %slice3A_1336 in 0 : vector<5x128xf32>, vector<123x128xf32> -> vector<128x128xf32>
    %swap3A_1338 = arith.constant 3456 : index
    %swap3A_1339 = arith.constant 0 : index
    %swap3A_1340 = vector.load %arg8[%swap3A_1338, %swap3A_1339] : memref<4096x128xf32, #tpu.memory_space<vmem>>, vector<128x128xf32>
    tpu.vector_store %arg8[%swap3A_1338, %swap3A_1339], %concatenate3A_1337 {strides = array<i32>} : memref<4096x128xf32, #tpu.memory_space<vmem>>, vector<128x128xf32>,
    %get3A_1341 = arith.constant 3584 : index
    %get3A_1342 = arith.constant 0 : index
    %get3A_1343 = vector.load %arg7[%get3A_1341, %get3A_1342] : memref<4096x128xf32, #tpu.memory_space<vmem>>, vector<128x128xf32>
    %slice3A_1344 = vector.extract_strided_slice %get3A_1343 {offsets = [1, 0], sizes = [127, 128], strides = [1, 1]} : vector<128x128xf32> to vector<127x128xf32>
    %broadcast_in_dim3A_1345 = arith.constant 0.000000e+00 : f32
    %broadcast_in_dim3A_1346 = vector.broadcast %broadcast_in_dim3A_1345 : f32 to vector<1x128xf32>
    %concatenate3A_1347 = tpu.concatenate %slice3A_1344, %broadcast_in_dim3A_1346 in 0 : vector<127x128xf32>, vector<1x128xf32> -> vector<128x128xf32>
    %max3A_1348 = arith.maximumf %get3A_1343, %concatenate3A_1347 : vector<128x128xf32>
    %slice3A_1349 = vector.extract_strided_slice %get3A_1343 {offsets = [2, 0], sizes = [126, 128], strides = [1, 1]} : vector<128x128xf32> to vector<126x128xf32>
    %broadcast_in_dim3A_1350 = arith.constant 0.000000e+00 : f32
    %broadcast_in_dim3A_1351 = vector.broadcast %broadcast_in_dim3A_1350 : f32 to vector<2x128xf32>
    %concatenate3A_1352 = tpu.concatenate %slice3A_1349, %broadcast_in_dim3A_1351 in 0 : vector<126x128xf32>, vector<2x128xf32> -> vector<128x128xf32>
    %max3A_1353 = arith.maximumf %max3A_1348, %concatenate3A_1352 : vector<128x128xf32>
    %slice3A_1354 = vector.extract_strided_slice %max3A_1348 {offsets = [2, 0], sizes = [126, 128], strides = [1, 1]} : vector<128x128xf32> to vector<126x128xf32>
    %broadcast_in_dim3A_1355 = arith.constant 0.000000e+00 : f32
    %broadcast_in_dim3A_1356 = vector.broadcast %broadcast_in_dim3A_1355 : f32 to vector<2x128xf32>
    %concatenate3A_1357 = tpu.concatenate %slice3A_1354, %broadcast_in_dim3A_1356 in 0 : vector<126x128xf32>, vector<2x128xf32> -> vector<128x128xf32>
    %max3A_1358 = arith.maximumf %max3A_1348, %concatenate3A_1357 : vector<128x128xf32>
    %slice3A_1359 = vector.extract_strided_slice %max3A_1358 {offsets = [4, 0], sizes = [124, 128], strides = [1, 1]} : vector<128x128xf32> to vector<124x128xf32>
    %broadcast_in_dim3A_1360 = arith.constant 0.000000e+00 : f32
    %broadcast_in_dim3A_1361 = vector.broadcast %broadcast_in_dim3A_1360 : f32 to vector<4x128xf32>
    %concatenate3A_1362 = tpu.concatenate %slice3A_1359, %broadcast_in_dim3A_1361 in 0 : vector<124x128xf32>, vector<4x128xf32> -> vector<128x128xf32>
    %max3A_1363 = arith.maximumf %max3A_1358, %concatenate3A_1362 : vector<128x128xf32>
    %slice3A_1364 = vector.extract_strided_slice %max3A_1353 {offsets = [8, 0], sizes = [120, 128], strides = [1, 1]} : vector<128x128xf32> to vector<120x128xf32>
    %broadcast_in_dim3A_1365 = arith.constant 0.000000e+00 : f32
    %broadcast_in_dim3A_1366 = vector.broadcast %broadcast_in_dim3A_1365 : f32 to vector<8x128xf32>
    %concatenate3A_1367 = tpu.concatenate %slice3A_1364, %broadcast_in_dim3A_1366 in 0 : vector<120x128xf32>, vector<8x128xf32> -> vector<128x128xf32>
    %max3A_1368 = arith.maximumf %max3A_1363, %concatenate3A_1367 : vector<128x128xf32>
    %broadcast_in_dim3A_1369 = arith.constant 0.000000e+00 : f32
    %broadcast_in_dim3A_1370 = vector.broadcast %broadcast_in_dim3A_1369 : f32 to vector<5x128xf32>
    %slice3A_1371 = vector.extract_strided_slice %max3A_1368 {offsets = [0, 0], sizes = [123, 128], strides = [1, 1]} : vector<128x128xf32> to vector<123x128xf32>
    %concatenate3A_1372 = tpu.concatenate %broadcast_in_dim3A_1370, %slice3A_1371 in 0 : vector<5x128xf32>, vector<123x128xf32> -> vector<128x128xf32>
    %swap3A_1373 = arith.constant 3584 : index
    %swap3A_1374 = arith.constant 0 : index
    %swap3A_1375 = vector.load %arg8[%swap3A_1373, %swap3A_1374] : memref<4096x128xf32, #tpu.memory_space<vmem>>, vector<128x128xf32>
    tpu.vector_store %arg8[%swap3A_1373, %swap3A_1374], %concatenate3A_1372 {strides = array<i32>} : memref<4096x128xf32, #tpu.memory_space<vmem>>, vector<128x128xf32>,
    %get3A_1376 = arith.constant 3712 : index
    %get3A_1377 = arith.constant 0 : index
    %get3A_1378 = vector.load %arg7[%get3A_1376, %get3A_1377] : memref<4096x128xf32, #tpu.memory_space<vmem>>, vector<128x128xf32>
    %slice3A_1379 = vector.extract_strided_slice %get3A_1378 {offsets = [1, 0], sizes = [127, 128], strides = [1, 1]} : vector<128x128xf32> to vector<127x128xf32>
    %broadcast_in_dim3A_1380 = arith.constant 0.000000e+00 : f32
    %broadcast_in_dim3A_1381 = vector.broadcast %broadcast_in_dim3A_1380 : f32 to vector<1x128xf32>
    %concatenate3A_1382 = tpu.concatenate %slice3A_1379, %broadcast_in_dim3A_1381 in 0 : vector<127x128xf32>, vector<1x128xf32> -> vector<128x128xf32>
    %max3A_1383 = arith.maximumf %get3A_1378, %concatenate3A_1382 : vector<128x128xf32>
    %slice3A_1384 = vector.extract_strided_slice %get3A_1378 {offsets = [2, 0], sizes = [126, 128], strides = [1, 1]} : vector<128x128xf32> to vector<126x128xf32>
    %broadcast_in_dim3A_1385 = arith.constant 0.000000e+00 : f32
    %broadcast_in_dim3A_1386 = vector.broadcast %broadcast_in_dim3A_1385 : f32 to vector<2x128xf32>
    %concatenate3A_1387 = tpu.concatenate %slice3A_1384, %broadcast_in_dim3A_1386 in 0 : vector<126x128xf32>, vector<2x128xf32> -> vector<128x128xf32>
    %max3A_1388 = arith.maximumf %max3A_1383, %concatenate3A_1387 : vector<128x128xf32>
    %slice3A_1389 = vector.extract_strided_slice %max3A_1383 {offsets = [2, 0], sizes = [126, 128], strides = [1, 1]} : vector<128x128xf32> to vector<126x128xf32>
    %broadcast_in_dim3A_1390 = arith.constant 0.000000e+00 : f32
    %broadcast_in_dim3A_1391 = vector.broadcast %broadcast_in_dim3A_1390 : f32 to vector<2x128xf32>
    %concatenate3A_1392 = tpu.concatenate %slice3A_1389, %broadcast_in_dim3A_1391 in 0 : vector<126x128xf32>, vector<2x128xf32> -> vector<128x128xf32>
    %max3A_1393 = arith.maximumf %max3A_1383, %concatenate3A_1392 : vector<128x128xf32>
    %slice3A_1394 = vector.extract_strided_slice %max3A_1393 {offsets = [4, 0], sizes = [124, 128], strides = [1, 1]} : vector<128x128xf32> to vector<124x128xf32>
    %broadcast_in_dim3A_1395 = arith.constant 0.000000e+00 : f32
    %broadcast_in_dim3A_1396 = vector.broadcast %broadcast_in_dim3A_1395 : f32 to vector<4x128xf32>
    %concatenate3A_1397 = tpu.concatenate %slice3A_1394, %broadcast_in_dim3A_1396 in 0 : vector<124x128xf32>, vector<4x128xf32> -> vector<128x128xf32>
    %max3A_1398 = arith.maximumf %max3A_1393, %concatenate3A_1397 : vector<128x128xf32>
    %slice3A_1399 = vector.extract_strided_slice %max3A_1388 {offsets = [8, 0], sizes = [120, 128], strides = [1, 1]} : vector<128x128xf32> to vector<120x128xf32>
    %broadcast_in_dim3A_1400 = arith.constant 0.000000e+00 : f32
    %broadcast_in_dim3A_1401 = vector.broadcast %broadcast_in_dim3A_1400 : f32 to vector<8x128xf32>
    %concatenate3A_1402 = tpu.concatenate %slice3A_1399, %broadcast_in_dim3A_1401 in 0 : vector<120x128xf32>, vector<8x128xf32> -> vector<128x128xf32>
    %max3A_1403 = arith.maximumf %max3A_1398, %concatenate3A_1402 : vector<128x128xf32>
    %broadcast_in_dim3A_1404 = arith.constant 0.000000e+00 : f32
    %broadcast_in_dim3A_1405 = vector.broadcast %broadcast_in_dim3A_1404 : f32 to vector<5x128xf32>
    %slice3A_1406 = vector.extract_strided_slice %max3A_1403 {offsets = [0, 0], sizes = [123, 128], strides = [1, 1]} : vector<128x128xf32> to vector<123x128xf32>
    %concatenate3A_1407 = tpu.concatenate %broadcast_in_dim3A_1405, %slice3A_1406 in 0 : vector<5x128xf32>, vector<123x128xf32> -> vector<128x128xf32>
    %swap3A_1408 = arith.constant 3712 : index
    %swap3A_1409 = arith.constant 0 : index
    %swap3A_1410 = vector.load %arg8[%swap3A_1408, %swap3A_1409] : memref<4096x128xf32, #tpu.memory_space<vmem>>, vector<128x128xf32>
    tpu.vector_store %arg8[%swap3A_1408, %swap3A_1409], %concatenate3A_1407 {strides = array<i32>} : memref<4096x128xf32, #tpu.memory_space<vmem>>, vector<128x128xf32>,
    %get3A_1411 = arith.constant 3840 : index
    %get3A_1412 = arith.constant 0 : index
    %get3A_1413 = vector.load %arg7[%get3A_1411, %get3A_1412] : memref<4096x128xf32, #tpu.memory_space<vmem>>, vector<128x128xf32>
    %slice3A_1414 = vector.extract_strided_slice %get3A_1413 {offsets = [1, 0], sizes = [127, 128], strides = [1, 1]} : vector<128x128xf32> to vector<127x128xf32>
    %broadcast_in_dim3A_1415 = arith.constant 0.000000e+00 : f32
    %broadcast_in_dim3A_1416 = vector.broadcast %broadcast_in_dim3A_1415 : f32 to vector<1x128xf32>
    %concatenate3A_1417 = tpu.concatenate %slice3A_1414, %broadcast_in_dim3A_1416 in 0 : vector<127x128xf32>, vector<1x128xf32> -> vector<128x128xf32>
    %max3A_1418 = arith.maximumf %get3A_1413, %concatenate3A_1417 : vector<128x128xf32>
    %slice3A_1419 = vector.extract_strided_slice %get3A_1413 {offsets = [2, 0], sizes = [126, 128], strides = [1, 1]} : vector<128x128xf32> to vector<126x128xf32>
    %broadcast_in_dim3A_1420 = arith.constant 0.000000e+00 : f32
    %broadcast_in_dim3A_1421 = vector.broadcast %broadcast_in_dim3A_1420 : f32 to vector<2x128xf32>
    %concatenate3A_1422 = tpu.concatenate %slice3A_1419, %broadcast_in_dim3A_1421 in 0 : vector<126x128xf32>, vector<2x128xf32> -> vector<128x128xf32>
    %max3A_1423 = arith.maximumf %max3A_1418, %concatenate3A_1422 : vector<128x128xf32>
    %slice3A_1424 = vector.extract_strided_slice %max3A_1418 {offsets = [2, 0], sizes = [126, 128], strides = [1, 1]} : vector<128x128xf32> to vector<126x128xf32>
    %broadcast_in_dim3A_1425 = arith.constant 0.000000e+00 : f32
    %broadcast_in_dim3A_1426 = vector.broadcast %broadcast_in_dim3A_1425 : f32 to vector<2x128xf32>
    %concatenate3A_1427 = tpu.concatenate %slice3A_1424, %broadcast_in_dim3A_1426 in 0 : vector<126x128xf32>, vector<2x128xf32> -> vector<128x128xf32>
    %max3A_1428 = arith.maximumf %max3A_1418, %concatenate3A_1427 : vector<128x128xf32>
    %slice3A_1429 = vector.extract_strided_slice %max3A_1428 {offsets = [4, 0], sizes = [124, 128], strides = [1, 1]} : vector<128x128xf32> to vector<124x128xf32>
    %broadcast_in_dim3A_1430 = arith.constant 0.000000e+00 : f32
    %broadcast_in_dim3A_1431 = vector.broadcast %broadcast_in_dim3A_1430 : f32 to vector<4x128xf32>
    %concatenate3A_1432 = tpu.concatenate %slice3A_1429, %broadcast_in_dim3A_1431 in 0 : vector<124x128xf32>, vector<4x128xf32> -> vector<128x128xf32>
    %max3A_1433 = arith.maximumf %max3A_1428, %concatenate3A_1432 : vector<128x128xf32>
    %slice3A_1434 = vector.extract_strided_slice %max3A_1423 {offsets = [8, 0], sizes = [120, 128], strides = [1, 1]} : vector<128x128xf32> to vector<120x128xf32>
    %broadcast_in_dim3A_1435 = arith.constant 0.000000e+00 : f32
    %broadcast_in_dim3A_1436 = vector.broadcast %broadcast_in_dim3A_1435 : f32 to vector<8x128xf32>
    %concatenate3A_1437 = tpu.concatenate %slice3A_1434, %broadcast_in_dim3A_1436 in 0 : vector<120x128xf32>, vector<8x128xf32> -> vector<128x128xf32>
    %max3A_1438 = arith.maximumf %max3A_1433, %concatenate3A_1437 : vector<128x128xf32>
    %broadcast_in_dim3A_1439 = arith.constant 0.000000e+00 : f32
    %broadcast_in_dim3A_1440 = vector.broadcast %broadcast_in_dim3A_1439 : f32 to vector<5x128xf32>
    %slice3A_1441 = vector.extract_strided_slice %max3A_1438 {offsets = [0, 0], sizes = [123, 128], strides = [1, 1]} : vector<128x128xf32> to vector<123x128xf32>
    %concatenate3A_1442 = tpu.concatenate %broadcast_in_dim3A_1440, %slice3A_1441 in 0 : vector<5x128xf32>, vector<123x128xf32> -> vector<128x128xf32>
    %swap3A_1443 = arith.constant 3840 : index
    %swap3A_1444 = arith.constant 0 : index
    %swap3A_1445 = vector.load %arg8[%swap3A_1443, %swap3A_1444] : memref<4096x128xf32, #tpu.memory_space<vmem>>, vector<128x128xf32>
    tpu.vector_store %arg8[%swap3A_1443, %swap3A_1444], %concatenate3A_1442 {strides = array<i32>} : memref<4096x128xf32, #tpu.memory_space<vmem>>, vector<128x128xf32>,
    %get3A_1446 = arith.constant 3968 : index
    %get3A_1447 = arith.constant 0 : index
    %get3A_1448 = vector.load %arg7[%get3A_1446, %get3A_1447] : memref<4096x128xf32, #tpu.memory_space<vmem>>, vector<128x128xf32>
    %slice3A_1449 = vector.extract_strided_slice %get3A_1448 {offsets = [1, 0], sizes = [127, 128], strides = [1, 1]} : vector<128x128xf32> to vector<127x128xf32>
    %broadcast_in_dim3A_1450 = arith.constant 0.000000e+00 : f32
    %broadcast_in_dim3A_1451 = vector.broadcast %broadcast_in_dim3A_1450 : f32 to vector<1x128xf32>
    %concatenate3A_1452 = tpu.concatenate %slice3A_1449, %broadcast_in_dim3A_1451 in 0 : vector<127x128xf32>, vector<1x128xf32> -> vector<128x128xf32>
    %max3A_1453 = arith.maximumf %get3A_1448, %concatenate3A_1452 : vector<128x128xf32>
    %slice3A_1454 = vector.extract_strided_slice %get3A_1448 {offsets = [2, 0], sizes = [126, 128], strides = [1, 1]} : vector<128x128xf32> to vector<126x128xf32>
    %broadcast_in_dim3A_1455 = arith.constant 0.000000e+00 : f32
    %broadcast_in_dim3A_1456 = vector.broadcast %broadcast_in_dim3A_1455 : f32 to vector<2x128xf32>
    %concatenate3A_1457 = tpu.concatenate %slice3A_1454, %broadcast_in_dim3A_1456 in 0 : vector<126x128xf32>, vector<2x128xf32> -> vector<128x128xf32>
    %max3A_1458 = arith.maximumf %max3A_1453, %concatenate3A_1457 : vector<128x128xf32>
    %slice3A_1459 = vector.extract_strided_slice %max3A_1453 {offsets = [2, 0], sizes = [126, 128], strides = [1, 1]} : vector<128x128xf32> to vector<126x128xf32>
    %broadcast_in_dim3A_1460 = arith.constant 0.000000e+00 : f32
    %broadcast_in_dim3A_1461 = vector.broadcast %broadcast_in_dim3A_1460 : f32 to vector<2x128xf32>
    %concatenate3A_1462 = tpu.concatenate %slice3A_1459, %broadcast_in_dim3A_1461 in 0 : vector<126x128xf32>, vector<2x128xf32> -> vector<128x128xf32>
    %max3A_1463 = arith.maximumf %max3A_1453, %concatenate3A_1462 : vector<128x128xf32>
    %slice3A_1464 = vector.extract_strided_slice %max3A_1463 {offsets = [4, 0], sizes = [124, 128], strides = [1, 1]} : vector<128x128xf32> to vector<124x128xf32>
    %broadcast_in_dim3A_1465 = arith.constant 0.000000e+00 : f32
    %broadcast_in_dim3A_1466 = vector.broadcast %broadcast_in_dim3A_1465 : f32 to vector<4x128xf32>
    %concatenate3A_1467 = tpu.concatenate %slice3A_1464, %broadcast_in_dim3A_1466 in 0 : vector<124x128xf32>, vector<4x128xf32> -> vector<128x128xf32>
    %max3A_1468 = arith.maximumf %max3A_1463, %concatenate3A_1467 : vector<128x128xf32>
    %slice3A_1469 = vector.extract_strided_slice %max3A_1458 {offsets = [8, 0], sizes = [120, 128], strides = [1, 1]} : vector<128x128xf32> to vector<120x128xf32>
    %broadcast_in_dim3A_1470 = arith.constant 0.000000e+00 : f32
    %broadcast_in_dim3A_1471 = vector.broadcast %broadcast_in_dim3A_1470 : f32 to vector<8x128xf32>
    %concatenate3A_1472 = tpu.concatenate %slice3A_1469, %broadcast_in_dim3A_1471 in 0 : vector<120x128xf32>, vector<8x128xf32> -> vector<128x128xf32>
    %max3A_1473 = arith.maximumf %max3A_1468, %concatenate3A_1472 : vector<128x128xf32>
    %broadcast_in_dim3A_1474 = arith.constant 0.000000e+00 : f32
    %broadcast_in_dim3A_1475 = vector.broadcast %broadcast_in_dim3A_1474 : f32 to vector<5x128xf32>
    %slice3A_1476 = vector.extract_strided_slice %max3A_1473 {offsets = [0, 0], sizes = [123, 128], strides = [1, 1]} : vector<128x128xf32> to vector<123x128xf32>
    %concatenate3A_1477 = tpu.concatenate %broadcast_in_dim3A_1475, %slice3A_1476 in 0 : vector<5x128xf32>, vector<123x128xf32> -> vector<128x128xf32>
    %swap3A_1478 = arith.constant 3968 : index
    %swap3A_1479 = arith.constant 0 : index
    %swap3A_1480 = vector.load %arg8[%swap3A_1478, %swap3A_1479] : memref<4096x128xf32, #tpu.memory_space<vmem>>, vector<128x128xf32>
    tpu.vector_store %arg8[%swap3A_1478, %swap3A_1479], %concatenate3A_1477 {strides = array<i32>} : memref<4096x128xf32, #tpu.memory_space<vmem>>, vector<128x128xf32>,
    %get3A_1481 = arith.constant 0 : index
    %get3A_1482 = arith.constant 0 : index
    %get3A_1483 = vector.load %arg8[%get3A_1481, %get3A_1482] : memref<4096x128xf32, #tpu.memory_space<vmem>>, vector<128x128xf32>
    %get3A_1484 = arith.constant 128 : index
    %get3A_1485 = arith.constant 0 : index
    %get3A_1486 = vector.load %arg8[%get3A_1484, %get3A_1485] : memref<4096x128xf32, #tpu.memory_space<vmem>>, vector<128x128xf32>
    %max3A_1487 = arith.maximumf %get3A_1483, %get3A_1486 : vector<128x128xf32>
    %get3A_1488 = arith.constant 256 : index
    %get3A_1489 = arith.constant 0 : index
    %get3A_1490 = vector.load %arg8[%get3A_1488, %get3A_1489] : memref<4096x128xf32, #tpu.memory_space<vmem>>, vector<128x128xf32>
    %max3A_1491 = arith.maximumf %max3A_1487, %get3A_1490 : vector<128x128xf32>
    %get3A_1492 = arith.constant 384 : index
    %get3A_1493 = arith.constant 0 : index
    %get3A_1494 = vector.load %arg8[%get3A_1492, %get3A_1493] : memref<4096x128xf32, #tpu.memory_space<vmem>>, vector<128x128xf32>
    %max3A_1495 = arith.maximumf %max3A_1491, %get3A_1494 : vector<128x128xf32>
    %get3A_1496 = arith.constant 0 : index
    %get3A_1497 = arith.constant 0 : index
    %get3A_1498 = vector.load %arg6[%get3A_1496, %get3A_1497] : memref<4096x128xf32, #tpu.memory_space<vmem>>, vector<128x128xf32>
    %ge3A = arith.cmpf oge, %get3A_1498, %max3A_1495 : vector<128x128xf32>
    %ge3A_1499 = arith.constant 5.000000e+01 : f32
    %ge3A_1500 = vector.broadcast %ge3A_1499 : f32 to vector<128x128xf32>
    %ge3A_1501 = arith.cmpf oge, %get3A_1498, %ge3A_1500 : vector<128x128xf32>
    %and3A = arith.andi %ge3A, %ge3A_1501 : vector<128x128xi1>
    %jit3A = arith.constant 0.000000e+00 : f32
    %broadcast_in_dim3A_1502 = vector.broadcast %jit3A : f32 to vector<128x128xf32>
    %select_n3A = arith.select %and3A, %get3A_1498, %broadcast_in_dim3A_1502 : vector<128x128xi1>, vector<128x128xf32>
    %swap3A_1503 = arith.constant 0 : index
    %swap3A_1504 = arith.constant 0 : index
    %swap3A_1505 = vector.load %arg7[%swap3A_1503, %swap3A_1504] : memref<4096x128xf32, #tpu.memory_space<vmem>>, vector<128x128xf32>
    tpu.vector_store %arg7[%swap3A_1503, %swap3A_1504], %select_n3A {strides = array<i32>} : memref<4096x128xf32, #tpu.memory_space<vmem>>, vector<128x128xf32>,
    %reshape3A = vector.shape_cast %select_n3A : vector<128x128xf32> to vector<2x64x128xf32>
    %reduce_max3A = arith.constant dense<0xFF800000> : vector<2x128xf32>
    %reduce_max3A_1506 = vector.multi_reduction <maximumf>, %reshape3A, %reduce_max3A [1] : vector<2x64x128xf32> to vector<2x128xf32>
    %swap3A_1507 = arith.constant 0 : index
    %swap3A_1508 = arith.constant 0 : index
    %swap3A_1509 = vector.load %arg9[%swap3A_1507, %swap3A_1508] : memref<64x128xf32, #tpu.memory_space<vmem>>, vector<2x128xf32>
    tpu.vector_store %arg9[%swap3A_1507, %swap3A_1508], %reduce_max3A_1506 {strides = array<i32>} : memref<64x128xf32, #tpu.memory_space<vmem>>, vector<2x128xf32>,
    %get3A_1510 = arith.constant 128 : index
    %get3A_1511 = arith.constant 0 : index
    %get3A_1512 = vector.load %arg8[%get3A_1510, %get3A_1511] : memref<4096x128xf32, #tpu.memory_space<vmem>>, vector<128x128xf32>
    %get3A_1513 = arith.constant 0 : index
    %get3A_1514 = arith.constant 0 : index
    %get3A_1515 = vector.load %arg8[%get3A_1513, %get3A_1514] : memref<4096x128xf32, #tpu.memory_space<vmem>>, vector<128x128xf32>
    %max3A_1516 = arith.maximumf %get3A_1512, %get3A_1515 : vector<128x128xf32>
    %get3A_1517 = arith.constant 256 : index
    %get3A_1518 = arith.constant 0 : index
    %get3A_1519 = vector.load %arg8[%get3A_1517, %get3A_1518] : memref<4096x128xf32, #tpu.memory_space<vmem>>, vector<128x128xf32>
    %max3A_1520 = arith.maximumf %max3A_1516, %get3A_1519 : vector<128x128xf32>
    %get3A_1521 = arith.constant 384 : index
    %get3A_1522 = arith.constant 0 : index
    %get3A_1523 = vector.load %arg8[%get3A_1521, %get3A_1522] : memref<4096x128xf32, #tpu.memory_space<vmem>>, vector<128x128xf32>
    %max3A_1524 = arith.maximumf %max3A_1520, %get3A_1523 : vector<128x128xf32>
    %get3A_1525 = arith.constant 512 : index
    %get3A_1526 = arith.constant 0 : index
    %get3A_1527 = vector.load %arg8[%get3A_1525, %get3A_1526] : memref<4096x128xf32, #tpu.memory_space<vmem>>, vector<128x128xf32>
    %max3A_1528 = arith.maximumf %max3A_1524, %get3A_1527 : vector<128x128xf32>
    %get3A_1529 = arith.constant 128 : index
    %get3A_1530 = arith.constant 0 : index
    %get3A_1531 = vector.load %arg6[%get3A_1529, %get3A_1530] : memref<4096x128xf32, #tpu.memory_space<vmem>>, vector<128x128xf32>
    %ge3A_1532 = arith.cmpf oge, %get3A_1531, %max3A_1528 : vector<128x128xf32>
    %ge3A_1533 = arith.constant 5.000000e+01 : f32
    %ge3A_1534 = vector.broadcast %ge3A_1533 : f32 to vector<128x128xf32>
    %ge3A_1535 = arith.cmpf oge, %get3A_1531, %ge3A_1534 : vector<128x128xf32>
    %and3A_1536 = arith.andi %ge3A_1532, %ge3A_1535 : vector<128x128xi1>
    %jit3A_1537 = arith.constant 0.000000e+00 : f32
    %broadcast_in_dim3A_1538 = vector.broadcast %jit3A_1537 : f32 to vector<128x128xf32>
    %select_n3A_1539 = arith.select %and3A_1536, %get3A_1531, %broadcast_in_dim3A_1538 : vector<128x128xi1>, vector<128x128xf32>
    %swap3A_1540 = arith.constant 128 : index
    %swap3A_1541 = arith.constant 0 : index
    %swap3A_1542 = vector.load %arg7[%swap3A_1540, %swap3A_1541] : memref<4096x128xf32, #tpu.memory_space<vmem>>, vector<128x128xf32>
    tpu.vector_store %arg7[%swap3A_1540, %swap3A_1541], %select_n3A_1539 {strides = array<i32>} : memref<4096x128xf32, #tpu.memory_space<vmem>>, vector<128x128xf32>,
    %reshape3A_1543 = vector.shape_cast %select_n3A_1539 : vector<128x128xf32> to vector<2x64x128xf32>
    %reduce_max3A_1544 = arith.constant dense<0xFF800000> : vector<2x128xf32>
    %reduce_max3A_1545 = vector.multi_reduction <maximumf>, %reshape3A_1543, %reduce_max3A_1544 [1] : vector<2x64x128xf32> to vector<2x128xf32>
    %swap3A_1546 = arith.constant 2 : index
    %swap3A_1547 = arith.constant 0 : index
    %swap3A_1548 = vector.load %arg9[%swap3A_1546, %swap3A_1547] : memref<64x128xf32, #tpu.memory_space<vmem>>, vector<2x128xf32>
    tpu.vector_store %arg9[%swap3A_1546, %swap3A_1547], %reduce_max3A_1545 {strides = array<i32>} : memref<64x128xf32, #tpu.memory_space<vmem>>, vector<2x128xf32>,
    %get3A_1549 = arith.constant 256 : index
    %get3A_1550 = arith.constant 0 : index
    %get3A_1551 = vector.load %arg8[%get3A_1549, %get3A_1550] : memref<4096x128xf32, #tpu.memory_space<vmem>>, vector<128x128xf32>
    %get3A_1552 = arith.constant 0 : index
    %get3A_1553 = arith.constant 0 : index
    %get3A_1554 = vector.load %arg8[%get3A_1552, %get3A_1553] : memref<4096x128xf32, #tpu.memory_space<vmem>>, vector<128x128xf32>
    %max3A_1555 = arith.maximumf %get3A_1551, %get3A_1554 : vector<128x128xf32>
    %get3A_1556 = arith.constant 128 : index
    %get3A_1557 = arith.constant 0 : index
    %get3A_1558 = vector.load %arg8[%get3A_1556, %get3A_1557] : memref<4096x128xf32, #tpu.memory_space<vmem>>, vector<128x128xf32>
    %max3A_1559 = arith.maximumf %max3A_1555, %get3A_1558 : vector<128x128xf32>
    %get3A_1560 = arith.constant 384 : index
    %get3A_1561 = arith.constant 0 : index
    %get3A_1562 = vector.load %arg8[%get3A_1560, %get3A_1561] : memref<4096x128xf32, #tpu.memory_space<vmem>>, vector<128x128xf32>
    %max3A_1563 = arith.maximumf %max3A_1559, %get3A_1562 : vector<128x128xf32>
    %get3A_1564 = arith.constant 512 : index
    %get3A_1565 = arith.constant 0 : index
    %get3A_1566 = vector.load %arg8[%get3A_1564, %get3A_1565] : memref<4096x128xf32, #tpu.memory_space<vmem>>, vector<128x128xf32>
    %max3A_1567 = arith.maximumf %max3A_1563, %get3A_1566 : vector<128x128xf32>
    %get3A_1568 = arith.constant 640 : index
    %get3A_1569 = arith.constant 0 : index
    %get3A_1570 = vector.load %arg8[%get3A_1568, %get3A_1569] : memref<4096x128xf32, #tpu.memory_space<vmem>>, vector<128x128xf32>
    %max3A_1571 = arith.maximumf %max3A_1567, %get3A_1570 : vector<128x128xf32>
    %get3A_1572 = arith.constant 256 : index
    %get3A_1573 = arith.constant 0 : index
    %get3A_1574 = vector.load %arg6[%get3A_1572, %get3A_1573] : memref<4096x128xf32, #tpu.memory_space<vmem>>, vector<128x128xf32>
    %ge3A_1575 = arith.cmpf oge, %get3A_1574, %max3A_1571 : vector<128x128xf32>
    %ge3A_1576 = arith.constant 5.000000e+01 : f32
    %ge3A_1577 = vector.broadcast %ge3A_1576 : f32 to vector<128x128xf32>
    %ge3A_1578 = arith.cmpf oge, %get3A_1574, %ge3A_1577 : vector<128x128xf32>
    %and3A_1579 = arith.andi %ge3A_1575, %ge3A_1578 : vector<128x128xi1>
    %jit3A_1580 = arith.constant 0.000000e+00 : f32
    %broadcast_in_dim3A_1581 = vector.broadcast %jit3A_1580 : f32 to vector<128x128xf32>
    %select_n3A_1582 = arith.select %and3A_1579, %get3A_1574, %broadcast_in_dim3A_1581 : vector<128x128xi1>, vector<128x128xf32>
    %swap3A_1583 = arith.constant 256 : index
    %swap3A_1584 = arith.constant 0 : index
    %swap3A_1585 = vector.load %arg7[%swap3A_1583, %swap3A_1584] : memref<4096x128xf32, #tpu.memory_space<vmem>>, vector<128x128xf32>
    tpu.vector_store %arg7[%swap3A_1583, %swap3A_1584], %select_n3A_1582 {strides = array<i32>} : memref<4096x128xf32, #tpu.memory_space<vmem>>, vector<128x128xf32>,
    %reshape3A_1586 = vector.shape_cast %select_n3A_1582 : vector<128x128xf32> to vector<2x64x128xf32>
    %reduce_max3A_1587 = arith.constant dense<0xFF800000> : vector<2x128xf32>
    %reduce_max3A_1588 = vector.multi_reduction <maximumf>, %reshape3A_1586, %reduce_max3A_1587 [1] : vector<2x64x128xf32> to vector<2x128xf32>
    %swap3A_1589 = arith.constant 4 : index
    %swap3A_1590 = arith.constant 0 : index
    %swap3A_1591 = vector.load %arg9[%swap3A_1589, %swap3A_1590] : memref<64x128xf32, #tpu.memory_space<vmem>>, vector<2x128xf32>
    tpu.vector_store %arg9[%swap3A_1589, %swap3A_1590], %reduce_max3A_1588 {strides = array<i32>} : memref<64x128xf32, #tpu.memory_space<vmem>>, vector<2x128xf32>,
    %get3A_1592 = arith.constant 384 : index
    %get3A_1593 = arith.constant 0 : index
    %get3A_1594 = vector.load %arg8[%get3A_1592, %get3A_1593] : memref<4096x128xf32, #tpu.memory_space<vmem>>, vector<128x128xf32>
    %get3A_1595 = arith.constant 0 : index
    %get3A_1596 = arith.constant 0 : index
    %get3A_1597 = vector.load %arg8[%get3A_1595, %get3A_1596] : memref<4096x128xf32, #tpu.memory_space<vmem>>, vector<128x128xf32>
    %max3A_1598 = arith.maximumf %get3A_1594, %get3A_1597 : vector<128x128xf32>
    %get3A_1599 = arith.constant 128 : index
    %get3A_1600 = arith.constant 0 : index
    %get3A_1601 = vector.load %arg8[%get3A_1599, %get3A_1600] : memref<4096x128xf32, #tpu.memory_space<vmem>>, vector<128x128xf32>
    %max3A_1602 = arith.maximumf %max3A_1598, %get3A_1601 : vector<128x128xf32>
    %get3A_1603 = arith.constant 256 : index
    %get3A_1604 = arith.constant 0 : index
    %get3A_1605 = vector.load %arg8[%get3A_1603, %get3A_1604] : memref<4096x128xf32, #tpu.memory_space<vmem>>, vector<128x128xf32>
    %max3A_1606 = arith.maximumf %max3A_1602, %get3A_1605 : vector<128x128xf32>
    %get3A_1607 = arith.constant 512 : index
    %get3A_1608 = arith.constant 0 : index
    %get3A_1609 = vector.load %arg8[%get3A_1607, %get3A_1608] : memref<4096x128xf32, #tpu.memory_space<vmem>>, vector<128x128xf32>
    %max3A_1610 = arith.maximumf %max3A_1606, %get3A_1609 : vector<128x128xf32>
    %get3A_1611 = arith.constant 640 : index
    %get3A_1612 = arith.constant 0 : index
    %get3A_1613 = vector.load %arg8[%get3A_1611, %get3A_1612] : memref<4096x128xf32, #tpu.memory_space<vmem>>, vector<128x128xf32>
    %max3A_1614 = arith.maximumf %max3A_1610, %get3A_1613 : vector<128x128xf32>
    %get3A_1615 = arith.constant 768 : index
    %get3A_1616 = arith.constant 0 : index
    %get3A_1617 = vector.load %arg8[%get3A_1615, %get3A_1616] : memref<4096x128xf32, #tpu.memory_space<vmem>>, vector<128x128xf32>
    %max3A_1618 = arith.maximumf %max3A_1614, %get3A_1617 : vector<128x128xf32>
    %get3A_1619 = arith.constant 384 : index
    %get3A_1620 = arith.constant 0 : index
    %get3A_1621 = vector.load %arg6[%get3A_1619, %get3A_1620] : memref<4096x128xf32, #tpu.memory_space<vmem>>, vector<128x128xf32>
    %ge3A_1622 = arith.cmpf oge, %get3A_1621, %max3A_1618 : vector<128x128xf32>
    %ge3A_1623 = arith.constant 5.000000e+01 : f32
    %ge3A_1624 = vector.broadcast %ge3A_1623 : f32 to vector<128x128xf32>
    %ge3A_1625 = arith.cmpf oge, %get3A_1621, %ge3A_1624 : vector<128x128xf32>
    %and3A_1626 = arith.andi %ge3A_1622, %ge3A_1625 : vector<128x128xi1>
    %jit3A_1627 = arith.constant 0.000000e+00 : f32
    %broadcast_in_dim3A_1628 = vector.broadcast %jit3A_1627 : f32 to vector<128x128xf32>
    %select_n3A_1629 = arith.select %and3A_1626, %get3A_1621, %broadcast_in_dim3A_1628 : vector<128x128xi1>, vector<128x128xf32>
    %swap3A_1630 = arith.constant 384 : index
    %swap3A_1631 = arith.constant 0 : index
    %swap3A_1632 = vector.load %arg7[%swap3A_1630, %swap3A_1631] : memref<4096x128xf32, #tpu.memory_space<vmem>>, vector<128x128xf32>
    tpu.vector_store %arg7[%swap3A_1630, %swap3A_1631], %select_n3A_1629 {strides = array<i32>} : memref<4096x128xf32, #tpu.memory_space<vmem>>, vector<128x128xf32>,
    %reshape3A_1633 = vector.shape_cast %select_n3A_1629 : vector<128x128xf32> to vector<2x64x128xf32>
    %reduce_max3A_1634 = arith.constant dense<0xFF800000> : vector<2x128xf32>
    %reduce_max3A_1635 = vector.multi_reduction <maximumf>, %reshape3A_1633, %reduce_max3A_1634 [1] : vector<2x64x128xf32> to vector<2x128xf32>
    %swap3A_1636 = arith.constant 6 : index
    %swap3A_1637 = arith.constant 0 : index
    %swap3A_1638 = vector.load %arg9[%swap3A_1636, %swap3A_1637] : memref<64x128xf32, #tpu.memory_space<vmem>>, vector<2x128xf32>
    tpu.vector_store %arg9[%swap3A_1636, %swap3A_1637], %reduce_max3A_1635 {strides = array<i32>} : memref<64x128xf32, #tpu.memory_space<vmem>>, vector<2x128xf32>,
    %get3A_1639 = arith.constant 512 : index
    %get3A_1640 = arith.constant 0 : index
    %get3A_1641 = vector.load %arg8[%get3A_1639, %get3A_1640] : memref<4096x128xf32, #tpu.memory_space<vmem>>, vector<128x128xf32>
    %get3A_1642 = arith.constant 128 : index
    %get3A_1643 = arith.constant 0 : index
    %get3A_1644 = vector.load %arg8[%get3A_1642, %get3A_1643] : memref<4096x128xf32, #tpu.memory_space<vmem>>, vector<128x128xf32>
    %max3A_1645 = arith.maximumf %get3A_1641, %get3A_1644 : vector<128x128xf32>
    %get3A_1646 = arith.constant 256 : index
    %get3A_1647 = arith.constant 0 : index
    %get3A_1648 = vector.load %arg8[%get3A_1646, %get3A_1647] : memref<4096x128xf32, #tpu.memory_space<vmem>>, vector<128x128xf32>
    %max3A_1649 = arith.maximumf %max3A_1645, %get3A_1648 : vector<128x128xf32>
    %get3A_1650 = arith.constant 384 : index
    %get3A_1651 = arith.constant 0 : index
    %get3A_1652 = vector.load %arg8[%get3A_1650, %get3A_1651] : memref<4096x128xf32, #tpu.memory_space<vmem>>, vector<128x128xf32>
    %max3A_1653 = arith.maximumf %max3A_1649, %get3A_1652 : vector<128x128xf32>
    %get3A_1654 = arith.constant 640 : index
    %get3A_1655 = arith.constant 0 : index
    %get3A_1656 = vector.load %arg8[%get3A_1654, %get3A_1655] : memref<4096x128xf32, #tpu.memory_space<vmem>>, vector<128x128xf32>
    %max3A_1657 = arith.maximumf %max3A_1653, %get3A_1656 : vector<128x128xf32>
    %get3A_1658 = arith.constant 768 : index
    %get3A_1659 = arith.constant 0 : index
    %get3A_1660 = vector.load %arg8[%get3A_1658, %get3A_1659] : memref<4096x128xf32, #tpu.memory_space<vmem>>, vector<128x128xf32>
    %max3A_1661 = arith.maximumf %max3A_1657, %get3A_1660 : vector<128x128xf32>
    %get3A_1662 = arith.constant 896 : index
    %get3A_1663 = arith.constant 0 : index
    %get3A_1664 = vector.load %arg8[%get3A_1662, %get3A_1663] : memref<4096x128xf32, #tpu.memory_space<vmem>>, vector<128x128xf32>
    %max3A_1665 = arith.maximumf %max3A_1661, %get3A_1664 : vector<128x128xf32>
    %get3A_1666 = arith.constant 512 : index
    %get3A_1667 = arith.constant 0 : index
    %get3A_1668 = vector.load %arg6[%get3A_1666, %get3A_1667] : memref<4096x128xf32, #tpu.memory_space<vmem>>, vector<128x128xf32>
    %ge3A_1669 = arith.cmpf oge, %get3A_1668, %max3A_1665 : vector<128x128xf32>
    %ge3A_1670 = arith.constant 5.000000e+01 : f32
    %ge3A_1671 = vector.broadcast %ge3A_1670 : f32 to vector<128x128xf32>
    %ge3A_1672 = arith.cmpf oge, %get3A_1668, %ge3A_1671 : vector<128x128xf32>
    %and3A_1673 = arith.andi %ge3A_1669, %ge3A_1672 : vector<128x128xi1>
    %jit3A_1674 = arith.constant 0.000000e+00 : f32
    %broadcast_in_dim3A_1675 = vector.broadcast %jit3A_1674 : f32 to vector<128x128xf32>
    %select_n3A_1676 = arith.select %and3A_1673, %get3A_1668, %broadcast_in_dim3A_1675 : vector<128x128xi1>, vector<128x128xf32>
    %swap3A_1677 = arith.constant 512 : index
    %swap3A_1678 = arith.constant 0 : index
    %swap3A_1679 = vector.load %arg7[%swap3A_1677, %swap3A_1678] : memref<4096x128xf32, #tpu.memory_space<vmem>>, vector<128x128xf32>
    tpu.vector_store %arg7[%swap3A_1677, %swap3A_1678], %select_n3A_1676 {strides = array<i32>} : memref<4096x128xf32, #tpu.memory_space<vmem>>, vector<128x128xf32>,
    %reshape3A_1680 = vector.shape_cast %select_n3A_1676 : vector<128x128xf32> to vector<2x64x128xf32>
    %reduce_max3A_1681 = arith.constant dense<0xFF800000> : vector<2x128xf32>
    %reduce_max3A_1682 = vector.multi_reduction <maximumf>, %reshape3A_1680, %reduce_max3A_1681 [1] : vector<2x64x128xf32> to vector<2x128xf32>
    %swap3A_1683 = arith.constant 8 : index
    %swap3A_1684 = arith.constant 0 : index
    %swap3A_1685 = vector.load %arg9[%swap3A_1683, %swap3A_1684] : memref<64x128xf32, #tpu.memory_space<vmem>>, vector<2x128xf32>
    tpu.vector_store %arg9[%swap3A_1683, %swap3A_1684], %reduce_max3A_1682 {strides = array<i32>} : memref<64x128xf32, #tpu.memory_space<vmem>>, vector<2x128xf32>,
    %get3A_1686 = arith.constant 640 : index
    %get3A_1687 = arith.constant 0 : index
    %get3A_1688 = vector.load %arg8[%get3A_1686, %get3A_1687] : memref<4096x128xf32, #tpu.memory_space<vmem>>, vector<128x128xf32>
    %get3A_1689 = arith.constant 256 : index
    %get3A_1690 = arith.constant 0 : index
    %get3A_1691 = vector.load %arg8[%get3A_1689, %get3A_1690] : memref<4096x128xf32, #tpu.memory_space<vmem>>, vector<128x128xf32>
    %max3A_1692 = arith.maximumf %get3A_1688, %get3A_1691 : vector<128x128xf32>
    %get3A_1693 = arith.constant 384 : index
    %get3A_1694 = arith.constant 0 : index
    %get3A_1695 = vector.load %arg8[%get3A_1693, %get3A_1694] : memref<4096x128xf32, #tpu.memory_space<vmem>>, vector<128x128xf32>
    %max3A_1696 = arith.maximumf %max3A_1692, %get3A_1695 : vector<128x128xf32>
    %get3A_1697 = arith.constant 512 : index
    %get3A_1698 = arith.constant 0 : index
    %get3A_1699 = vector.load %arg8[%get3A_1697, %get3A_1698] : memref<4096x128xf32, #tpu.memory_space<vmem>>, vector<128x128xf32>
    %max3A_1700 = arith.maximumf %max3A_1696, %get3A_1699 : vector<128x128xf32>
    %get3A_1701 = arith.constant 768 : index
    %get3A_1702 = arith.constant 0 : index
    %get3A_1703 = vector.load %arg8[%get3A_1701, %get3A_1702] : memref<4096x128xf32, #tpu.memory_space<vmem>>, vector<128x128xf32>
    %max3A_1704 = arith.maximumf %max3A_1700, %get3A_1703 : vector<128x128xf32>
    %get3A_1705 = arith.constant 896 : index
    %get3A_1706 = arith.constant 0 : index
    %get3A_1707 = vector.load %arg8[%get3A_1705, %get3A_1706] : memref<4096x128xf32, #tpu.memory_space<vmem>>, vector<128x128xf32>
    %max3A_1708 = arith.maximumf %max3A_1704, %get3A_1707 : vector<128x128xf32>
    %get3A_1709 = arith.constant 1024 : index
    %get3A_1710 = arith.constant 0 : index
    %get3A_1711 = vector.load %arg8[%get3A_1709, %get3A_1710] : memref<4096x128xf32, #tpu.memory_space<vmem>>, vector<128x128xf32>
    %max3A_1712 = arith.maximumf %max3A_1708, %get3A_1711 : vector<128x128xf32>
    %get3A_1713 = arith.constant 640 : index
    %get3A_1714 = arith.constant 0 : index
    %get3A_1715 = vector.load %arg6[%get3A_1713, %get3A_1714] : memref<4096x128xf32, #tpu.memory_space<vmem>>, vector<128x128xf32>
    %ge3A_1716 = arith.cmpf oge, %get3A_1715, %max3A_1712 : vector<128x128xf32>
    %ge3A_1717 = arith.constant 5.000000e+01 : f32
    %ge3A_1718 = vector.broadcast %ge3A_1717 : f32 to vector<128x128xf32>
    %ge3A_1719 = arith.cmpf oge, %get3A_1715, %ge3A_1718 : vector<128x128xf32>
    %and3A_1720 = arith.andi %ge3A_1716, %ge3A_1719 : vector<128x128xi1>
    %jit3A_1721 = arith.constant 0.000000e+00 : f32
    %broadcast_in_dim3A_1722 = vector.broadcast %jit3A_1721 : f32 to vector<128x128xf32>
    %select_n3A_1723 = arith.select %and3A_1720, %get3A_1715, %broadcast_in_dim3A_1722 : vector<128x128xi1>, vector<128x128xf32>
    %swap3A_1724 = arith.constant 640 : index
    %swap3A_1725 = arith.constant 0 : index
    %swap3A_1726 = vector.load %arg7[%swap3A_1724, %swap3A_1725] : memref<4096x128xf32, #tpu.memory_space<vmem>>, vector<128x128xf32>
    tpu.vector_store %arg7[%swap3A_1724, %swap3A_1725], %select_n3A_1723 {strides = array<i32>} : memref<4096x128xf32, #tpu.memory_space<vmem>>, vector<128x128xf32>,
    %reshape3A_1727 = vector.shape_cast %select_n3A_1723 : vector<128x128xf32> to vector<2x64x128xf32>
    %reduce_max3A_1728 = arith.constant dense<0xFF800000> : vector<2x128xf32>
    %reduce_max3A_1729 = vector.multi_reduction <maximumf>, %reshape3A_1727, %reduce_max3A_1728 [1] : vector<2x64x128xf32> to vector<2x128xf32>
    %swap3A_1730 = arith.constant 10 : index
    %swap3A_1731 = arith.constant 0 : index
    %swap3A_1732 = vector.load %arg9[%swap3A_1730, %swap3A_1731] : memref<64x128xf32, #tpu.memory_space<vmem>>, vector<2x128xf32>
    tpu.vector_store %arg9[%swap3A_1730, %swap3A_1731], %reduce_max3A_1729 {strides = array<i32>} : memref<64x128xf32, #tpu.memory_space<vmem>>, vector<2x128xf32>,
    %get3A_1733 = arith.constant 768 : index
    %get3A_1734 = arith.constant 0 : index
    %get3A_1735 = vector.load %arg8[%get3A_1733, %get3A_1734] : memref<4096x128xf32, #tpu.memory_space<vmem>>, vector<128x128xf32>
    %get3A_1736 = arith.constant 384 : index
    %get3A_1737 = arith.constant 0 : index
    %get3A_1738 = vector.load %arg8[%get3A_1736, %get3A_1737] : memref<4096x128xf32, #tpu.memory_space<vmem>>, vector<128x128xf32>
    %max3A_1739 = arith.maximumf %get3A_1735, %get3A_1738 : vector<128x128xf32>
    %get3A_1740 = arith.constant 512 : index
    %get3A_1741 = arith.constant 0 : index
    %get3A_1742 = vector.load %arg8[%get3A_1740, %get3A_1741] : memref<4096x128xf32, #tpu.memory_space<vmem>>, vector<128x128xf32>
    %max3A_1743 = arith.maximumf %max3A_1739, %get3A_1742 : vector<128x128xf32>
    %get3A_1744 = arith.constant 640 : index
    %get3A_1745 = arith.constant 0 : index
    %get3A_1746 = vector.load %arg8[%get3A_1744, %get3A_1745] : memref<4096x128xf32, #tpu.memory_space<vmem>>, vector<128x128xf32>
    %max3A_1747 = arith.maximumf %max3A_1743, %get3A_1746 : vector<128x128xf32>
    %get3A_1748 = arith.constant 896 : index
    %get3A_1749 = arith.constant 0 : index
    %get3A_1750 = vector.load %arg8[%get3A_1748, %get3A_1749] : memref<4096x128xf32, #tpu.memory_space<vmem>>, vector<128x128xf32>
    %max3A_1751 = arith.maximumf %max3A_1747, %get3A_1750 : vector<128x128xf32>
    %get3A_1752 = arith.constant 1024 : index
    %get3A_1753 = arith.constant 0 : index
    %get3A_1754 = vector.load %arg8[%get3A_1752, %get3A_1753] : memref<4096x128xf32, #tpu.memory_space<vmem>>, vector<128x128xf32>
    %max3A_1755 = arith.maximumf %max3A_1751, %get3A_1754 : vector<128x128xf32>
    %get3A_1756 = arith.constant 1152 : index
    %get3A_1757 = arith.constant 0 : index
    %get3A_1758 = vector.load %arg8[%get3A_1756, %get3A_1757] : memref<4096x128xf32, #tpu.memory_space<vmem>>, vector<128x128xf32>
    %max3A_1759 = arith.maximumf %max3A_1755, %get3A_1758 : vector<128x128xf32>
    %get3A_1760 = arith.constant 768 : index
    %get3A_1761 = arith.constant 0 : index
    %get3A_1762 = vector.load %arg6[%get3A_1760, %get3A_1761] : memref<4096x128xf32, #tpu.memory_space<vmem>>, vector<128x128xf32>
    %ge3A_1763 = arith.cmpf oge, %get3A_1762, %max3A_1759 : vector<128x128xf32>
    %ge3A_1764 = arith.constant 5.000000e+01 : f32
    %ge3A_1765 = vector.broadcast %ge3A_1764 : f32 to vector<128x128xf32>
    %ge3A_1766 = arith.cmpf oge, %get3A_1762, %ge3A_1765 : vector<128x128xf32>
    %and3A_1767 = arith.andi %ge3A_1763, %ge3A_1766 : vector<128x128xi1>
    %jit3A_1768 = arith.constant 0.000000e+00 : f32
    %broadcast_in_dim3A_1769 = vector.broadcast %jit3A_1768 : f32 to vector<128x128xf32>
    %select_n3A_1770 = arith.select %and3A_1767, %get3A_1762, %broadcast_in_dim3A_1769 : vector<128x128xi1>, vector<128x128xf32>
    %swap3A_1771 = arith.constant 768 : index
    %swap3A_1772 = arith.constant 0 : index
    %swap3A_1773 = vector.load %arg7[%swap3A_1771, %swap3A_1772] : memref<4096x128xf32, #tpu.memory_space<vmem>>, vector<128x128xf32>
    tpu.vector_store %arg7[%swap3A_1771, %swap3A_1772], %select_n3A_1770 {strides = array<i32>} : memref<4096x128xf32, #tpu.memory_space<vmem>>, vector<128x128xf32>,
    %reshape3A_1774 = vector.shape_cast %select_n3A_1770 : vector<128x128xf32> to vector<2x64x128xf32>
    %reduce_max3A_1775 = arith.constant dense<0xFF800000> : vector<2x128xf32>
    %reduce_max3A_1776 = vector.multi_reduction <maximumf>, %reshape3A_1774, %reduce_max3A_1775 [1] : vector<2x64x128xf32> to vector<2x128xf32>
    %swap3A_1777 = arith.constant 12 : index
    %swap3A_1778 = arith.constant 0 : index
    %swap3A_1779 = vector.load %arg9[%swap3A_1777, %swap3A_1778] : memref<64x128xf32, #tpu.memory_space<vmem>>, vector<2x128xf32>
    tpu.vector_store %arg9[%swap3A_1777, %swap3A_1778], %reduce_max3A_1776 {strides = array<i32>} : memref<64x128xf32, #tpu.memory_space<vmem>>, vector<2x128xf32>,
    %get3A_1780 = arith.constant 896 : index
    %get3A_1781 = arith.constant 0 : index
    %get3A_1782 = vector.load %arg8[%get3A_1780, %get3A_1781] : memref<4096x128xf32, #tpu.memory_space<vmem>>, vector<128x128xf32>
    %get3A_1783 = arith.constant 512 : index
    %get3A_1784 = arith.constant 0 : index
    %get3A_1785 = vector.load %arg8[%get3A_1783, %get3A_1784] : memref<4096x128xf32, #tpu.memory_space<vmem>>, vector<128x128xf32>
    %max3A_1786 = arith.maximumf %get3A_1782, %get3A_1785 : vector<128x128xf32>
    %get3A_1787 = arith.constant 640 : index
    %get3A_1788 = arith.constant 0 : index
    %get3A_1789 = vector.load %arg8[%get3A_1787, %get3A_1788] : memref<4096x128xf32, #tpu.memory_space<vmem>>, vector<128x128xf32>
    %max3A_1790 = arith.maximumf %max3A_1786, %get3A_1789 : vector<128x128xf32>
    %get3A_1791 = arith.constant 768 : index
    %get3A_1792 = arith.constant 0 : index
    %get3A_1793 = vector.load %arg8[%get3A_1791, %get3A_1792] : memref<4096x128xf32, #tpu.memory_space<vmem>>, vector<128x128xf32>
    %max3A_1794 = arith.maximumf %max3A_1790, %get3A_1793 : vector<128x128xf32>
    %get3A_1795 = arith.constant 1024 : index
    %get3A_1796 = arith.constant 0 : index
    %get3A_1797 = vector.load %arg8[%get3A_1795, %get3A_1796] : memref<4096x128xf32, #tpu.memory_space<vmem>>, vector<128x128xf32>
    %max3A_1798 = arith.maximumf %max3A_1794, %get3A_1797 : vector<128x128xf32>
    %get3A_1799 = arith.constant 1152 : index
    %get3A_1800 = arith.constant 0 : index
    %get3A_1801 = vector.load %arg8[%get3A_1799, %get3A_1800] : memref<4096x128xf32, #tpu.memory_space<vmem>>, vector<128x128xf32>
    %max3A_1802 = arith.maximumf %max3A_1798, %get3A_1801 : vector<128x128xf32>
    %get3A_1803 = arith.constant 1280 : index
    %get3A_1804 = arith.constant 0 : index
    %get3A_1805 = vector.load %arg8[%get3A_1803, %get3A_1804] : memref<4096x128xf32, #tpu.memory_space<vmem>>, vector<128x128xf32>
    %max3A_1806 = arith.maximumf %max3A_1802, %get3A_1805 : vector<128x128xf32>
    %get3A_1807 = arith.constant 896 : index
    %get3A_1808 = arith.constant 0 : index
    %get3A_1809 = vector.load %arg6[%get3A_1807, %get3A_1808] : memref<4096x128xf32, #tpu.memory_space<vmem>>, vector<128x128xf32>
    %ge3A_1810 = arith.cmpf oge, %get3A_1809, %max3A_1806 : vector<128x128xf32>
    %ge3A_1811 = arith.constant 5.000000e+01 : f32
    %ge3A_1812 = vector.broadcast %ge3A_1811 : f32 to vector<128x128xf32>
    %ge3A_1813 = arith.cmpf oge, %get3A_1809, %ge3A_1812 : vector<128x128xf32>
    %and3A_1814 = arith.andi %ge3A_1810, %ge3A_1813 : vector<128x128xi1>
    %jit3A_1815 = arith.constant 0.000000e+00 : f32
    %broadcast_in_dim3A_1816 = vector.broadcast %jit3A_1815 : f32 to vector<128x128xf32>
    %select_n3A_1817 = arith.select %and3A_1814, %get3A_1809, %broadcast_in_dim3A_1816 : vector<128x128xi1>, vector<128x128xf32>
    %swap3A_1818 = arith.constant 896 : index
    %swap3A_1819 = arith.constant 0 : index
    %swap3A_1820 = vector.load %arg7[%swap3A_1818, %swap3A_1819] : memref<4096x128xf32, #tpu.memory_space<vmem>>, vector<128x128xf32>
    tpu.vector_store %arg7[%swap3A_1818, %swap3A_1819], %select_n3A_1817 {strides = array<i32>} : memref<4096x128xf32, #tpu.memory_space<vmem>>, vector<128x128xf32>,
    %reshape3A_1821 = vector.shape_cast %select_n3A_1817 : vector<128x128xf32> to vector<2x64x128xf32>
    %reduce_max3A_1822 = arith.constant dense<0xFF800000> : vector<2x128xf32>
    %reduce_max3A_1823 = vector.multi_reduction <maximumf>, %reshape3A_1821, %reduce_max3A_1822 [1] : vector<2x64x128xf32> to vector<2x128xf32>
    %swap3A_1824 = arith.constant 14 : index
    %swap3A_1825 = arith.constant 0 : index
    %swap3A_1826 = vector.load %arg9[%swap3A_1824, %swap3A_1825] : memref<64x128xf32, #tpu.memory_space<vmem>>, vector<2x128xf32>
    tpu.vector_store %arg9[%swap3A_1824, %swap3A_1825], %reduce_max3A_1823 {strides = array<i32>} : memref<64x128xf32, #tpu.memory_space<vmem>>, vector<2x128xf32>,
    %get3A_1827 = arith.constant 1024 : index
    %get3A_1828 = arith.constant 0 : index
    %get3A_1829 = vector.load %arg8[%get3A_1827, %get3A_1828] : memref<4096x128xf32, #tpu.memory_space<vmem>>, vector<128x128xf32>
    %get3A_1830 = arith.constant 640 : index
    %get3A_1831 = arith.constant 0 : index
    %get3A_1832 = vector.load %arg8[%get3A_1830, %get3A_1831] : memref<4096x128xf32, #tpu.memory_space<vmem>>, vector<128x128xf32>
    %max3A_1833 = arith.maximumf %get3A_1829, %get3A_1832 : vector<128x128xf32>
    %get3A_1834 = arith.constant 768 : index
    %get3A_1835 = arith.constant 0 : index
    %get3A_1836 = vector.load %arg8[%get3A_1834, %get3A_1835] : memref<4096x128xf32, #tpu.memory_space<vmem>>, vector<128x128xf32>
    %max3A_1837 = arith.maximumf %max3A_1833, %get3A_1836 : vector<128x128xf32>
    %get3A_1838 = arith.constant 896 : index
    %get3A_1839 = arith.constant 0 : index
    %get3A_1840 = vector.load %arg8[%get3A_1838, %get3A_1839] : memref<4096x128xf32, #tpu.memory_space<vmem>>, vector<128x128xf32>
    %max3A_1841 = arith.maximumf %max3A_1837, %get3A_1840 : vector<128x128xf32>
    %get3A_1842 = arith.constant 1152 : index
    %get3A_1843 = arith.constant 0 : index
    %get3A_1844 = vector.load %arg8[%get3A_1842, %get3A_1843] : memref<4096x128xf32, #tpu.memory_space<vmem>>, vector<128x128xf32>
    %max3A_1845 = arith.maximumf %max3A_1841, %get3A_1844 : vector<128x128xf32>
    %get3A_1846 = arith.constant 1280 : index
    %get3A_1847 = arith.constant 0 : index
    %get3A_1848 = vector.load %arg8[%get3A_1846, %get3A_1847] : memref<4096x128xf32, #tpu.memory_space<vmem>>, vector<128x128xf32>
    %max3A_1849 = arith.maximumf %max3A_1845, %get3A_1848 : vector<128x128xf32>
    %get3A_1850 = arith.constant 1408 : index
    %get3A_1851 = arith.constant 0 : index
    %get3A_1852 = vector.load %arg8[%get3A_1850, %get3A_1851] : memref<4096x128xf32, #tpu.memory_space<vmem>>, vector<128x128xf32>
    %max3A_1853 = arith.maximumf %max3A_1849, %get3A_1852 : vector<128x128xf32>
    %get3A_1854 = arith.constant 1024 : index
    %get3A_1855 = arith.constant 0 : index
    %get3A_1856 = vector.load %arg6[%get3A_1854, %get3A_1855] : memref<4096x128xf32, #tpu.memory_space<vmem>>, vector<128x128xf32>
    %ge3A_1857 = arith.cmpf oge, %get3A_1856, %max3A_1853 : vector<128x128xf32>
    %ge3A_1858 = arith.constant 5.000000e+01 : f32
    %ge3A_1859 = vector.broadcast %ge3A_1858 : f32 to vector<128x128xf32>
    %ge3A_1860 = arith.cmpf oge, %get3A_1856, %ge3A_1859 : vector<128x128xf32>
    %and3A_1861 = arith.andi %ge3A_1857, %ge3A_1860 : vector<128x128xi1>
    %jit3A_1862 = arith.constant 0.000000e+00 : f32
    %broadcast_in_dim3A_1863 = vector.broadcast %jit3A_1862 : f32 to vector<128x128xf32>
    %select_n3A_1864 = arith.select %and3A_1861, %get3A_1856, %broadcast_in_dim3A_1863 : vector<128x128xi1>, vector<128x128xf32>
    %swap3A_1865 = arith.constant 1024 : index
    %swap3A_1866 = arith.constant 0 : index
    %swap3A_1867 = vector.load %arg7[%swap3A_1865, %swap3A_1866] : memref<4096x128xf32, #tpu.memory_space<vmem>>, vector<128x128xf32>
    tpu.vector_store %arg7[%swap3A_1865, %swap3A_1866], %select_n3A_1864 {strides = array<i32>} : memref<4096x128xf32, #tpu.memory_space<vmem>>, vector<128x128xf32>,
    %reshape3A_1868 = vector.shape_cast %select_n3A_1864 : vector<128x128xf32> to vector<2x64x128xf32>
    %reduce_max3A_1869 = arith.constant dense<0xFF800000> : vector<2x128xf32>
    %reduce_max3A_1870 = vector.multi_reduction <maximumf>, %reshape3A_1868, %reduce_max3A_1869 [1] : vector<2x64x128xf32> to vector<2x128xf32>
    %swap3A_1871 = arith.constant 16 : index
    %swap3A_1872 = arith.constant 0 : index
    %swap3A_1873 = vector.load %arg9[%swap3A_1871, %swap3A_1872] : memref<64x128xf32, #tpu.memory_space<vmem>>, vector<2x128xf32>
    tpu.vector_store %arg9[%swap3A_1871, %swap3A_1872], %reduce_max3A_1870 {strides = array<i32>} : memref<64x128xf32, #tpu.memory_space<vmem>>, vector<2x128xf32>,
    %get3A_1874 = arith.constant 1152 : index
    %get3A_1875 = arith.constant 0 : index
    %get3A_1876 = vector.load %arg8[%get3A_1874, %get3A_1875] : memref<4096x128xf32, #tpu.memory_space<vmem>>, vector<128x128xf32>
    %get3A_1877 = arith.constant 768 : index
    %get3A_1878 = arith.constant 0 : index
    %get3A_1879 = vector.load %arg8[%get3A_1877, %get3A_1878] : memref<4096x128xf32, #tpu.memory_space<vmem>>, vector<128x128xf32>
    %max3A_1880 = arith.maximumf %get3A_1876, %get3A_1879 : vector<128x128xf32>
    %get3A_1881 = arith.constant 896 : index
    %get3A_1882 = arith.constant 0 : index
    %get3A_1883 = vector.load %arg8[%get3A_1881, %get3A_1882] : memref<4096x128xf32, #tpu.memory_space<vmem>>, vector<128x128xf32>
    %max3A_1884 = arith.maximumf %max3A_1880, %get3A_1883 : vector<128x128xf32>
    %get3A_1885 = arith.constant 1024 : index
    %get3A_1886 = arith.constant 0 : index
    %get3A_1887 = vector.load %arg8[%get3A_1885, %get3A_1886] : memref<4096x128xf32, #tpu.memory_space<vmem>>, vector<128x128xf32>
    %max3A_1888 = arith.maximumf %max3A_1884, %get3A_1887 : vector<128x128xf32>
    %get3A_1889 = arith.constant 1280 : index
    %get3A_1890 = arith.constant 0 : index
    %get3A_1891 = vector.load %arg8[%get3A_1889, %get3A_1890] : memref<4096x128xf32, #tpu.memory_space<vmem>>, vector<128x128xf32>
    %max3A_1892 = arith.maximumf %max3A_1888, %get3A_1891 : vector<128x128xf32>
    %get3A_1893 = arith.constant 1408 : index
    %get3A_1894 = arith.constant 0 : index
    %get3A_1895 = vector.load %arg8[%get3A_1893, %get3A_1894] : memref<4096x128xf32, #tpu.memory_space<vmem>>, vector<128x128xf32>
    %max3A_1896 = arith.maximumf %max3A_1892, %get3A_1895 : vector<128x128xf32>
    %get3A_1897 = arith.constant 1536 : index
    %get3A_1898 = arith.constant 0 : index
    %get3A_1899 = vector.load %arg8[%get3A_1897, %get3A_1898] : memref<4096x128xf32, #tpu.memory_space<vmem>>, vector<128x128xf32>
    %max3A_1900 = arith.maximumf %max3A_1896, %get3A_1899 : vector<128x128xf32>
    %get3A_1901 = arith.constant 1152 : index
    %get3A_1902 = arith.constant 0 : index
    %get3A_1903 = vector.load %arg6[%get3A_1901, %get3A_1902] : memref<4096x128xf32, #tpu.memory_space<vmem>>, vector<128x128xf32>
    %ge3A_1904 = arith.cmpf oge, %get3A_1903, %max3A_1900 : vector<128x128xf32>
    %ge3A_1905 = arith.constant 5.000000e+01 : f32
    %ge3A_1906 = vector.broadcast %ge3A_1905 : f32 to vector<128x128xf32>
    %ge3A_1907 = arith.cmpf oge, %get3A_1903, %ge3A_1906 : vector<128x128xf32>
    %and3A_1908 = arith.andi %ge3A_1904, %ge3A_1907 : vector<128x128xi1>
    %jit3A_1909 = arith.constant 0.000000e+00 : f32
    %broadcast_in_dim3A_1910 = vector.broadcast %jit3A_1909 : f32 to vector<128x128xf32>
    %select_n3A_1911 = arith.select %and3A_1908, %get3A_1903, %broadcast_in_dim3A_1910 : vector<128x128xi1>, vector<128x128xf32>
    %swap3A_1912 = arith.constant 1152 : index
    %swap3A_1913 = arith.constant 0 : index
    %swap3A_1914 = vector.load %arg7[%swap3A_1912, %swap3A_1913] : memref<4096x128xf32, #tpu.memory_space<vmem>>, vector<128x128xf32>
    tpu.vector_store %arg7[%swap3A_1912, %swap3A_1913], %select_n3A_1911 {strides = array<i32>} : memref<4096x128xf32, #tpu.memory_space<vmem>>, vector<128x128xf32>,
    %reshape3A_1915 = vector.shape_cast %select_n3A_1911 : vector<128x128xf32> to vector<2x64x128xf32>
    %reduce_max3A_1916 = arith.constant dense<0xFF800000> : vector<2x128xf32>
    %reduce_max3A_1917 = vector.multi_reduction <maximumf>, %reshape3A_1915, %reduce_max3A_1916 [1] : vector<2x64x128xf32> to vector<2x128xf32>
    %swap3A_1918 = arith.constant 18 : index
    %swap3A_1919 = arith.constant 0 : index
    %swap3A_1920 = vector.load %arg9[%swap3A_1918, %swap3A_1919] : memref<64x128xf32, #tpu.memory_space<vmem>>, vector<2x128xf32>
    tpu.vector_store %arg9[%swap3A_1918, %swap3A_1919], %reduce_max3A_1917 {strides = array<i32>} : memref<64x128xf32, #tpu.memory_space<vmem>>, vector<2x128xf32>,
    %get3A_1921 = arith.constant 1280 : index
    %get3A_1922 = arith.constant 0 : index
    %get3A_1923 = vector.load %arg8[%get3A_1921, %get3A_1922] : memref<4096x128xf32, #tpu.memory_space<vmem>>, vector<128x128xf32>
    %get3A_1924 = arith.constant 896 : index
    %get3A_1925 = arith.constant 0 : index
    %get3A_1926 = vector.load %arg8[%get3A_1924, %get3A_1925] : memref<4096x128xf32, #tpu.memory_space<vmem>>, vector<128x128xf32>
    %max3A_1927 = arith.maximumf %get3A_1923, %get3A_1926 : vector<128x128xf32>
    %get3A_1928 = arith.constant 1024 : index
    %get3A_1929 = arith.constant 0 : index
    %get3A_1930 = vector.load %arg8[%get3A_1928, %get3A_1929] : memref<4096x128xf32, #tpu.memory_space<vmem>>, vector<128x128xf32>
    %max3A_1931 = arith.maximumf %max3A_1927, %get3A_1930 : vector<128x128xf32>
    %get3A_1932 = arith.constant 1152 : index
    %get3A_1933 = arith.constant 0 : index
    %get3A_1934 = vector.load %arg8[%get3A_1932, %get3A_1933] : memref<4096x128xf32, #tpu.memory_space<vmem>>, vector<128x128xf32>
    %max3A_1935 = arith.maximumf %max3A_1931, %get3A_1934 : vector<128x128xf32>
    %get3A_1936 = arith.constant 1408 : index
    %get3A_1937 = arith.constant 0 : index
    %get3A_1938 = vector.load %arg8[%get3A_1936, %get3A_1937] : memref<4096x128xf32, #tpu.memory_space<vmem>>, vector<128x128xf32>
    %max3A_1939 = arith.maximumf %max3A_1935, %get3A_1938 : vector<128x128xf32>
    %get3A_1940 = arith.constant 1536 : index
    %get3A_1941 = arith.constant 0 : index
    %get3A_1942 = vector.load %arg8[%get3A_1940, %get3A_1941] : memref<4096x128xf32, #tpu.memory_space<vmem>>, vector<128x128xf32>
    %max3A_1943 = arith.maximumf %max3A_1939, %get3A_1942 : vector<128x128xf32>
    %get3A_1944 = arith.constant 1664 : index
    %get3A_1945 = arith.constant 0 : index
    %get3A_1946 = vector.load %arg8[%get3A_1944, %get3A_1945] : memref<4096x128xf32, #tpu.memory_space<vmem>>, vector<128x128xf32>
    %max3A_1947 = arith.maximumf %max3A_1943, %get3A_1946 : vector<128x128xf32>
    %get3A_1948 = arith.constant 1280 : index
    %get3A_1949 = arith.constant 0 : index
    %get3A_1950 = vector.load %arg6[%get3A_1948, %get3A_1949] : memref<4096x128xf32, #tpu.memory_space<vmem>>, vector<128x128xf32>
    %ge3A_1951 = arith.cmpf oge, %get3A_1950, %max3A_1947 : vector<128x128xf32>
    %ge3A_1952 = arith.constant 5.000000e+01 : f32
    %ge3A_1953 = vector.broadcast %ge3A_1952 : f32 to vector<128x128xf32>
    %ge3A_1954 = arith.cmpf oge, %get3A_1950, %ge3A_1953 : vector<128x128xf32>
    %and3A_1955 = arith.andi %ge3A_1951, %ge3A_1954 : vector<128x128xi1>
    %jit3A_1956 = arith.constant 0.000000e+00 : f32
    %broadcast_in_dim3A_1957 = vector.broadcast %jit3A_1956 : f32 to vector<128x128xf32>
    %select_n3A_1958 = arith.select %and3A_1955, %get3A_1950, %broadcast_in_dim3A_1957 : vector<128x128xi1>, vector<128x128xf32>
    %swap3A_1959 = arith.constant 1280 : index
    %swap3A_1960 = arith.constant 0 : index
    %swap3A_1961 = vector.load %arg7[%swap3A_1959, %swap3A_1960] : memref<4096x128xf32, #tpu.memory_space<vmem>>, vector<128x128xf32>
    tpu.vector_store %arg7[%swap3A_1959, %swap3A_1960], %select_n3A_1958 {strides = array<i32>} : memref<4096x128xf32, #tpu.memory_space<vmem>>, vector<128x128xf32>,
    %reshape3A_1962 = vector.shape_cast %select_n3A_1958 : vector<128x128xf32> to vector<2x64x128xf32>
    %reduce_max3A_1963 = arith.constant dense<0xFF800000> : vector<2x128xf32>
    %reduce_max3A_1964 = vector.multi_reduction <maximumf>, %reshape3A_1962, %reduce_max3A_1963 [1] : vector<2x64x128xf32> to vector<2x128xf32>
    %swap3A_1965 = arith.constant 20 : index
    %swap3A_1966 = arith.constant 0 : index
    %swap3A_1967 = vector.load %arg9[%swap3A_1965, %swap3A_1966] : memref<64x128xf32, #tpu.memory_space<vmem>>, vector<2x128xf32>
    tpu.vector_store %arg9[%swap3A_1965, %swap3A_1966], %reduce_max3A_1964 {strides = array<i32>} : memref<64x128xf32, #tpu.memory_space<vmem>>, vector<2x128xf32>,
    %get3A_1968 = arith.constant 1408 : index
    %get3A_1969 = arith.constant 0 : index
    %get3A_1970 = vector.load %arg8[%get3A_1968, %get3A_1969] : memref<4096x128xf32, #tpu.memory_space<vmem>>, vector<128x128xf32>
    %get3A_1971 = arith.constant 1024 : index
    %get3A_1972 = arith.constant 0 : index
    %get3A_1973 = vector.load %arg8[%get3A_1971, %get3A_1972] : memref<4096x128xf32, #tpu.memory_space<vmem>>, vector<128x128xf32>
    %max3A_1974 = arith.maximumf %get3A_1970, %get3A_1973 : vector<128x128xf32>
    %get3A_1975 = arith.constant 1152 : index
    %get3A_1976 = arith.constant 0 : index
    %get3A_1977 = vector.load %arg8[%get3A_1975, %get3A_1976] : memref<4096x128xf32, #tpu.memory_space<vmem>>, vector<128x128xf32>
    %max3A_1978 = arith.maximumf %max3A_1974, %get3A_1977 : vector<128x128xf32>
    %get3A_1979 = arith.constant 1280 : index
    %get3A_1980 = arith.constant 0 : index
    %get3A_1981 = vector.load %arg8[%get3A_1979, %get3A_1980] : memref<4096x128xf32, #tpu.memory_space<vmem>>, vector<128x128xf32>
    %max3A_1982 = arith.maximumf %max3A_1978, %get3A_1981 : vector<128x128xf32>
    %get3A_1983 = arith.constant 1536 : index
    %get3A_1984 = arith.constant 0 : index
    %get3A_1985 = vector.load %arg8[%get3A_1983, %get3A_1984] : memref<4096x128xf32, #tpu.memory_space<vmem>>, vector<128x128xf32>
    %max3A_1986 = arith.maximumf %max3A_1982, %get3A_1985 : vector<128x128xf32>
    %get3A_1987 = arith.constant 1664 : index
    %get3A_1988 = arith.constant 0 : index
    %get3A_1989 = vector.load %arg8[%get3A_1987, %get3A_1988] : memref<4096x128xf32, #tpu.memory_space<vmem>>, vector<128x128xf32>
    %max3A_1990 = arith.maximumf %max3A_1986, %get3A_1989 : vector<128x128xf32>
    %get3A_1991 = arith.constant 1792 : index
    %get3A_1992 = arith.constant 0 : index
    %get3A_1993 = vector.load %arg8[%get3A_1991, %get3A_1992] : memref<4096x128xf32, #tpu.memory_space<vmem>>, vector<128x128xf32>
    %max3A_1994 = arith.maximumf %max3A_1990, %get3A_1993 : vector<128x128xf32>
    %get3A_1995 = arith.constant 1408 : index
    %get3A_1996 = arith.constant 0 : index
    %get3A_1997 = vector.load %arg6[%get3A_1995, %get3A_1996] : memref<4096x128xf32, #tpu.memory_space<vmem>>, vector<128x128xf32>
    %ge3A_1998 = arith.cmpf oge, %get3A_1997, %max3A_1994 : vector<128x128xf32>
    %ge3A_1999 = arith.constant 5.000000e+01 : f32
    %ge3A_2000 = vector.broadcast %ge3A_1999 : f32 to vector<128x128xf32>
    %ge3A_2001 = arith.cmpf oge, %get3A_1997, %ge3A_2000 : vector<128x128xf32>
    %and3A_2002 = arith.andi %ge3A_1998, %ge3A_2001 : vector<128x128xi1>
    %jit3A_2003 = arith.constant 0.000000e+00 : f32
    %broadcast_in_dim3A_2004 = vector.broadcast %jit3A_2003 : f32 to vector<128x128xf32>
    %select_n3A_2005 = arith.select %and3A_2002, %get3A_1997, %broadcast_in_dim3A_2004 : vector<128x128xi1>, vector<128x128xf32>
    %swap3A_2006 = arith.constant 1408 : index
    %swap3A_2007 = arith.constant 0 : index
    %swap3A_2008 = vector.load %arg7[%swap3A_2006, %swap3A_2007] : memref<4096x128xf32, #tpu.memory_space<vmem>>, vector<128x128xf32>
    tpu.vector_store %arg7[%swap3A_2006, %swap3A_2007], %select_n3A_2005 {strides = array<i32>} : memref<4096x128xf32, #tpu.memory_space<vmem>>, vector<128x128xf32>,
    %reshape3A_2009 = vector.shape_cast %select_n3A_2005 : vector<128x128xf32> to vector<2x64x128xf32>
    %reduce_max3A_2010 = arith.constant dense<0xFF800000> : vector<2x128xf32>
    %reduce_max3A_2011 = vector.multi_reduction <maximumf>, %reshape3A_2009, %reduce_max3A_2010 [1] : vector<2x64x128xf32> to vector<2x128xf32>
    %swap3A_2012 = arith.constant 22 : index
    %swap3A_2013 = arith.constant 0 : index
    %swap3A_2014 = vector.load %arg9[%swap3A_2012, %swap3A_2013] : memref<64x128xf32, #tpu.memory_space<vmem>>, vector<2x128xf32>
    tpu.vector_store %arg9[%swap3A_2012, %swap3A_2013], %reduce_max3A_2011 {strides = array<i32>} : memref<64x128xf32, #tpu.memory_space<vmem>>, vector<2x128xf32>,
    %get3A_2015 = arith.constant 1536 : index
    %get3A_2016 = arith.constant 0 : index
    %get3A_2017 = vector.load %arg8[%get3A_2015, %get3A_2016] : memref<4096x128xf32, #tpu.memory_space<vmem>>, vector<128x128xf32>
    %get3A_2018 = arith.constant 1152 : index
    %get3A_2019 = arith.constant 0 : index
    %get3A_2020 = vector.load %arg8[%get3A_2018, %get3A_2019] : memref<4096x128xf32, #tpu.memory_space<vmem>>, vector<128x128xf32>
    %max3A_2021 = arith.maximumf %get3A_2017, %get3A_2020 : vector<128x128xf32>
    %get3A_2022 = arith.constant 1280 : index
    %get3A_2023 = arith.constant 0 : index
    %get3A_2024 = vector.load %arg8[%get3A_2022, %get3A_2023] : memref<4096x128xf32, #tpu.memory_space<vmem>>, vector<128x128xf32>
    %max3A_2025 = arith.maximumf %max3A_2021, %get3A_2024 : vector<128x128xf32>
    %get3A_2026 = arith.constant 1408 : index
    %get3A_2027 = arith.constant 0 : index
    %get3A_2028 = vector.load %arg8[%get3A_2026, %get3A_2027] : memref<4096x128xf32, #tpu.memory_space<vmem>>, vector<128x128xf32>
    %max3A_2029 = arith.maximumf %max3A_2025, %get3A_2028 : vector<128x128xf32>
    %get3A_2030 = arith.constant 1664 : index
    %get3A_2031 = arith.constant 0 : index
    %get3A_2032 = vector.load %arg8[%get3A_2030, %get3A_2031] : memref<4096x128xf32, #tpu.memory_space<vmem>>, vector<128x128xf32>
    %max3A_2033 = arith.maximumf %max3A_2029, %get3A_2032 : vector<128x128xf32>
    %get3A_2034 = arith.constant 1792 : index
    %get3A_2035 = arith.constant 0 : index
    %get3A_2036 = vector.load %arg8[%get3A_2034, %get3A_2035] : memref<4096x128xf32, #tpu.memory_space<vmem>>, vector<128x128xf32>
    %max3A_2037 = arith.maximumf %max3A_2033, %get3A_2036 : vector<128x128xf32>
    %get3A_2038 = arith.constant 1920 : index
    %get3A_2039 = arith.constant 0 : index
    %get3A_2040 = vector.load %arg8[%get3A_2038, %get3A_2039] : memref<4096x128xf32, #tpu.memory_space<vmem>>, vector<128x128xf32>
    %max3A_2041 = arith.maximumf %max3A_2037, %get3A_2040 : vector<128x128xf32>
    %get3A_2042 = arith.constant 1536 : index
    %get3A_2043 = arith.constant 0 : index
    %get3A_2044 = vector.load %arg6[%get3A_2042, %get3A_2043] : memref<4096x128xf32, #tpu.memory_space<vmem>>, vector<128x128xf32>
    %ge3A_2045 = arith.cmpf oge, %get3A_2044, %max3A_2041 : vector<128x128xf32>
    %ge3A_2046 = arith.constant 5.000000e+01 : f32
    %ge3A_2047 = vector.broadcast %ge3A_2046 : f32 to vector<128x128xf32>
    %ge3A_2048 = arith.cmpf oge, %get3A_2044, %ge3A_2047 : vector<128x128xf32>
    %and3A_2049 = arith.andi %ge3A_2045, %ge3A_2048 : vector<128x128xi1>
    %jit3A_2050 = arith.constant 0.000000e+00 : f32
    %broadcast_in_dim3A_2051 = vector.broadcast %jit3A_2050 : f32 to vector<128x128xf32>
    %select_n3A_2052 = arith.select %and3A_2049, %get3A_2044, %broadcast_in_dim3A_2051 : vector<128x128xi1>, vector<128x128xf32>
    %swap3A_2053 = arith.constant 1536 : index
    %swap3A_2054 = arith.constant 0 : index
    %swap3A_2055 = vector.load %arg7[%swap3A_2053, %swap3A_2054] : memref<4096x128xf32, #tpu.memory_space<vmem>>, vector<128x128xf32>
    tpu.vector_store %arg7[%swap3A_2053, %swap3A_2054], %select_n3A_2052 {strides = array<i32>} : memref<4096x128xf32, #tpu.memory_space<vmem>>, vector<128x128xf32>,
    %reshape3A_2056 = vector.shape_cast %select_n3A_2052 : vector<128x128xf32> to vector<2x64x128xf32>
    %reduce_max3A_2057 = arith.constant dense<0xFF800000> : vector<2x128xf32>
    %reduce_max3A_2058 = vector.multi_reduction <maximumf>, %reshape3A_2056, %reduce_max3A_2057 [1] : vector<2x64x128xf32> to vector<2x128xf32>
    %swap3A_2059 = arith.constant 24 : index
    %swap3A_2060 = arith.constant 0 : index
    %swap3A_2061 = vector.load %arg9[%swap3A_2059, %swap3A_2060] : memref<64x128xf32, #tpu.memory_space<vmem>>, vector<2x128xf32>
    tpu.vector_store %arg9[%swap3A_2059, %swap3A_2060], %reduce_max3A_2058 {strides = array<i32>} : memref<64x128xf32, #tpu.memory_space<vmem>>, vector<2x128xf32>,
    %get3A_2062 = arith.constant 1664 : index
    %get3A_2063 = arith.constant 0 : index
    %get3A_2064 = vector.load %arg8[%get3A_2062, %get3A_2063] : memref<4096x128xf32, #tpu.memory_space<vmem>>, vector<128x128xf32>
    %get3A_2065 = arith.constant 1280 : index
    %get3A_2066 = arith.constant 0 : index
    %get3A_2067 = vector.load %arg8[%get3A_2065, %get3A_2066] : memref<4096x128xf32, #tpu.memory_space<vmem>>, vector<128x128xf32>
    %max3A_2068 = arith.maximumf %get3A_2064, %get3A_2067 : vector<128x128xf32>
    %get3A_2069 = arith.constant 1408 : index
    %get3A_2070 = arith.constant 0 : index
    %get3A_2071 = vector.load %arg8[%get3A_2069, %get3A_2070] : memref<4096x128xf32, #tpu.memory_space<vmem>>, vector<128x128xf32>
    %max3A_2072 = arith.maximumf %max3A_2068, %get3A_2071 : vector<128x128xf32>
    %get3A_2073 = arith.constant 1536 : index
    %get3A_2074 = arith.constant 0 : index
    %get3A_2075 = vector.load %arg8[%get3A_2073, %get3A_2074] : memref<4096x128xf32, #tpu.memory_space<vmem>>, vector<128x128xf32>
    %max3A_2076 = arith.maximumf %max3A_2072, %get3A_2075 : vector<128x128xf32>
    %get3A_2077 = arith.constant 1792 : index
    %get3A_2078 = arith.constant 0 : index
    %get3A_2079 = vector.load %arg8[%get3A_2077, %get3A_2078] : memref<4096x128xf32, #tpu.memory_space<vmem>>, vector<128x128xf32>
    %max3A_2080 = arith.maximumf %max3A_2076, %get3A_2079 : vector<128x128xf32>
    %get3A_2081 = arith.constant 1920 : index
    %get3A_2082 = arith.constant 0 : index
    %get3A_2083 = vector.load %arg8[%get3A_2081, %get3A_2082] : memref<4096x128xf32, #tpu.memory_space<vmem>>, vector<128x128xf32>
    %max3A_2084 = arith.maximumf %max3A_2080, %get3A_2083 : vector<128x128xf32>
    %get3A_2085 = arith.constant 2048 : index
    %get3A_2086 = arith.constant 0 : index
    %get3A_2087 = vector.load %arg8[%get3A_2085, %get3A_2086] : memref<4096x128xf32, #tpu.memory_space<vmem>>, vector<128x128xf32>
    %max3A_2088 = arith.maximumf %max3A_2084, %get3A_2087 : vector<128x128xf32>
    %get3A_2089 = arith.constant 1664 : index
    %get3A_2090 = arith.constant 0 : index
    %get3A_2091 = vector.load %arg6[%get3A_2089, %get3A_2090] : memref<4096x128xf32, #tpu.memory_space<vmem>>, vector<128x128xf32>
    %ge3A_2092 = arith.cmpf oge, %get3A_2091, %max3A_2088 : vector<128x128xf32>
    %ge3A_2093 = arith.constant 5.000000e+01 : f32
    %ge3A_2094 = vector.broadcast %ge3A_2093 : f32 to vector<128x128xf32>
    %ge3A_2095 = arith.cmpf oge, %get3A_2091, %ge3A_2094 : vector<128x128xf32>
    %and3A_2096 = arith.andi %ge3A_2092, %ge3A_2095 : vector<128x128xi1>
    %jit3A_2097 = arith.constant 0.000000e+00 : f32
    %broadcast_in_dim3A_2098 = vector.broadcast %jit3A_2097 : f32 to vector<128x128xf32>
    %select_n3A_2099 = arith.select %and3A_2096, %get3A_2091, %broadcast_in_dim3A_2098 : vector<128x128xi1>, vector<128x128xf32>
    %swap3A_2100 = arith.constant 1664 : index
    %swap3A_2101 = arith.constant 0 : index
    %swap3A_2102 = vector.load %arg7[%swap3A_2100, %swap3A_2101] : memref<4096x128xf32, #tpu.memory_space<vmem>>, vector<128x128xf32>
    tpu.vector_store %arg7[%swap3A_2100, %swap3A_2101], %select_n3A_2099 {strides = array<i32>} : memref<4096x128xf32, #tpu.memory_space<vmem>>, vector<128x128xf32>,
    %reshape3A_2103 = vector.shape_cast %select_n3A_2099 : vector<128x128xf32> to vector<2x64x128xf32>
    %reduce_max3A_2104 = arith.constant dense<0xFF800000> : vector<2x128xf32>
    %reduce_max3A_2105 = vector.multi_reduction <maximumf>, %reshape3A_2103, %reduce_max3A_2104 [1] : vector<2x64x128xf32> to vector<2x128xf32>
    %swap3A_2106 = arith.constant 26 : index
    %swap3A_2107 = arith.constant 0 : index
    %swap3A_2108 = vector.load %arg9[%swap3A_2106, %swap3A_2107] : memref<64x128xf32, #tpu.memory_space<vmem>>, vector<2x128xf32>
    tpu.vector_store %arg9[%swap3A_2106, %swap3A_2107], %reduce_max3A_2105 {strides = array<i32>} : memref<64x128xf32, #tpu.memory_space<vmem>>, vector<2x128xf32>,
    %get3A_2109 = arith.constant 1792 : index
    %get3A_2110 = arith.constant 0 : index
    %get3A_2111 = vector.load %arg8[%get3A_2109, %get3A_2110] : memref<4096x128xf32, #tpu.memory_space<vmem>>, vector<128x128xf32>
    %get3A_2112 = arith.constant 1408 : index
    %get3A_2113 = arith.constant 0 : index
    %get3A_2114 = vector.load %arg8[%get3A_2112, %get3A_2113] : memref<4096x128xf32, #tpu.memory_space<vmem>>, vector<128x128xf32>
    %max3A_2115 = arith.maximumf %get3A_2111, %get3A_2114 : vector<128x128xf32>
    %get3A_2116 = arith.constant 1536 : index
    %get3A_2117 = arith.constant 0 : index
    %get3A_2118 = vector.load %arg8[%get3A_2116, %get3A_2117] : memref<4096x128xf32, #tpu.memory_space<vmem>>, vector<128x128xf32>
    %max3A_2119 = arith.maximumf %max3A_2115, %get3A_2118 : vector<128x128xf32>
    %get3A_2120 = arith.constant 1664 : index
    %get3A_2121 = arith.constant 0 : index
    %get3A_2122 = vector.load %arg8[%get3A_2120, %get3A_2121] : memref<4096x128xf32, #tpu.memory_space<vmem>>, vector<128x128xf32>
    %max3A_2123 = arith.maximumf %max3A_2119, %get3A_2122 : vector<128x128xf32>
    %get3A_2124 = arith.constant 1920 : index
    %get3A_2125 = arith.constant 0 : index
    %get3A_2126 = vector.load %arg8[%get3A_2124, %get3A_2125] : memref<4096x128xf32, #tpu.memory_space<vmem>>, vector<128x128xf32>
    %max3A_2127 = arith.maximumf %max3A_2123, %get3A_2126 : vector<128x128xf32>
    %get3A_2128 = arith.constant 2048 : index
    %get3A_2129 = arith.constant 0 : index
    %get3A_2130 = vector.load %arg8[%get3A_2128, %get3A_2129] : memref<4096x128xf32, #tpu.memory_space<vmem>>, vector<128x128xf32>
    %max3A_2131 = arith.maximumf %max3A_2127, %get3A_2130 : vector<128x128xf32>
    %get3A_2132 = arith.constant 2176 : index
    %get3A_2133 = arith.constant 0 : index
    %get3A_2134 = vector.load %arg8[%get3A_2132, %get3A_2133] : memref<4096x128xf32, #tpu.memory_space<vmem>>, vector<128x128xf32>
    %max3A_2135 = arith.maximumf %max3A_2131, %get3A_2134 : vector<128x128xf32>
    %get3A_2136 = arith.constant 1792 : index
    %get3A_2137 = arith.constant 0 : index
    %get3A_2138 = vector.load %arg6[%get3A_2136, %get3A_2137] : memref<4096x128xf32, #tpu.memory_space<vmem>>, vector<128x128xf32>
    %ge3A_2139 = arith.cmpf oge, %get3A_2138, %max3A_2135 : vector<128x128xf32>
    %ge3A_2140 = arith.constant 5.000000e+01 : f32
    %ge3A_2141 = vector.broadcast %ge3A_2140 : f32 to vector<128x128xf32>
    %ge3A_2142 = arith.cmpf oge, %get3A_2138, %ge3A_2141 : vector<128x128xf32>
    %and3A_2143 = arith.andi %ge3A_2139, %ge3A_2142 : vector<128x128xi1>
    %jit3A_2144 = arith.constant 0.000000e+00 : f32
    %broadcast_in_dim3A_2145 = vector.broadcast %jit3A_2144 : f32 to vector<128x128xf32>
    %select_n3A_2146 = arith.select %and3A_2143, %get3A_2138, %broadcast_in_dim3A_2145 : vector<128x128xi1>, vector<128x128xf32>
    %swap3A_2147 = arith.constant 1792 : index
    %swap3A_2148 = arith.constant 0 : index
    %swap3A_2149 = vector.load %arg7[%swap3A_2147, %swap3A_2148] : memref<4096x128xf32, #tpu.memory_space<vmem>>, vector<128x128xf32>
    tpu.vector_store %arg7[%swap3A_2147, %swap3A_2148], %select_n3A_2146 {strides = array<i32>} : memref<4096x128xf32, #tpu.memory_space<vmem>>, vector<128x128xf32>,
    %reshape3A_2150 = vector.shape_cast %select_n3A_2146 : vector<128x128xf32> to vector<2x64x128xf32>
    %reduce_max3A_2151 = arith.constant dense<0xFF800000> : vector<2x128xf32>
    %reduce_max3A_2152 = vector.multi_reduction <maximumf>, %reshape3A_2150, %reduce_max3A_2151 [1] : vector<2x64x128xf32> to vector<2x128xf32>
    %swap3A_2153 = arith.constant 28 : index
    %swap3A_2154 = arith.constant 0 : index
    %swap3A_2155 = vector.load %arg9[%swap3A_2153, %swap3A_2154] : memref<64x128xf32, #tpu.memory_space<vmem>>, vector<2x128xf32>
    tpu.vector_store %arg9[%swap3A_2153, %swap3A_2154], %reduce_max3A_2152 {strides = array<i32>} : memref<64x128xf32, #tpu.memory_space<vmem>>, vector<2x128xf32>,
    %get3A_2156 = arith.constant 1920 : index
    %get3A_2157 = arith.constant 0 : index
    %get3A_2158 = vector.load %arg8[%get3A_2156, %get3A_2157] : memref<4096x128xf32, #tpu.memory_space<vmem>>, vector<128x128xf32>
    %get3A_2159 = arith.constant 1536 : index
    %get3A_2160 = arith.constant 0 : index
    %get3A_2161 = vector.load %arg8[%get3A_2159, %get3A_2160] : memref<4096x128xf32, #tpu.memory_space<vmem>>, vector<128x128xf32>
    %max3A_2162 = arith.maximumf %get3A_2158, %get3A_2161 : vector<128x128xf32>
    %get3A_2163 = arith.constant 1664 : index
    %get3A_2164 = arith.constant 0 : index
    %get3A_2165 = vector.load %arg8[%get3A_2163, %get3A_2164] : memref<4096x128xf32, #tpu.memory_space<vmem>>, vector<128x128xf32>
    %max3A_2166 = arith.maximumf %max3A_2162, %get3A_2165 : vector<128x128xf32>
    %get3A_2167 = arith.constant 1792 : index
    %get3A_2168 = arith.constant 0 : index
    %get3A_2169 = vector.load %arg8[%get3A_2167, %get3A_2168] : memref<4096x128xf32, #tpu.memory_space<vmem>>, vector<128x128xf32>
    %max3A_2170 = arith.maximumf %max3A_2166, %get3A_2169 : vector<128x128xf32>
    %get3A_2171 = arith.constant 2048 : index
    %get3A_2172 = arith.constant 0 : index
    %get3A_2173 = vector.load %arg8[%get3A_2171, %get3A_2172] : memref<4096x128xf32, #tpu.memory_space<vmem>>, vector<128x128xf32>
    %max3A_2174 = arith.maximumf %max3A_2170, %get3A_2173 : vector<128x128xf32>
    %get3A_2175 = arith.constant 2176 : index
    %get3A_2176 = arith.constant 0 : index
    %get3A_2177 = vector.load %arg8[%get3A_2175, %get3A_2176] : memref<4096x128xf32, #tpu.memory_space<vmem>>, vector<128x128xf32>
    %max3A_2178 = arith.maximumf %max3A_2174, %get3A_2177 : vector<128x128xf32>
    %get3A_2179 = arith.constant 2304 : index
    %get3A_2180 = arith.constant 0 : index
    %get3A_2181 = vector.load %arg8[%get3A_2179, %get3A_2180] : memref<4096x128xf32, #tpu.memory_space<vmem>>, vector<128x128xf32>
    %max3A_2182 = arith.maximumf %max3A_2178, %get3A_2181 : vector<128x128xf32>
    %get3A_2183 = arith.constant 1920 : index
    %get3A_2184 = arith.constant 0 : index
    %get3A_2185 = vector.load %arg6[%get3A_2183, %get3A_2184] : memref<4096x128xf32, #tpu.memory_space<vmem>>, vector<128x128xf32>
    %ge3A_2186 = arith.cmpf oge, %get3A_2185, %max3A_2182 : vector<128x128xf32>
    %ge3A_2187 = arith.constant 5.000000e+01 : f32
    %ge3A_2188 = vector.broadcast %ge3A_2187 : f32 to vector<128x128xf32>
    %ge3A_2189 = arith.cmpf oge, %get3A_2185, %ge3A_2188 : vector<128x128xf32>
    %and3A_2190 = arith.andi %ge3A_2186, %ge3A_2189 : vector<128x128xi1>
    %jit3A_2191 = arith.constant 0.000000e+00 : f32
    %broadcast_in_dim3A_2192 = vector.broadcast %jit3A_2191 : f32 to vector<128x128xf32>
    %select_n3A_2193 = arith.select %and3A_2190, %get3A_2185, %broadcast_in_dim3A_2192 : vector<128x128xi1>, vector<128x128xf32>
    %swap3A_2194 = arith.constant 1920 : index
    %swap3A_2195 = arith.constant 0 : index
    %swap3A_2196 = vector.load %arg7[%swap3A_2194, %swap3A_2195] : memref<4096x128xf32, #tpu.memory_space<vmem>>, vector<128x128xf32>
    tpu.vector_store %arg7[%swap3A_2194, %swap3A_2195], %select_n3A_2193 {strides = array<i32>} : memref<4096x128xf32, #tpu.memory_space<vmem>>, vector<128x128xf32>,
    %reshape3A_2197 = vector.shape_cast %select_n3A_2193 : vector<128x128xf32> to vector<2x64x128xf32>
    %reduce_max3A_2198 = arith.constant dense<0xFF800000> : vector<2x128xf32>
    %reduce_max3A_2199 = vector.multi_reduction <maximumf>, %reshape3A_2197, %reduce_max3A_2198 [1] : vector<2x64x128xf32> to vector<2x128xf32>
    %swap3A_2200 = arith.constant 30 : index
    %swap3A_2201 = arith.constant 0 : index
    %swap3A_2202 = vector.load %arg9[%swap3A_2200, %swap3A_2201] : memref<64x128xf32, #tpu.memory_space<vmem>>, vector<2x128xf32>
    tpu.vector_store %arg9[%swap3A_2200, %swap3A_2201], %reduce_max3A_2199 {strides = array<i32>} : memref<64x128xf32, #tpu.memory_space<vmem>>, vector<2x128xf32>,
    %get3A_2203 = arith.constant 2048 : index
    %get3A_2204 = arith.constant 0 : index
    %get3A_2205 = vector.load %arg8[%get3A_2203, %get3A_2204] : memref<4096x128xf32, #tpu.memory_space<vmem>>, vector<128x128xf32>
    %get3A_2206 = arith.constant 1664 : index
    %get3A_2207 = arith.constant 0 : index
    %get3A_2208 = vector.load %arg8[%get3A_2206, %get3A_2207] : memref<4096x128xf32, #tpu.memory_space<vmem>>, vector<128x128xf32>
    %max3A_2209 = arith.maximumf %get3A_2205, %get3A_2208 : vector<128x128xf32>
    %get3A_2210 = arith.constant 1792 : index
    %get3A_2211 = arith.constant 0 : index
    %get3A_2212 = vector.load %arg8[%get3A_2210, %get3A_2211] : memref<4096x128xf32, #tpu.memory_space<vmem>>, vector<128x128xf32>
    %max3A_2213 = arith.maximumf %max3A_2209, %get3A_2212 : vector<128x128xf32>
    %get3A_2214 = arith.constant 1920 : index
    %get3A_2215 = arith.constant 0 : index
    %get3A_2216 = vector.load %arg8[%get3A_2214, %get3A_2215] : memref<4096x128xf32, #tpu.memory_space<vmem>>, vector<128x128xf32>
    %max3A_2217 = arith.maximumf %max3A_2213, %get3A_2216 : vector<128x128xf32>
    %get3A_2218 = arith.constant 2176 : index
    %get3A_2219 = arith.constant 0 : index
    %get3A_2220 = vector.load %arg8[%get3A_2218, %get3A_2219] : memref<4096x128xf32, #tpu.memory_space<vmem>>, vector<128x128xf32>
    %max3A_2221 = arith.maximumf %max3A_2217, %get3A_2220 : vector<128x128xf32>
    %get3A_2222 = arith.constant 2304 : index
    %get3A_2223 = arith.constant 0 : index
    %get3A_2224 = vector.load %arg8[%get3A_2222, %get3A_2223] : memref<4096x128xf32, #tpu.memory_space<vmem>>, vector<128x128xf32>
    %max3A_2225 = arith.maximumf %max3A_2221, %get3A_2224 : vector<128x128xf32>
    %get3A_2226 = arith.constant 2432 : index
    %get3A_2227 = arith.constant 0 : index
    %get3A_2228 = vector.load %arg8[%get3A_2226, %get3A_2227] : memref<4096x128xf32, #tpu.memory_space<vmem>>, vector<128x128xf32>
    %max3A_2229 = arith.maximumf %max3A_2225, %get3A_2228 : vector<128x128xf32>
    %get3A_2230 = arith.constant 2048 : index
    %get3A_2231 = arith.constant 0 : index
    %get3A_2232 = vector.load %arg6[%get3A_2230, %get3A_2231] : memref<4096x128xf32, #tpu.memory_space<vmem>>, vector<128x128xf32>
    %ge3A_2233 = arith.cmpf oge, %get3A_2232, %max3A_2229 : vector<128x128xf32>
    %ge3A_2234 = arith.constant 5.000000e+01 : f32
    %ge3A_2235 = vector.broadcast %ge3A_2234 : f32 to vector<128x128xf32>
    %ge3A_2236 = arith.cmpf oge, %get3A_2232, %ge3A_2235 : vector<128x128xf32>
    %and3A_2237 = arith.andi %ge3A_2233, %ge3A_2236 : vector<128x128xi1>
    %jit3A_2238 = arith.constant 0.000000e+00 : f32
    %broadcast_in_dim3A_2239 = vector.broadcast %jit3A_2238 : f32 to vector<128x128xf32>
    %select_n3A_2240 = arith.select %and3A_2237, %get3A_2232, %broadcast_in_dim3A_2239 : vector<128x128xi1>, vector<128x128xf32>
    %swap3A_2241 = arith.constant 2048 : index
    %swap3A_2242 = arith.constant 0 : index
    %swap3A_2243 = vector.load %arg7[%swap3A_2241, %swap3A_2242] : memref<4096x128xf32, #tpu.memory_space<vmem>>, vector<128x128xf32>
    tpu.vector_store %arg7[%swap3A_2241, %swap3A_2242], %select_n3A_2240 {strides = array<i32>} : memref<4096x128xf32, #tpu.memory_space<vmem>>, vector<128x128xf32>,
    %reshape3A_2244 = vector.shape_cast %select_n3A_2240 : vector<128x128xf32> to vector<2x64x128xf32>
    %reduce_max3A_2245 = arith.constant dense<0xFF800000> : vector<2x128xf32>
    %reduce_max3A_2246 = vector.multi_reduction <maximumf>, %reshape3A_2244, %reduce_max3A_2245 [1] : vector<2x64x128xf32> to vector<2x128xf32>
    %swap3A_2247 = arith.constant 32 : index
    %swap3A_2248 = arith.constant 0 : index
    %swap3A_2249 = vector.load %arg9[%swap3A_2247, %swap3A_2248] : memref<64x128xf32, #tpu.memory_space<vmem>>, vector<2x128xf32>
    tpu.vector_store %arg9[%swap3A_2247, %swap3A_2248], %reduce_max3A_2246 {strides = array<i32>} : memref<64x128xf32, #tpu.memory_space<vmem>>, vector<2x128xf32>,
    %get3A_2250 = arith.constant 2176 : index
    %get3A_2251 = arith.constant 0 : index
    %get3A_2252 = vector.load %arg8[%get3A_2250, %get3A_2251] : memref<4096x128xf32, #tpu.memory_space<vmem>>, vector<128x128xf32>
    %get3A_2253 = arith.constant 1792 : index
    %get3A_2254 = arith.constant 0 : index
    %get3A_2255 = vector.load %arg8[%get3A_2253, %get3A_2254] : memref<4096x128xf32, #tpu.memory_space<vmem>>, vector<128x128xf32>
    %max3A_2256 = arith.maximumf %get3A_2252, %get3A_2255 : vector<128x128xf32>
    %get3A_2257 = arith.constant 1920 : index
    %get3A_2258 = arith.constant 0 : index
    %get3A_2259 = vector.load %arg8[%get3A_2257, %get3A_2258] : memref<4096x128xf32, #tpu.memory_space<vmem>>, vector<128x128xf32>
    %max3A_2260 = arith.maximumf %max3A_2256, %get3A_2259 : vector<128x128xf32>
    %get3A_2261 = arith.constant 2048 : index
    %get3A_2262 = arith.constant 0 : index
    %get3A_2263 = vector.load %arg8[%get3A_2261, %get3A_2262] : memref<4096x128xf32, #tpu.memory_space<vmem>>, vector<128x128xf32>
    %max3A_2264 = arith.maximumf %max3A_2260, %get3A_2263 : vector<128x128xf32>
    %get3A_2265 = arith.constant 2304 : index
    %get3A_2266 = arith.constant 0 : index
    %get3A_2267 = vector.load %arg8[%get3A_2265, %get3A_2266] : memref<4096x128xf32, #tpu.memory_space<vmem>>, vector<128x128xf32>
    %max3A_2268 = arith.maximumf %max3A_2264, %get3A_2267 : vector<128x128xf32>
    %get3A_2269 = arith.constant 2432 : index
    %get3A_2270 = arith.constant 0 : index
    %get3A_2271 = vector.load %arg8[%get3A_2269, %get3A_2270] : memref<4096x128xf32, #tpu.memory_space<vmem>>, vector<128x128xf32>
    %max3A_2272 = arith.maximumf %max3A_2268, %get3A_2271 : vector<128x128xf32>
    %get3A_2273 = arith.constant 2560 : index
    %get3A_2274 = arith.constant 0 : index
    %get3A_2275 = vector.load %arg8[%get3A_2273, %get3A_2274] : memref<4096x128xf32, #tpu.memory_space<vmem>>, vector<128x128xf32>
    %max3A_2276 = arith.maximumf %max3A_2272, %get3A_2275 : vector<128x128xf32>
    %get3A_2277 = arith.constant 2176 : index
    %get3A_2278 = arith.constant 0 : index
    %get3A_2279 = vector.load %arg6[%get3A_2277, %get3A_2278] : memref<4096x128xf32, #tpu.memory_space<vmem>>, vector<128x128xf32>
    %ge3A_2280 = arith.cmpf oge, %get3A_2279, %max3A_2276 : vector<128x128xf32>
    %ge3A_2281 = arith.constant 5.000000e+01 : f32
    %ge3A_2282 = vector.broadcast %ge3A_2281 : f32 to vector<128x128xf32>
    %ge3A_2283 = arith.cmpf oge, %get3A_2279, %ge3A_2282 : vector<128x128xf32>
    %and3A_2284 = arith.andi %ge3A_2280, %ge3A_2283 : vector<128x128xi1>
    %jit3A_2285 = arith.constant 0.000000e+00 : f32
    %broadcast_in_dim3A_2286 = vector.broadcast %jit3A_2285 : f32 to vector<128x128xf32>
    %select_n3A_2287 = arith.select %and3A_2284, %get3A_2279, %broadcast_in_dim3A_2286 : vector<128x128xi1>, vector<128x128xf32>
    %swap3A_2288 = arith.constant 2176 : index
    %swap3A_2289 = arith.constant 0 : index
    %swap3A_2290 = vector.load %arg7[%swap3A_2288, %swap3A_2289] : memref<4096x128xf32, #tpu.memory_space<vmem>>, vector<128x128xf32>
    tpu.vector_store %arg7[%swap3A_2288, %swap3A_2289], %select_n3A_2287 {strides = array<i32>} : memref<4096x128xf32, #tpu.memory_space<vmem>>, vector<128x128xf32>,
    %reshape3A_2291 = vector.shape_cast %select_n3A_2287 : vector<128x128xf32> to vector<2x64x128xf32>
    %reduce_max3A_2292 = arith.constant dense<0xFF800000> : vector<2x128xf32>
    %reduce_max3A_2293 = vector.multi_reduction <maximumf>, %reshape3A_2291, %reduce_max3A_2292 [1] : vector<2x64x128xf32> to vector<2x128xf32>
    %swap3A_2294 = arith.constant 34 : index
    %swap3A_2295 = arith.constant 0 : index
    %swap3A_2296 = vector.load %arg9[%swap3A_2294, %swap3A_2295] : memref<64x128xf32, #tpu.memory_space<vmem>>, vector<2x128xf32>
    tpu.vector_store %arg9[%swap3A_2294, %swap3A_2295], %reduce_max3A_2293 {strides = array<i32>} : memref<64x128xf32, #tpu.memory_space<vmem>>, vector<2x128xf32>,
    %get3A_2297 = arith.constant 2304 : index
    %get3A_2298 = arith.constant 0 : index
    %get3A_2299 = vector.load %arg8[%get3A_2297, %get3A_2298] : memref<4096x128xf32, #tpu.memory_space<vmem>>, vector<128x128xf32>
    %get3A_2300 = arith.constant 1920 : index
    %get3A_2301 = arith.constant 0 : index
    %get3A_2302 = vector.load %arg8[%get3A_2300, %get3A_2301] : memref<4096x128xf32, #tpu.memory_space<vmem>>, vector<128x128xf32>
    %max3A_2303 = arith.maximumf %get3A_2299, %get3A_2302 : vector<128x128xf32>
    %get3A_2304 = arith.constant 2048 : index
    %get3A_2305 = arith.constant 0 : index
    %get3A_2306 = vector.load %arg8[%get3A_2304, %get3A_2305] : memref<4096x128xf32, #tpu.memory_space<vmem>>, vector<128x128xf32>
    %max3A_2307 = arith.maximumf %max3A_2303, %get3A_2306 : vector<128x128xf32>
    %get3A_2308 = arith.constant 2176 : index
    %get3A_2309 = arith.constant 0 : index
    %get3A_2310 = vector.load %arg8[%get3A_2308, %get3A_2309] : memref<4096x128xf32, #tpu.memory_space<vmem>>, vector<128x128xf32>
    %max3A_2311 = arith.maximumf %max3A_2307, %get3A_2310 : vector<128x128xf32>
    %get3A_2312 = arith.constant 2432 : index
    %get3A_2313 = arith.constant 0 : index
    %get3A_2314 = vector.load %arg8[%get3A_2312, %get3A_2313] : memref<4096x128xf32, #tpu.memory_space<vmem>>, vector<128x128xf32>
    %max3A_2315 = arith.maximumf %max3A_2311, %get3A_2314 : vector<128x128xf32>
    %get3A_2316 = arith.constant 2560 : index
    %get3A_2317 = arith.constant 0 : index
    %get3A_2318 = vector.load %arg8[%get3A_2316, %get3A_2317] : memref<4096x128xf32, #tpu.memory_space<vmem>>, vector<128x128xf32>
    %max3A_2319 = arith.maximumf %max3A_2315, %get3A_2318 : vector<128x128xf32>
    %get3A_2320 = arith.constant 2688 : index
    %get3A_2321 = arith.constant 0 : index
    %get3A_2322 = vector.load %arg8[%get3A_2320, %get3A_2321] : memref<4096x128xf32, #tpu.memory_space<vmem>>, vector<128x128xf32>
    %max3A_2323 = arith.maximumf %max3A_2319, %get3A_2322 : vector<128x128xf32>
    %get3A_2324 = arith.constant 2304 : index
    %get3A_2325 = arith.constant 0 : index
    %get3A_2326 = vector.load %arg6[%get3A_2324, %get3A_2325] : memref<4096x128xf32, #tpu.memory_space<vmem>>, vector<128x128xf32>
    %ge3A_2327 = arith.cmpf oge, %get3A_2326, %max3A_2323 : vector<128x128xf32>
    %ge3A_2328 = arith.constant 5.000000e+01 : f32
    %ge3A_2329 = vector.broadcast %ge3A_2328 : f32 to vector<128x128xf32>
    %ge3A_2330 = arith.cmpf oge, %get3A_2326, %ge3A_2329 : vector<128x128xf32>
    %and3A_2331 = arith.andi %ge3A_2327, %ge3A_2330 : vector<128x128xi1>
    %jit3A_2332 = arith.constant 0.000000e+00 : f32
    %broadcast_in_dim3A_2333 = vector.broadcast %jit3A_2332 : f32 to vector<128x128xf32>
    %select_n3A_2334 = arith.select %and3A_2331, %get3A_2326, %broadcast_in_dim3A_2333 : vector<128x128xi1>, vector<128x128xf32>
    %swap3A_2335 = arith.constant 2304 : index
    %swap3A_2336 = arith.constant 0 : index
    %swap3A_2337 = vector.load %arg7[%swap3A_2335, %swap3A_2336] : memref<4096x128xf32, #tpu.memory_space<vmem>>, vector<128x128xf32>
    tpu.vector_store %arg7[%swap3A_2335, %swap3A_2336], %select_n3A_2334 {strides = array<i32>} : memref<4096x128xf32, #tpu.memory_space<vmem>>, vector<128x128xf32>,
    %reshape3A_2338 = vector.shape_cast %select_n3A_2334 : vector<128x128xf32> to vector<2x64x128xf32>
    %reduce_max3A_2339 = arith.constant dense<0xFF800000> : vector<2x128xf32>
    %reduce_max3A_2340 = vector.multi_reduction <maximumf>, %reshape3A_2338, %reduce_max3A_2339 [1] : vector<2x64x128xf32> to vector<2x128xf32>
    %swap3A_2341 = arith.constant 36 : index
    %swap3A_2342 = arith.constant 0 : index
    %swap3A_2343 = vector.load %arg9[%swap3A_2341, %swap3A_2342] : memref<64x128xf32, #tpu.memory_space<vmem>>, vector<2x128xf32>
    tpu.vector_store %arg9[%swap3A_2341, %swap3A_2342], %reduce_max3A_2340 {strides = array<i32>} : memref<64x128xf32, #tpu.memory_space<vmem>>, vector<2x128xf32>,
    %get3A_2344 = arith.constant 2432 : index
    %get3A_2345 = arith.constant 0 : index
    %get3A_2346 = vector.load %arg8[%get3A_2344, %get3A_2345] : memref<4096x128xf32, #tpu.memory_space<vmem>>, vector<128x128xf32>
    %get3A_2347 = arith.constant 2048 : index
    %get3A_2348 = arith.constant 0 : index
    %get3A_2349 = vector.load %arg8[%get3A_2347, %get3A_2348] : memref<4096x128xf32, #tpu.memory_space<vmem>>, vector<128x128xf32>
    %max3A_2350 = arith.maximumf %get3A_2346, %get3A_2349 : vector<128x128xf32>
    %get3A_2351 = arith.constant 2176 : index
    %get3A_2352 = arith.constant 0 : index
    %get3A_2353 = vector.load %arg8[%get3A_2351, %get3A_2352] : memref<4096x128xf32, #tpu.memory_space<vmem>>, vector<128x128xf32>
    %max3A_2354 = arith.maximumf %max3A_2350, %get3A_2353 : vector<128x128xf32>
    %get3A_2355 = arith.constant 2304 : index
    %get3A_2356 = arith.constant 0 : index
    %get3A_2357 = vector.load %arg8[%get3A_2355, %get3A_2356] : memref<4096x128xf32, #tpu.memory_space<vmem>>, vector<128x128xf32>
    %max3A_2358 = arith.maximumf %max3A_2354, %get3A_2357 : vector<128x128xf32>
    %get3A_2359 = arith.constant 2560 : index
    %get3A_2360 = arith.constant 0 : index
    %get3A_2361 = vector.load %arg8[%get3A_2359, %get3A_2360] : memref<4096x128xf32, #tpu.memory_space<vmem>>, vector<128x128xf32>
    %max3A_2362 = arith.maximumf %max3A_2358, %get3A_2361 : vector<128x128xf32>
    %get3A_2363 = arith.constant 2688 : index
    %get3A_2364 = arith.constant 0 : index
    %get3A_2365 = vector.load %arg8[%get3A_2363, %get3A_2364] : memref<4096x128xf32, #tpu.memory_space<vmem>>, vector<128x128xf32>
    %max3A_2366 = arith.maximumf %max3A_2362, %get3A_2365 : vector<128x128xf32>
    %get3A_2367 = arith.constant 2816 : index
    %get3A_2368 = arith.constant 0 : index
    %get3A_2369 = vector.load %arg8[%get3A_2367, %get3A_2368] : memref<4096x128xf32, #tpu.memory_space<vmem>>, vector<128x128xf32>
    %max3A_2370 = arith.maximumf %max3A_2366, %get3A_2369 : vector<128x128xf32>
    %get3A_2371 = arith.constant 2432 : index
    %get3A_2372 = arith.constant 0 : index
    %get3A_2373 = vector.load %arg6[%get3A_2371, %get3A_2372] : memref<4096x128xf32, #tpu.memory_space<vmem>>, vector<128x128xf32>
    %ge3A_2374 = arith.cmpf oge, %get3A_2373, %max3A_2370 : vector<128x128xf32>
    %ge3A_2375 = arith.constant 5.000000e+01 : f32
    %ge3A_2376 = vector.broadcast %ge3A_2375 : f32 to vector<128x128xf32>
    %ge3A_2377 = arith.cmpf oge, %get3A_2373, %ge3A_2376 : vector<128x128xf32>
    %and3A_2378 = arith.andi %ge3A_2374, %ge3A_2377 : vector<128x128xi1>
    %jit3A_2379 = arith.constant 0.000000e+00 : f32
    %broadcast_in_dim3A_2380 = vector.broadcast %jit3A_2379 : f32 to vector<128x128xf32>
    %select_n3A_2381 = arith.select %and3A_2378, %get3A_2373, %broadcast_in_dim3A_2380 : vector<128x128xi1>, vector<128x128xf32>
    %swap3A_2382 = arith.constant 2432 : index
    %swap3A_2383 = arith.constant 0 : index
    %swap3A_2384 = vector.load %arg7[%swap3A_2382, %swap3A_2383] : memref<4096x128xf32, #tpu.memory_space<vmem>>, vector<128x128xf32>
    tpu.vector_store %arg7[%swap3A_2382, %swap3A_2383], %select_n3A_2381 {strides = array<i32>} : memref<4096x128xf32, #tpu.memory_space<vmem>>, vector<128x128xf32>,
    %reshape3A_2385 = vector.shape_cast %select_n3A_2381 : vector<128x128xf32> to vector<2x64x128xf32>
    %reduce_max3A_2386 = arith.constant dense<0xFF800000> : vector<2x128xf32>
    %reduce_max3A_2387 = vector.multi_reduction <maximumf>, %reshape3A_2385, %reduce_max3A_2386 [1] : vector<2x64x128xf32> to vector<2x128xf32>
    %swap3A_2388 = arith.constant 38 : index
    %swap3A_2389 = arith.constant 0 : index
    %swap3A_2390 = vector.load %arg9[%swap3A_2388, %swap3A_2389] : memref<64x128xf32, #tpu.memory_space<vmem>>, vector<2x128xf32>
    tpu.vector_store %arg9[%swap3A_2388, %swap3A_2389], %reduce_max3A_2387 {strides = array<i32>} : memref<64x128xf32, #tpu.memory_space<vmem>>, vector<2x128xf32>,
    %get3A_2391 = arith.constant 2560 : index
    %get3A_2392 = arith.constant 0 : index
    %get3A_2393 = vector.load %arg8[%get3A_2391, %get3A_2392] : memref<4096x128xf32, #tpu.memory_space<vmem>>, vector<128x128xf32>
    %get3A_2394 = arith.constant 2176 : index
    %get3A_2395 = arith.constant 0 : index
    %get3A_2396 = vector.load %arg8[%get3A_2394, %get3A_2395] : memref<4096x128xf32, #tpu.memory_space<vmem>>, vector<128x128xf32>
    %max3A_2397 = arith.maximumf %get3A_2393, %get3A_2396 : vector<128x128xf32>
    %get3A_2398 = arith.constant 2304 : index
    %get3A_2399 = arith.constant 0 : index
    %get3A_2400 = vector.load %arg8[%get3A_2398, %get3A_2399] : memref<4096x128xf32, #tpu.memory_space<vmem>>, vector<128x128xf32>
    %max3A_2401 = arith.maximumf %max3A_2397, %get3A_2400 : vector<128x128xf32>
    %get3A_2402 = arith.constant 2432 : index
    %get3A_2403 = arith.constant 0 : index
    %get3A_2404 = vector.load %arg8[%get3A_2402, %get3A_2403] : memref<4096x128xf32, #tpu.memory_space<vmem>>, vector<128x128xf32>
    %max3A_2405 = arith.maximumf %max3A_2401, %get3A_2404 : vector<128x128xf32>
    %get3A_2406 = arith.constant 2688 : index
    %get3A_2407 = arith.constant 0 : index
    %get3A_2408 = vector.load %arg8[%get3A_2406, %get3A_2407] : memref<4096x128xf32, #tpu.memory_space<vmem>>, vector<128x128xf32>
    %max3A_2409 = arith.maximumf %max3A_2405, %get3A_2408 : vector<128x128xf32>
    %get3A_2410 = arith.constant 2816 : index
    %get3A_2411 = arith.constant 0 : index
    %get3A_2412 = vector.load %arg8[%get3A_2410, %get3A_2411] : memref<4096x128xf32, #tpu.memory_space<vmem>>, vector<128x128xf32>
    %max3A_2413 = arith.maximumf %max3A_2409, %get3A_2412 : vector<128x128xf32>
    %get3A_2414 = arith.constant 2944 : index
    %get3A_2415 = arith.constant 0 : index
    %get3A_2416 = vector.load %arg8[%get3A_2414, %get3A_2415] : memref<4096x128xf32, #tpu.memory_space<vmem>>, vector<128x128xf32>
    %max3A_2417 = arith.maximumf %max3A_2413, %get3A_2416 : vector<128x128xf32>
    %get3A_2418 = arith.constant 2560 : index
    %get3A_2419 = arith.constant 0 : index
    %get3A_2420 = vector.load %arg6[%get3A_2418, %get3A_2419] : memref<4096x128xf32, #tpu.memory_space<vmem>>, vector<128x128xf32>
    %ge3A_2421 = arith.cmpf oge, %get3A_2420, %max3A_2417 : vector<128x128xf32>
    %ge3A_2422 = arith.constant 5.000000e+01 : f32
    %ge3A_2423 = vector.broadcast %ge3A_2422 : f32 to vector<128x128xf32>
    %ge3A_2424 = arith.cmpf oge, %get3A_2420, %ge3A_2423 : vector<128x128xf32>
    %and3A_2425 = arith.andi %ge3A_2421, %ge3A_2424 : vector<128x128xi1>
    %jit3A_2426 = arith.constant 0.000000e+00 : f32
    %broadcast_in_dim3A_2427 = vector.broadcast %jit3A_2426 : f32 to vector<128x128xf32>
    %select_n3A_2428 = arith.select %and3A_2425, %get3A_2420, %broadcast_in_dim3A_2427 : vector<128x128xi1>, vector<128x128xf32>
    %swap3A_2429 = arith.constant 2560 : index
    %swap3A_2430 = arith.constant 0 : index
    %swap3A_2431 = vector.load %arg7[%swap3A_2429, %swap3A_2430] : memref<4096x128xf32, #tpu.memory_space<vmem>>, vector<128x128xf32>
    tpu.vector_store %arg7[%swap3A_2429, %swap3A_2430], %select_n3A_2428 {strides = array<i32>} : memref<4096x128xf32, #tpu.memory_space<vmem>>, vector<128x128xf32>,
    %reshape3A_2432 = vector.shape_cast %select_n3A_2428 : vector<128x128xf32> to vector<2x64x128xf32>
    %reduce_max3A_2433 = arith.constant dense<0xFF800000> : vector<2x128xf32>
    %reduce_max3A_2434 = vector.multi_reduction <maximumf>, %reshape3A_2432, %reduce_max3A_2433 [1] : vector<2x64x128xf32> to vector<2x128xf32>
    %swap3A_2435 = arith.constant 40 : index
    %swap3A_2436 = arith.constant 0 : index
    %swap3A_2437 = vector.load %arg9[%swap3A_2435, %swap3A_2436] : memref<64x128xf32, #tpu.memory_space<vmem>>, vector<2x128xf32>
    tpu.vector_store %arg9[%swap3A_2435, %swap3A_2436], %reduce_max3A_2434 {strides = array<i32>} : memref<64x128xf32, #tpu.memory_space<vmem>>, vector<2x128xf32>,
    %get3A_2438 = arith.constant 2688 : index
    %get3A_2439 = arith.constant 0 : index
    %get3A_2440 = vector.load %arg8[%get3A_2438, %get3A_2439] : memref<4096x128xf32, #tpu.memory_space<vmem>>, vector<128x128xf32>
    %get3A_2441 = arith.constant 2304 : index
    %get3A_2442 = arith.constant 0 : index
    %get3A_2443 = vector.load %arg8[%get3A_2441, %get3A_2442] : memref<4096x128xf32, #tpu.memory_space<vmem>>, vector<128x128xf32>
    %max3A_2444 = arith.maximumf %get3A_2440, %get3A_2443 : vector<128x128xf32>
    %get3A_2445 = arith.constant 2432 : index
    %get3A_2446 = arith.constant 0 : index
    %get3A_2447 = vector.load %arg8[%get3A_2445, %get3A_2446] : memref<4096x128xf32, #tpu.memory_space<vmem>>, vector<128x128xf32>
    %max3A_2448 = arith.maximumf %max3A_2444, %get3A_2447 : vector<128x128xf32>
    %get3A_2449 = arith.constant 2560 : index
    %get3A_2450 = arith.constant 0 : index
    %get3A_2451 = vector.load %arg8[%get3A_2449, %get3A_2450] : memref<4096x128xf32, #tpu.memory_space<vmem>>, vector<128x128xf32>
    %max3A_2452 = arith.maximumf %max3A_2448, %get3A_2451 : vector<128x128xf32>
    %get3A_2453 = arith.constant 2816 : index
    %get3A_2454 = arith.constant 0 : index
    %get3A_2455 = vector.load %arg8[%get3A_2453, %get3A_2454] : memref<4096x128xf32, #tpu.memory_space<vmem>>, vector<128x128xf32>
    %max3A_2456 = arith.maximumf %max3A_2452, %get3A_2455 : vector<128x128xf32>
    %get3A_2457 = arith.constant 2944 : index
    %get3A_2458 = arith.constant 0 : index
    %get3A_2459 = vector.load %arg8[%get3A_2457, %get3A_2458] : memref<4096x128xf32, #tpu.memory_space<vmem>>, vector<128x128xf32>
    %max3A_2460 = arith.maximumf %max3A_2456, %get3A_2459 : vector<128x128xf32>
    %get3A_2461 = arith.constant 3072 : index
    %get3A_2462 = arith.constant 0 : index
    %get3A_2463 = vector.load %arg8[%get3A_2461, %get3A_2462] : memref<4096x128xf32, #tpu.memory_space<vmem>>, vector<128x128xf32>
    %max3A_2464 = arith.maximumf %max3A_2460, %get3A_2463 : vector<128x128xf32>
    %get3A_2465 = arith.constant 2688 : index
    %get3A_2466 = arith.constant 0 : index
    %get3A_2467 = vector.load %arg6[%get3A_2465, %get3A_2466] : memref<4096x128xf32, #tpu.memory_space<vmem>>, vector<128x128xf32>
    %ge3A_2468 = arith.cmpf oge, %get3A_2467, %max3A_2464 : vector<128x128xf32>
    %ge3A_2469 = arith.constant 5.000000e+01 : f32
    %ge3A_2470 = vector.broadcast %ge3A_2469 : f32 to vector<128x128xf32>
    %ge3A_2471 = arith.cmpf oge, %get3A_2467, %ge3A_2470 : vector<128x128xf32>
    %and3A_2472 = arith.andi %ge3A_2468, %ge3A_2471 : vector<128x128xi1>
    %jit3A_2473 = arith.constant 0.000000e+00 : f32
    %broadcast_in_dim3A_2474 = vector.broadcast %jit3A_2473 : f32 to vector<128x128xf32>
    %select_n3A_2475 = arith.select %and3A_2472, %get3A_2467, %broadcast_in_dim3A_2474 : vector<128x128xi1>, vector<128x128xf32>
    %swap3A_2476 = arith.constant 2688 : index
    %swap3A_2477 = arith.constant 0 : index
    %swap3A_2478 = vector.load %arg7[%swap3A_2476, %swap3A_2477] : memref<4096x128xf32, #tpu.memory_space<vmem>>, vector<128x128xf32>
    tpu.vector_store %arg7[%swap3A_2476, %swap3A_2477], %select_n3A_2475 {strides = array<i32>} : memref<4096x128xf32, #tpu.memory_space<vmem>>, vector<128x128xf32>,
    %reshape3A_2479 = vector.shape_cast %select_n3A_2475 : vector<128x128xf32> to vector<2x64x128xf32>
    %reduce_max3A_2480 = arith.constant dense<0xFF800000> : vector<2x128xf32>
    %reduce_max3A_2481 = vector.multi_reduction <maximumf>, %reshape3A_2479, %reduce_max3A_2480 [1] : vector<2x64x128xf32> to vector<2x128xf32>
    %swap3A_2482 = arith.constant 42 : index
    %swap3A_2483 = arith.constant 0 : index
    %swap3A_2484 = vector.load %arg9[%swap3A_2482, %swap3A_2483] : memref<64x128xf32, #tpu.memory_space<vmem>>, vector<2x128xf32>
    tpu.vector_store %arg9[%swap3A_2482, %swap3A_2483], %reduce_max3A_2481 {strides = array<i32>} : memref<64x128xf32, #tpu.memory_space<vmem>>, vector<2x128xf32>,
    %get3A_2485 = arith.constant 2816 : index
    %get3A_2486 = arith.constant 0 : index
    %get3A_2487 = vector.load %arg8[%get3A_2485, %get3A_2486] : memref<4096x128xf32, #tpu.memory_space<vmem>>, vector<128x128xf32>
    %get3A_2488 = arith.constant 2432 : index
    %get3A_2489 = arith.constant 0 : index
    %get3A_2490 = vector.load %arg8[%get3A_2488, %get3A_2489] : memref<4096x128xf32, #tpu.memory_space<vmem>>, vector<128x128xf32>
    %max3A_2491 = arith.maximumf %get3A_2487, %get3A_2490 : vector<128x128xf32>
    %get3A_2492 = arith.constant 2560 : index
    %get3A_2493 = arith.constant 0 : index
    %get3A_2494 = vector.load %arg8[%get3A_2492, %get3A_2493] : memref<4096x128xf32, #tpu.memory_space<vmem>>, vector<128x128xf32>
    %max3A_2495 = arith.maximumf %max3A_2491, %get3A_2494 : vector<128x128xf32>
    %get3A_2496 = arith.constant 2688 : index
    %get3A_2497 = arith.constant 0 : index
    %get3A_2498 = vector.load %arg8[%get3A_2496, %get3A_2497] : memref<4096x128xf32, #tpu.memory_space<vmem>>, vector<128x128xf32>
    %max3A_2499 = arith.maximumf %max3A_2495, %get3A_2498 : vector<128x128xf32>
    %get3A_2500 = arith.constant 2944 : index
    %get3A_2501 = arith.constant 0 : index
    %get3A_2502 = vector.load %arg8[%get3A_2500, %get3A_2501] : memref<4096x128xf32, #tpu.memory_space<vmem>>, vector<128x128xf32>
    %max3A_2503 = arith.maximumf %max3A_2499, %get3A_2502 : vector<128x128xf32>
    %get3A_2504 = arith.constant 3072 : index
    %get3A_2505 = arith.constant 0 : index
    %get3A_2506 = vector.load %arg8[%get3A_2504, %get3A_2505] : memref<4096x128xf32, #tpu.memory_space<vmem>>, vector<128x128xf32>
    %max3A_2507 = arith.maximumf %max3A_2503, %get3A_2506 : vector<128x128xf32>
    %get3A_2508 = arith.constant 3200 : index
    %get3A_2509 = arith.constant 0 : index
    %get3A_2510 = vector.load %arg8[%get3A_2508, %get3A_2509] : memref<4096x128xf32, #tpu.memory_space<vmem>>, vector<128x128xf32>
    %max3A_2511 = arith.maximumf %max3A_2507, %get3A_2510 : vector<128x128xf32>
    %get3A_2512 = arith.constant 2816 : index
    %get3A_2513 = arith.constant 0 : index
    %get3A_2514 = vector.load %arg6[%get3A_2512, %get3A_2513] : memref<4096x128xf32, #tpu.memory_space<vmem>>, vector<128x128xf32>
    %ge3A_2515 = arith.cmpf oge, %get3A_2514, %max3A_2511 : vector<128x128xf32>
    %ge3A_2516 = arith.constant 5.000000e+01 : f32
    %ge3A_2517 = vector.broadcast %ge3A_2516 : f32 to vector<128x128xf32>
    %ge3A_2518 = arith.cmpf oge, %get3A_2514, %ge3A_2517 : vector<128x128xf32>
    %and3A_2519 = arith.andi %ge3A_2515, %ge3A_2518 : vector<128x128xi1>
    %jit3A_2520 = arith.constant 0.000000e+00 : f32
    %broadcast_in_dim3A_2521 = vector.broadcast %jit3A_2520 : f32 to vector<128x128xf32>
    %select_n3A_2522 = arith.select %and3A_2519, %get3A_2514, %broadcast_in_dim3A_2521 : vector<128x128xi1>, vector<128x128xf32>
    %swap3A_2523 = arith.constant 2816 : index
    %swap3A_2524 = arith.constant 0 : index
    %swap3A_2525 = vector.load %arg7[%swap3A_2523, %swap3A_2524] : memref<4096x128xf32, #tpu.memory_space<vmem>>, vector<128x128xf32>
    tpu.vector_store %arg7[%swap3A_2523, %swap3A_2524], %select_n3A_2522 {strides = array<i32>} : memref<4096x128xf32, #tpu.memory_space<vmem>>, vector<128x128xf32>,
    %reshape3A_2526 = vector.shape_cast %select_n3A_2522 : vector<128x128xf32> to vector<2x64x128xf32>
    %reduce_max3A_2527 = arith.constant dense<0xFF800000> : vector<2x128xf32>
    %reduce_max3A_2528 = vector.multi_reduction <maximumf>, %reshape3A_2526, %reduce_max3A_2527 [1] : vector<2x64x128xf32> to vector<2x128xf32>
    %swap3A_2529 = arith.constant 44 : index
    %swap3A_2530 = arith.constant 0 : index
    %swap3A_2531 = vector.load %arg9[%swap3A_2529, %swap3A_2530] : memref<64x128xf32, #tpu.memory_space<vmem>>, vector<2x128xf32>
    tpu.vector_store %arg9[%swap3A_2529, %swap3A_2530], %reduce_max3A_2528 {strides = array<i32>} : memref<64x128xf32, #tpu.memory_space<vmem>>, vector<2x128xf32>,
    %get3A_2532 = arith.constant 2944 : index
    %get3A_2533 = arith.constant 0 : index
    %get3A_2534 = vector.load %arg8[%get3A_2532, %get3A_2533] : memref<4096x128xf32, #tpu.memory_space<vmem>>, vector<128x128xf32>
    %get3A_2535 = arith.constant 2560 : index
    %get3A_2536 = arith.constant 0 : index
    %get3A_2537 = vector.load %arg8[%get3A_2535, %get3A_2536] : memref<4096x128xf32, #tpu.memory_space<vmem>>, vector<128x128xf32>
    %max3A_2538 = arith.maximumf %get3A_2534, %get3A_2537 : vector<128x128xf32>
    %get3A_2539 = arith.constant 2688 : index
    %get3A_2540 = arith.constant 0 : index
    %get3A_2541 = vector.load %arg8[%get3A_2539, %get3A_2540] : memref<4096x128xf32, #tpu.memory_space<vmem>>, vector<128x128xf32>
    %max3A_2542 = arith.maximumf %max3A_2538, %get3A_2541 : vector<128x128xf32>
    %get3A_2543 = arith.constant 2816 : index
    %get3A_2544 = arith.constant 0 : index
    %get3A_2545 = vector.load %arg8[%get3A_2543, %get3A_2544] : memref<4096x128xf32, #tpu.memory_space<vmem>>, vector<128x128xf32>
    %max3A_2546 = arith.maximumf %max3A_2542, %get3A_2545 : vector<128x128xf32>
    %get3A_2547 = arith.constant 3072 : index
    %get3A_2548 = arith.constant 0 : index
    %get3A_2549 = vector.load %arg8[%get3A_2547, %get3A_2548] : memref<4096x128xf32, #tpu.memory_space<vmem>>, vector<128x128xf32>
    %max3A_2550 = arith.maximumf %max3A_2546, %get3A_2549 : vector<128x128xf32>
    %get3A_2551 = arith.constant 3200 : index
    %get3A_2552 = arith.constant 0 : index
    %get3A_2553 = vector.load %arg8[%get3A_2551, %get3A_2552] : memref<4096x128xf32, #tpu.memory_space<vmem>>, vector<128x128xf32>
    %max3A_2554 = arith.maximumf %max3A_2550, %get3A_2553 : vector<128x128xf32>
    %get3A_2555 = arith.constant 3328 : index
    %get3A_2556 = arith.constant 0 : index
    %get3A_2557 = vector.load %arg8[%get3A_2555, %get3A_2556] : memref<4096x128xf32, #tpu.memory_space<vmem>>, vector<128x128xf32>
    %max3A_2558 = arith.maximumf %max3A_2554, %get3A_2557 : vector<128x128xf32>
    %get3A_2559 = arith.constant 2944 : index
    %get3A_2560 = arith.constant 0 : index
    %get3A_2561 = vector.load %arg6[%get3A_2559, %get3A_2560] : memref<4096x128xf32, #tpu.memory_space<vmem>>, vector<128x128xf32>
    %ge3A_2562 = arith.cmpf oge, %get3A_2561, %max3A_2558 : vector<128x128xf32>
    %ge3A_2563 = arith.constant 5.000000e+01 : f32
    %ge3A_2564 = vector.broadcast %ge3A_2563 : f32 to vector<128x128xf32>
    %ge3A_2565 = arith.cmpf oge, %get3A_2561, %ge3A_2564 : vector<128x128xf32>
    %and3A_2566 = arith.andi %ge3A_2562, %ge3A_2565 : vector<128x128xi1>
    %jit3A_2567 = arith.constant 0.000000e+00 : f32
    %broadcast_in_dim3A_2568 = vector.broadcast %jit3A_2567 : f32 to vector<128x128xf32>
    %select_n3A_2569 = arith.select %and3A_2566, %get3A_2561, %broadcast_in_dim3A_2568 : vector<128x128xi1>, vector<128x128xf32>
    %swap3A_2570 = arith.constant 2944 : index
    %swap3A_2571 = arith.constant 0 : index
    %swap3A_2572 = vector.load %arg7[%swap3A_2570, %swap3A_2571] : memref<4096x128xf32, #tpu.memory_space<vmem>>, vector<128x128xf32>
    tpu.vector_store %arg7[%swap3A_2570, %swap3A_2571], %select_n3A_2569 {strides = array<i32>} : memref<4096x128xf32, #tpu.memory_space<vmem>>, vector<128x128xf32>,
    %reshape3A_2573 = vector.shape_cast %select_n3A_2569 : vector<128x128xf32> to vector<2x64x128xf32>
    %reduce_max3A_2574 = arith.constant dense<0xFF800000> : vector<2x128xf32>
    %reduce_max3A_2575 = vector.multi_reduction <maximumf>, %reshape3A_2573, %reduce_max3A_2574 [1] : vector<2x64x128xf32> to vector<2x128xf32>
    %swap3A_2576 = arith.constant 46 : index
    %swap3A_2577 = arith.constant 0 : index
    %swap3A_2578 = vector.load %arg9[%swap3A_2576, %swap3A_2577] : memref<64x128xf32, #tpu.memory_space<vmem>>, vector<2x128xf32>
    tpu.vector_store %arg9[%swap3A_2576, %swap3A_2577], %reduce_max3A_2575 {strides = array<i32>} : memref<64x128xf32, #tpu.memory_space<vmem>>, vector<2x128xf32>,
    %get3A_2579 = arith.constant 3072 : index
    %get3A_2580 = arith.constant 0 : index
    %get3A_2581 = vector.load %arg8[%get3A_2579, %get3A_2580] : memref<4096x128xf32, #tpu.memory_space<vmem>>, vector<128x128xf32>
    %get3A_2582 = arith.constant 2688 : index
    %get3A_2583 = arith.constant 0 : index
    %get3A_2584 = vector.load %arg8[%get3A_2582, %get3A_2583] : memref<4096x128xf32, #tpu.memory_space<vmem>>, vector<128x128xf32>
    %max3A_2585 = arith.maximumf %get3A_2581, %get3A_2584 : vector<128x128xf32>
    %get3A_2586 = arith.constant 2816 : index
    %get3A_2587 = arith.constant 0 : index
    %get3A_2588 = vector.load %arg8[%get3A_2586, %get3A_2587] : memref<4096x128xf32, #tpu.memory_space<vmem>>, vector<128x128xf32>
    %max3A_2589 = arith.maximumf %max3A_2585, %get3A_2588 : vector<128x128xf32>
    %get3A_2590 = arith.constant 2944 : index
    %get3A_2591 = arith.constant 0 : index
    %get3A_2592 = vector.load %arg8[%get3A_2590, %get3A_2591] : memref<4096x128xf32, #tpu.memory_space<vmem>>, vector<128x128xf32>
    %max3A_2593 = arith.maximumf %max3A_2589, %get3A_2592 : vector<128x128xf32>
    %get3A_2594 = arith.constant 3200 : index
    %get3A_2595 = arith.constant 0 : index
    %get3A_2596 = vector.load %arg8[%get3A_2594, %get3A_2595] : memref<4096x128xf32, #tpu.memory_space<vmem>>, vector<128x128xf32>
    %max3A_2597 = arith.maximumf %max3A_2593, %get3A_2596 : vector<128x128xf32>
    %get3A_2598 = arith.constant 3328 : index
    %get3A_2599 = arith.constant 0 : index
    %get3A_2600 = vector.load %arg8[%get3A_2598, %get3A_2599] : memref<4096x128xf32, #tpu.memory_space<vmem>>, vector<128x128xf32>
    %max3A_2601 = arith.maximumf %max3A_2597, %get3A_2600 : vector<128x128xf32>
    %get3A_2602 = arith.constant 3456 : index
    %get3A_2603 = arith.constant 0 : index
    %get3A_2604 = vector.load %arg8[%get3A_2602, %get3A_2603] : memref<4096x128xf32, #tpu.memory_space<vmem>>, vector<128x128xf32>
    %max3A_2605 = arith.maximumf %max3A_2601, %get3A_2604 : vector<128x128xf32>
    %get3A_2606 = arith.constant 3072 : index
    %get3A_2607 = arith.constant 0 : index
    %get3A_2608 = vector.load %arg6[%get3A_2606, %get3A_2607] : memref<4096x128xf32, #tpu.memory_space<vmem>>, vector<128x128xf32>
    %ge3A_2609 = arith.cmpf oge, %get3A_2608, %max3A_2605 : vector<128x128xf32>
    %ge3A_2610 = arith.constant 5.000000e+01 : f32
    %ge3A_2611 = vector.broadcast %ge3A_2610 : f32 to vector<128x128xf32>
    %ge3A_2612 = arith.cmpf oge, %get3A_2608, %ge3A_2611 : vector<128x128xf32>
    %and3A_2613 = arith.andi %ge3A_2609, %ge3A_2612 : vector<128x128xi1>
    %jit3A_2614 = arith.constant 0.000000e+00 : f32
    %broadcast_in_dim3A_2615 = vector.broadcast %jit3A_2614 : f32 to vector<128x128xf32>
    %select_n3A_2616 = arith.select %and3A_2613, %get3A_2608, %broadcast_in_dim3A_2615 : vector<128x128xi1>, vector<128x128xf32>
    %swap3A_2617 = arith.constant 3072 : index
    %swap3A_2618 = arith.constant 0 : index
    %swap3A_2619 = vector.load %arg7[%swap3A_2617, %swap3A_2618] : memref<4096x128xf32, #tpu.memory_space<vmem>>, vector<128x128xf32>
    tpu.vector_store %arg7[%swap3A_2617, %swap3A_2618], %select_n3A_2616 {strides = array<i32>} : memref<4096x128xf32, #tpu.memory_space<vmem>>, vector<128x128xf32>,
    %reshape3A_2620 = vector.shape_cast %select_n3A_2616 : vector<128x128xf32> to vector<2x64x128xf32>
    %reduce_max3A_2621 = arith.constant dense<0xFF800000> : vector<2x128xf32>
    %reduce_max3A_2622 = vector.multi_reduction <maximumf>, %reshape3A_2620, %reduce_max3A_2621 [1] : vector<2x64x128xf32> to vector<2x128xf32>
    %swap3A_2623 = arith.constant 48 : index
    %swap3A_2624 = arith.constant 0 : index
    %swap3A_2625 = vector.load %arg9[%swap3A_2623, %swap3A_2624] : memref<64x128xf32, #tpu.memory_space<vmem>>, vector<2x128xf32>
    tpu.vector_store %arg9[%swap3A_2623, %swap3A_2624], %reduce_max3A_2622 {strides = array<i32>} : memref<64x128xf32, #tpu.memory_space<vmem>>, vector<2x128xf32>,
    %get3A_2626 = arith.constant 3200 : index
    %get3A_2627 = arith.constant 0 : index
    %get3A_2628 = vector.load %arg8[%get3A_2626, %get3A_2627] : memref<4096x128xf32, #tpu.memory_space<vmem>>, vector<128x128xf32>
    %get3A_2629 = arith.constant 2816 : index
    %get3A_2630 = arith.constant 0 : index
    %get3A_2631 = vector.load %arg8[%get3A_2629, %get3A_2630] : memref<4096x128xf32, #tpu.memory_space<vmem>>, vector<128x128xf32>
    %max3A_2632 = arith.maximumf %get3A_2628, %get3A_2631 : vector<128x128xf32>
    %get3A_2633 = arith.constant 2944 : index
    %get3A_2634 = arith.constant 0 : index
    %get3A_2635 = vector.load %arg8[%get3A_2633, %get3A_2634] : memref<4096x128xf32, #tpu.memory_space<vmem>>, vector<128x128xf32>
    %max3A_2636 = arith.maximumf %max3A_2632, %get3A_2635 : vector<128x128xf32>
    %get3A_2637 = arith.constant 3072 : index
    %get3A_2638 = arith.constant 0 : index
    %get3A_2639 = vector.load %arg8[%get3A_2637, %get3A_2638] : memref<4096x128xf32, #tpu.memory_space<vmem>>, vector<128x128xf32>
    %max3A_2640 = arith.maximumf %max3A_2636, %get3A_2639 : vector<128x128xf32>
    %get3A_2641 = arith.constant 3328 : index
    %get3A_2642 = arith.constant 0 : index
    %get3A_2643 = vector.load %arg8[%get3A_2641, %get3A_2642] : memref<4096x128xf32, #tpu.memory_space<vmem>>, vector<128x128xf32>
    %max3A_2644 = arith.maximumf %max3A_2640, %get3A_2643 : vector<128x128xf32>
    %get3A_2645 = arith.constant 3456 : index
    %get3A_2646 = arith.constant 0 : index
    %get3A_2647 = vector.load %arg8[%get3A_2645, %get3A_2646] : memref<4096x128xf32, #tpu.memory_space<vmem>>, vector<128x128xf32>
    %max3A_2648 = arith.maximumf %max3A_2644, %get3A_2647 : vector<128x128xf32>
    %get3A_2649 = arith.constant 3584 : index
    %get3A_2650 = arith.constant 0 : index
    %get3A_2651 = vector.load %arg8[%get3A_2649, %get3A_2650] : memref<4096x128xf32, #tpu.memory_space<vmem>>, vector<128x128xf32>
    %max3A_2652 = arith.maximumf %max3A_2648, %get3A_2651 : vector<128x128xf32>
    %get3A_2653 = arith.constant 3200 : index
    %get3A_2654 = arith.constant 0 : index
    %get3A_2655 = vector.load %arg6[%get3A_2653, %get3A_2654] : memref<4096x128xf32, #tpu.memory_space<vmem>>, vector<128x128xf32>
    %ge3A_2656 = arith.cmpf oge, %get3A_2655, %max3A_2652 : vector<128x128xf32>
    %ge3A_2657 = arith.constant 5.000000e+01 : f32
    %ge3A_2658 = vector.broadcast %ge3A_2657 : f32 to vector<128x128xf32>
    %ge3A_2659 = arith.cmpf oge, %get3A_2655, %ge3A_2658 : vector<128x128xf32>
    %and3A_2660 = arith.andi %ge3A_2656, %ge3A_2659 : vector<128x128xi1>
    %jit3A_2661 = arith.constant 0.000000e+00 : f32
    %broadcast_in_dim3A_2662 = vector.broadcast %jit3A_2661 : f32 to vector<128x128xf32>
    %select_n3A_2663 = arith.select %and3A_2660, %get3A_2655, %broadcast_in_dim3A_2662 : vector<128x128xi1>, vector<128x128xf32>
    %swap3A_2664 = arith.constant 3200 : index
    %swap3A_2665 = arith.constant 0 : index
    %swap3A_2666 = vector.load %arg7[%swap3A_2664, %swap3A_2665] : memref<4096x128xf32, #tpu.memory_space<vmem>>, vector<128x128xf32>
    tpu.vector_store %arg7[%swap3A_2664, %swap3A_2665], %select_n3A_2663 {strides = array<i32>} : memref<4096x128xf32, #tpu.memory_space<vmem>>, vector<128x128xf32>,
    %reshape3A_2667 = vector.shape_cast %select_n3A_2663 : vector<128x128xf32> to vector<2x64x128xf32>
    %reduce_max3A_2668 = arith.constant dense<0xFF800000> : vector<2x128xf32>
    %reduce_max3A_2669 = vector.multi_reduction <maximumf>, %reshape3A_2667, %reduce_max3A_2668 [1] : vector<2x64x128xf32> to vector<2x128xf32>
    %swap3A_2670 = arith.constant 50 : index
    %swap3A_2671 = arith.constant 0 : index
    %swap3A_2672 = vector.load %arg9[%swap3A_2670, %swap3A_2671] : memref<64x128xf32, #tpu.memory_space<vmem>>, vector<2x128xf32>
    tpu.vector_store %arg9[%swap3A_2670, %swap3A_2671], %reduce_max3A_2669 {strides = array<i32>} : memref<64x128xf32, #tpu.memory_space<vmem>>, vector<2x128xf32>,
    %get3A_2673 = arith.constant 3328 : index
    %get3A_2674 = arith.constant 0 : index
    %get3A_2675 = vector.load %arg8[%get3A_2673, %get3A_2674] : memref<4096x128xf32, #tpu.memory_space<vmem>>, vector<128x128xf32>
    %get3A_2676 = arith.constant 2944 : index
    %get3A_2677 = arith.constant 0 : index
    %get3A_2678 = vector.load %arg8[%get3A_2676, %get3A_2677] : memref<4096x128xf32, #tpu.memory_space<vmem>>, vector<128x128xf32>
    %max3A_2679 = arith.maximumf %get3A_2675, %get3A_2678 : vector<128x128xf32>
    %get3A_2680 = arith.constant 3072 : index
    %get3A_2681 = arith.constant 0 : index
    %get3A_2682 = vector.load %arg8[%get3A_2680, %get3A_2681] : memref<4096x128xf32, #tpu.memory_space<vmem>>, vector<128x128xf32>
    %max3A_2683 = arith.maximumf %max3A_2679, %get3A_2682 : vector<128x128xf32>
    %get3A_2684 = arith.constant 3200 : index
    %get3A_2685 = arith.constant 0 : index
    %get3A_2686 = vector.load %arg8[%get3A_2684, %get3A_2685] : memref<4096x128xf32, #tpu.memory_space<vmem>>, vector<128x128xf32>
    %max3A_2687 = arith.maximumf %max3A_2683, %get3A_2686 : vector<128x128xf32>
    %get3A_2688 = arith.constant 3456 : index
    %get3A_2689 = arith.constant 0 : index
    %get3A_2690 = vector.load %arg8[%get3A_2688, %get3A_2689] : memref<4096x128xf32, #tpu.memory_space<vmem>>, vector<128x128xf32>
    %max3A_2691 = arith.maximumf %max3A_2687, %get3A_2690 : vector<128x128xf32>
    %get3A_2692 = arith.constant 3584 : index
    %get3A_2693 = arith.constant 0 : index
    %get3A_2694 = vector.load %arg8[%get3A_2692, %get3A_2693] : memref<4096x128xf32, #tpu.memory_space<vmem>>, vector<128x128xf32>
    %max3A_2695 = arith.maximumf %max3A_2691, %get3A_2694 : vector<128x128xf32>
    %get3A_2696 = arith.constant 3712 : index
    %get3A_2697 = arith.constant 0 : index
    %get3A_2698 = vector.load %arg8[%get3A_2696, %get3A_2697] : memref<4096x128xf32, #tpu.memory_space<vmem>>, vector<128x128xf32>
    %max3A_2699 = arith.maximumf %max3A_2695, %get3A_2698 : vector<128x128xf32>
    %get3A_2700 = arith.constant 3328 : index
    %get3A_2701 = arith.constant 0 : index
    %get3A_2702 = vector.load %arg6[%get3A_2700, %get3A_2701] : memref<4096x128xf32, #tpu.memory_space<vmem>>, vector<128x128xf32>
    %ge3A_2703 = arith.cmpf oge, %get3A_2702, %max3A_2699 : vector<128x128xf32>
    %ge3A_2704 = arith.constant 5.000000e+01 : f32
    %ge3A_2705 = vector.broadcast %ge3A_2704 : f32 to vector<128x128xf32>
    %ge3A_2706 = arith.cmpf oge, %get3A_2702, %ge3A_2705 : vector<128x128xf32>
    %and3A_2707 = arith.andi %ge3A_2703, %ge3A_2706 : vector<128x128xi1>
    %jit3A_2708 = arith.constant 0.000000e+00 : f32
    %broadcast_in_dim3A_2709 = vector.broadcast %jit3A_2708 : f32 to vector<128x128xf32>
    %select_n3A_2710 = arith.select %and3A_2707, %get3A_2702, %broadcast_in_dim3A_2709 : vector<128x128xi1>, vector<128x128xf32>
    %swap3A_2711 = arith.constant 3328 : index
    %swap3A_2712 = arith.constant 0 : index
    %swap3A_2713 = vector.load %arg7[%swap3A_2711, %swap3A_2712] : memref<4096x128xf32, #tpu.memory_space<vmem>>, vector<128x128xf32>
    tpu.vector_store %arg7[%swap3A_2711, %swap3A_2712], %select_n3A_2710 {strides = array<i32>} : memref<4096x128xf32, #tpu.memory_space<vmem>>, vector<128x128xf32>,
    %reshape3A_2714 = vector.shape_cast %select_n3A_2710 : vector<128x128xf32> to vector<2x64x128xf32>
    %reduce_max3A_2715 = arith.constant dense<0xFF800000> : vector<2x128xf32>
    %reduce_max3A_2716 = vector.multi_reduction <maximumf>, %reshape3A_2714, %reduce_max3A_2715 [1] : vector<2x64x128xf32> to vector<2x128xf32>
    %swap3A_2717 = arith.constant 52 : index
    %swap3A_2718 = arith.constant 0 : index
    %swap3A_2719 = vector.load %arg9[%swap3A_2717, %swap3A_2718] : memref<64x128xf32, #tpu.memory_space<vmem>>, vector<2x128xf32>
    tpu.vector_store %arg9[%swap3A_2717, %swap3A_2718], %reduce_max3A_2716 {strides = array<i32>} : memref<64x128xf32, #tpu.memory_space<vmem>>, vector<2x128xf32>,
    %get3A_2720 = arith.constant 3456 : index
    %get3A_2721 = arith.constant 0 : index
    %get3A_2722 = vector.load %arg8[%get3A_2720, %get3A_2721] : memref<4096x128xf32, #tpu.memory_space<vmem>>, vector<128x128xf32>
    %get3A_2723 = arith.constant 3072 : index
    %get3A_2724 = arith.constant 0 : index
    %get3A_2725 = vector.load %arg8[%get3A_2723, %get3A_2724] : memref<4096x128xf32, #tpu.memory_space<vmem>>, vector<128x128xf32>
    %max3A_2726 = arith.maximumf %get3A_2722, %get3A_2725 : vector<128x128xf32>
    %get3A_2727 = arith.constant 3200 : index
    %get3A_2728 = arith.constant 0 : index
    %get3A_2729 = vector.load %arg8[%get3A_2727, %get3A_2728] : memref<4096x128xf32, #tpu.memory_space<vmem>>, vector<128x128xf32>
    %max3A_2730 = arith.maximumf %max3A_2726, %get3A_2729 : vector<128x128xf32>
    %get3A_2731 = arith.constant 3328 : index
    %get3A_2732 = arith.constant 0 : index
    %get3A_2733 = vector.load %arg8[%get3A_2731, %get3A_2732] : memref<4096x128xf32, #tpu.memory_space<vmem>>, vector<128x128xf32>
    %max3A_2734 = arith.maximumf %max3A_2730, %get3A_2733 : vector<128x128xf32>
    %get3A_2735 = arith.constant 3584 : index
    %get3A_2736 = arith.constant 0 : index
    %get3A_2737 = vector.load %arg8[%get3A_2735, %get3A_2736] : memref<4096x128xf32, #tpu.memory_space<vmem>>, vector<128x128xf32>
    %max3A_2738 = arith.maximumf %max3A_2734, %get3A_2737 : vector<128x128xf32>
    %get3A_2739 = arith.constant 3712 : index
    %get3A_2740 = arith.constant 0 : index
    %get3A_2741 = vector.load %arg8[%get3A_2739, %get3A_2740] : memref<4096x128xf32, #tpu.memory_space<vmem>>, vector<128x128xf32>
    %max3A_2742 = arith.maximumf %max3A_2738, %get3A_2741 : vector<128x128xf32>
    %get3A_2743 = arith.constant 3840 : index
    %get3A_2744 = arith.constant 0 : index
    %get3A_2745 = vector.load %arg8[%get3A_2743, %get3A_2744] : memref<4096x128xf32, #tpu.memory_space<vmem>>, vector<128x128xf32>
    %max3A_2746 = arith.maximumf %max3A_2742, %get3A_2745 : vector<128x128xf32>
    %get3A_2747 = arith.constant 3456 : index
    %get3A_2748 = arith.constant 0 : index
    %get3A_2749 = vector.load %arg6[%get3A_2747, %get3A_2748] : memref<4096x128xf32, #tpu.memory_space<vmem>>, vector<128x128xf32>
    %ge3A_2750 = arith.cmpf oge, %get3A_2749, %max3A_2746 : vector<128x128xf32>
    %ge3A_2751 = arith.constant 5.000000e+01 : f32
    %ge3A_2752 = vector.broadcast %ge3A_2751 : f32 to vector<128x128xf32>
    %ge3A_2753 = arith.cmpf oge, %get3A_2749, %ge3A_2752 : vector<128x128xf32>
    %and3A_2754 = arith.andi %ge3A_2750, %ge3A_2753 : vector<128x128xi1>
    %jit3A_2755 = arith.constant 0.000000e+00 : f32
    %broadcast_in_dim3A_2756 = vector.broadcast %jit3A_2755 : f32 to vector<128x128xf32>
    %select_n3A_2757 = arith.select %and3A_2754, %get3A_2749, %broadcast_in_dim3A_2756 : vector<128x128xi1>, vector<128x128xf32>
    %swap3A_2758 = arith.constant 3456 : index
    %swap3A_2759 = arith.constant 0 : index
    %swap3A_2760 = vector.load %arg7[%swap3A_2758, %swap3A_2759] : memref<4096x128xf32, #tpu.memory_space<vmem>>, vector<128x128xf32>
    tpu.vector_store %arg7[%swap3A_2758, %swap3A_2759], %select_n3A_2757 {strides = array<i32>} : memref<4096x128xf32, #tpu.memory_space<vmem>>, vector<128x128xf32>,
    %reshape3A_2761 = vector.shape_cast %select_n3A_2757 : vector<128x128xf32> to vector<2x64x128xf32>
    %reduce_max3A_2762 = arith.constant dense<0xFF800000> : vector<2x128xf32>
    %reduce_max3A_2763 = vector.multi_reduction <maximumf>, %reshape3A_2761, %reduce_max3A_2762 [1] : vector<2x64x128xf32> to vector<2x128xf32>
    %swap3A_2764 = arith.constant 54 : index
    %swap3A_2765 = arith.constant 0 : index
    %swap3A_2766 = vector.load %arg9[%swap3A_2764, %swap3A_2765] : memref<64x128xf32, #tpu.memory_space<vmem>>, vector<2x128xf32>
    tpu.vector_store %arg9[%swap3A_2764, %swap3A_2765], %reduce_max3A_2763 {strides = array<i32>} : memref<64x128xf32, #tpu.memory_space<vmem>>, vector<2x128xf32>,
    %get3A_2767 = arith.constant 3584 : index
    %get3A_2768 = arith.constant 0 : index
    %get3A_2769 = vector.load %arg8[%get3A_2767, %get3A_2768] : memref<4096x128xf32, #tpu.memory_space<vmem>>, vector<128x128xf32>
    %get3A_2770 = arith.constant 3200 : index
    %get3A_2771 = arith.constant 0 : index
    %get3A_2772 = vector.load %arg8[%get3A_2770, %get3A_2771] : memref<4096x128xf32, #tpu.memory_space<vmem>>, vector<128x128xf32>
    %max3A_2773 = arith.maximumf %get3A_2769, %get3A_2772 : vector<128x128xf32>
    %get3A_2774 = arith.constant 3328 : index
    %get3A_2775 = arith.constant 0 : index
    %get3A_2776 = vector.load %arg8[%get3A_2774, %get3A_2775] : memref<4096x128xf32, #tpu.memory_space<vmem>>, vector<128x128xf32>
    %max3A_2777 = arith.maximumf %max3A_2773, %get3A_2776 : vector<128x128xf32>
    %get3A_2778 = arith.constant 3456 : index
    %get3A_2779 = arith.constant 0 : index
    %get3A_2780 = vector.load %arg8[%get3A_2778, %get3A_2779] : memref<4096x128xf32, #tpu.memory_space<vmem>>, vector<128x128xf32>
    %max3A_2781 = arith.maximumf %max3A_2777, %get3A_2780 : vector<128x128xf32>
    %get3A_2782 = arith.constant 3712 : index
    %get3A_2783 = arith.constant 0 : index
    %get3A_2784 = vector.load %arg8[%get3A_2782, %get3A_2783] : memref<4096x128xf32, #tpu.memory_space<vmem>>, vector<128x128xf32>
    %max3A_2785 = arith.maximumf %max3A_2781, %get3A_2784 : vector<128x128xf32>
    %get3A_2786 = arith.constant 3840 : index
    %get3A_2787 = arith.constant 0 : index
    %get3A_2788 = vector.load %arg8[%get3A_2786, %get3A_2787] : memref<4096x128xf32, #tpu.memory_space<vmem>>, vector<128x128xf32>
    %max3A_2789 = arith.maximumf %max3A_2785, %get3A_2788 : vector<128x128xf32>
    %get3A_2790 = arith.constant 3968 : index
    %get3A_2791 = arith.constant 0 : index
    %get3A_2792 = vector.load %arg8[%get3A_2790, %get3A_2791] : memref<4096x128xf32, #tpu.memory_space<vmem>>, vector<128x128xf32>
    %max3A_2793 = arith.maximumf %max3A_2789, %get3A_2792 : vector<128x128xf32>
    %get3A_2794 = arith.constant 3584 : index
    %get3A_2795 = arith.constant 0 : index
    %get3A_2796 = vector.load %arg6[%get3A_2794, %get3A_2795] : memref<4096x128xf32, #tpu.memory_space<vmem>>, vector<128x128xf32>
    %ge3A_2797 = arith.cmpf oge, %get3A_2796, %max3A_2793 : vector<128x128xf32>
    %ge3A_2798 = arith.constant 5.000000e+01 : f32
    %ge3A_2799 = vector.broadcast %ge3A_2798 : f32 to vector<128x128xf32>
    %ge3A_2800 = arith.cmpf oge, %get3A_2796, %ge3A_2799 : vector<128x128xf32>
    %and3A_2801 = arith.andi %ge3A_2797, %ge3A_2800 : vector<128x128xi1>
    %jit3A_2802 = arith.constant 0.000000e+00 : f32
    %broadcast_in_dim3A_2803 = vector.broadcast %jit3A_2802 : f32 to vector<128x128xf32>
    %select_n3A_2804 = arith.select %and3A_2801, %get3A_2796, %broadcast_in_dim3A_2803 : vector<128x128xi1>, vector<128x128xf32>
    %swap3A_2805 = arith.constant 3584 : index
    %swap3A_2806 = arith.constant 0 : index
    %swap3A_2807 = vector.load %arg7[%swap3A_2805, %swap3A_2806] : memref<4096x128xf32, #tpu.memory_space<vmem>>, vector<128x128xf32>
    tpu.vector_store %arg7[%swap3A_2805, %swap3A_2806], %select_n3A_2804 {strides = array<i32>} : memref<4096x128xf32, #tpu.memory_space<vmem>>, vector<128x128xf32>,
    %reshape3A_2808 = vector.shape_cast %select_n3A_2804 : vector<128x128xf32> to vector<2x64x128xf32>
    %reduce_max3A_2809 = arith.constant dense<0xFF800000> : vector<2x128xf32>
    %reduce_max3A_2810 = vector.multi_reduction <maximumf>, %reshape3A_2808, %reduce_max3A_2809 [1] : vector<2x64x128xf32> to vector<2x128xf32>
    %swap3A_2811 = arith.constant 56 : index
    %swap3A_2812 = arith.constant 0 : index
    %swap3A_2813 = vector.load %arg9[%swap3A_2811, %swap3A_2812] : memref<64x128xf32, #tpu.memory_space<vmem>>, vector<2x128xf32>
    tpu.vector_store %arg9[%swap3A_2811, %swap3A_2812], %reduce_max3A_2810 {strides = array<i32>} : memref<64x128xf32, #tpu.memory_space<vmem>>, vector<2x128xf32>,
    %get3A_2814 = arith.constant 3712 : index
    %get3A_2815 = arith.constant 0 : index
    %get3A_2816 = vector.load %arg8[%get3A_2814, %get3A_2815] : memref<4096x128xf32, #tpu.memory_space<vmem>>, vector<128x128xf32>
    %get3A_2817 = arith.constant 3328 : index
    %get3A_2818 = arith.constant 0 : index
    %get3A_2819 = vector.load %arg8[%get3A_2817, %get3A_2818] : memref<4096x128xf32, #tpu.memory_space<vmem>>, vector<128x128xf32>
    %max3A_2820 = arith.maximumf %get3A_2816, %get3A_2819 : vector<128x128xf32>
    %get3A_2821 = arith.constant 3456 : index
    %get3A_2822 = arith.constant 0 : index
    %get3A_2823 = vector.load %arg8[%get3A_2821, %get3A_2822] : memref<4096x128xf32, #tpu.memory_space<vmem>>, vector<128x128xf32>
    %max3A_2824 = arith.maximumf %max3A_2820, %get3A_2823 : vector<128x128xf32>
    %get3A_2825 = arith.constant 3584 : index
    %get3A_2826 = arith.constant 0 : index
    %get3A_2827 = vector.load %arg8[%get3A_2825, %get3A_2826] : memref<4096x128xf32, #tpu.memory_space<vmem>>, vector<128x128xf32>
    %max3A_2828 = arith.maximumf %max3A_2824, %get3A_2827 : vector<128x128xf32>
    %get3A_2829 = arith.constant 3840 : index
    %get3A_2830 = arith.constant 0 : index
    %get3A_2831 = vector.load %arg8[%get3A_2829, %get3A_2830] : memref<4096x128xf32, #tpu.memory_space<vmem>>, vector<128x128xf32>
    %max3A_2832 = arith.maximumf %max3A_2828, %get3A_2831 : vector<128x128xf32>
    %get3A_2833 = arith.constant 3968 : index
    %get3A_2834 = arith.constant 0 : index
    %get3A_2835 = vector.load %arg8[%get3A_2833, %get3A_2834] : memref<4096x128xf32, #tpu.memory_space<vmem>>, vector<128x128xf32>
    %max3A_2836 = arith.maximumf %max3A_2832, %get3A_2835 : vector<128x128xf32>
    %get3A_2837 = arith.constant 3712 : index
    %get3A_2838 = arith.constant 0 : index
    %get3A_2839 = vector.load %arg6[%get3A_2837, %get3A_2838] : memref<4096x128xf32, #tpu.memory_space<vmem>>, vector<128x128xf32>
    %ge3A_2840 = arith.cmpf oge, %get3A_2839, %max3A_2836 : vector<128x128xf32>
    %ge3A_2841 = arith.constant 5.000000e+01 : f32
    %ge3A_2842 = vector.broadcast %ge3A_2841 : f32 to vector<128x128xf32>
    %ge3A_2843 = arith.cmpf oge, %get3A_2839, %ge3A_2842 : vector<128x128xf32>
    %and3A_2844 = arith.andi %ge3A_2840, %ge3A_2843 : vector<128x128xi1>
    %jit3A_2845 = arith.constant 0.000000e+00 : f32
    %broadcast_in_dim3A_2846 = vector.broadcast %jit3A_2845 : f32 to vector<128x128xf32>
    %select_n3A_2847 = arith.select %and3A_2844, %get3A_2839, %broadcast_in_dim3A_2846 : vector<128x128xi1>, vector<128x128xf32>
    %swap3A_2848 = arith.constant 3712 : index
    %swap3A_2849 = arith.constant 0 : index
    %swap3A_2850 = vector.load %arg7[%swap3A_2848, %swap3A_2849] : memref<4096x128xf32, #tpu.memory_space<vmem>>, vector<128x128xf32>
    tpu.vector_store %arg7[%swap3A_2848, %swap3A_2849], %select_n3A_2847 {strides = array<i32>} : memref<4096x128xf32, #tpu.memory_space<vmem>>, vector<128x128xf32>,
    %reshape3A_2851 = vector.shape_cast %select_n3A_2847 : vector<128x128xf32> to vector<2x64x128xf32>
    %reduce_max3A_2852 = arith.constant dense<0xFF800000> : vector<2x128xf32>
    %reduce_max3A_2853 = vector.multi_reduction <maximumf>, %reshape3A_2851, %reduce_max3A_2852 [1] : vector<2x64x128xf32> to vector<2x128xf32>
    %swap3A_2854 = arith.constant 58 : index
    %swap3A_2855 = arith.constant 0 : index
    %swap3A_2856 = vector.load %arg9[%swap3A_2854, %swap3A_2855] : memref<64x128xf32, #tpu.memory_space<vmem>>, vector<2x128xf32>
    tpu.vector_store %arg9[%swap3A_2854, %swap3A_2855], %reduce_max3A_2853 {strides = array<i32>} : memref<64x128xf32, #tpu.memory_space<vmem>>, vector<2x128xf32>,
    %get3A_2857 = arith.constant 3840 : index
    %get3A_2858 = arith.constant 0 : index
    %get3A_2859 = vector.load %arg8[%get3A_2857, %get3A_2858] : memref<4096x128xf32, #tpu.memory_space<vmem>>, vector<128x128xf32>
    %get3A_2860 = arith.constant 3456 : index
    %get3A_2861 = arith.constant 0 : index
    %get3A_2862 = vector.load %arg8[%get3A_2860, %get3A_2861] : memref<4096x128xf32, #tpu.memory_space<vmem>>, vector<128x128xf32>
    %max3A_2863 = arith.maximumf %get3A_2859, %get3A_2862 : vector<128x128xf32>
    %get3A_2864 = arith.constant 3584 : index
    %get3A_2865 = arith.constant 0 : index
    %get3A_2866 = vector.load %arg8[%get3A_2864, %get3A_2865] : memref<4096x128xf32, #tpu.memory_space<vmem>>, vector<128x128xf32>
    %max3A_2867 = arith.maximumf %max3A_2863, %get3A_2866 : vector<128x128xf32>
    %get3A_2868 = arith.constant 3712 : index
    %get3A_2869 = arith.constant 0 : index
    %get3A_2870 = vector.load %arg8[%get3A_2868, %get3A_2869] : memref<4096x128xf32, #tpu.memory_space<vmem>>, vector<128x128xf32>
    %max3A_2871 = arith.maximumf %max3A_2867, %get3A_2870 : vector<128x128xf32>
    %get3A_2872 = arith.constant 3968 : index
    %get3A_2873 = arith.constant 0 : index
    %get3A_2874 = vector.load %arg8[%get3A_2872, %get3A_2873] : memref<4096x128xf32, #tpu.memory_space<vmem>>, vector<128x128xf32>
    %max3A_2875 = arith.maximumf %max3A_2871, %get3A_2874 : vector<128x128xf32>
    %get3A_2876 = arith.constant 3840 : index
    %get3A_2877 = arith.constant 0 : index
    %get3A_2878 = vector.load %arg6[%get3A_2876, %get3A_2877] : memref<4096x128xf32, #tpu.memory_space<vmem>>, vector<128x128xf32>
    %ge3A_2879 = arith.cmpf oge, %get3A_2878, %max3A_2875 : vector<128x128xf32>
    %ge3A_2880 = arith.constant 5.000000e+01 : f32
    %ge3A_2881 = vector.broadcast %ge3A_2880 : f32 to vector<128x128xf32>
    %ge3A_2882 = arith.cmpf oge, %get3A_2878, %ge3A_2881 : vector<128x128xf32>
    %and3A_2883 = arith.andi %ge3A_2879, %ge3A_2882 : vector<128x128xi1>
    %jit3A_2884 = arith.constant 0.000000e+00 : f32
    %broadcast_in_dim3A_2885 = vector.broadcast %jit3A_2884 : f32 to vector<128x128xf32>
    %select_n3A_2886 = arith.select %and3A_2883, %get3A_2878, %broadcast_in_dim3A_2885 : vector<128x128xi1>, vector<128x128xf32>
    %swap3A_2887 = arith.constant 3840 : index
    %swap3A_2888 = arith.constant 0 : index
    %swap3A_2889 = vector.load %arg7[%swap3A_2887, %swap3A_2888] : memref<4096x128xf32, #tpu.memory_space<vmem>>, vector<128x128xf32>
    tpu.vector_store %arg7[%swap3A_2887, %swap3A_2888], %select_n3A_2886 {strides = array<i32>} : memref<4096x128xf32, #tpu.memory_space<vmem>>, vector<128x128xf32>,
    %reshape3A_2890 = vector.shape_cast %select_n3A_2886 : vector<128x128xf32> to vector<2x64x128xf32>
    %reduce_max3A_2891 = arith.constant dense<0xFF800000> : vector<2x128xf32>
    %reduce_max3A_2892 = vector.multi_reduction <maximumf>, %reshape3A_2890, %reduce_max3A_2891 [1] : vector<2x64x128xf32> to vector<2x128xf32>
    %swap3A_2893 = arith.constant 60 : index
    %swap3A_2894 = arith.constant 0 : index
    %swap3A_2895 = vector.load %arg9[%swap3A_2893, %swap3A_2894] : memref<64x128xf32, #tpu.memory_space<vmem>>, vector<2x128xf32>
    tpu.vector_store %arg9[%swap3A_2893, %swap3A_2894], %reduce_max3A_2892 {strides = array<i32>} : memref<64x128xf32, #tpu.memory_space<vmem>>, vector<2x128xf32>,
    %get3A_2896 = arith.constant 3968 : index
    %get3A_2897 = arith.constant 0 : index
    %get3A_2898 = vector.load %arg8[%get3A_2896, %get3A_2897] : memref<4096x128xf32, #tpu.memory_space<vmem>>, vector<128x128xf32>
    %get3A_2899 = arith.constant 3584 : index
    %get3A_2900 = arith.constant 0 : index
    %get3A_2901 = vector.load %arg8[%get3A_2899, %get3A_2900] : memref<4096x128xf32, #tpu.memory_space<vmem>>, vector<128x128xf32>
    %max3A_2902 = arith.maximumf %get3A_2898, %get3A_2901 : vector<128x128xf32>
    %get3A_2903 = arith.constant 3712 : index
    %get3A_2904 = arith.constant 0 : index
    %get3A_2905 = vector.load %arg8[%get3A_2903, %get3A_2904] : memref<4096x128xf32, #tpu.memory_space<vmem>>, vector<128x128xf32>
    %max3A_2906 = arith.maximumf %max3A_2902, %get3A_2905 : vector<128x128xf32>
    %get3A_2907 = arith.constant 3840 : index
    %get3A_2908 = arith.constant 0 : index
    %get3A_2909 = vector.load %arg8[%get3A_2907, %get3A_2908] : memref<4096x128xf32, #tpu.memory_space<vmem>>, vector<128x128xf32>
    %max3A_2910 = arith.maximumf %max3A_2906, %get3A_2909 : vector<128x128xf32>
    %get3A_2911 = arith.constant 3968 : index
    %get3A_2912 = arith.constant 0 : index
    %get3A_2913 = vector.load %arg6[%get3A_2911, %get3A_2912] : memref<4096x128xf32, #tpu.memory_space<vmem>>, vector<128x128xf32>
    %ge3A_2914 = arith.cmpf oge, %get3A_2913, %max3A_2910 : vector<128x128xf32>
    %ge3A_2915 = arith.constant 5.000000e+01 : f32
    %ge3A_2916 = vector.broadcast %ge3A_2915 : f32 to vector<128x128xf32>
    %ge3A_2917 = arith.cmpf oge, %get3A_2913, %ge3A_2916 : vector<128x128xf32>
    %and3A_2918 = arith.andi %ge3A_2914, %ge3A_2917 : vector<128x128xi1>
    %jit3A_2919 = arith.constant 0.000000e+00 : f32
    %broadcast_in_dim3A_2920 = vector.broadcast %jit3A_2919 : f32 to vector<128x128xf32>
    %select_n3A_2921 = arith.select %and3A_2918, %get3A_2913, %broadcast_in_dim3A_2920 : vector<128x128xi1>, vector<128x128xf32>
    %swap3A_2922 = arith.constant 3968 : index
    %swap3A_2923 = arith.constant 0 : index
    %swap3A_2924 = vector.load %arg7[%swap3A_2922, %swap3A_2923] : memref<4096x128xf32, #tpu.memory_space<vmem>>, vector<128x128xf32>
    tpu.vector_store %arg7[%swap3A_2922, %swap3A_2923], %select_n3A_2921 {strides = array<i32>} : memref<4096x128xf32, #tpu.memory_space<vmem>>, vector<128x128xf32>,
    %reshape3A_2925 = vector.shape_cast %select_n3A_2921 : vector<128x128xf32> to vector<2x64x128xf32>
    %reduce_max3A_2926 = arith.constant dense<0xFF800000> : vector<2x128xf32>
    %reduce_max3A_2927 = vector.multi_reduction <maximumf>, %reshape3A_2925, %reduce_max3A_2926 [1] : vector<2x64x128xf32> to vector<2x128xf32>
    %swap3A_2928 = arith.constant 62 : index
    %swap3A_2929 = arith.constant 0 : index
    %swap3A_2930 = vector.load %arg9[%swap3A_2928, %swap3A_2929] : memref<64x128xf32, #tpu.memory_space<vmem>>, vector<2x128xf32>
    tpu.vector_store %arg9[%swap3A_2928, %swap3A_2929], %reduce_max3A_2927 {strides = array<i32>} : memref<64x128xf32, #tpu.memory_space<vmem>>, vector<2x128xf32>,
    %broadcast_in_dim3A_2931 = arith.constant 0.000000e+00 : f32
    %broadcast_in_dim3A_2932 = vector.broadcast %broadcast_in_dim3A_2931 : f32 to vector<1x128xf32>
    %swap3A_2933 = arith.constant 0 : index
    %swap3A_2934 = arith.constant 0 : index
    %swap3A_2935 = vector.load %arg10[%swap3A_2933, %swap3A_2934] : memref<1x128xf32, #tpu.memory_space<vmem>>, vector<1x128xf32>
    tpu.vector_store %arg10[%swap3A_2933, %swap3A_2934], %broadcast_in_dim3A_2932 {strides = array<i32>} : memref<1x128xf32, #tpu.memory_space<vmem>>, vector<1x128xf32>,
    %broadcast_in_dim3A_2936 = arith.constant 0 : i32
    %broadcast_in_dim3A_2937 = vector.broadcast %broadcast_in_dim3A_2936 : i32 to vector<1x128xi32>
    %swap3A_2938 = arith.constant 0 : index
    %swap3A_2939 = arith.constant 0 : index
    %swap3A_2940 = vector.load %arg11[%swap3A_2938, %swap3A_2939] : memref<1x128xi32, #tpu.memory_space<vmem>>, vector<1x128xi32>
    tpu.vector_store %arg11[%swap3A_2938, %swap3A_2939], %broadcast_in_dim3A_2937 {strides = array<i32>} : memref<1x128xi32, #tpu.memory_space<vmem>>, vector<1x128xi32>,
    %iota3A = tpu.iota {dimensions = array<i32: 0>} : vector<64x128xi32>
    %iota3A_2941 = tpu.iota {dimensions = array<i32: 0>} : vector<64x128xi32>
    %iota3A_2942 = tpu.iota {dimensions = array<i32: 1>} : vector<64x128xi32>
    %iota3A_2943 = tpu.iota {dimensions = array<i32: 1>} : vector<1x128xi32>
    %get3A_2944 = arith.constant 0 : index
    %get3A_2945 = arith.constant 0 : index
    %get3A_2946 = vector.load %arg9[%get3A_2944, %get3A_2945] : memref<64x128xf32, #tpu.memory_space<vmem>>, vector<64x128xf32>
    %reduce_max3A_2947 = vector.shape_cast %get3A_2946 : vector<64x128xf32> to vector<1x64x128xf32>
    %reduce_max3A_2948 = arith.constant dense<0xFF800000> : vector<1xf32>
    %reduce_max3A_2949 = vector.multi_reduction <maximumf>, %reduce_max3A_2947, %reduce_max3A_2948 [1, 2] : vector<1x64x128xf32> to vector<1xf32>
    %reduce_max3A_2950 = vector.shape_cast %reduce_max3A_2949 : vector<1xf32> to vector<1x1x1xf32>
    %reduce_max3A_2951 = vector.extract %reduce_max3A_2950[0, 0, 0] : f32 from vector<1x1x1xf32>
    %ge3A_2952 = arith.constant 5.000000e+01 : f32
    %ge3A_2953 = arith.cmpf oge, %reduce_max3A_2951, %ge3A_2952 : f32
    %convert_element_type3A = arith.extui %ge3A_2953 : i1 to i32
    %cond3A = arith.constant 0 : i32
    %cond3A_2954 = arith.cmpi ne, %convert_element_type3A, %cond3A : i32
    scf.if %cond3A_2954 {
      %scan3A = arith.constant 0 : i32
      %scan3A_2993 = arith.constant 64 : i32
      %scan3A_2994 = arith.addi %scan3A, %scan3A_2993 : i32
      %scan3A_2995 = arith.constant 1 : i32
      scf.for %scan3A_2997 = %scan3A to %scan3A_2994 step %scan3A_2995  : i32 {
        %get3A_2998 = arith.constant 0 : index
        %get3A_2999 = arith.constant 0 : index
        %get3A_3000 = vector.load %arg9[%get3A_2998, %get3A_2999] : memref<64x128xf32, #tpu.memory_space<vmem>>, vector<64x128xf32>
        %reduce_max3A_3001 = vector.shape_cast %get3A_3000 : vector<64x128xf32> to vector<1x64x128xf32>
        %reduce_max3A_3002 = arith.constant dense<0xFF800000> : vector<1xf32>
        %reduce_max3A_3003 = vector.multi_reduction <maximumf>, %reduce_max3A_3001, %reduce_max3A_3002 [1, 2] : vector<1x64x128xf32> to vector<1xf32>
        %reduce_max3A_3004 = vector.shape_cast %reduce_max3A_3003 : vector<1xf32> to vector<1x1x1xf32>
        %reduce_max3A_3005 = vector.extract %reduce_max3A_3004[0, 0, 0] : f32 from vector<1x1x1xf32>
        %ge3A_3006 = arith.constant 5.000000e+01 : f32
        %ge3A_3007 = arith.cmpf oge, %reduce_max3A_3005, %ge3A_3006 : f32
        %convert_element_type3A_3008 = arith.extui %ge3A_3007 : i1 to i32
        %cond3A_3009 = arith.constant 0 : i32
        %cond3A_3010 = arith.cmpi ne, %convert_element_type3A_3008, %cond3A_3009 : i32
        scf.if %cond3A_3010 {
          %eq3A_3011 = vector.broadcast %reduce_max3A_3005 : f32 to vector<64x128xf32>
          %eq3A_3012 = arith.cmpf oeq, %get3A_3000, %eq3A_3011 : vector<64x128xf32>
          %jit3A_3013 = arith.constant 524288 : i32
          %broadcast_in_dim3A_3014 = vector.broadcast %jit3A_3013 : i32 to vector<64x128xi32>
          %select_n3A_3015 = arith.select %eq3A_3012, %iota3A, %broadcast_in_dim3A_3014 : vector<64x128xi1>, vector<64x128xi32>
          %reduce_min3A = vector.shape_cast %select_n3A_3015 : vector<64x128xi32> to vector<1x64x128xi32>
          %reduce_min3A_3016 = arith.constant dense<2147483647> : vector<1xi32>
          %reduce_min3A_3017 = vector.multi_reduction <minsi>, %reduce_min3A, %reduce_min3A_3016 [1, 2] : vector<1x64x128xi32> to vector<1xi32>
          %reduce_min3A_3018 = vector.shape_cast %reduce_min3A_3017 : vector<1xi32> to vector<1x1x1xi32>
          %reduce_min3A_3019 = vector.extract %reduce_min3A_3018[0, 0, 0] : i32 from vector<1x1x1xi32>
          %mul3A = arith.constant 64 : i32
          %mul3A_3020 = arith.muli %reduce_min3A_3019, %mul3A : i32
          %get3A_3021 = arith.index_cast %mul3A_3020 : i32 to index
          %get3A_3022 = arith.constant 0 : index
          %get3A_3023 = vector.load %arg7[%get3A_3021, %get3A_3022] : memref<4096x128xf32, #tpu.memory_space<vmem>>, vector<64x128xf32>
          %eq3A_3024 = vector.broadcast %reduce_max3A_3005 : f32 to vector<64x128xf32>
          %eq3A_3025 = arith.cmpf oeq, %get3A_3023, %eq3A_3024 : vector<64x128xf32>
          %mul3A_3026 = arith.constant 128 : i32
          %mul3A_3027 = vector.broadcast %mul3A_3026 : i32 to vector<64x128xi32>
          %mul3A_3028 = arith.muli %iota3A_2941, %mul3A_3027 : vector<64x128xi32>
          %add3A_3029 = arith.addi %mul3A_3028, %iota3A_2942 : vector<64x128xi32>
          %jit3A_3030 = arith.constant 524288 : i32
          %broadcast_in_dim3A_3031 = vector.broadcast %jit3A_3030 : i32 to vector<64x128xi32>
          %select_n3A_3032 = arith.select %eq3A_3025, %add3A_3029, %broadcast_in_dim3A_3031 : vector<64x128xi1>, vector<64x128xi32>
          %reduce_min3A_3033 = vector.shape_cast %select_n3A_3032 : vector<64x128xi32> to vector<1x64x128xi32>
          %reduce_min3A_3034 = arith.constant dense<2147483647> : vector<1xi32>
          %reduce_min3A_3035 = vector.multi_reduction <minsi>, %reduce_min3A_3033, %reduce_min3A_3034 [1, 2] : vector<1x64x128xi32> to vector<1xi32>
          %reduce_min3A_3036 = vector.shape_cast %reduce_min3A_3035 : vector<1xi32> to vector<1x1x1xi32>
          %reduce_min3A_3037 = vector.extract %reduce_min3A_3036[0, 0, 0] : i32 from vector<1x1x1xi32>
          %mul3A_3038 = arith.constant 8192 : i32
          %mul3A_3039 = arith.muli %reduce_min3A_3019, %mul3A_3038 : i32
          %add3A_3040 = arith.addi %mul3A_3039, %reduce_min3A_3037 : i32
          %mul3A_3041 = arith.constant 128 : i32
          %mul3A_3042 = vector.broadcast %mul3A_3041 : i32 to vector<64x128xi32>
          %mul3A_3043 = arith.muli %iota3A_2941, %mul3A_3042 : vector<64x128xi32>
          %add3A_3044 = arith.addi %mul3A_3043, %iota3A_2942 : vector<64x128xi32>
          %eq3A_3045 = vector.broadcast %reduce_min3A_3037 : i32 to vector<64x128xi32>
          %eq3A_3046 = arith.cmpi eq, %add3A_3044, %eq3A_3045 : vector<64x128xi32>
          %jit3A_3047 = arith.constant -1.000000e+00 : f32
          %broadcast_in_dim3A_3048 = vector.broadcast %jit3A_3047 : f32 to vector<64x128xf32>
          %select_n3A_3049 = arith.select %eq3A_3046, %broadcast_in_dim3A_3048, %get3A_3023 : vector<64x128xi1>, vector<64x128xf32>
          %mul3A_3050 = arith.constant 64 : i32
          %mul3A_3051 = arith.muli %reduce_min3A_3019, %mul3A_3050 : i32
          %swap3A_3052 = arith.index_cast %mul3A_3051 : i32 to index
          %swap3A_3053 = arith.constant 0 : index
          %swap3A_3054 = vector.load %arg7[%swap3A_3052, %swap3A_3053] : memref<4096x128xf32, #tpu.memory_space<vmem>>, vector<64x128xf32>
          tpu.vector_store %arg7[%swap3A_3052, %swap3A_3053], %select_n3A_3049 {strides = array<i32>} : memref<4096x128xf32, #tpu.memory_space<vmem>>, vector<64x128xf32>,
          %reshape3A_3055 = vector.shape_cast %select_n3A_3049 : vector<64x128xf32> to vector<1x64x128xf32>
          %reduce_max3A_3056 = arith.constant dense<0xFF800000> : vector<1x128xf32>
          %reduce_max3A_3057 = vector.multi_reduction <maximumf>, %reshape3A_3055, %reduce_max3A_3056 [1] : vector<1x64x128xf32> to vector<1x128xf32>
          %swap3A_3058 = arith.index_cast %reduce_min3A_3019 : i32 to index
          %swap3A_3059 = arith.constant 0 : index
          %swap3A_3060 = vector.load %arg9[%swap3A_3058, %swap3A_3059] : memref<64x128xf32, #tpu.memory_space<vmem>>, vector<1x128xf32>
          tpu.vector_store %arg9[%swap3A_3058, %swap3A_3059], %reduce_max3A_3057 {strides = array<i32>} : memref<64x128xf32, #tpu.memory_space<vmem>>, vector<1x128xf32>,
          %eq3A_3061 = vector.broadcast %scan3A_2997 : i32 to vector<1x128xi32>
          %eq3A_3062 = arith.cmpi eq, %iota3A_2943, %eq3A_3061 : vector<1x128xi32>
          %get3A_3063 = arith.constant 0 : index
          %get3A_3064 = arith.constant 0 : index
          %get3A_3065 = vector.load %arg10[%get3A_3063, %get3A_3064] : memref<1x128xf32, #tpu.memory_space<vmem>>, vector<1x128xf32>
          %broadcast_in_dim3A_3066 = vector.broadcast %reduce_max3A_3005 : f32 to vector<1x128xf32>
          %select_n3A_3067 = arith.select %eq3A_3062, %broadcast_in_dim3A_3066, %get3A_3065 : vector<1x128xi1>, vector<1x128xf32>
          %swap3A_3068 = arith.constant 0 : index
          %swap3A_3069 = arith.constant 0 : index
          %swap3A_3070 = vector.load %arg10[%swap3A_3068, %swap3A_3069] : memref<1x128xf32, #tpu.memory_space<vmem>>, vector<1x128xf32>
          tpu.vector_store %arg10[%swap3A_3068, %swap3A_3069], %select_n3A_3067 {strides = array<i32>} : memref<1x128xf32, #tpu.memory_space<vmem>>, vector<1x128xf32>,
          %eq3A_3071 = vector.broadcast %scan3A_2997 : i32 to vector<1x128xi32>
          %eq3A_3072 = arith.cmpi eq, %iota3A_2943, %eq3A_3071 : vector<1x128xi32>
          %get3A_3073 = arith.constant 0 : index
          %get3A_3074 = arith.constant 0 : index
          %get3A_3075 = vector.load %arg11[%get3A_3073, %get3A_3074] : memref<1x128xi32, #tpu.memory_space<vmem>>, vector<1x128xi32>
          %broadcast_in_dim3A_3076 = vector.broadcast %add3A_3040 : i32 to vector<1x128xi32>
          %select_n3A_3077 = arith.select %eq3A_3072, %broadcast_in_dim3A_3076, %get3A_3075 : vector<1x128xi1>, vector<1x128xi32>
          %swap3A_3078 = arith.constant 0 : index
          %swap3A_3079 = arith.constant 0 : index
          %swap3A_3080 = vector.load %arg11[%swap3A_3078, %swap3A_3079] : memref<1x128xi32, #tpu.memory_space<vmem>>, vector<1x128xi32>
          tpu.vector_store %arg11[%swap3A_3078, %swap3A_3079], %select_n3A_3077 {strides = array<i32>} : memref<1x128xi32, #tpu.memory_space<vmem>>, vector<1x128xi32>,
        } else {
        }
      }
      %scan3A_2996 = arith.constant 64 : i32
    } else {
    }
    %get3A_2955 = arith.constant 0 : index
    %get3A_2956 = arith.constant 0 : index
    %get3A_2957 = vector.load %arg10[%get3A_2955, %get3A_2956] : memref<1x128xf32, #tpu.memory_space<vmem>>, vector<1x128xf32>
    %get3A_2958 = arith.constant 0 : index
    %get3A_2959 = arith.constant 0 : index
    %get3A_2960 = vector.load %arg11[%get3A_2958, %get3A_2959] : memref<1x128xi32, #tpu.memory_space<vmem>>, vector<1x128xi32>
    %shift_right_arithmetic3A = arith.constant 14 : i32
    %shift_right_arithmetic3A_2961 = vector.broadcast %shift_right_arithmetic3A : i32 to vector<1x128xi32>
    %shift_right_arithmetic3A_2962 = arith.shrsi %get3A_2960, %shift_right_arithmetic3A_2961 : vector<1x128xi32>
    %shift_right_arithmetic3A_2963 = arith.constant 7 : i32
    %shift_right_arithmetic3A_2964 = vector.broadcast %shift_right_arithmetic3A_2963 : i32 to vector<1x128xi32>
    %shift_right_arithmetic3A_2965 = arith.shrsi %get3A_2960, %shift_right_arithmetic3A_2964 : vector<1x128xi32>
    %and3A_2966 = arith.constant 127 : i32
    %and3A_2967 = vector.broadcast %and3A_2966 : i32 to vector<1x128xi32>
    %and3A_2968 = arith.andi %shift_right_arithmetic3A_2965, %and3A_2967 : vector<1x128xi32>
    %and3A_2969 = arith.constant 127 : i32
    %and3A_2970 = vector.broadcast %and3A_2969 : i32 to vector<1x128xi32>
    %and3A_2971 = arith.andi %get3A_2960, %and3A_2970 : vector<1x128xi32>
    %ge3A_2972 = arith.constant 5.000000e+01 : f32
    %ge3A_2973 = vector.broadcast %ge3A_2972 : f32 to vector<1x128xf32>
    %ge3A_2974 = arith.cmpf oge, %get3A_2957, %ge3A_2973 : vector<1x128xf32>
    %jit3A_2975 = arith.constant 1.000000e+00 : f32
    %jit3A_2976 = arith.constant 0.000000e+00 : f32
    %broadcast_in_dim3A_2977 = vector.broadcast %jit3A_2975 : f32 to vector<1x128xf32>
    %broadcast_in_dim3A_2978 = vector.broadcast %jit3A_2976 : f32 to vector<1x128xf32>
    %select_n3A_2979 = arith.select %ge3A_2974, %broadcast_in_dim3A_2977, %broadcast_in_dim3A_2978 : vector<1x128xi1>, vector<1x128xf32>
    %reduce_sum3A = vector.shape_cast %select_n3A_2979 : vector<1x128xf32> to vector<1x1x128xf32>
    %reduce_sum3A_2980 = arith.constant dense<0.000000e+00> : vector<1xf32>
    %reduce_sum3A_2981 = vector.multi_reduction <add>, %reduce_sum3A, %reduce_sum3A_2980 [1, 2] : vector<1x1x128xf32> to vector<1xf32>
    %reduce_sum3A_2982 = vector.shape_cast %reduce_sum3A_2981 : vector<1xf32> to vector<1x1x1xf32>
    %reduce_sum3A_2983 = vector.extract %reduce_sum3A_2982[0, 0, 0] : f32 from vector<1x1x1xf32>
    %convert_element_type3A_2984 = arith.fptosi %reduce_sum3A_2983 : f32 to i32
    %eq3A = arith.constant 0 : i32
    %eq3A_2985 = arith.cmpi eq, %convert_element_type3A_2984, %eq3A : i32
    %convert_element_type3A_2986 = arith.extui %eq3A_2985 : i1 to i32
    %cond3A_2987 = arith.constant 0 : i32
    %cond3A_2988 = arith.cmpi ne, %convert_element_type3A_2986, %cond3A_2987 : i32
    scf.if %cond3A_2988 {
      %broadcast_in_dim3A_2993 = arith.constant 0 : i32
      %broadcast_in_dim3A_2994 = vector.broadcast %broadcast_in_dim3A_2993 : i32 to vector<256x128xi32>
      %swap3A_2995 = arith.constant 0 : index
      %swap3A_2996 = arith.constant 0 : index
      %swap3A_2997 = vector.load %arg5[%swap3A_2995, %swap3A_2996] : memref<4096x128xi32, #tpu.memory_space<vmem>>, vector<256x128xi32>
      tpu.vector_store %arg5[%swap3A_2995, %swap3A_2996], %broadcast_in_dim3A_2994 {strides = array<i32>} : memref<4096x128xi32, #tpu.memory_space<vmem>>, vector<256x128xi32>,
      %broadcast_in_dim3A_2998 = arith.constant 0 : i32
      %broadcast_in_dim3A_2999 = vector.broadcast %broadcast_in_dim3A_2998 : i32 to vector<256x128xi32>
      %swap3A_3000 = arith.constant 256 : index
      %swap3A_3001 = arith.constant 0 : index
      %swap3A_3002 = vector.load %arg5[%swap3A_3000, %swap3A_3001] : memref<4096x128xi32, #tpu.memory_space<vmem>>, vector<256x128xi32>
      tpu.vector_store %arg5[%swap3A_3000, %swap3A_3001], %broadcast_in_dim3A_2999 {strides = array<i32>} : memref<4096x128xi32, #tpu.memory_space<vmem>>, vector<256x128xi32>,
      %broadcast_in_dim3A_3003 = arith.constant 0 : i32
      %broadcast_in_dim3A_3004 = vector.broadcast %broadcast_in_dim3A_3003 : i32 to vector<256x128xi32>
      %swap3A_3005 = arith.constant 512 : index
      %swap3A_3006 = arith.constant 0 : index
      %swap3A_3007 = vector.load %arg5[%swap3A_3005, %swap3A_3006] : memref<4096x128xi32, #tpu.memory_space<vmem>>, vector<256x128xi32>
      tpu.vector_store %arg5[%swap3A_3005, %swap3A_3006], %broadcast_in_dim3A_3004 {strides = array<i32>} : memref<4096x128xi32, #tpu.memory_space<vmem>>, vector<256x128xi32>,
      %broadcast_in_dim3A_3008 = arith.constant 0 : i32
      %broadcast_in_dim3A_3009 = vector.broadcast %broadcast_in_dim3A_3008 : i32 to vector<256x128xi32>
      %swap3A_3010 = arith.constant 768 : index
      %swap3A_3011 = arith.constant 0 : index
      %swap3A_3012 = vector.load %arg5[%swap3A_3010, %swap3A_3011] : memref<4096x128xi32, #tpu.memory_space<vmem>>, vector<256x128xi32>
      tpu.vector_store %arg5[%swap3A_3010, %swap3A_3011], %broadcast_in_dim3A_3009 {strides = array<i32>} : memref<4096x128xi32, #tpu.memory_space<vmem>>, vector<256x128xi32>,
      %broadcast_in_dim3A_3013 = arith.constant 0 : i32
      %broadcast_in_dim3A_3014 = vector.broadcast %broadcast_in_dim3A_3013 : i32 to vector<256x128xi32>
      %swap3A_3015 = arith.constant 1024 : index
      %swap3A_3016 = arith.constant 0 : index
      %swap3A_3017 = vector.load %arg5[%swap3A_3015, %swap3A_3016] : memref<4096x128xi32, #tpu.memory_space<vmem>>, vector<256x128xi32>
      tpu.vector_store %arg5[%swap3A_3015, %swap3A_3016], %broadcast_in_dim3A_3014 {strides = array<i32>} : memref<4096x128xi32, #tpu.memory_space<vmem>>, vector<256x128xi32>,
      %broadcast_in_dim3A_3018 = arith.constant 0 : i32
      %broadcast_in_dim3A_3019 = vector.broadcast %broadcast_in_dim3A_3018 : i32 to vector<256x128xi32>
      %swap3A_3020 = arith.constant 1280 : index
      %swap3A_3021 = arith.constant 0 : index
      %swap3A_3022 = vector.load %arg5[%swap3A_3020, %swap3A_3021] : memref<4096x128xi32, #tpu.memory_space<vmem>>, vector<256x128xi32>
      tpu.vector_store %arg5[%swap3A_3020, %swap3A_3021], %broadcast_in_dim3A_3019 {strides = array<i32>} : memref<4096x128xi32, #tpu.memory_space<vmem>>, vector<256x128xi32>,
      %broadcast_in_dim3A_3023 = arith.constant 0 : i32
      %broadcast_in_dim3A_3024 = vector.broadcast %broadcast_in_dim3A_3023 : i32 to vector<256x128xi32>
      %swap3A_3025 = arith.constant 1536 : index
      %swap3A_3026 = arith.constant 0 : index
      %swap3A_3027 = vector.load %arg5[%swap3A_3025, %swap3A_3026] : memref<4096x128xi32, #tpu.memory_space<vmem>>, vector<256x128xi32>
      tpu.vector_store %arg5[%swap3A_3025, %swap3A_3026], %broadcast_in_dim3A_3024 {strides = array<i32>} : memref<4096x128xi32, #tpu.memory_space<vmem>>, vector<256x128xi32>,
      %broadcast_in_dim3A_3028 = arith.constant 0 : i32
      %broadcast_in_dim3A_3029 = vector.broadcast %broadcast_in_dim3A_3028 : i32 to vector<256x128xi32>
      %swap3A_3030 = arith.constant 1792 : index
      %swap3A_3031 = arith.constant 0 : index
      %swap3A_3032 = vector.load %arg5[%swap3A_3030, %swap3A_3031] : memref<4096x128xi32, #tpu.memory_space<vmem>>, vector<256x128xi32>
      tpu.vector_store %arg5[%swap3A_3030, %swap3A_3031], %broadcast_in_dim3A_3029 {strides = array<i32>} : memref<4096x128xi32, #tpu.memory_space<vmem>>, vector<256x128xi32>,
      %broadcast_in_dim3A_3033 = arith.constant 0 : i32
      %broadcast_in_dim3A_3034 = vector.broadcast %broadcast_in_dim3A_3033 : i32 to vector<256x128xi32>
      %swap3A_3035 = arith.constant 2048 : index
      %swap3A_3036 = arith.constant 0 : index
      %swap3A_3037 = vector.load %arg5[%swap3A_3035, %swap3A_3036] : memref<4096x128xi32, #tpu.memory_space<vmem>>, vector<256x128xi32>
      tpu.vector_store %arg5[%swap3A_3035, %swap3A_3036], %broadcast_in_dim3A_3034 {strides = array<i32>} : memref<4096x128xi32, #tpu.memory_space<vmem>>, vector<256x128xi32>,
      %broadcast_in_dim3A_3038 = arith.constant 0 : i32
      %broadcast_in_dim3A_3039 = vector.broadcast %broadcast_in_dim3A_3038 : i32 to vector<256x128xi32>
      %swap3A_3040 = arith.constant 2304 : index
      %swap3A_3041 = arith.constant 0 : index
      %swap3A_3042 = vector.load %arg5[%swap3A_3040, %swap3A_3041] : memref<4096x128xi32, #tpu.memory_space<vmem>>, vector<256x128xi32>
      tpu.vector_store %arg5[%swap3A_3040, %swap3A_3041], %broadcast_in_dim3A_3039 {strides = array<i32>} : memref<4096x128xi32, #tpu.memory_space<vmem>>, vector<256x128xi32>,
      %broadcast_in_dim3A_3043 = arith.constant 0 : i32
      %broadcast_in_dim3A_3044 = vector.broadcast %broadcast_in_dim3A_3043 : i32 to vector<256x128xi32>
      %swap3A_3045 = arith.constant 2560 : index
      %swap3A_3046 = arith.constant 0 : index
      %swap3A_3047 = vector.load %arg5[%swap3A_3045, %swap3A_3046] : memref<4096x128xi32, #tpu.memory_space<vmem>>, vector<256x128xi32>
      tpu.vector_store %arg5[%swap3A_3045, %swap3A_3046], %broadcast_in_dim3A_3044 {strides = array<i32>} : memref<4096x128xi32, #tpu.memory_space<vmem>>, vector<256x128xi32>,
      %broadcast_in_dim3A_3048 = arith.constant 0 : i32
      %broadcast_in_dim3A_3049 = vector.broadcast %broadcast_in_dim3A_3048 : i32 to vector<256x128xi32>
      %swap3A_3050 = arith.constant 2816 : index
      %swap3A_3051 = arith.constant 0 : index
      %swap3A_3052 = vector.load %arg5[%swap3A_3050, %swap3A_3051] : memref<4096x128xi32, #tpu.memory_space<vmem>>, vector<256x128xi32>
      tpu.vector_store %arg5[%swap3A_3050, %swap3A_3051], %broadcast_in_dim3A_3049 {strides = array<i32>} : memref<4096x128xi32, #tpu.memory_space<vmem>>, vector<256x128xi32>,
      %broadcast_in_dim3A_3053 = arith.constant 0 : i32
      %broadcast_in_dim3A_3054 = vector.broadcast %broadcast_in_dim3A_3053 : i32 to vector<256x128xi32>
      %swap3A_3055 = arith.constant 3072 : index
      %swap3A_3056 = arith.constant 0 : index
      %swap3A_3057 = vector.load %arg5[%swap3A_3055, %swap3A_3056] : memref<4096x128xi32, #tpu.memory_space<vmem>>, vector<256x128xi32>
      tpu.vector_store %arg5[%swap3A_3055, %swap3A_3056], %broadcast_in_dim3A_3054 {strides = array<i32>} : memref<4096x128xi32, #tpu.memory_space<vmem>>, vector<256x128xi32>,
      %broadcast_in_dim3A_3058 = arith.constant 0 : i32
      %broadcast_in_dim3A_3059 = vector.broadcast %broadcast_in_dim3A_3058 : i32 to vector<256x128xi32>
      %swap3A_3060 = arith.constant 3328 : index
      %swap3A_3061 = arith.constant 0 : index
      %swap3A_3062 = vector.load %arg5[%swap3A_3060, %swap3A_3061] : memref<4096x128xi32, #tpu.memory_space<vmem>>, vector<256x128xi32>
      tpu.vector_store %arg5[%swap3A_3060, %swap3A_3061], %broadcast_in_dim3A_3059 {strides = array<i32>} : memref<4096x128xi32, #tpu.memory_space<vmem>>, vector<256x128xi32>,
      %broadcast_in_dim3A_3063 = arith.constant 0 : i32
      %broadcast_in_dim3A_3064 = vector.broadcast %broadcast_in_dim3A_3063 : i32 to vector<256x128xi32>
      %swap3A_3065 = arith.constant 3584 : index
      %swap3A_3066 = arith.constant 0 : index
      %swap3A_3067 = vector.load %arg5[%swap3A_3065, %swap3A_3066] : memref<4096x128xi32, #tpu.memory_space<vmem>>, vector<256x128xi32>
      tpu.vector_store %arg5[%swap3A_3065, %swap3A_3066], %broadcast_in_dim3A_3064 {strides = array<i32>} : memref<4096x128xi32, #tpu.memory_space<vmem>>, vector<256x128xi32>,
      %broadcast_in_dim3A_3068 = arith.constant 0 : i32
      %broadcast_in_dim3A_3069 = vector.broadcast %broadcast_in_dim3A_3068 : i32 to vector<256x128xi32>
      %swap3A_3070 = arith.constant 3840 : index
      %swap3A_3071 = arith.constant 0 : index
      %swap3A_3072 = vector.load %arg5[%swap3A_3070, %swap3A_3071] : memref<4096x128xi32, #tpu.memory_space<vmem>>, vector<256x128xi32>
      tpu.vector_store %arg5[%swap3A_3070, %swap3A_3071], %broadcast_in_dim3A_3069 {strides = array<i32>} : memref<4096x128xi32, #tpu.memory_space<vmem>>, vector<256x128xi32>,
    } else {
    }
    %gt3A = arith.constant 0 : i32
    %gt3A_2989 = arith.cmpi sgt, %convert_element_type3A_2984, %gt3A : i32
    %convert_element_type3A_2990 = arith.extui %gt3A_2989 : i1 to i32
    %cond3A_2991 = arith.constant 0 : i32
    %cond3A_2992 = arith.cmpi ne, %convert_element_type3A_2990, %cond3A_2991 : i32
    scf.if %cond3A_2992 {
      %convert_element_type3A_2993 = arith.sitofp %shift_right_arithmetic3A_2962 : vector<1x128xi32> to vector<1x128xf32>
      %add3A_2994 = arith.constant 5.000000e-01 : f32
      %add3A_2995 = vector.broadcast %add3A_2994 : f32 to vector<1x128xf32>
      %add3A_2996 = arith.addf %convert_element_type3A_2993, %add3A_2995 : vector<1x128xf32>
      %mul3A = arith.constant 2.000000e+00 : f32
      %mul3A_2997 = vector.broadcast %mul3A : f32 to vector<1x128xf32>
      %mul3A_2998 = arith.mulf %add3A_2996, %mul3A_2997 : vector<1x128xf32>
      %swap3A_2999 = arith.constant 0 : index
      %swap3A_3000 = arith.constant 0 : index
      %swap3A_3001 = vector.load %arg12[%swap3A_2999, %swap3A_3000] : memref<8x128xf32, #tpu.memory_space<vmem>>, vector<1x128xf32>
      tpu.vector_store %arg12[%swap3A_2999, %swap3A_3000], %mul3A_2998 {strides = array<i32>} : memref<8x128xf32, #tpu.memory_space<vmem>>, vector<1x128xf32>,
      %convert_element_type3A_3002 = arith.sitofp %and3A_2968 : vector<1x128xi32> to vector<1x128xf32>
      %add3A_3003 = arith.constant 5.000000e-01 : f32
      %add3A_3004 = vector.broadcast %add3A_3003 : f32 to vector<1x128xf32>
      %add3A_3005 = arith.addf %convert_element_type3A_3002, %add3A_3004 : vector<1x128xf32>
      %swap3A_3006 = arith.constant 1 : index
      %swap3A_3007 = arith.constant 0 : index
      %swap3A_3008 = vector.load %arg12[%swap3A_3006, %swap3A_3007] : memref<8x128xf32, #tpu.memory_space<vmem>>, vector<1x128xf32>
      tpu.vector_store %arg12[%swap3A_3006, %swap3A_3007], %add3A_3005 {strides = array<i32>} : memref<8x128xf32, #tpu.memory_space<vmem>>, vector<1x128xf32>,
      %convert_element_type3A_3009 = arith.sitofp %and3A_2971 : vector<1x128xi32> to vector<1x128xf32>
      %add3A_3010 = arith.constant 5.000000e-01 : f32
      %add3A_3011 = vector.broadcast %add3A_3010 : f32 to vector<1x128xf32>
      %add3A_3012 = arith.addf %convert_element_type3A_3009, %add3A_3011 : vector<1x128xf32>
      %swap3A_3013 = arith.constant 2 : index
      %swap3A_3014 = arith.constant 0 : index
      %swap3A_3015 = vector.load %arg12[%swap3A_3013, %swap3A_3014] : memref<8x128xf32, #tpu.memory_space<vmem>>, vector<1x128xf32>
      tpu.vector_store %arg12[%swap3A_3013, %swap3A_3014], %add3A_3012 {strides = array<i32>} : memref<8x128xf32, #tpu.memory_space<vmem>>, vector<1x128xf32>,
      %swap3A_3016 = arith.constant 3 : index
      %swap3A_3017 = arith.constant 0 : index
      %swap3A_3018 = vector.load %arg12[%swap3A_3016, %swap3A_3017] : memref<8x128xf32, #tpu.memory_space<vmem>>, vector<1x128xf32>
      tpu.vector_store %arg12[%swap3A_3016, %swap3A_3017], %select_n3A_2979 {strides = array<i32>} : memref<8x128xf32, #tpu.memory_space<vmem>>, vector<1x128xf32>,
      %broadcast_in_dim3A_3019 = arith.constant 0.000000e+00 : f32
      %broadcast_in_dim3A_3020 = vector.broadcast %broadcast_in_dim3A_3019 : f32 to vector<4x128xf32>
      %swap3A_3021 = arith.constant 4 : index
      %swap3A_3022 = arith.constant 0 : index
      %swap3A_3023 = vector.load %arg12[%swap3A_3021, %swap3A_3022] : memref<8x128xf32, #tpu.memory_space<vmem>>, vector<4x128xf32>
      tpu.vector_store %arg12[%swap3A_3021, %swap3A_3022], %broadcast_in_dim3A_3020 {strides = array<i32>} : memref<8x128xf32, #tpu.memory_space<vmem>>, vector<4x128xf32>,
      tpu.enqueue_dma source(%arg1 : memref<4096x128xf32, #tpu.memory_space<hbm>>) target(%arg14 : memref<4096x128xf32, #tpu.memory_space<vmem>>) target_semaphore(%arg18 : memref<!tpu.dma_semaphore, #tpu.memory_space<semaphore_mem>>)
      tpu.enqueue_dma source(%arg2 : memref<4096x128xf32, #tpu.memory_space<hbm>>) target(%arg15 : memref<4096x128xf32, #tpu.memory_space<vmem>>) target_semaphore(%arg18 : memref<!tpu.dma_semaphore, #tpu.memory_space<semaphore_mem>>)
      tpu.enqueue_dma source(%arg3 : memref<4096x128xf32, #tpu.memory_space<hbm>>) target(%arg16 : memref<4096x128xf32, #tpu.memory_space<vmem>>) target_semaphore(%arg18 : memref<!tpu.dma_semaphore, #tpu.memory_space<semaphore_mem>>)
      tpu.enqueue_dma source(%arg4 : memref<4096x128xf32, #tpu.memory_space<hbm>>) target(%arg17 : memref<4096x128xf32, #tpu.memory_space<vmem>>) target_semaphore(%arg18 : memref<!tpu.dma_semaphore, #tpu.memory_space<semaphore_mem>>)
      tpu.enqueue_dma source(%arg12 : memref<8x128xf32, #tpu.memory_space<vmem>>) target(%arg13 : memref<8x128xf32, #tpu.memory_space<smem>>) target_semaphore(%arg18 : memref<!tpu.dma_semaphore, #tpu.memory_space<semaphore_mem>>)
      tpu.wait_dma2 semaphore(%arg18 : memref<!tpu.dma_semaphore, #tpu.memory_space<semaphore_mem>>) src(%arg1 : memref<4096x128xf32, #tpu.memory_space<hbm>>) dst(%arg14 : memref<4096x128xf32, #tpu.memory_space<vmem>>)
      tpu.wait_dma2 semaphore(%arg18 : memref<!tpu.dma_semaphore, #tpu.memory_space<semaphore_mem>>) src(%arg2 : memref<4096x128xf32, #tpu.memory_space<hbm>>) dst(%arg15 : memref<4096x128xf32, #tpu.memory_space<vmem>>)
      tpu.wait_dma2 semaphore(%arg18 : memref<!tpu.dma_semaphore, #tpu.memory_space<semaphore_mem>>) src(%arg3 : memref<4096x128xf32, #tpu.memory_space<hbm>>) dst(%arg16 : memref<4096x128xf32, #tpu.memory_space<vmem>>)
      tpu.wait_dma2 semaphore(%arg18 : memref<!tpu.dma_semaphore, #tpu.memory_space<semaphore_mem>>) src(%arg4 : memref<4096x128xf32, #tpu.memory_space<hbm>>) dst(%arg17 : memref<4096x128xf32, #tpu.memory_space<vmem>>)
      tpu.wait_dma2 semaphore(%arg18 : memref<!tpu.dma_semaphore, #tpu.memory_space<semaphore_mem>>) src(%arg12 : memref<8x128xf32, #tpu.memory_space<vmem>>) dst(%arg13 : memref<8x128xf32, #tpu.memory_space<smem>>)
      %get3A_3024 = arith.constant 0 : index
      %get3A_3025 = arith.constant 0 : index
      %get3A_3026 = vector.load %arg14[%get3A_3024, %get3A_3025] : memref<4096x128xf32, #tpu.memory_space<vmem>>, vector<256x128xf32>
      %get3A_3027 = arith.constant 0 : index
      %get3A_3028 = arith.constant 0 : index
      %get3A_3029 = vector.load %arg15[%get3A_3027, %get3A_3028] : memref<4096x128xf32, #tpu.memory_space<vmem>>, vector<256x128xf32>
      %get3A_3030 = arith.constant 0 : index
      %get3A_3031 = arith.constant 0 : index
      %get3A_3032 = vector.load %arg16[%get3A_3030, %get3A_3031] : memref<4096x128xf32, #tpu.memory_space<vmem>>, vector<256x128xf32>
      %mul3A_3033 = arith.mulf %get3A_3026, %get3A_3026 : vector<256x128xf32>
      %mul3A_3034 = arith.mulf %get3A_3029, %get3A_3029 : vector<256x128xf32>
      %add3A_3035 = arith.addf %mul3A_3033, %mul3A_3034 : vector<256x128xf32>
      %mul3A_3036 = arith.mulf %get3A_3032, %get3A_3032 : vector<256x128xf32>
      %add3A_3037 = arith.addf %add3A_3035, %mul3A_3036 : vector<256x128xf32>
      %broadcast_in_dim3A_3038 = arith.constant 0x7F800000 : f32
      %broadcast_in_dim3A_3039 = vector.broadcast %broadcast_in_dim3A_3038 : f32 to vector<256x128xf32>
      %broadcast_in_dim3A_3040 = arith.constant 0 : i32
      %broadcast_in_dim3A_3041 = vector.broadcast %broadcast_in_dim3A_3040 : i32 to vector<256x128xi32>
      %scan3A = arith.constant 0x7F800000 : f32
      %scan3A_3042 = arith.constant 0 : i32
      %scan3A_3043 = arith.constant 64 : i32
      %scan3A_3044 = arith.addi %scan3A_3042, %scan3A_3043 : i32
      %scan3A_3045 = arith.constant 1 : i32
      %scan3A_3046:2 = scf.for %scan3A_3663 = %scan3A_3042 to %scan3A_3044 step %scan3A_3045 iter_args(%scan3A_3664 = %broadcast_in_dim3A_3039, %scan3A_3665 = %broadcast_in_dim3A_3041) -> (vector<256x128xf32>, vector<256x128xi32>)  : i32 {
        %get3A_3666 = arith.constant 0 : index
        %get3A_3667 = arith.index_cast %scan3A_3663 : i32 to index
        %get3A_3668 = memref.load %arg13[%get3A_3666, %get3A_3667] : memref<8x128xf32, #tpu.memory_space<smem>>
        %get3A_3669 = arith.constant 1 : index
        %get3A_3670 = arith.index_cast %scan3A_3663 : i32 to index
        %get3A_3671 = memref.load %arg13[%get3A_3669, %get3A_3670] : memref<8x128xf32, #tpu.memory_space<smem>>
        %get3A_3672 = arith.constant 2 : index
        %get3A_3673 = arith.index_cast %scan3A_3663 : i32 to index
        %get3A_3674 = memref.load %arg13[%get3A_3672, %get3A_3673] : memref<8x128xf32, #tpu.memory_space<smem>>
        %get3A_3675 = arith.constant 3 : index
        %get3A_3676 = arith.index_cast %scan3A_3663 : i32 to index
        %get3A_3677 = memref.load %arg13[%get3A_3675, %get3A_3676] : memref<8x128xf32, #tpu.memory_space<smem>>
        %mul3A_3678 = arith.mulf %get3A_3668, %get3A_3668 : f32
        %mul3A_3679 = arith.mulf %get3A_3671, %get3A_3671 : f32
        %add3A_3680 = arith.addf %mul3A_3678, %mul3A_3679 : f32
        %mul3A_3681 = arith.mulf %get3A_3674, %get3A_3674 : f32
        %add3A_3682 = arith.addf %add3A_3680, %mul3A_3681 : f32
        %mul3A_3683 = vector.broadcast %get3A_3668 : f32 to vector<256x128xf32>
        %mul3A_3684 = arith.mulf %get3A_3026, %mul3A_3683 : vector<256x128xf32>
        %mul3A_3685 = vector.broadcast %get3A_3671 : f32 to vector<256x128xf32>
        %mul3A_3686 = arith.mulf %get3A_3029, %mul3A_3685 : vector<256x128xf32>
        %add3A_3687 = arith.addf %mul3A_3684, %mul3A_3686 : vector<256x128xf32>
        %mul3A_3688 = vector.broadcast %get3A_3674 : f32 to vector<256x128xf32>
        %mul3A_3689 = arith.mulf %get3A_3032, %mul3A_3688 : vector<256x128xf32>
        %add3A_3690 = arith.addf %add3A_3687, %mul3A_3689 : vector<256x128xf32>
        %add3A_3691 = vector.broadcast %add3A_3682 : f32 to vector<256x128xf32>
        %add3A_3692 = arith.addf %add3A_3037, %add3A_3691 : vector<256x128xf32>
        %mul3A_3693 = arith.constant 2.000000e+00 : f32
        %mul3A_3694 = vector.broadcast %mul3A_3693 : f32 to vector<256x128xf32>
        %mul3A_3695 = arith.mulf %mul3A_3694, %add3A_3690 : vector<256x128xf32>
        %sub3A = arith.subf %add3A_3692, %mul3A_3695 : vector<256x128xf32>
        %gt3A_3696 = arith.constant 0.000000e+00 : f32
        %gt3A_3697 = arith.cmpf ogt, %get3A_3677, %gt3A_3696 : f32
        %broadcast_in_dim3A_3698 = vector.broadcast %scan3A : f32 to vector<256x128xf32>
        %select_n3A_3699 = arith.select %gt3A_3697, %sub3A, %broadcast_in_dim3A_3698 : vector<256x128xf32>
        %lt3A = arith.cmpf olt, %select_n3A_3699, %scan3A_3664 : vector<256x128xf32>
        %select_n3A_3700 = arith.select %lt3A, %select_n3A_3699, %scan3A_3664 : vector<256x128xi1>, vector<256x128xf32>
        %broadcast_in_dim3A_3701 = vector.broadcast %scan3A_3663 : i32 to vector<256x128xi32>
        %select_n3A_3702 = arith.select %lt3A, %broadcast_in_dim3A_3701, %scan3A_3665 : vector<256x128xi1>, vector<256x128xi32>
        scf.yield %select_n3A_3700, %select_n3A_3702 : vector<256x128xf32>, vector<256x128xi32>
      }
      %scan3A_3047 = arith.constant 64 : i32
      %get3A_3048 = arith.constant 0 : index
      %get3A_3049 = arith.constant 0 : index
      %get3A_3050 = vector.load %arg17[%get3A_3048, %get3A_3049] : memref<4096x128xf32, #tpu.memory_space<vmem>>, vector<256x128xf32>
      %gt3A_3051 = arith.constant 0.000000e+00 : f32
      %gt3A_3052 = vector.broadcast %gt3A_3051 : f32 to vector<256x128xf32>
      %gt3A_3053 = arith.cmpf ogt, %get3A_3050, %gt3A_3052 : vector<256x128xf32>
      %add3A_3054 = arith.constant 1 : i32
      %add3A_3055 = vector.broadcast %add3A_3054 : i32 to vector<256x128xi32>
      %add3A_3056 = arith.addi %scan3A_3046#1, %add3A_3055 : vector<256x128xi32>
      %jit3A_3057 = arith.constant 0 : i32
      %broadcast_in_dim3A_3058 = vector.broadcast %jit3A_3057 : i32 to vector<256x128xi32>
      %select_n3A_3059 = arith.select %gt3A_3053, %add3A_3056, %broadcast_in_dim3A_3058 : vector<256x128xi1>, vector<256x128xi32>
      %swap3A_3060 = arith.constant 0 : index
      %swap3A_3061 = arith.constant 0 : index
      %swap3A_3062 = vector.load %arg5[%swap3A_3060, %swap3A_3061] : memref<4096x128xi32, #tpu.memory_space<vmem>>, vector<256x128xi32>
      tpu.vector_store %arg5[%swap3A_3060, %swap3A_3061], %select_n3A_3059 {strides = array<i32>} : memref<4096x128xi32, #tpu.memory_space<vmem>>, vector<256x128xi32>,
      %get3A_3063 = arith.constant 256 : index
      %get3A_3064 = arith.constant 0 : index
      %get3A_3065 = vector.load %arg14[%get3A_3063, %get3A_3064] : memref<4096x128xf32, #tpu.memory_space<vmem>>, vector<256x128xf32>
      %get3A_3066 = arith.constant 256 : index
      %get3A_3067 = arith.constant 0 : index
      %get3A_3068 = vector.load %arg15[%get3A_3066, %get3A_3067] : memref<4096x128xf32, #tpu.memory_space<vmem>>, vector<256x128xf32>
      %get3A_3069 = arith.constant 256 : index
      %get3A_3070 = arith.constant 0 : index
      %get3A_3071 = vector.load %arg16[%get3A_3069, %get3A_3070] : memref<4096x128xf32, #tpu.memory_space<vmem>>, vector<256x128xf32>
      %mul3A_3072 = arith.mulf %get3A_3065, %get3A_3065 : vector<256x128xf32>
      %mul3A_3073 = arith.mulf %get3A_3068, %get3A_3068 : vector<256x128xf32>
      %add3A_3074 = arith.addf %mul3A_3072, %mul3A_3073 : vector<256x128xf32>
      %mul3A_3075 = arith.mulf %get3A_3071, %get3A_3071 : vector<256x128xf32>
      %add3A_3076 = arith.addf %add3A_3074, %mul3A_3075 : vector<256x128xf32>
      %broadcast_in_dim3A_3077 = arith.constant 0x7F800000 : f32
      %broadcast_in_dim3A_3078 = vector.broadcast %broadcast_in_dim3A_3077 : f32 to vector<256x128xf32>
      %broadcast_in_dim3A_3079 = arith.constant 0 : i32
      %broadcast_in_dim3A_3080 = vector.broadcast %broadcast_in_dim3A_3079 : i32 to vector<256x128xi32>
      %scan3A_3081 = arith.constant 0x7F800000 : f32
      %scan3A_3082 = arith.constant 0 : i32
      %scan3A_3083 = arith.constant 64 : i32
      %scan3A_3084 = arith.addi %scan3A_3082, %scan3A_3083 : i32
      %scan3A_3085 = arith.constant 1 : i32
      %scan3A_3086:2 = scf.for %scan3A_3663 = %scan3A_3082 to %scan3A_3084 step %scan3A_3085 iter_args(%scan3A_3664 = %broadcast_in_dim3A_3078, %scan3A_3665 = %broadcast_in_dim3A_3080) -> (vector<256x128xf32>, vector<256x128xi32>)  : i32 {
        %get3A_3666 = arith.constant 0 : index
        %get3A_3667 = arith.index_cast %scan3A_3663 : i32 to index
        %get3A_3668 = memref.load %arg13[%get3A_3666, %get3A_3667] : memref<8x128xf32, #tpu.memory_space<smem>>
        %get3A_3669 = arith.constant 1 : index
        %get3A_3670 = arith.index_cast %scan3A_3663 : i32 to index
        %get3A_3671 = memref.load %arg13[%get3A_3669, %get3A_3670] : memref<8x128xf32, #tpu.memory_space<smem>>
        %get3A_3672 = arith.constant 2 : index
        %get3A_3673 = arith.index_cast %scan3A_3663 : i32 to index
        %get3A_3674 = memref.load %arg13[%get3A_3672, %get3A_3673] : memref<8x128xf32, #tpu.memory_space<smem>>
        %get3A_3675 = arith.constant 3 : index
        %get3A_3676 = arith.index_cast %scan3A_3663 : i32 to index
        %get3A_3677 = memref.load %arg13[%get3A_3675, %get3A_3676] : memref<8x128xf32, #tpu.memory_space<smem>>
        %mul3A_3678 = arith.mulf %get3A_3668, %get3A_3668 : f32
        %mul3A_3679 = arith.mulf %get3A_3671, %get3A_3671 : f32
        %add3A_3680 = arith.addf %mul3A_3678, %mul3A_3679 : f32
        %mul3A_3681 = arith.mulf %get3A_3674, %get3A_3674 : f32
        %add3A_3682 = arith.addf %add3A_3680, %mul3A_3681 : f32
        %mul3A_3683 = vector.broadcast %get3A_3668 : f32 to vector<256x128xf32>
        %mul3A_3684 = arith.mulf %get3A_3065, %mul3A_3683 : vector<256x128xf32>
        %mul3A_3685 = vector.broadcast %get3A_3671 : f32 to vector<256x128xf32>
        %mul3A_3686 = arith.mulf %get3A_3068, %mul3A_3685 : vector<256x128xf32>
        %add3A_3687 = arith.addf %mul3A_3684, %mul3A_3686 : vector<256x128xf32>
        %mul3A_3688 = vector.broadcast %get3A_3674 : f32 to vector<256x128xf32>
        %mul3A_3689 = arith.mulf %get3A_3071, %mul3A_3688 : vector<256x128xf32>
        %add3A_3690 = arith.addf %add3A_3687, %mul3A_3689 : vector<256x128xf32>
        %add3A_3691 = vector.broadcast %add3A_3682 : f32 to vector<256x128xf32>
        %add3A_3692 = arith.addf %add3A_3076, %add3A_3691 : vector<256x128xf32>
        %mul3A_3693 = arith.constant 2.000000e+00 : f32
        %mul3A_3694 = vector.broadcast %mul3A_3693 : f32 to vector<256x128xf32>
        %mul3A_3695 = arith.mulf %mul3A_3694, %add3A_3690 : vector<256x128xf32>
        %sub3A = arith.subf %add3A_3692, %mul3A_3695 : vector<256x128xf32>
        %gt3A_3696 = arith.constant 0.000000e+00 : f32
        %gt3A_3697 = arith.cmpf ogt, %get3A_3677, %gt3A_3696 : f32
        %broadcast_in_dim3A_3698 = vector.broadcast %scan3A_3081 : f32 to vector<256x128xf32>
        %select_n3A_3699 = arith.select %gt3A_3697, %sub3A, %broadcast_in_dim3A_3698 : vector<256x128xf32>
        %lt3A = arith.cmpf olt, %select_n3A_3699, %scan3A_3664 : vector<256x128xf32>
        %select_n3A_3700 = arith.select %lt3A, %select_n3A_3699, %scan3A_3664 : vector<256x128xi1>, vector<256x128xf32>
        %broadcast_in_dim3A_3701 = vector.broadcast %scan3A_3663 : i32 to vector<256x128xi32>
        %select_n3A_3702 = arith.select %lt3A, %broadcast_in_dim3A_3701, %scan3A_3665 : vector<256x128xi1>, vector<256x128xi32>
        scf.yield %select_n3A_3700, %select_n3A_3702 : vector<256x128xf32>, vector<256x128xi32>
      }
      %scan3A_3087 = arith.constant 64 : i32
      %get3A_3088 = arith.constant 256 : index
      %get3A_3089 = arith.constant 0 : index
      %get3A_3090 = vector.load %arg17[%get3A_3088, %get3A_3089] : memref<4096x128xf32, #tpu.memory_space<vmem>>, vector<256x128xf32>
      %gt3A_3091 = arith.constant 0.000000e+00 : f32
      %gt3A_3092 = vector.broadcast %gt3A_3091 : f32 to vector<256x128xf32>
      %gt3A_3093 = arith.cmpf ogt, %get3A_3090, %gt3A_3092 : vector<256x128xf32>
      %add3A_3094 = arith.constant 1 : i32
      %add3A_3095 = vector.broadcast %add3A_3094 : i32 to vector<256x128xi32>
      %add3A_3096 = arith.addi %scan3A_3086#1, %add3A_3095 : vector<256x128xi32>
      %jit3A_3097 = arith.constant 0 : i32
      %broadcast_in_dim3A_3098 = vector.broadcast %jit3A_3097 : i32 to vector<256x128xi32>
      %select_n3A_3099 = arith.select %gt3A_3093, %add3A_3096, %broadcast_in_dim3A_3098 : vector<256x128xi1>, vector<256x128xi32>
      %swap3A_3100 = arith.constant 256 : index
      %swap3A_3101 = arith.constant 0 : index
      %swap3A_3102 = vector.load %arg5[%swap3A_3100, %swap3A_3101] : memref<4096x128xi32, #tpu.memory_space<vmem>>, vector<256x128xi32>
      tpu.vector_store %arg5[%swap3A_3100, %swap3A_3101], %select_n3A_3099 {strides = array<i32>} : memref<4096x128xi32, #tpu.memory_space<vmem>>, vector<256x128xi32>,
      %get3A_3103 = arith.constant 512 : index
      %get3A_3104 = arith.constant 0 : index
      %get3A_3105 = vector.load %arg14[%get3A_3103, %get3A_3104] : memref<4096x128xf32, #tpu.memory_space<vmem>>, vector<256x128xf32>
      %get3A_3106 = arith.constant 512 : index
      %get3A_3107 = arith.constant 0 : index
      %get3A_3108 = vector.load %arg15[%get3A_3106, %get3A_3107] : memref<4096x128xf32, #tpu.memory_space<vmem>>, vector<256x128xf32>
      %get3A_3109 = arith.constant 512 : index
      %get3A_3110 = arith.constant 0 : index
      %get3A_3111 = vector.load %arg16[%get3A_3109, %get3A_3110] : memref<4096x128xf32, #tpu.memory_space<vmem>>, vector<256x128xf32>
      %mul3A_3112 = arith.mulf %get3A_3105, %get3A_3105 : vector<256x128xf32>
      %mul3A_3113 = arith.mulf %get3A_3108, %get3A_3108 : vector<256x128xf32>
      %add3A_3114 = arith.addf %mul3A_3112, %mul3A_3113 : vector<256x128xf32>
      %mul3A_3115 = arith.mulf %get3A_3111, %get3A_3111 : vector<256x128xf32>
      %add3A_3116 = arith.addf %add3A_3114, %mul3A_3115 : vector<256x128xf32>
      %broadcast_in_dim3A_3117 = arith.constant 0x7F800000 : f32
      %broadcast_in_dim3A_3118 = vector.broadcast %broadcast_in_dim3A_3117 : f32 to vector<256x128xf32>
      %broadcast_in_dim3A_3119 = arith.constant 0 : i32
      %broadcast_in_dim3A_3120 = vector.broadcast %broadcast_in_dim3A_3119 : i32 to vector<256x128xi32>
      %scan3A_3121 = arith.constant 0x7F800000 : f32
      %scan3A_3122 = arith.constant 0 : i32
      %scan3A_3123 = arith.constant 64 : i32
      %scan3A_3124 = arith.addi %scan3A_3122, %scan3A_3123 : i32
      %scan3A_3125 = arith.constant 1 : i32
      %scan3A_3126:2 = scf.for %scan3A_3663 = %scan3A_3122 to %scan3A_3124 step %scan3A_3125 iter_args(%scan3A_3664 = %broadcast_in_dim3A_3118, %scan3A_3665 = %broadcast_in_dim3A_3120) -> (vector<256x128xf32>, vector<256x128xi32>)  : i32 {
        %get3A_3666 = arith.constant 0 : index
        %get3A_3667 = arith.index_cast %scan3A_3663 : i32 to index
        %get3A_3668 = memref.load %arg13[%get3A_3666, %get3A_3667] : memref<8x128xf32, #tpu.memory_space<smem>>
        %get3A_3669 = arith.constant 1 : index
        %get3A_3670 = arith.index_cast %scan3A_3663 : i32 to index
        %get3A_3671 = memref.load %arg13[%get3A_3669, %get3A_3670] : memref<8x128xf32, #tpu.memory_space<smem>>
        %get3A_3672 = arith.constant 2 : index
        %get3A_3673 = arith.index_cast %scan3A_3663 : i32 to index
        %get3A_3674 = memref.load %arg13[%get3A_3672, %get3A_3673] : memref<8x128xf32, #tpu.memory_space<smem>>
        %get3A_3675 = arith.constant 3 : index
        %get3A_3676 = arith.index_cast %scan3A_3663 : i32 to index
        %get3A_3677 = memref.load %arg13[%get3A_3675, %get3A_3676] : memref<8x128xf32, #tpu.memory_space<smem>>
        %mul3A_3678 = arith.mulf %get3A_3668, %get3A_3668 : f32
        %mul3A_3679 = arith.mulf %get3A_3671, %get3A_3671 : f32
        %add3A_3680 = arith.addf %mul3A_3678, %mul3A_3679 : f32
        %mul3A_3681 = arith.mulf %get3A_3674, %get3A_3674 : f32
        %add3A_3682 = arith.addf %add3A_3680, %mul3A_3681 : f32
        %mul3A_3683 = vector.broadcast %get3A_3668 : f32 to vector<256x128xf32>
        %mul3A_3684 = arith.mulf %get3A_3105, %mul3A_3683 : vector<256x128xf32>
        %mul3A_3685 = vector.broadcast %get3A_3671 : f32 to vector<256x128xf32>
        %mul3A_3686 = arith.mulf %get3A_3108, %mul3A_3685 : vector<256x128xf32>
        %add3A_3687 = arith.addf %mul3A_3684, %mul3A_3686 : vector<256x128xf32>
        %mul3A_3688 = vector.broadcast %get3A_3674 : f32 to vector<256x128xf32>
        %mul3A_3689 = arith.mulf %get3A_3111, %mul3A_3688 : vector<256x128xf32>
        %add3A_3690 = arith.addf %add3A_3687, %mul3A_3689 : vector<256x128xf32>
        %add3A_3691 = vector.broadcast %add3A_3682 : f32 to vector<256x128xf32>
        %add3A_3692 = arith.addf %add3A_3116, %add3A_3691 : vector<256x128xf32>
        %mul3A_3693 = arith.constant 2.000000e+00 : f32
        %mul3A_3694 = vector.broadcast %mul3A_3693 : f32 to vector<256x128xf32>
        %mul3A_3695 = arith.mulf %mul3A_3694, %add3A_3690 : vector<256x128xf32>
        %sub3A = arith.subf %add3A_3692, %mul3A_3695 : vector<256x128xf32>
        %gt3A_3696 = arith.constant 0.000000e+00 : f32
        %gt3A_3697 = arith.cmpf ogt, %get3A_3677, %gt3A_3696 : f32
        %broadcast_in_dim3A_3698 = vector.broadcast %scan3A_3121 : f32 to vector<256x128xf32>
        %select_n3A_3699 = arith.select %gt3A_3697, %sub3A, %broadcast_in_dim3A_3698 : vector<256x128xf32>
        %lt3A = arith.cmpf olt, %select_n3A_3699, %scan3A_3664 : vector<256x128xf32>
        %select_n3A_3700 = arith.select %lt3A, %select_n3A_3699, %scan3A_3664 : vector<256x128xi1>, vector<256x128xf32>
        %broadcast_in_dim3A_3701 = vector.broadcast %scan3A_3663 : i32 to vector<256x128xi32>
        %select_n3A_3702 = arith.select %lt3A, %broadcast_in_dim3A_3701, %scan3A_3665 : vector<256x128xi1>, vector<256x128xi32>
        scf.yield %select_n3A_3700, %select_n3A_3702 : vector<256x128xf32>, vector<256x128xi32>
      }
      %scan3A_3127 = arith.constant 64 : i32
      %get3A_3128 = arith.constant 512 : index
      %get3A_3129 = arith.constant 0 : index
      %get3A_3130 = vector.load %arg17[%get3A_3128, %get3A_3129] : memref<4096x128xf32, #tpu.memory_space<vmem>>, vector<256x128xf32>
      %gt3A_3131 = arith.constant 0.000000e+00 : f32
      %gt3A_3132 = vector.broadcast %gt3A_3131 : f32 to vector<256x128xf32>
      %gt3A_3133 = arith.cmpf ogt, %get3A_3130, %gt3A_3132 : vector<256x128xf32>
      %add3A_3134 = arith.constant 1 : i32
      %add3A_3135 = vector.broadcast %add3A_3134 : i32 to vector<256x128xi32>
      %add3A_3136 = arith.addi %scan3A_3126#1, %add3A_3135 : vector<256x128xi32>
      %jit3A_3137 = arith.constant 0 : i32
      %broadcast_in_dim3A_3138 = vector.broadcast %jit3A_3137 : i32 to vector<256x128xi32>
      %select_n3A_3139 = arith.select %gt3A_3133, %add3A_3136, %broadcast_in_dim3A_3138 : vector<256x128xi1>, vector<256x128xi32>
      %swap3A_3140 = arith.constant 512 : index
      %swap3A_3141 = arith.constant 0 : index
      %swap3A_3142 = vector.load %arg5[%swap3A_3140, %swap3A_3141] : memref<4096x128xi32, #tpu.memory_space<vmem>>, vector<256x128xi32>
      tpu.vector_store %arg5[%swap3A_3140, %swap3A_3141], %select_n3A_3139 {strides = array<i32>} : memref<4096x128xi32, #tpu.memory_space<vmem>>, vector<256x128xi32>,
      %get3A_3143 = arith.constant 768 : index
      %get3A_3144 = arith.constant 0 : index
      %get3A_3145 = vector.load %arg14[%get3A_3143, %get3A_3144] : memref<4096x128xf32, #tpu.memory_space<vmem>>, vector<256x128xf32>
      %get3A_3146 = arith.constant 768 : index
      %get3A_3147 = arith.constant 0 : index
      %get3A_3148 = vector.load %arg15[%get3A_3146, %get3A_3147] : memref<4096x128xf32, #tpu.memory_space<vmem>>, vector<256x128xf32>
      %get3A_3149 = arith.constant 768 : index
      %get3A_3150 = arith.constant 0 : index
      %get3A_3151 = vector.load %arg16[%get3A_3149, %get3A_3150] : memref<4096x128xf32, #tpu.memory_space<vmem>>, vector<256x128xf32>
      %mul3A_3152 = arith.mulf %get3A_3145, %get3A_3145 : vector<256x128xf32>
      %mul3A_3153 = arith.mulf %get3A_3148, %get3A_3148 : vector<256x128xf32>
      %add3A_3154 = arith.addf %mul3A_3152, %mul3A_3153 : vector<256x128xf32>
      %mul3A_3155 = arith.mulf %get3A_3151, %get3A_3151 : vector<256x128xf32>
      %add3A_3156 = arith.addf %add3A_3154, %mul3A_3155 : vector<256x128xf32>
      %broadcast_in_dim3A_3157 = arith.constant 0x7F800000 : f32
      %broadcast_in_dim3A_3158 = vector.broadcast %broadcast_in_dim3A_3157 : f32 to vector<256x128xf32>
      %broadcast_in_dim3A_3159 = arith.constant 0 : i32
      %broadcast_in_dim3A_3160 = vector.broadcast %broadcast_in_dim3A_3159 : i32 to vector<256x128xi32>
      %scan3A_3161 = arith.constant 0x7F800000 : f32
      %scan3A_3162 = arith.constant 0 : i32
      %scan3A_3163 = arith.constant 64 : i32
      %scan3A_3164 = arith.addi %scan3A_3162, %scan3A_3163 : i32
      %scan3A_3165 = arith.constant 1 : i32
      %scan3A_3166:2 = scf.for %scan3A_3663 = %scan3A_3162 to %scan3A_3164 step %scan3A_3165 iter_args(%scan3A_3664 = %broadcast_in_dim3A_3158, %scan3A_3665 = %broadcast_in_dim3A_3160) -> (vector<256x128xf32>, vector<256x128xi32>)  : i32 {
        %get3A_3666 = arith.constant 0 : index
        %get3A_3667 = arith.index_cast %scan3A_3663 : i32 to index
        %get3A_3668 = memref.load %arg13[%get3A_3666, %get3A_3667] : memref<8x128xf32, #tpu.memory_space<smem>>
        %get3A_3669 = arith.constant 1 : index
        %get3A_3670 = arith.index_cast %scan3A_3663 : i32 to index
        %get3A_3671 = memref.load %arg13[%get3A_3669, %get3A_3670] : memref<8x128xf32, #tpu.memory_space<smem>>
        %get3A_3672 = arith.constant 2 : index
        %get3A_3673 = arith.index_cast %scan3A_3663 : i32 to index
        %get3A_3674 = memref.load %arg13[%get3A_3672, %get3A_3673] : memref<8x128xf32, #tpu.memory_space<smem>>
        %get3A_3675 = arith.constant 3 : index
        %get3A_3676 = arith.index_cast %scan3A_3663 : i32 to index
        %get3A_3677 = memref.load %arg13[%get3A_3675, %get3A_3676] : memref<8x128xf32, #tpu.memory_space<smem>>
        %mul3A_3678 = arith.mulf %get3A_3668, %get3A_3668 : f32
        %mul3A_3679 = arith.mulf %get3A_3671, %get3A_3671 : f32
        %add3A_3680 = arith.addf %mul3A_3678, %mul3A_3679 : f32
        %mul3A_3681 = arith.mulf %get3A_3674, %get3A_3674 : f32
        %add3A_3682 = arith.addf %add3A_3680, %mul3A_3681 : f32
        %mul3A_3683 = vector.broadcast %get3A_3668 : f32 to vector<256x128xf32>
        %mul3A_3684 = arith.mulf %get3A_3145, %mul3A_3683 : vector<256x128xf32>
        %mul3A_3685 = vector.broadcast %get3A_3671 : f32 to vector<256x128xf32>
        %mul3A_3686 = arith.mulf %get3A_3148, %mul3A_3685 : vector<256x128xf32>
        %add3A_3687 = arith.addf %mul3A_3684, %mul3A_3686 : vector<256x128xf32>
        %mul3A_3688 = vector.broadcast %get3A_3674 : f32 to vector<256x128xf32>
        %mul3A_3689 = arith.mulf %get3A_3151, %mul3A_3688 : vector<256x128xf32>
        %add3A_3690 = arith.addf %add3A_3687, %mul3A_3689 : vector<256x128xf32>
        %add3A_3691 = vector.broadcast %add3A_3682 : f32 to vector<256x128xf32>
        %add3A_3692 = arith.addf %add3A_3156, %add3A_3691 : vector<256x128xf32>
        %mul3A_3693 = arith.constant 2.000000e+00 : f32
        %mul3A_3694 = vector.broadcast %mul3A_3693 : f32 to vector<256x128xf32>
        %mul3A_3695 = arith.mulf %mul3A_3694, %add3A_3690 : vector<256x128xf32>
        %sub3A = arith.subf %add3A_3692, %mul3A_3695 : vector<256x128xf32>
        %gt3A_3696 = arith.constant 0.000000e+00 : f32
        %gt3A_3697 = arith.cmpf ogt, %get3A_3677, %gt3A_3696 : f32
        %broadcast_in_dim3A_3698 = vector.broadcast %scan3A_3161 : f32 to vector<256x128xf32>
        %select_n3A_3699 = arith.select %gt3A_3697, %sub3A, %broadcast_in_dim3A_3698 : vector<256x128xf32>
        %lt3A = arith.cmpf olt, %select_n3A_3699, %scan3A_3664 : vector<256x128xf32>
        %select_n3A_3700 = arith.select %lt3A, %select_n3A_3699, %scan3A_3664 : vector<256x128xi1>, vector<256x128xf32>
        %broadcast_in_dim3A_3701 = vector.broadcast %scan3A_3663 : i32 to vector<256x128xi32>
        %select_n3A_3702 = arith.select %lt3A, %broadcast_in_dim3A_3701, %scan3A_3665 : vector<256x128xi1>, vector<256x128xi32>
        scf.yield %select_n3A_3700, %select_n3A_3702 : vector<256x128xf32>, vector<256x128xi32>
      }
      %scan3A_3167 = arith.constant 64 : i32
      %get3A_3168 = arith.constant 768 : index
      %get3A_3169 = arith.constant 0 : index
      %get3A_3170 = vector.load %arg17[%get3A_3168, %get3A_3169] : memref<4096x128xf32, #tpu.memory_space<vmem>>, vector<256x128xf32>
      %gt3A_3171 = arith.constant 0.000000e+00 : f32
      %gt3A_3172 = vector.broadcast %gt3A_3171 : f32 to vector<256x128xf32>
      %gt3A_3173 = arith.cmpf ogt, %get3A_3170, %gt3A_3172 : vector<256x128xf32>
      %add3A_3174 = arith.constant 1 : i32
      %add3A_3175 = vector.broadcast %add3A_3174 : i32 to vector<256x128xi32>
      %add3A_3176 = arith.addi %scan3A_3166#1, %add3A_3175 : vector<256x128xi32>
      %jit3A_3177 = arith.constant 0 : i32
      %broadcast_in_dim3A_3178 = vector.broadcast %jit3A_3177 : i32 to vector<256x128xi32>
      %select_n3A_3179 = arith.select %gt3A_3173, %add3A_3176, %broadcast_in_dim3A_3178 : vector<256x128xi1>, vector<256x128xi32>
      %swap3A_3180 = arith.constant 768 : index
      %swap3A_3181 = arith.constant 0 : index
      %swap3A_3182 = vector.load %arg5[%swap3A_3180, %swap3A_3181] : memref<4096x128xi32, #tpu.memory_space<vmem>>, vector<256x128xi32>
      tpu.vector_store %arg5[%swap3A_3180, %swap3A_3181], %select_n3A_3179 {strides = array<i32>} : memref<4096x128xi32, #tpu.memory_space<vmem>>, vector<256x128xi32>,
      %get3A_3183 = arith.constant 1024 : index
      %get3A_3184 = arith.constant 0 : index
      %get3A_3185 = vector.load %arg14[%get3A_3183, %get3A_3184] : memref<4096x128xf32, #tpu.memory_space<vmem>>, vector<256x128xf32>
      %get3A_3186 = arith.constant 1024 : index
      %get3A_3187 = arith.constant 0 : index
      %get3A_3188 = vector.load %arg15[%get3A_3186, %get3A_3187] : memref<4096x128xf32, #tpu.memory_space<vmem>>, vector<256x128xf32>
      %get3A_3189 = arith.constant 1024 : index
      %get3A_3190 = arith.constant 0 : index
      %get3A_3191 = vector.load %arg16[%get3A_3189, %get3A_3190] : memref<4096x128xf32, #tpu.memory_space<vmem>>, vector<256x128xf32>
      %mul3A_3192 = arith.mulf %get3A_3185, %get3A_3185 : vector<256x128xf32>
      %mul3A_3193 = arith.mulf %get3A_3188, %get3A_3188 : vector<256x128xf32>
      %add3A_3194 = arith.addf %mul3A_3192, %mul3A_3193 : vector<256x128xf32>
      %mul3A_3195 = arith.mulf %get3A_3191, %get3A_3191 : vector<256x128xf32>
      %add3A_3196 = arith.addf %add3A_3194, %mul3A_3195 : vector<256x128xf32>
      %broadcast_in_dim3A_3197 = arith.constant 0x7F800000 : f32
      %broadcast_in_dim3A_3198 = vector.broadcast %broadcast_in_dim3A_3197 : f32 to vector<256x128xf32>
      %broadcast_in_dim3A_3199 = arith.constant 0 : i32
      %broadcast_in_dim3A_3200 = vector.broadcast %broadcast_in_dim3A_3199 : i32 to vector<256x128xi32>
      %scan3A_3201 = arith.constant 0x7F800000 : f32
      %scan3A_3202 = arith.constant 0 : i32
      %scan3A_3203 = arith.constant 64 : i32
      %scan3A_3204 = arith.addi %scan3A_3202, %scan3A_3203 : i32
      %scan3A_3205 = arith.constant 1 : i32
      %scan3A_3206:2 = scf.for %scan3A_3663 = %scan3A_3202 to %scan3A_3204 step %scan3A_3205 iter_args(%scan3A_3664 = %broadcast_in_dim3A_3198, %scan3A_3665 = %broadcast_in_dim3A_3200) -> (vector<256x128xf32>, vector<256x128xi32>)  : i32 {
        %get3A_3666 = arith.constant 0 : index
        %get3A_3667 = arith.index_cast %scan3A_3663 : i32 to index
        %get3A_3668 = memref.load %arg13[%get3A_3666, %get3A_3667] : memref<8x128xf32, #tpu.memory_space<smem>>
        %get3A_3669 = arith.constant 1 : index
        %get3A_3670 = arith.index_cast %scan3A_3663 : i32 to index
        %get3A_3671 = memref.load %arg13[%get3A_3669, %get3A_3670] : memref<8x128xf32, #tpu.memory_space<smem>>
        %get3A_3672 = arith.constant 2 : index
        %get3A_3673 = arith.index_cast %scan3A_3663 : i32 to index
        %get3A_3674 = memref.load %arg13[%get3A_3672, %get3A_3673] : memref<8x128xf32, #tpu.memory_space<smem>>
        %get3A_3675 = arith.constant 3 : index
        %get3A_3676 = arith.index_cast %scan3A_3663 : i32 to index
        %get3A_3677 = memref.load %arg13[%get3A_3675, %get3A_3676] : memref<8x128xf32, #tpu.memory_space<smem>>
        %mul3A_3678 = arith.mulf %get3A_3668, %get3A_3668 : f32
        %mul3A_3679 = arith.mulf %get3A_3671, %get3A_3671 : f32
        %add3A_3680 = arith.addf %mul3A_3678, %mul3A_3679 : f32
        %mul3A_3681 = arith.mulf %get3A_3674, %get3A_3674 : f32
        %add3A_3682 = arith.addf %add3A_3680, %mul3A_3681 : f32
        %mul3A_3683 = vector.broadcast %get3A_3668 : f32 to vector<256x128xf32>
        %mul3A_3684 = arith.mulf %get3A_3185, %mul3A_3683 : vector<256x128xf32>
        %mul3A_3685 = vector.broadcast %get3A_3671 : f32 to vector<256x128xf32>
        %mul3A_3686 = arith.mulf %get3A_3188, %mul3A_3685 : vector<256x128xf32>
        %add3A_3687 = arith.addf %mul3A_3684, %mul3A_3686 : vector<256x128xf32>
        %mul3A_3688 = vector.broadcast %get3A_3674 : f32 to vector<256x128xf32>
        %mul3A_3689 = arith.mulf %get3A_3191, %mul3A_3688 : vector<256x128xf32>
        %add3A_3690 = arith.addf %add3A_3687, %mul3A_3689 : vector<256x128xf32>
        %add3A_3691 = vector.broadcast %add3A_3682 : f32 to vector<256x128xf32>
        %add3A_3692 = arith.addf %add3A_3196, %add3A_3691 : vector<256x128xf32>
        %mul3A_3693 = arith.constant 2.000000e+00 : f32
        %mul3A_3694 = vector.broadcast %mul3A_3693 : f32 to vector<256x128xf32>
        %mul3A_3695 = arith.mulf %mul3A_3694, %add3A_3690 : vector<256x128xf32>
        %sub3A = arith.subf %add3A_3692, %mul3A_3695 : vector<256x128xf32>
        %gt3A_3696 = arith.constant 0.000000e+00 : f32
        %gt3A_3697 = arith.cmpf ogt, %get3A_3677, %gt3A_3696 : f32
        %broadcast_in_dim3A_3698 = vector.broadcast %scan3A_3201 : f32 to vector<256x128xf32>
        %select_n3A_3699 = arith.select %gt3A_3697, %sub3A, %broadcast_in_dim3A_3698 : vector<256x128xf32>
        %lt3A = arith.cmpf olt, %select_n3A_3699, %scan3A_3664 : vector<256x128xf32>
        %select_n3A_3700 = arith.select %lt3A, %select_n3A_3699, %scan3A_3664 : vector<256x128xi1>, vector<256x128xf32>
        %broadcast_in_dim3A_3701 = vector.broadcast %scan3A_3663 : i32 to vector<256x128xi32>
        %select_n3A_3702 = arith.select %lt3A, %broadcast_in_dim3A_3701, %scan3A_3665 : vector<256x128xi1>, vector<256x128xi32>
        scf.yield %select_n3A_3700, %select_n3A_3702 : vector<256x128xf32>, vector<256x128xi32>
      }
      %scan3A_3207 = arith.constant 64 : i32
      %get3A_3208 = arith.constant 1024 : index
      %get3A_3209 = arith.constant 0 : index
      %get3A_3210 = vector.load %arg17[%get3A_3208, %get3A_3209] : memref<4096x128xf32, #tpu.memory_space<vmem>>, vector<256x128xf32>
      %gt3A_3211 = arith.constant 0.000000e+00 : f32
      %gt3A_3212 = vector.broadcast %gt3A_3211 : f32 to vector<256x128xf32>
      %gt3A_3213 = arith.cmpf ogt, %get3A_3210, %gt3A_3212 : vector<256x128xf32>
      %add3A_3214 = arith.constant 1 : i32
      %add3A_3215 = vector.broadcast %add3A_3214 : i32 to vector<256x128xi32>
      %add3A_3216 = arith.addi %scan3A_3206#1, %add3A_3215 : vector<256x128xi32>
      %jit3A_3217 = arith.constant 0 : i32
      %broadcast_in_dim3A_3218 = vector.broadcast %jit3A_3217 : i32 to vector<256x128xi32>
      %select_n3A_3219 = arith.select %gt3A_3213, %add3A_3216, %broadcast_in_dim3A_3218 : vector<256x128xi1>, vector<256x128xi32>
      %swap3A_3220 = arith.constant 1024 : index
      %swap3A_3221 = arith.constant 0 : index
      %swap3A_3222 = vector.load %arg5[%swap3A_3220, %swap3A_3221] : memref<4096x128xi32, #tpu.memory_space<vmem>>, vector<256x128xi32>
      tpu.vector_store %arg5[%swap3A_3220, %swap3A_3221], %select_n3A_3219 {strides = array<i32>} : memref<4096x128xi32, #tpu.memory_space<vmem>>, vector<256x128xi32>,
      %get3A_3223 = arith.constant 1280 : index
      %get3A_3224 = arith.constant 0 : index
      %get3A_3225 = vector.load %arg14[%get3A_3223, %get3A_3224] : memref<4096x128xf32, #tpu.memory_space<vmem>>, vector<256x128xf32>
      %get3A_3226 = arith.constant 1280 : index
      %get3A_3227 = arith.constant 0 : index
      %get3A_3228 = vector.load %arg15[%get3A_3226, %get3A_3227] : memref<4096x128xf32, #tpu.memory_space<vmem>>, vector<256x128xf32>
      %get3A_3229 = arith.constant 1280 : index
      %get3A_3230 = arith.constant 0 : index
      %get3A_3231 = vector.load %arg16[%get3A_3229, %get3A_3230] : memref<4096x128xf32, #tpu.memory_space<vmem>>, vector<256x128xf32>
      %mul3A_3232 = arith.mulf %get3A_3225, %get3A_3225 : vector<256x128xf32>
      %mul3A_3233 = arith.mulf %get3A_3228, %get3A_3228 : vector<256x128xf32>
      %add3A_3234 = arith.addf %mul3A_3232, %mul3A_3233 : vector<256x128xf32>
      %mul3A_3235 = arith.mulf %get3A_3231, %get3A_3231 : vector<256x128xf32>
      %add3A_3236 = arith.addf %add3A_3234, %mul3A_3235 : vector<256x128xf32>
      %broadcast_in_dim3A_3237 = arith.constant 0x7F800000 : f32
      %broadcast_in_dim3A_3238 = vector.broadcast %broadcast_in_dim3A_3237 : f32 to vector<256x128xf32>
      %broadcast_in_dim3A_3239 = arith.constant 0 : i32
      %broadcast_in_dim3A_3240 = vector.broadcast %broadcast_in_dim3A_3239 : i32 to vector<256x128xi32>
      %scan3A_3241 = arith.constant 0x7F800000 : f32
      %scan3A_3242 = arith.constant 0 : i32
      %scan3A_3243 = arith.constant 64 : i32
      %scan3A_3244 = arith.addi %scan3A_3242, %scan3A_3243 : i32
      %scan3A_3245 = arith.constant 1 : i32
      %scan3A_3246:2 = scf.for %scan3A_3663 = %scan3A_3242 to %scan3A_3244 step %scan3A_3245 iter_args(%scan3A_3664 = %broadcast_in_dim3A_3238, %scan3A_3665 = %broadcast_in_dim3A_3240) -> (vector<256x128xf32>, vector<256x128xi32>)  : i32 {
        %get3A_3666 = arith.constant 0 : index
        %get3A_3667 = arith.index_cast %scan3A_3663 : i32 to index
        %get3A_3668 = memref.load %arg13[%get3A_3666, %get3A_3667] : memref<8x128xf32, #tpu.memory_space<smem>>
        %get3A_3669 = arith.constant 1 : index
        %get3A_3670 = arith.index_cast %scan3A_3663 : i32 to index
        %get3A_3671 = memref.load %arg13[%get3A_3669, %get3A_3670] : memref<8x128xf32, #tpu.memory_space<smem>>
        %get3A_3672 = arith.constant 2 : index
        %get3A_3673 = arith.index_cast %scan3A_3663 : i32 to index
        %get3A_3674 = memref.load %arg13[%get3A_3672, %get3A_3673] : memref<8x128xf32, #tpu.memory_space<smem>>
        %get3A_3675 = arith.constant 3 : index
        %get3A_3676 = arith.index_cast %scan3A_3663 : i32 to index
        %get3A_3677 = memref.load %arg13[%get3A_3675, %get3A_3676] : memref<8x128xf32, #tpu.memory_space<smem>>
        %mul3A_3678 = arith.mulf %get3A_3668, %get3A_3668 : f32
        %mul3A_3679 = arith.mulf %get3A_3671, %get3A_3671 : f32
        %add3A_3680 = arith.addf %mul3A_3678, %mul3A_3679 : f32
        %mul3A_3681 = arith.mulf %get3A_3674, %get3A_3674 : f32
        %add3A_3682 = arith.addf %add3A_3680, %mul3A_3681 : f32
        %mul3A_3683 = vector.broadcast %get3A_3668 : f32 to vector<256x128xf32>
        %mul3A_3684 = arith.mulf %get3A_3225, %mul3A_3683 : vector<256x128xf32>
        %mul3A_3685 = vector.broadcast %get3A_3671 : f32 to vector<256x128xf32>
        %mul3A_3686 = arith.mulf %get3A_3228, %mul3A_3685 : vector<256x128xf32>
        %add3A_3687 = arith.addf %mul3A_3684, %mul3A_3686 : vector<256x128xf32>
        %mul3A_3688 = vector.broadcast %get3A_3674 : f32 to vector<256x128xf32>
        %mul3A_3689 = arith.mulf %get3A_3231, %mul3A_3688 : vector<256x128xf32>
        %add3A_3690 = arith.addf %add3A_3687, %mul3A_3689 : vector<256x128xf32>
        %add3A_3691 = vector.broadcast %add3A_3682 : f32 to vector<256x128xf32>
        %add3A_3692 = arith.addf %add3A_3236, %add3A_3691 : vector<256x128xf32>
        %mul3A_3693 = arith.constant 2.000000e+00 : f32
        %mul3A_3694 = vector.broadcast %mul3A_3693 : f32 to vector<256x128xf32>
        %mul3A_3695 = arith.mulf %mul3A_3694, %add3A_3690 : vector<256x128xf32>
        %sub3A = arith.subf %add3A_3692, %mul3A_3695 : vector<256x128xf32>
        %gt3A_3696 = arith.constant 0.000000e+00 : f32
        %gt3A_3697 = arith.cmpf ogt, %get3A_3677, %gt3A_3696 : f32
        %broadcast_in_dim3A_3698 = vector.broadcast %scan3A_3241 : f32 to vector<256x128xf32>
        %select_n3A_3699 = arith.select %gt3A_3697, %sub3A, %broadcast_in_dim3A_3698 : vector<256x128xf32>
        %lt3A = arith.cmpf olt, %select_n3A_3699, %scan3A_3664 : vector<256x128xf32>
        %select_n3A_3700 = arith.select %lt3A, %select_n3A_3699, %scan3A_3664 : vector<256x128xi1>, vector<256x128xf32>
        %broadcast_in_dim3A_3701 = vector.broadcast %scan3A_3663 : i32 to vector<256x128xi32>
        %select_n3A_3702 = arith.select %lt3A, %broadcast_in_dim3A_3701, %scan3A_3665 : vector<256x128xi1>, vector<256x128xi32>
        scf.yield %select_n3A_3700, %select_n3A_3702 : vector<256x128xf32>, vector<256x128xi32>
      }
      %scan3A_3247 = arith.constant 64 : i32
      %get3A_3248 = arith.constant 1280 : index
      %get3A_3249 = arith.constant 0 : index
      %get3A_3250 = vector.load %arg17[%get3A_3248, %get3A_3249] : memref<4096x128xf32, #tpu.memory_space<vmem>>, vector<256x128xf32>
      %gt3A_3251 = arith.constant 0.000000e+00 : f32
      %gt3A_3252 = vector.broadcast %gt3A_3251 : f32 to vector<256x128xf32>
      %gt3A_3253 = arith.cmpf ogt, %get3A_3250, %gt3A_3252 : vector<256x128xf32>
      %add3A_3254 = arith.constant 1 : i32
      %add3A_3255 = vector.broadcast %add3A_3254 : i32 to vector<256x128xi32>
      %add3A_3256 = arith.addi %scan3A_3246#1, %add3A_3255 : vector<256x128xi32>
      %jit3A_3257 = arith.constant 0 : i32
      %broadcast_in_dim3A_3258 = vector.broadcast %jit3A_3257 : i32 to vector<256x128xi32>
      %select_n3A_3259 = arith.select %gt3A_3253, %add3A_3256, %broadcast_in_dim3A_3258 : vector<256x128xi1>, vector<256x128xi32>
      %swap3A_3260 = arith.constant 1280 : index
      %swap3A_3261 = arith.constant 0 : index
      %swap3A_3262 = vector.load %arg5[%swap3A_3260, %swap3A_3261] : memref<4096x128xi32, #tpu.memory_space<vmem>>, vector<256x128xi32>
      tpu.vector_store %arg5[%swap3A_3260, %swap3A_3261], %select_n3A_3259 {strides = array<i32>} : memref<4096x128xi32, #tpu.memory_space<vmem>>, vector<256x128xi32>,
      %get3A_3263 = arith.constant 1536 : index
      %get3A_3264 = arith.constant 0 : index
      %get3A_3265 = vector.load %arg14[%get3A_3263, %get3A_3264] : memref<4096x128xf32, #tpu.memory_space<vmem>>, vector<256x128xf32>
      %get3A_3266 = arith.constant 1536 : index
      %get3A_3267 = arith.constant 0 : index
      %get3A_3268 = vector.load %arg15[%get3A_3266, %get3A_3267] : memref<4096x128xf32, #tpu.memory_space<vmem>>, vector<256x128xf32>
      %get3A_3269 = arith.constant 1536 : index
      %get3A_3270 = arith.constant 0 : index
      %get3A_3271 = vector.load %arg16[%get3A_3269, %get3A_3270] : memref<4096x128xf32, #tpu.memory_space<vmem>>, vector<256x128xf32>
      %mul3A_3272 = arith.mulf %get3A_3265, %get3A_3265 : vector<256x128xf32>
      %mul3A_3273 = arith.mulf %get3A_3268, %get3A_3268 : vector<256x128xf32>
      %add3A_3274 = arith.addf %mul3A_3272, %mul3A_3273 : vector<256x128xf32>
      %mul3A_3275 = arith.mulf %get3A_3271, %get3A_3271 : vector<256x128xf32>
      %add3A_3276 = arith.addf %add3A_3274, %mul3A_3275 : vector<256x128xf32>
      %broadcast_in_dim3A_3277 = arith.constant 0x7F800000 : f32
      %broadcast_in_dim3A_3278 = vector.broadcast %broadcast_in_dim3A_3277 : f32 to vector<256x128xf32>
      %broadcast_in_dim3A_3279 = arith.constant 0 : i32
      %broadcast_in_dim3A_3280 = vector.broadcast %broadcast_in_dim3A_3279 : i32 to vector<256x128xi32>
      %scan3A_3281 = arith.constant 0x7F800000 : f32
      %scan3A_3282 = arith.constant 0 : i32
      %scan3A_3283 = arith.constant 64 : i32
      %scan3A_3284 = arith.addi %scan3A_3282, %scan3A_3283 : i32
      %scan3A_3285 = arith.constant 1 : i32
      %scan3A_3286:2 = scf.for %scan3A_3663 = %scan3A_3282 to %scan3A_3284 step %scan3A_3285 iter_args(%scan3A_3664 = %broadcast_in_dim3A_3278, %scan3A_3665 = %broadcast_in_dim3A_3280) -> (vector<256x128xf32>, vector<256x128xi32>)  : i32 {
        %get3A_3666 = arith.constant 0 : index
        %get3A_3667 = arith.index_cast %scan3A_3663 : i32 to index
        %get3A_3668 = memref.load %arg13[%get3A_3666, %get3A_3667] : memref<8x128xf32, #tpu.memory_space<smem>>
        %get3A_3669 = arith.constant 1 : index
        %get3A_3670 = arith.index_cast %scan3A_3663 : i32 to index
        %get3A_3671 = memref.load %arg13[%get3A_3669, %get3A_3670] : memref<8x128xf32, #tpu.memory_space<smem>>
        %get3A_3672 = arith.constant 2 : index
        %get3A_3673 = arith.index_cast %scan3A_3663 : i32 to index
        %get3A_3674 = memref.load %arg13[%get3A_3672, %get3A_3673] : memref<8x128xf32, #tpu.memory_space<smem>>
        %get3A_3675 = arith.constant 3 : index
        %get3A_3676 = arith.index_cast %scan3A_3663 : i32 to index
        %get3A_3677 = memref.load %arg13[%get3A_3675, %get3A_3676] : memref<8x128xf32, #tpu.memory_space<smem>>
        %mul3A_3678 = arith.mulf %get3A_3668, %get3A_3668 : f32
        %mul3A_3679 = arith.mulf %get3A_3671, %get3A_3671 : f32
        %add3A_3680 = arith.addf %mul3A_3678, %mul3A_3679 : f32
        %mul3A_3681 = arith.mulf %get3A_3674, %get3A_3674 : f32
        %add3A_3682 = arith.addf %add3A_3680, %mul3A_3681 : f32
        %mul3A_3683 = vector.broadcast %get3A_3668 : f32 to vector<256x128xf32>
        %mul3A_3684 = arith.mulf %get3A_3265, %mul3A_3683 : vector<256x128xf32>
        %mul3A_3685 = vector.broadcast %get3A_3671 : f32 to vector<256x128xf32>
        %mul3A_3686 = arith.mulf %get3A_3268, %mul3A_3685 : vector<256x128xf32>
        %add3A_3687 = arith.addf %mul3A_3684, %mul3A_3686 : vector<256x128xf32>
        %mul3A_3688 = vector.broadcast %get3A_3674 : f32 to vector<256x128xf32>
        %mul3A_3689 = arith.mulf %get3A_3271, %mul3A_3688 : vector<256x128xf32>
        %add3A_3690 = arith.addf %add3A_3687, %mul3A_3689 : vector<256x128xf32>
        %add3A_3691 = vector.broadcast %add3A_3682 : f32 to vector<256x128xf32>
        %add3A_3692 = arith.addf %add3A_3276, %add3A_3691 : vector<256x128xf32>
        %mul3A_3693 = arith.constant 2.000000e+00 : f32
        %mul3A_3694 = vector.broadcast %mul3A_3693 : f32 to vector<256x128xf32>
        %mul3A_3695 = arith.mulf %mul3A_3694, %add3A_3690 : vector<256x128xf32>
        %sub3A = arith.subf %add3A_3692, %mul3A_3695 : vector<256x128xf32>
        %gt3A_3696 = arith.constant 0.000000e+00 : f32
        %gt3A_3697 = arith.cmpf ogt, %get3A_3677, %gt3A_3696 : f32
        %broadcast_in_dim3A_3698 = vector.broadcast %scan3A_3281 : f32 to vector<256x128xf32>
        %select_n3A_3699 = arith.select %gt3A_3697, %sub3A, %broadcast_in_dim3A_3698 : vector<256x128xf32>
        %lt3A = arith.cmpf olt, %select_n3A_3699, %scan3A_3664 : vector<256x128xf32>
        %select_n3A_3700 = arith.select %lt3A, %select_n3A_3699, %scan3A_3664 : vector<256x128xi1>, vector<256x128xf32>
        %broadcast_in_dim3A_3701 = vector.broadcast %scan3A_3663 : i32 to vector<256x128xi32>
        %select_n3A_3702 = arith.select %lt3A, %broadcast_in_dim3A_3701, %scan3A_3665 : vector<256x128xi1>, vector<256x128xi32>
        scf.yield %select_n3A_3700, %select_n3A_3702 : vector<256x128xf32>, vector<256x128xi32>
      }
      %scan3A_3287 = arith.constant 64 : i32
      %get3A_3288 = arith.constant 1536 : index
      %get3A_3289 = arith.constant 0 : index
      %get3A_3290 = vector.load %arg17[%get3A_3288, %get3A_3289] : memref<4096x128xf32, #tpu.memory_space<vmem>>, vector<256x128xf32>
      %gt3A_3291 = arith.constant 0.000000e+00 : f32
      %gt3A_3292 = vector.broadcast %gt3A_3291 : f32 to vector<256x128xf32>
      %gt3A_3293 = arith.cmpf ogt, %get3A_3290, %gt3A_3292 : vector<256x128xf32>
      %add3A_3294 = arith.constant 1 : i32
      %add3A_3295 = vector.broadcast %add3A_3294 : i32 to vector<256x128xi32>
      %add3A_3296 = arith.addi %scan3A_3286#1, %add3A_3295 : vector<256x128xi32>
      %jit3A_3297 = arith.constant 0 : i32
      %broadcast_in_dim3A_3298 = vector.broadcast %jit3A_3297 : i32 to vector<256x128xi32>
      %select_n3A_3299 = arith.select %gt3A_3293, %add3A_3296, %broadcast_in_dim3A_3298 : vector<256x128xi1>, vector<256x128xi32>
      %swap3A_3300 = arith.constant 1536 : index
      %swap3A_3301 = arith.constant 0 : index
      %swap3A_3302 = vector.load %arg5[%swap3A_3300, %swap3A_3301] : memref<4096x128xi32, #tpu.memory_space<vmem>>, vector<256x128xi32>
      tpu.vector_store %arg5[%swap3A_3300, %swap3A_3301], %select_n3A_3299 {strides = array<i32>} : memref<4096x128xi32, #tpu.memory_space<vmem>>, vector<256x128xi32>,
      %get3A_3303 = arith.constant 1792 : index
      %get3A_3304 = arith.constant 0 : index
      %get3A_3305 = vector.load %arg14[%get3A_3303, %get3A_3304] : memref<4096x128xf32, #tpu.memory_space<vmem>>, vector<256x128xf32>
      %get3A_3306 = arith.constant 1792 : index
      %get3A_3307 = arith.constant 0 : index
      %get3A_3308 = vector.load %arg15[%get3A_3306, %get3A_3307] : memref<4096x128xf32, #tpu.memory_space<vmem>>, vector<256x128xf32>
      %get3A_3309 = arith.constant 1792 : index
      %get3A_3310 = arith.constant 0 : index
      %get3A_3311 = vector.load %arg16[%get3A_3309, %get3A_3310] : memref<4096x128xf32, #tpu.memory_space<vmem>>, vector<256x128xf32>
      %mul3A_3312 = arith.mulf %get3A_3305, %get3A_3305 : vector<256x128xf32>
      %mul3A_3313 = arith.mulf %get3A_3308, %get3A_3308 : vector<256x128xf32>
      %add3A_3314 = arith.addf %mul3A_3312, %mul3A_3313 : vector<256x128xf32>
      %mul3A_3315 = arith.mulf %get3A_3311, %get3A_3311 : vector<256x128xf32>
      %add3A_3316 = arith.addf %add3A_3314, %mul3A_3315 : vector<256x128xf32>
      %broadcast_in_dim3A_3317 = arith.constant 0x7F800000 : f32
      %broadcast_in_dim3A_3318 = vector.broadcast %broadcast_in_dim3A_3317 : f32 to vector<256x128xf32>
      %broadcast_in_dim3A_3319 = arith.constant 0 : i32
      %broadcast_in_dim3A_3320 = vector.broadcast %broadcast_in_dim3A_3319 : i32 to vector<256x128xi32>
      %scan3A_3321 = arith.constant 0x7F800000 : f32
      %scan3A_3322 = arith.constant 0 : i32
      %scan3A_3323 = arith.constant 64 : i32
      %scan3A_3324 = arith.addi %scan3A_3322, %scan3A_3323 : i32
      %scan3A_3325 = arith.constant 1 : i32
      %scan3A_3326:2 = scf.for %scan3A_3663 = %scan3A_3322 to %scan3A_3324 step %scan3A_3325 iter_args(%scan3A_3664 = %broadcast_in_dim3A_3318, %scan3A_3665 = %broadcast_in_dim3A_3320) -> (vector<256x128xf32>, vector<256x128xi32>)  : i32 {
        %get3A_3666 = arith.constant 0 : index
        %get3A_3667 = arith.index_cast %scan3A_3663 : i32 to index
        %get3A_3668 = memref.load %arg13[%get3A_3666, %get3A_3667] : memref<8x128xf32, #tpu.memory_space<smem>>
        %get3A_3669 = arith.constant 1 : index
        %get3A_3670 = arith.index_cast %scan3A_3663 : i32 to index
        %get3A_3671 = memref.load %arg13[%get3A_3669, %get3A_3670] : memref<8x128xf32, #tpu.memory_space<smem>>
        %get3A_3672 = arith.constant 2 : index
        %get3A_3673 = arith.index_cast %scan3A_3663 : i32 to index
        %get3A_3674 = memref.load %arg13[%get3A_3672, %get3A_3673] : memref<8x128xf32, #tpu.memory_space<smem>>
        %get3A_3675 = arith.constant 3 : index
        %get3A_3676 = arith.index_cast %scan3A_3663 : i32 to index
        %get3A_3677 = memref.load %arg13[%get3A_3675, %get3A_3676] : memref<8x128xf32, #tpu.memory_space<smem>>
        %mul3A_3678 = arith.mulf %get3A_3668, %get3A_3668 : f32
        %mul3A_3679 = arith.mulf %get3A_3671, %get3A_3671 : f32
        %add3A_3680 = arith.addf %mul3A_3678, %mul3A_3679 : f32
        %mul3A_3681 = arith.mulf %get3A_3674, %get3A_3674 : f32
        %add3A_3682 = arith.addf %add3A_3680, %mul3A_3681 : f32
        %mul3A_3683 = vector.broadcast %get3A_3668 : f32 to vector<256x128xf32>
        %mul3A_3684 = arith.mulf %get3A_3305, %mul3A_3683 : vector<256x128xf32>
        %mul3A_3685 = vector.broadcast %get3A_3671 : f32 to vector<256x128xf32>
        %mul3A_3686 = arith.mulf %get3A_3308, %mul3A_3685 : vector<256x128xf32>
        %add3A_3687 = arith.addf %mul3A_3684, %mul3A_3686 : vector<256x128xf32>
        %mul3A_3688 = vector.broadcast %get3A_3674 : f32 to vector<256x128xf32>
        %mul3A_3689 = arith.mulf %get3A_3311, %mul3A_3688 : vector<256x128xf32>
        %add3A_3690 = arith.addf %add3A_3687, %mul3A_3689 : vector<256x128xf32>
        %add3A_3691 = vector.broadcast %add3A_3682 : f32 to vector<256x128xf32>
        %add3A_3692 = arith.addf %add3A_3316, %add3A_3691 : vector<256x128xf32>
        %mul3A_3693 = arith.constant 2.000000e+00 : f32
        %mul3A_3694 = vector.broadcast %mul3A_3693 : f32 to vector<256x128xf32>
        %mul3A_3695 = arith.mulf %mul3A_3694, %add3A_3690 : vector<256x128xf32>
        %sub3A = arith.subf %add3A_3692, %mul3A_3695 : vector<256x128xf32>
        %gt3A_3696 = arith.constant 0.000000e+00 : f32
        %gt3A_3697 = arith.cmpf ogt, %get3A_3677, %gt3A_3696 : f32
        %broadcast_in_dim3A_3698 = vector.broadcast %scan3A_3321 : f32 to vector<256x128xf32>
        %select_n3A_3699 = arith.select %gt3A_3697, %sub3A, %broadcast_in_dim3A_3698 : vector<256x128xf32>
        %lt3A = arith.cmpf olt, %select_n3A_3699, %scan3A_3664 : vector<256x128xf32>
        %select_n3A_3700 = arith.select %lt3A, %select_n3A_3699, %scan3A_3664 : vector<256x128xi1>, vector<256x128xf32>
        %broadcast_in_dim3A_3701 = vector.broadcast %scan3A_3663 : i32 to vector<256x128xi32>
        %select_n3A_3702 = arith.select %lt3A, %broadcast_in_dim3A_3701, %scan3A_3665 : vector<256x128xi1>, vector<256x128xi32>
        scf.yield %select_n3A_3700, %select_n3A_3702 : vector<256x128xf32>, vector<256x128xi32>
      }
      %scan3A_3327 = arith.constant 64 : i32
      %get3A_3328 = arith.constant 1792 : index
      %get3A_3329 = arith.constant 0 : index
      %get3A_3330 = vector.load %arg17[%get3A_3328, %get3A_3329] : memref<4096x128xf32, #tpu.memory_space<vmem>>, vector<256x128xf32>
      %gt3A_3331 = arith.constant 0.000000e+00 : f32
      %gt3A_3332 = vector.broadcast %gt3A_3331 : f32 to vector<256x128xf32>
      %gt3A_3333 = arith.cmpf ogt, %get3A_3330, %gt3A_3332 : vector<256x128xf32>
      %add3A_3334 = arith.constant 1 : i32
      %add3A_3335 = vector.broadcast %add3A_3334 : i32 to vector<256x128xi32>
      %add3A_3336 = arith.addi %scan3A_3326#1, %add3A_3335 : vector<256x128xi32>
      %jit3A_3337 = arith.constant 0 : i32
      %broadcast_in_dim3A_3338 = vector.broadcast %jit3A_3337 : i32 to vector<256x128xi32>
      %select_n3A_3339 = arith.select %gt3A_3333, %add3A_3336, %broadcast_in_dim3A_3338 : vector<256x128xi1>, vector<256x128xi32>
      %swap3A_3340 = arith.constant 1792 : index
      %swap3A_3341 = arith.constant 0 : index
      %swap3A_3342 = vector.load %arg5[%swap3A_3340, %swap3A_3341] : memref<4096x128xi32, #tpu.memory_space<vmem>>, vector<256x128xi32>
      tpu.vector_store %arg5[%swap3A_3340, %swap3A_3341], %select_n3A_3339 {strides = array<i32>} : memref<4096x128xi32, #tpu.memory_space<vmem>>, vector<256x128xi32>,
      %get3A_3343 = arith.constant 2048 : index
      %get3A_3344 = arith.constant 0 : index
      %get3A_3345 = vector.load %arg14[%get3A_3343, %get3A_3344] : memref<4096x128xf32, #tpu.memory_space<vmem>>, vector<256x128xf32>
      %get3A_3346 = arith.constant 2048 : index
      %get3A_3347 = arith.constant 0 : index
      %get3A_3348 = vector.load %arg15[%get3A_3346, %get3A_3347] : memref<4096x128xf32, #tpu.memory_space<vmem>>, vector<256x128xf32>
      %get3A_3349 = arith.constant 2048 : index
      %get3A_3350 = arith.constant 0 : index
      %get3A_3351 = vector.load %arg16[%get3A_3349, %get3A_3350] : memref<4096x128xf32, #tpu.memory_space<vmem>>, vector<256x128xf32>
      %mul3A_3352 = arith.mulf %get3A_3345, %get3A_3345 : vector<256x128xf32>
      %mul3A_3353 = arith.mulf %get3A_3348, %get3A_3348 : vector<256x128xf32>
      %add3A_3354 = arith.addf %mul3A_3352, %mul3A_3353 : vector<256x128xf32>
      %mul3A_3355 = arith.mulf %get3A_3351, %get3A_3351 : vector<256x128xf32>
      %add3A_3356 = arith.addf %add3A_3354, %mul3A_3355 : vector<256x128xf32>
      %broadcast_in_dim3A_3357 = arith.constant 0x7F800000 : f32
      %broadcast_in_dim3A_3358 = vector.broadcast %broadcast_in_dim3A_3357 : f32 to vector<256x128xf32>
      %broadcast_in_dim3A_3359 = arith.constant 0 : i32
      %broadcast_in_dim3A_3360 = vector.broadcast %broadcast_in_dim3A_3359 : i32 to vector<256x128xi32>
      %scan3A_3361 = arith.constant 0x7F800000 : f32
      %scan3A_3362 = arith.constant 0 : i32
      %scan3A_3363 = arith.constant 64 : i32
      %scan3A_3364 = arith.addi %scan3A_3362, %scan3A_3363 : i32
      %scan3A_3365 = arith.constant 1 : i32
      %scan3A_3366:2 = scf.for %scan3A_3663 = %scan3A_3362 to %scan3A_3364 step %scan3A_3365 iter_args(%scan3A_3664 = %broadcast_in_dim3A_3358, %scan3A_3665 = %broadcast_in_dim3A_3360) -> (vector<256x128xf32>, vector<256x128xi32>)  : i32 {
        %get3A_3666 = arith.constant 0 : index
        %get3A_3667 = arith.index_cast %scan3A_3663 : i32 to index
        %get3A_3668 = memref.load %arg13[%get3A_3666, %get3A_3667] : memref<8x128xf32, #tpu.memory_space<smem>>
        %get3A_3669 = arith.constant 1 : index
        %get3A_3670 = arith.index_cast %scan3A_3663 : i32 to index
        %get3A_3671 = memref.load %arg13[%get3A_3669, %get3A_3670] : memref<8x128xf32, #tpu.memory_space<smem>>
        %get3A_3672 = arith.constant 2 : index
        %get3A_3673 = arith.index_cast %scan3A_3663 : i32 to index
        %get3A_3674 = memref.load %arg13[%get3A_3672, %get3A_3673] : memref<8x128xf32, #tpu.memory_space<smem>>
        %get3A_3675 = arith.constant 3 : index
        %get3A_3676 = arith.index_cast %scan3A_3663 : i32 to index
        %get3A_3677 = memref.load %arg13[%get3A_3675, %get3A_3676] : memref<8x128xf32, #tpu.memory_space<smem>>
        %mul3A_3678 = arith.mulf %get3A_3668, %get3A_3668 : f32
        %mul3A_3679 = arith.mulf %get3A_3671, %get3A_3671 : f32
        %add3A_3680 = arith.addf %mul3A_3678, %mul3A_3679 : f32
        %mul3A_3681 = arith.mulf %get3A_3674, %get3A_3674 : f32
        %add3A_3682 = arith.addf %add3A_3680, %mul3A_3681 : f32
        %mul3A_3683 = vector.broadcast %get3A_3668 : f32 to vector<256x128xf32>
        %mul3A_3684 = arith.mulf %get3A_3345, %mul3A_3683 : vector<256x128xf32>
        %mul3A_3685 = vector.broadcast %get3A_3671 : f32 to vector<256x128xf32>
        %mul3A_3686 = arith.mulf %get3A_3348, %mul3A_3685 : vector<256x128xf32>
        %add3A_3687 = arith.addf %mul3A_3684, %mul3A_3686 : vector<256x128xf32>
        %mul3A_3688 = vector.broadcast %get3A_3674 : f32 to vector<256x128xf32>
        %mul3A_3689 = arith.mulf %get3A_3351, %mul3A_3688 : vector<256x128xf32>
        %add3A_3690 = arith.addf %add3A_3687, %mul3A_3689 : vector<256x128xf32>
        %add3A_3691 = vector.broadcast %add3A_3682 : f32 to vector<256x128xf32>
        %add3A_3692 = arith.addf %add3A_3356, %add3A_3691 : vector<256x128xf32>
        %mul3A_3693 = arith.constant 2.000000e+00 : f32
        %mul3A_3694 = vector.broadcast %mul3A_3693 : f32 to vector<256x128xf32>
        %mul3A_3695 = arith.mulf %mul3A_3694, %add3A_3690 : vector<256x128xf32>
        %sub3A = arith.subf %add3A_3692, %mul3A_3695 : vector<256x128xf32>
        %gt3A_3696 = arith.constant 0.000000e+00 : f32
        %gt3A_3697 = arith.cmpf ogt, %get3A_3677, %gt3A_3696 : f32
        %broadcast_in_dim3A_3698 = vector.broadcast %scan3A_3361 : f32 to vector<256x128xf32>
        %select_n3A_3699 = arith.select %gt3A_3697, %sub3A, %broadcast_in_dim3A_3698 : vector<256x128xf32>
        %lt3A = arith.cmpf olt, %select_n3A_3699, %scan3A_3664 : vector<256x128xf32>
        %select_n3A_3700 = arith.select %lt3A, %select_n3A_3699, %scan3A_3664 : vector<256x128xi1>, vector<256x128xf32>
        %broadcast_in_dim3A_3701 = vector.broadcast %scan3A_3663 : i32 to vector<256x128xi32>
        %select_n3A_3702 = arith.select %lt3A, %broadcast_in_dim3A_3701, %scan3A_3665 : vector<256x128xi1>, vector<256x128xi32>
        scf.yield %select_n3A_3700, %select_n3A_3702 : vector<256x128xf32>, vector<256x128xi32>
      }
      %scan3A_3367 = arith.constant 64 : i32
      %get3A_3368 = arith.constant 2048 : index
      %get3A_3369 = arith.constant 0 : index
      %get3A_3370 = vector.load %arg17[%get3A_3368, %get3A_3369] : memref<4096x128xf32, #tpu.memory_space<vmem>>, vector<256x128xf32>
      %gt3A_3371 = arith.constant 0.000000e+00 : f32
      %gt3A_3372 = vector.broadcast %gt3A_3371 : f32 to vector<256x128xf32>
      %gt3A_3373 = arith.cmpf ogt, %get3A_3370, %gt3A_3372 : vector<256x128xf32>
      %add3A_3374 = arith.constant 1 : i32
      %add3A_3375 = vector.broadcast %add3A_3374 : i32 to vector<256x128xi32>
      %add3A_3376 = arith.addi %scan3A_3366#1, %add3A_3375 : vector<256x128xi32>
      %jit3A_3377 = arith.constant 0 : i32
      %broadcast_in_dim3A_3378 = vector.broadcast %jit3A_3377 : i32 to vector<256x128xi32>
      %select_n3A_3379 = arith.select %gt3A_3373, %add3A_3376, %broadcast_in_dim3A_3378 : vector<256x128xi1>, vector<256x128xi32>
      %swap3A_3380 = arith.constant 2048 : index
      %swap3A_3381 = arith.constant 0 : index
      %swap3A_3382 = vector.load %arg5[%swap3A_3380, %swap3A_3381] : memref<4096x128xi32, #tpu.memory_space<vmem>>, vector<256x128xi32>
      tpu.vector_store %arg5[%swap3A_3380, %swap3A_3381], %select_n3A_3379 {strides = array<i32>} : memref<4096x128xi32, #tpu.memory_space<vmem>>, vector<256x128xi32>,
      %get3A_3383 = arith.constant 2304 : index
      %get3A_3384 = arith.constant 0 : index
      %get3A_3385 = vector.load %arg14[%get3A_3383, %get3A_3384] : memref<4096x128xf32, #tpu.memory_space<vmem>>, vector<256x128xf32>
      %get3A_3386 = arith.constant 2304 : index
      %get3A_3387 = arith.constant 0 : index
      %get3A_3388 = vector.load %arg15[%get3A_3386, %get3A_3387] : memref<4096x128xf32, #tpu.memory_space<vmem>>, vector<256x128xf32>
      %get3A_3389 = arith.constant 2304 : index
      %get3A_3390 = arith.constant 0 : index
      %get3A_3391 = vector.load %arg16[%get3A_3389, %get3A_3390] : memref<4096x128xf32, #tpu.memory_space<vmem>>, vector<256x128xf32>
      %mul3A_3392 = arith.mulf %get3A_3385, %get3A_3385 : vector<256x128xf32>
      %mul3A_3393 = arith.mulf %get3A_3388, %get3A_3388 : vector<256x128xf32>
      %add3A_3394 = arith.addf %mul3A_3392, %mul3A_3393 : vector<256x128xf32>
      %mul3A_3395 = arith.mulf %get3A_3391, %get3A_3391 : vector<256x128xf32>
      %add3A_3396 = arith.addf %add3A_3394, %mul3A_3395 : vector<256x128xf32>
      %broadcast_in_dim3A_3397 = arith.constant 0x7F800000 : f32
      %broadcast_in_dim3A_3398 = vector.broadcast %broadcast_in_dim3A_3397 : f32 to vector<256x128xf32>
      %broadcast_in_dim3A_3399 = arith.constant 0 : i32
      %broadcast_in_dim3A_3400 = vector.broadcast %broadcast_in_dim3A_3399 : i32 to vector<256x128xi32>
      %scan3A_3401 = arith.constant 0x7F800000 : f32
      %scan3A_3402 = arith.constant 0 : i32
      %scan3A_3403 = arith.constant 64 : i32
      %scan3A_3404 = arith.addi %scan3A_3402, %scan3A_3403 : i32
      %scan3A_3405 = arith.constant 1 : i32
      %scan3A_3406:2 = scf.for %scan3A_3663 = %scan3A_3402 to %scan3A_3404 step %scan3A_3405 iter_args(%scan3A_3664 = %broadcast_in_dim3A_3398, %scan3A_3665 = %broadcast_in_dim3A_3400) -> (vector<256x128xf32>, vector<256x128xi32>)  : i32 {
        %get3A_3666 = arith.constant 0 : index
        %get3A_3667 = arith.index_cast %scan3A_3663 : i32 to index
        %get3A_3668 = memref.load %arg13[%get3A_3666, %get3A_3667] : memref<8x128xf32, #tpu.memory_space<smem>>
        %get3A_3669 = arith.constant 1 : index
        %get3A_3670 = arith.index_cast %scan3A_3663 : i32 to index
        %get3A_3671 = memref.load %arg13[%get3A_3669, %get3A_3670] : memref<8x128xf32, #tpu.memory_space<smem>>
        %get3A_3672 = arith.constant 2 : index
        %get3A_3673 = arith.index_cast %scan3A_3663 : i32 to index
        %get3A_3674 = memref.load %arg13[%get3A_3672, %get3A_3673] : memref<8x128xf32, #tpu.memory_space<smem>>
        %get3A_3675 = arith.constant 3 : index
        %get3A_3676 = arith.index_cast %scan3A_3663 : i32 to index
        %get3A_3677 = memref.load %arg13[%get3A_3675, %get3A_3676] : memref<8x128xf32, #tpu.memory_space<smem>>
        %mul3A_3678 = arith.mulf %get3A_3668, %get3A_3668 : f32
        %mul3A_3679 = arith.mulf %get3A_3671, %get3A_3671 : f32
        %add3A_3680 = arith.addf %mul3A_3678, %mul3A_3679 : f32
        %mul3A_3681 = arith.mulf %get3A_3674, %get3A_3674 : f32
        %add3A_3682 = arith.addf %add3A_3680, %mul3A_3681 : f32
        %mul3A_3683 = vector.broadcast %get3A_3668 : f32 to vector<256x128xf32>
        %mul3A_3684 = arith.mulf %get3A_3385, %mul3A_3683 : vector<256x128xf32>
        %mul3A_3685 = vector.broadcast %get3A_3671 : f32 to vector<256x128xf32>
        %mul3A_3686 = arith.mulf %get3A_3388, %mul3A_3685 : vector<256x128xf32>
        %add3A_3687 = arith.addf %mul3A_3684, %mul3A_3686 : vector<256x128xf32>
        %mul3A_3688 = vector.broadcast %get3A_3674 : f32 to vector<256x128xf32>
        %mul3A_3689 = arith.mulf %get3A_3391, %mul3A_3688 : vector<256x128xf32>
        %add3A_3690 = arith.addf %add3A_3687, %mul3A_3689 : vector<256x128xf32>
        %add3A_3691 = vector.broadcast %add3A_3682 : f32 to vector<256x128xf32>
        %add3A_3692 = arith.addf %add3A_3396, %add3A_3691 : vector<256x128xf32>
        %mul3A_3693 = arith.constant 2.000000e+00 : f32
        %mul3A_3694 = vector.broadcast %mul3A_3693 : f32 to vector<256x128xf32>
        %mul3A_3695 = arith.mulf %mul3A_3694, %add3A_3690 : vector<256x128xf32>
        %sub3A = arith.subf %add3A_3692, %mul3A_3695 : vector<256x128xf32>
        %gt3A_3696 = arith.constant 0.000000e+00 : f32
        %gt3A_3697 = arith.cmpf ogt, %get3A_3677, %gt3A_3696 : f32
        %broadcast_in_dim3A_3698 = vector.broadcast %scan3A_3401 : f32 to vector<256x128xf32>
        %select_n3A_3699 = arith.select %gt3A_3697, %sub3A, %broadcast_in_dim3A_3698 : vector<256x128xf32>
        %lt3A = arith.cmpf olt, %select_n3A_3699, %scan3A_3664 : vector<256x128xf32>
        %select_n3A_3700 = arith.select %lt3A, %select_n3A_3699, %scan3A_3664 : vector<256x128xi1>, vector<256x128xf32>
        %broadcast_in_dim3A_3701 = vector.broadcast %scan3A_3663 : i32 to vector<256x128xi32>
        %select_n3A_3702 = arith.select %lt3A, %broadcast_in_dim3A_3701, %scan3A_3665 : vector<256x128xi1>, vector<256x128xi32>
        scf.yield %select_n3A_3700, %select_n3A_3702 : vector<256x128xf32>, vector<256x128xi32>
      }
      %scan3A_3407 = arith.constant 64 : i32
      %get3A_3408 = arith.constant 2304 : index
      %get3A_3409 = arith.constant 0 : index
      %get3A_3410 = vector.load %arg17[%get3A_3408, %get3A_3409] : memref<4096x128xf32, #tpu.memory_space<vmem>>, vector<256x128xf32>
      %gt3A_3411 = arith.constant 0.000000e+00 : f32
      %gt3A_3412 = vector.broadcast %gt3A_3411 : f32 to vector<256x128xf32>
      %gt3A_3413 = arith.cmpf ogt, %get3A_3410, %gt3A_3412 : vector<256x128xf32>
      %add3A_3414 = arith.constant 1 : i32
      %add3A_3415 = vector.broadcast %add3A_3414 : i32 to vector<256x128xi32>
      %add3A_3416 = arith.addi %scan3A_3406#1, %add3A_3415 : vector<256x128xi32>
      %jit3A_3417 = arith.constant 0 : i32
      %broadcast_in_dim3A_3418 = vector.broadcast %jit3A_3417 : i32 to vector<256x128xi32>
      %select_n3A_3419 = arith.select %gt3A_3413, %add3A_3416, %broadcast_in_dim3A_3418 : vector<256x128xi1>, vector<256x128xi32>
      %swap3A_3420 = arith.constant 2304 : index
      %swap3A_3421 = arith.constant 0 : index
      %swap3A_3422 = vector.load %arg5[%swap3A_3420, %swap3A_3421] : memref<4096x128xi32, #tpu.memory_space<vmem>>, vector<256x128xi32>
      tpu.vector_store %arg5[%swap3A_3420, %swap3A_3421], %select_n3A_3419 {strides = array<i32>} : memref<4096x128xi32, #tpu.memory_space<vmem>>, vector<256x128xi32>,
      %get3A_3423 = arith.constant 2560 : index
      %get3A_3424 = arith.constant 0 : index
      %get3A_3425 = vector.load %arg14[%get3A_3423, %get3A_3424] : memref<4096x128xf32, #tpu.memory_space<vmem>>, vector<256x128xf32>
      %get3A_3426 = arith.constant 2560 : index
      %get3A_3427 = arith.constant 0 : index
      %get3A_3428 = vector.load %arg15[%get3A_3426, %get3A_3427] : memref<4096x128xf32, #tpu.memory_space<vmem>>, vector<256x128xf32>
      %get3A_3429 = arith.constant 2560 : index
      %get3A_3430 = arith.constant 0 : index
      %get3A_3431 = vector.load %arg16[%get3A_3429, %get3A_3430] : memref<4096x128xf32, #tpu.memory_space<vmem>>, vector<256x128xf32>
      %mul3A_3432 = arith.mulf %get3A_3425, %get3A_3425 : vector<256x128xf32>
      %mul3A_3433 = arith.mulf %get3A_3428, %get3A_3428 : vector<256x128xf32>
      %add3A_3434 = arith.addf %mul3A_3432, %mul3A_3433 : vector<256x128xf32>
      %mul3A_3435 = arith.mulf %get3A_3431, %get3A_3431 : vector<256x128xf32>
      %add3A_3436 = arith.addf %add3A_3434, %mul3A_3435 : vector<256x128xf32>
      %broadcast_in_dim3A_3437 = arith.constant 0x7F800000 : f32
      %broadcast_in_dim3A_3438 = vector.broadcast %broadcast_in_dim3A_3437 : f32 to vector<256x128xf32>
      %broadcast_in_dim3A_3439 = arith.constant 0 : i32
      %broadcast_in_dim3A_3440 = vector.broadcast %broadcast_in_dim3A_3439 : i32 to vector<256x128xi32>
      %scan3A_3441 = arith.constant 0x7F800000 : f32
      %scan3A_3442 = arith.constant 0 : i32
      %scan3A_3443 = arith.constant 64 : i32
      %scan3A_3444 = arith.addi %scan3A_3442, %scan3A_3443 : i32
      %scan3A_3445 = arith.constant 1 : i32
      %scan3A_3446:2 = scf.for %scan3A_3663 = %scan3A_3442 to %scan3A_3444 step %scan3A_3445 iter_args(%scan3A_3664 = %broadcast_in_dim3A_3438, %scan3A_3665 = %broadcast_in_dim3A_3440) -> (vector<256x128xf32>, vector<256x128xi32>)  : i32 {
        %get3A_3666 = arith.constant 0 : index
        %get3A_3667 = arith.index_cast %scan3A_3663 : i32 to index
        %get3A_3668 = memref.load %arg13[%get3A_3666, %get3A_3667] : memref<8x128xf32, #tpu.memory_space<smem>>
        %get3A_3669 = arith.constant 1 : index
        %get3A_3670 = arith.index_cast %scan3A_3663 : i32 to index
        %get3A_3671 = memref.load %arg13[%get3A_3669, %get3A_3670] : memref<8x128xf32, #tpu.memory_space<smem>>
        %get3A_3672 = arith.constant 2 : index
        %get3A_3673 = arith.index_cast %scan3A_3663 : i32 to index
        %get3A_3674 = memref.load %arg13[%get3A_3672, %get3A_3673] : memref<8x128xf32, #tpu.memory_space<smem>>
        %get3A_3675 = arith.constant 3 : index
        %get3A_3676 = arith.index_cast %scan3A_3663 : i32 to index
        %get3A_3677 = memref.load %arg13[%get3A_3675, %get3A_3676] : memref<8x128xf32, #tpu.memory_space<smem>>
        %mul3A_3678 = arith.mulf %get3A_3668, %get3A_3668 : f32
        %mul3A_3679 = arith.mulf %get3A_3671, %get3A_3671 : f32
        %add3A_3680 = arith.addf %mul3A_3678, %mul3A_3679 : f32
        %mul3A_3681 = arith.mulf %get3A_3674, %get3A_3674 : f32
        %add3A_3682 = arith.addf %add3A_3680, %mul3A_3681 : f32
        %mul3A_3683 = vector.broadcast %get3A_3668 : f32 to vector<256x128xf32>
        %mul3A_3684 = arith.mulf %get3A_3425, %mul3A_3683 : vector<256x128xf32>
        %mul3A_3685 = vector.broadcast %get3A_3671 : f32 to vector<256x128xf32>
        %mul3A_3686 = arith.mulf %get3A_3428, %mul3A_3685 : vector<256x128xf32>
        %add3A_3687 = arith.addf %mul3A_3684, %mul3A_3686 : vector<256x128xf32>
        %mul3A_3688 = vector.broadcast %get3A_3674 : f32 to vector<256x128xf32>
        %mul3A_3689 = arith.mulf %get3A_3431, %mul3A_3688 : vector<256x128xf32>
        %add3A_3690 = arith.addf %add3A_3687, %mul3A_3689 : vector<256x128xf32>
        %add3A_3691 = vector.broadcast %add3A_3682 : f32 to vector<256x128xf32>
        %add3A_3692 = arith.addf %add3A_3436, %add3A_3691 : vector<256x128xf32>
        %mul3A_3693 = arith.constant 2.000000e+00 : f32
        %mul3A_3694 = vector.broadcast %mul3A_3693 : f32 to vector<256x128xf32>
        %mul3A_3695 = arith.mulf %mul3A_3694, %add3A_3690 : vector<256x128xf32>
        %sub3A = arith.subf %add3A_3692, %mul3A_3695 : vector<256x128xf32>
        %gt3A_3696 = arith.constant 0.000000e+00 : f32
        %gt3A_3697 = arith.cmpf ogt, %get3A_3677, %gt3A_3696 : f32
        %broadcast_in_dim3A_3698 = vector.broadcast %scan3A_3441 : f32 to vector<256x128xf32>
        %select_n3A_3699 = arith.select %gt3A_3697, %sub3A, %broadcast_in_dim3A_3698 : vector<256x128xf32>
        %lt3A = arith.cmpf olt, %select_n3A_3699, %scan3A_3664 : vector<256x128xf32>
        %select_n3A_3700 = arith.select %lt3A, %select_n3A_3699, %scan3A_3664 : vector<256x128xi1>, vector<256x128xf32>
        %broadcast_in_dim3A_3701 = vector.broadcast %scan3A_3663 : i32 to vector<256x128xi32>
        %select_n3A_3702 = arith.select %lt3A, %broadcast_in_dim3A_3701, %scan3A_3665 : vector<256x128xi1>, vector<256x128xi32>
        scf.yield %select_n3A_3700, %select_n3A_3702 : vector<256x128xf32>, vector<256x128xi32>
      }
      %scan3A_3447 = arith.constant 64 : i32
      %get3A_3448 = arith.constant 2560 : index
      %get3A_3449 = arith.constant 0 : index
      %get3A_3450 = vector.load %arg17[%get3A_3448, %get3A_3449] : memref<4096x128xf32, #tpu.memory_space<vmem>>, vector<256x128xf32>
      %gt3A_3451 = arith.constant 0.000000e+00 : f32
      %gt3A_3452 = vector.broadcast %gt3A_3451 : f32 to vector<256x128xf32>
      %gt3A_3453 = arith.cmpf ogt, %get3A_3450, %gt3A_3452 : vector<256x128xf32>
      %add3A_3454 = arith.constant 1 : i32
      %add3A_3455 = vector.broadcast %add3A_3454 : i32 to vector<256x128xi32>
      %add3A_3456 = arith.addi %scan3A_3446#1, %add3A_3455 : vector<256x128xi32>
      %jit3A_3457 = arith.constant 0 : i32
      %broadcast_in_dim3A_3458 = vector.broadcast %jit3A_3457 : i32 to vector<256x128xi32>
      %select_n3A_3459 = arith.select %gt3A_3453, %add3A_3456, %broadcast_in_dim3A_3458 : vector<256x128xi1>, vector<256x128xi32>
      %swap3A_3460 = arith.constant 2560 : index
      %swap3A_3461 = arith.constant 0 : index
      %swap3A_3462 = vector.load %arg5[%swap3A_3460, %swap3A_3461] : memref<4096x128xi32, #tpu.memory_space<vmem>>, vector<256x128xi32>
      tpu.vector_store %arg5[%swap3A_3460, %swap3A_3461], %select_n3A_3459 {strides = array<i32>} : memref<4096x128xi32, #tpu.memory_space<vmem>>, vector<256x128xi32>,
      %get3A_3463 = arith.constant 2816 : index
      %get3A_3464 = arith.constant 0 : index
      %get3A_3465 = vector.load %arg14[%get3A_3463, %get3A_3464] : memref<4096x128xf32, #tpu.memory_space<vmem>>, vector<256x128xf32>
      %get3A_3466 = arith.constant 2816 : index
      %get3A_3467 = arith.constant 0 : index
      %get3A_3468 = vector.load %arg15[%get3A_3466, %get3A_3467] : memref<4096x128xf32, #tpu.memory_space<vmem>>, vector<256x128xf32>
      %get3A_3469 = arith.constant 2816 : index
      %get3A_3470 = arith.constant 0 : index
      %get3A_3471 = vector.load %arg16[%get3A_3469, %get3A_3470] : memref<4096x128xf32, #tpu.memory_space<vmem>>, vector<256x128xf32>
      %mul3A_3472 = arith.mulf %get3A_3465, %get3A_3465 : vector<256x128xf32>
      %mul3A_3473 = arith.mulf %get3A_3468, %get3A_3468 : vector<256x128xf32>
      %add3A_3474 = arith.addf %mul3A_3472, %mul3A_3473 : vector<256x128xf32>
      %mul3A_3475 = arith.mulf %get3A_3471, %get3A_3471 : vector<256x128xf32>
      %add3A_3476 = arith.addf %add3A_3474, %mul3A_3475 : vector<256x128xf32>
      %broadcast_in_dim3A_3477 = arith.constant 0x7F800000 : f32
      %broadcast_in_dim3A_3478 = vector.broadcast %broadcast_in_dim3A_3477 : f32 to vector<256x128xf32>
      %broadcast_in_dim3A_3479 = arith.constant 0 : i32
      %broadcast_in_dim3A_3480 = vector.broadcast %broadcast_in_dim3A_3479 : i32 to vector<256x128xi32>
      %scan3A_3481 = arith.constant 0x7F800000 : f32
      %scan3A_3482 = arith.constant 0 : i32
      %scan3A_3483 = arith.constant 64 : i32
      %scan3A_3484 = arith.addi %scan3A_3482, %scan3A_3483 : i32
      %scan3A_3485 = arith.constant 1 : i32
      %scan3A_3486:2 = scf.for %scan3A_3663 = %scan3A_3482 to %scan3A_3484 step %scan3A_3485 iter_args(%scan3A_3664 = %broadcast_in_dim3A_3478, %scan3A_3665 = %broadcast_in_dim3A_3480) -> (vector<256x128xf32>, vector<256x128xi32>)  : i32 {
        %get3A_3666 = arith.constant 0 : index
        %get3A_3667 = arith.index_cast %scan3A_3663 : i32 to index
        %get3A_3668 = memref.load %arg13[%get3A_3666, %get3A_3667] : memref<8x128xf32, #tpu.memory_space<smem>>
        %get3A_3669 = arith.constant 1 : index
        %get3A_3670 = arith.index_cast %scan3A_3663 : i32 to index
        %get3A_3671 = memref.load %arg13[%get3A_3669, %get3A_3670] : memref<8x128xf32, #tpu.memory_space<smem>>
        %get3A_3672 = arith.constant 2 : index
        %get3A_3673 = arith.index_cast %scan3A_3663 : i32 to index
        %get3A_3674 = memref.load %arg13[%get3A_3672, %get3A_3673] : memref<8x128xf32, #tpu.memory_space<smem>>
        %get3A_3675 = arith.constant 3 : index
        %get3A_3676 = arith.index_cast %scan3A_3663 : i32 to index
        %get3A_3677 = memref.load %arg13[%get3A_3675, %get3A_3676] : memref<8x128xf32, #tpu.memory_space<smem>>
        %mul3A_3678 = arith.mulf %get3A_3668, %get3A_3668 : f32
        %mul3A_3679 = arith.mulf %get3A_3671, %get3A_3671 : f32
        %add3A_3680 = arith.addf %mul3A_3678, %mul3A_3679 : f32
        %mul3A_3681 = arith.mulf %get3A_3674, %get3A_3674 : f32
        %add3A_3682 = arith.addf %add3A_3680, %mul3A_3681 : f32
        %mul3A_3683 = vector.broadcast %get3A_3668 : f32 to vector<256x128xf32>
        %mul3A_3684 = arith.mulf %get3A_3465, %mul3A_3683 : vector<256x128xf32>
        %mul3A_3685 = vector.broadcast %get3A_3671 : f32 to vector<256x128xf32>
        %mul3A_3686 = arith.mulf %get3A_3468, %mul3A_3685 : vector<256x128xf32>
        %add3A_3687 = arith.addf %mul3A_3684, %mul3A_3686 : vector<256x128xf32>
        %mul3A_3688 = vector.broadcast %get3A_3674 : f32 to vector<256x128xf32>
        %mul3A_3689 = arith.mulf %get3A_3471, %mul3A_3688 : vector<256x128xf32>
        %add3A_3690 = arith.addf %add3A_3687, %mul3A_3689 : vector<256x128xf32>
        %add3A_3691 = vector.broadcast %add3A_3682 : f32 to vector<256x128xf32>
        %add3A_3692 = arith.addf %add3A_3476, %add3A_3691 : vector<256x128xf32>
        %mul3A_3693 = arith.constant 2.000000e+00 : f32
        %mul3A_3694 = vector.broadcast %mul3A_3693 : f32 to vector<256x128xf32>
        %mul3A_3695 = arith.mulf %mul3A_3694, %add3A_3690 : vector<256x128xf32>
        %sub3A = arith.subf %add3A_3692, %mul3A_3695 : vector<256x128xf32>
        %gt3A_3696 = arith.constant 0.000000e+00 : f32
        %gt3A_3697 = arith.cmpf ogt, %get3A_3677, %gt3A_3696 : f32
        %broadcast_in_dim3A_3698 = vector.broadcast %scan3A_3481 : f32 to vector<256x128xf32>
        %select_n3A_3699 = arith.select %gt3A_3697, %sub3A, %broadcast_in_dim3A_3698 : vector<256x128xf32>
        %lt3A = arith.cmpf olt, %select_n3A_3699, %scan3A_3664 : vector<256x128xf32>
        %select_n3A_3700 = arith.select %lt3A, %select_n3A_3699, %scan3A_3664 : vector<256x128xi1>, vector<256x128xf32>
        %broadcast_in_dim3A_3701 = vector.broadcast %scan3A_3663 : i32 to vector<256x128xi32>
        %select_n3A_3702 = arith.select %lt3A, %broadcast_in_dim3A_3701, %scan3A_3665 : vector<256x128xi1>, vector<256x128xi32>
        scf.yield %select_n3A_3700, %select_n3A_3702 : vector<256x128xf32>, vector<256x128xi32>
      }
      %scan3A_3487 = arith.constant 64 : i32
      %get3A_3488 = arith.constant 2816 : index
      %get3A_3489 = arith.constant 0 : index
      %get3A_3490 = vector.load %arg17[%get3A_3488, %get3A_3489] : memref<4096x128xf32, #tpu.memory_space<vmem>>, vector<256x128xf32>
      %gt3A_3491 = arith.constant 0.000000e+00 : f32
      %gt3A_3492 = vector.broadcast %gt3A_3491 : f32 to vector<256x128xf32>
      %gt3A_3493 = arith.cmpf ogt, %get3A_3490, %gt3A_3492 : vector<256x128xf32>
      %add3A_3494 = arith.constant 1 : i32
      %add3A_3495 = vector.broadcast %add3A_3494 : i32 to vector<256x128xi32>
      %add3A_3496 = arith.addi %scan3A_3486#1, %add3A_3495 : vector<256x128xi32>
      %jit3A_3497 = arith.constant 0 : i32
      %broadcast_in_dim3A_3498 = vector.broadcast %jit3A_3497 : i32 to vector<256x128xi32>
      %select_n3A_3499 = arith.select %gt3A_3493, %add3A_3496, %broadcast_in_dim3A_3498 : vector<256x128xi1>, vector<256x128xi32>
      %swap3A_3500 = arith.constant 2816 : index
      %swap3A_3501 = arith.constant 0 : index
      %swap3A_3502 = vector.load %arg5[%swap3A_3500, %swap3A_3501] : memref<4096x128xi32, #tpu.memory_space<vmem>>, vector<256x128xi32>
      tpu.vector_store %arg5[%swap3A_3500, %swap3A_3501], %select_n3A_3499 {strides = array<i32>} : memref<4096x128xi32, #tpu.memory_space<vmem>>, vector<256x128xi32>,
      %get3A_3503 = arith.constant 3072 : index
      %get3A_3504 = arith.constant 0 : index
      %get3A_3505 = vector.load %arg14[%get3A_3503, %get3A_3504] : memref<4096x128xf32, #tpu.memory_space<vmem>>, vector<256x128xf32>
      %get3A_3506 = arith.constant 3072 : index
      %get3A_3507 = arith.constant 0 : index
      %get3A_3508 = vector.load %arg15[%get3A_3506, %get3A_3507] : memref<4096x128xf32, #tpu.memory_space<vmem>>, vector<256x128xf32>
      %get3A_3509 = arith.constant 3072 : index
      %get3A_3510 = arith.constant 0 : index
      %get3A_3511 = vector.load %arg16[%get3A_3509, %get3A_3510] : memref<4096x128xf32, #tpu.memory_space<vmem>>, vector<256x128xf32>
      %mul3A_3512 = arith.mulf %get3A_3505, %get3A_3505 : vector<256x128xf32>
      %mul3A_3513 = arith.mulf %get3A_3508, %get3A_3508 : vector<256x128xf32>
      %add3A_3514 = arith.addf %mul3A_3512, %mul3A_3513 : vector<256x128xf32>
      %mul3A_3515 = arith.mulf %get3A_3511, %get3A_3511 : vector<256x128xf32>
      %add3A_3516 = arith.addf %add3A_3514, %mul3A_3515 : vector<256x128xf32>
      %broadcast_in_dim3A_3517 = arith.constant 0x7F800000 : f32
      %broadcast_in_dim3A_3518 = vector.broadcast %broadcast_in_dim3A_3517 : f32 to vector<256x128xf32>
      %broadcast_in_dim3A_3519 = arith.constant 0 : i32
      %broadcast_in_dim3A_3520 = vector.broadcast %broadcast_in_dim3A_3519 : i32 to vector<256x128xi32>
      %scan3A_3521 = arith.constant 0x7F800000 : f32
      %scan3A_3522 = arith.constant 0 : i32
      %scan3A_3523 = arith.constant 64 : i32
      %scan3A_3524 = arith.addi %scan3A_3522, %scan3A_3523 : i32
      %scan3A_3525 = arith.constant 1 : i32
      %scan3A_3526:2 = scf.for %scan3A_3663 = %scan3A_3522 to %scan3A_3524 step %scan3A_3525 iter_args(%scan3A_3664 = %broadcast_in_dim3A_3518, %scan3A_3665 = %broadcast_in_dim3A_3520) -> (vector<256x128xf32>, vector<256x128xi32>)  : i32 {
        %get3A_3666 = arith.constant 0 : index
        %get3A_3667 = arith.index_cast %scan3A_3663 : i32 to index
        %get3A_3668 = memref.load %arg13[%get3A_3666, %get3A_3667] : memref<8x128xf32, #tpu.memory_space<smem>>
        %get3A_3669 = arith.constant 1 : index
        %get3A_3670 = arith.index_cast %scan3A_3663 : i32 to index
        %get3A_3671 = memref.load %arg13[%get3A_3669, %get3A_3670] : memref<8x128xf32, #tpu.memory_space<smem>>
        %get3A_3672 = arith.constant 2 : index
        %get3A_3673 = arith.index_cast %scan3A_3663 : i32 to index
        %get3A_3674 = memref.load %arg13[%get3A_3672, %get3A_3673] : memref<8x128xf32, #tpu.memory_space<smem>>
        %get3A_3675 = arith.constant 3 : index
        %get3A_3676 = arith.index_cast %scan3A_3663 : i32 to index
        %get3A_3677 = memref.load %arg13[%get3A_3675, %get3A_3676] : memref<8x128xf32, #tpu.memory_space<smem>>
        %mul3A_3678 = arith.mulf %get3A_3668, %get3A_3668 : f32
        %mul3A_3679 = arith.mulf %get3A_3671, %get3A_3671 : f32
        %add3A_3680 = arith.addf %mul3A_3678, %mul3A_3679 : f32
        %mul3A_3681 = arith.mulf %get3A_3674, %get3A_3674 : f32
        %add3A_3682 = arith.addf %add3A_3680, %mul3A_3681 : f32
        %mul3A_3683 = vector.broadcast %get3A_3668 : f32 to vector<256x128xf32>
        %mul3A_3684 = arith.mulf %get3A_3505, %mul3A_3683 : vector<256x128xf32>
        %mul3A_3685 = vector.broadcast %get3A_3671 : f32 to vector<256x128xf32>
        %mul3A_3686 = arith.mulf %get3A_3508, %mul3A_3685 : vector<256x128xf32>
        %add3A_3687 = arith.addf %mul3A_3684, %mul3A_3686 : vector<256x128xf32>
        %mul3A_3688 = vector.broadcast %get3A_3674 : f32 to vector<256x128xf32>
        %mul3A_3689 = arith.mulf %get3A_3511, %mul3A_3688 : vector<256x128xf32>
        %add3A_3690 = arith.addf %add3A_3687, %mul3A_3689 : vector<256x128xf32>
        %add3A_3691 = vector.broadcast %add3A_3682 : f32 to vector<256x128xf32>
        %add3A_3692 = arith.addf %add3A_3516, %add3A_3691 : vector<256x128xf32>
        %mul3A_3693 = arith.constant 2.000000e+00 : f32
        %mul3A_3694 = vector.broadcast %mul3A_3693 : f32 to vector<256x128xf32>
        %mul3A_3695 = arith.mulf %mul3A_3694, %add3A_3690 : vector<256x128xf32>
        %sub3A = arith.subf %add3A_3692, %mul3A_3695 : vector<256x128xf32>
        %gt3A_3696 = arith.constant 0.000000e+00 : f32
        %gt3A_3697 = arith.cmpf ogt, %get3A_3677, %gt3A_3696 : f32
        %broadcast_in_dim3A_3698 = vector.broadcast %scan3A_3521 : f32 to vector<256x128xf32>
        %select_n3A_3699 = arith.select %gt3A_3697, %sub3A, %broadcast_in_dim3A_3698 : vector<256x128xf32>
        %lt3A = arith.cmpf olt, %select_n3A_3699, %scan3A_3664 : vector<256x128xf32>
        %select_n3A_3700 = arith.select %lt3A, %select_n3A_3699, %scan3A_3664 : vector<256x128xi1>, vector<256x128xf32>
        %broadcast_in_dim3A_3701 = vector.broadcast %scan3A_3663 : i32 to vector<256x128xi32>
        %select_n3A_3702 = arith.select %lt3A, %broadcast_in_dim3A_3701, %scan3A_3665 : vector<256x128xi1>, vector<256x128xi32>
        scf.yield %select_n3A_3700, %select_n3A_3702 : vector<256x128xf32>, vector<256x128xi32>
      }
      %scan3A_3527 = arith.constant 64 : i32
      %get3A_3528 = arith.constant 3072 : index
      %get3A_3529 = arith.constant 0 : index
      %get3A_3530 = vector.load %arg17[%get3A_3528, %get3A_3529] : memref<4096x128xf32, #tpu.memory_space<vmem>>, vector<256x128xf32>
      %gt3A_3531 = arith.constant 0.000000e+00 : f32
      %gt3A_3532 = vector.broadcast %gt3A_3531 : f32 to vector<256x128xf32>
      %gt3A_3533 = arith.cmpf ogt, %get3A_3530, %gt3A_3532 : vector<256x128xf32>
      %add3A_3534 = arith.constant 1 : i32
      %add3A_3535 = vector.broadcast %add3A_3534 : i32 to vector<256x128xi32>
      %add3A_3536 = arith.addi %scan3A_3526#1, %add3A_3535 : vector<256x128xi32>
      %jit3A_3537 = arith.constant 0 : i32
      %broadcast_in_dim3A_3538 = vector.broadcast %jit3A_3537 : i32 to vector<256x128xi32>
      %select_n3A_3539 = arith.select %gt3A_3533, %add3A_3536, %broadcast_in_dim3A_3538 : vector<256x128xi1>, vector<256x128xi32>
      %swap3A_3540 = arith.constant 3072 : index
      %swap3A_3541 = arith.constant 0 : index
      %swap3A_3542 = vector.load %arg5[%swap3A_3540, %swap3A_3541] : memref<4096x128xi32, #tpu.memory_space<vmem>>, vector<256x128xi32>
      tpu.vector_store %arg5[%swap3A_3540, %swap3A_3541], %select_n3A_3539 {strides = array<i32>} : memref<4096x128xi32, #tpu.memory_space<vmem>>, vector<256x128xi32>,
      %get3A_3543 = arith.constant 3328 : index
      %get3A_3544 = arith.constant 0 : index
      %get3A_3545 = vector.load %arg14[%get3A_3543, %get3A_3544] : memref<4096x128xf32, #tpu.memory_space<vmem>>, vector<256x128xf32>
      %get3A_3546 = arith.constant 3328 : index
      %get3A_3547 = arith.constant 0 : index
      %get3A_3548 = vector.load %arg15[%get3A_3546, %get3A_3547] : memref<4096x128xf32, #tpu.memory_space<vmem>>, vector<256x128xf32>
      %get3A_3549 = arith.constant 3328 : index
      %get3A_3550 = arith.constant 0 : index
      %get3A_3551 = vector.load %arg16[%get3A_3549, %get3A_3550] : memref<4096x128xf32, #tpu.memory_space<vmem>>, vector<256x128xf32>
      %mul3A_3552 = arith.mulf %get3A_3545, %get3A_3545 : vector<256x128xf32>
      %mul3A_3553 = arith.mulf %get3A_3548, %get3A_3548 : vector<256x128xf32>
      %add3A_3554 = arith.addf %mul3A_3552, %mul3A_3553 : vector<256x128xf32>
      %mul3A_3555 = arith.mulf %get3A_3551, %get3A_3551 : vector<256x128xf32>
      %add3A_3556 = arith.addf %add3A_3554, %mul3A_3555 : vector<256x128xf32>
      %broadcast_in_dim3A_3557 = arith.constant 0x7F800000 : f32
      %broadcast_in_dim3A_3558 = vector.broadcast %broadcast_in_dim3A_3557 : f32 to vector<256x128xf32>
      %broadcast_in_dim3A_3559 = arith.constant 0 : i32
      %broadcast_in_dim3A_3560 = vector.broadcast %broadcast_in_dim3A_3559 : i32 to vector<256x128xi32>
      %scan3A_3561 = arith.constant 0x7F800000 : f32
      %scan3A_3562 = arith.constant 0 : i32
      %scan3A_3563 = arith.constant 64 : i32
      %scan3A_3564 = arith.addi %scan3A_3562, %scan3A_3563 : i32
      %scan3A_3565 = arith.constant 1 : i32
      %scan3A_3566:2 = scf.for %scan3A_3663 = %scan3A_3562 to %scan3A_3564 step %scan3A_3565 iter_args(%scan3A_3664 = %broadcast_in_dim3A_3558, %scan3A_3665 = %broadcast_in_dim3A_3560) -> (vector<256x128xf32>, vector<256x128xi32>)  : i32 {
        %get3A_3666 = arith.constant 0 : index
        %get3A_3667 = arith.index_cast %scan3A_3663 : i32 to index
        %get3A_3668 = memref.load %arg13[%get3A_3666, %get3A_3667] : memref<8x128xf32, #tpu.memory_space<smem>>
        %get3A_3669 = arith.constant 1 : index
        %get3A_3670 = arith.index_cast %scan3A_3663 : i32 to index
        %get3A_3671 = memref.load %arg13[%get3A_3669, %get3A_3670] : memref<8x128xf32, #tpu.memory_space<smem>>
        %get3A_3672 = arith.constant 2 : index
        %get3A_3673 = arith.index_cast %scan3A_3663 : i32 to index
        %get3A_3674 = memref.load %arg13[%get3A_3672, %get3A_3673] : memref<8x128xf32, #tpu.memory_space<smem>>
        %get3A_3675 = arith.constant 3 : index
        %get3A_3676 = arith.index_cast %scan3A_3663 : i32 to index
        %get3A_3677 = memref.load %arg13[%get3A_3675, %get3A_3676] : memref<8x128xf32, #tpu.memory_space<smem>>
        %mul3A_3678 = arith.mulf %get3A_3668, %get3A_3668 : f32
        %mul3A_3679 = arith.mulf %get3A_3671, %get3A_3671 : f32
        %add3A_3680 = arith.addf %mul3A_3678, %mul3A_3679 : f32
        %mul3A_3681 = arith.mulf %get3A_3674, %get3A_3674 : f32
        %add3A_3682 = arith.addf %add3A_3680, %mul3A_3681 : f32
        %mul3A_3683 = vector.broadcast %get3A_3668 : f32 to vector<256x128xf32>
        %mul3A_3684 = arith.mulf %get3A_3545, %mul3A_3683 : vector<256x128xf32>
        %mul3A_3685 = vector.broadcast %get3A_3671 : f32 to vector<256x128xf32>
        %mul3A_3686 = arith.mulf %get3A_3548, %mul3A_3685 : vector<256x128xf32>
        %add3A_3687 = arith.addf %mul3A_3684, %mul3A_3686 : vector<256x128xf32>
        %mul3A_3688 = vector.broadcast %get3A_3674 : f32 to vector<256x128xf32>
        %mul3A_3689 = arith.mulf %get3A_3551, %mul3A_3688 : vector<256x128xf32>
        %add3A_3690 = arith.addf %add3A_3687, %mul3A_3689 : vector<256x128xf32>
        %add3A_3691 = vector.broadcast %add3A_3682 : f32 to vector<256x128xf32>
        %add3A_3692 = arith.addf %add3A_3556, %add3A_3691 : vector<256x128xf32>
        %mul3A_3693 = arith.constant 2.000000e+00 : f32
        %mul3A_3694 = vector.broadcast %mul3A_3693 : f32 to vector<256x128xf32>
        %mul3A_3695 = arith.mulf %mul3A_3694, %add3A_3690 : vector<256x128xf32>
        %sub3A = arith.subf %add3A_3692, %mul3A_3695 : vector<256x128xf32>
        %gt3A_3696 = arith.constant 0.000000e+00 : f32
        %gt3A_3697 = arith.cmpf ogt, %get3A_3677, %gt3A_3696 : f32
        %broadcast_in_dim3A_3698 = vector.broadcast %scan3A_3561 : f32 to vector<256x128xf32>
        %select_n3A_3699 = arith.select %gt3A_3697, %sub3A, %broadcast_in_dim3A_3698 : vector<256x128xf32>
        %lt3A = arith.cmpf olt, %select_n3A_3699, %scan3A_3664 : vector<256x128xf32>
        %select_n3A_3700 = arith.select %lt3A, %select_n3A_3699, %scan3A_3664 : vector<256x128xi1>, vector<256x128xf32>
        %broadcast_in_dim3A_3701 = vector.broadcast %scan3A_3663 : i32 to vector<256x128xi32>
        %select_n3A_3702 = arith.select %lt3A, %broadcast_in_dim3A_3701, %scan3A_3665 : vector<256x128xi1>, vector<256x128xi32>
        scf.yield %select_n3A_3700, %select_n3A_3702 : vector<256x128xf32>, vector<256x128xi32>
      }
      %scan3A_3567 = arith.constant 64 : i32
      %get3A_3568 = arith.constant 3328 : index
      %get3A_3569 = arith.constant 0 : index
      %get3A_3570 = vector.load %arg17[%get3A_3568, %get3A_3569] : memref<4096x128xf32, #tpu.memory_space<vmem>>, vector<256x128xf32>
      %gt3A_3571 = arith.constant 0.000000e+00 : f32
      %gt3A_3572 = vector.broadcast %gt3A_3571 : f32 to vector<256x128xf32>
      %gt3A_3573 = arith.cmpf ogt, %get3A_3570, %gt3A_3572 : vector<256x128xf32>
      %add3A_3574 = arith.constant 1 : i32
      %add3A_3575 = vector.broadcast %add3A_3574 : i32 to vector<256x128xi32>
      %add3A_3576 = arith.addi %scan3A_3566#1, %add3A_3575 : vector<256x128xi32>
      %jit3A_3577 = arith.constant 0 : i32
      %broadcast_in_dim3A_3578 = vector.broadcast %jit3A_3577 : i32 to vector<256x128xi32>
      %select_n3A_3579 = arith.select %gt3A_3573, %add3A_3576, %broadcast_in_dim3A_3578 : vector<256x128xi1>, vector<256x128xi32>
      %swap3A_3580 = arith.constant 3328 : index
      %swap3A_3581 = arith.constant 0 : index
      %swap3A_3582 = vector.load %arg5[%swap3A_3580, %swap3A_3581] : memref<4096x128xi32, #tpu.memory_space<vmem>>, vector<256x128xi32>
      tpu.vector_store %arg5[%swap3A_3580, %swap3A_3581], %select_n3A_3579 {strides = array<i32>} : memref<4096x128xi32, #tpu.memory_space<vmem>>, vector<256x128xi32>,
      %get3A_3583 = arith.constant 3584 : index
      %get3A_3584 = arith.constant 0 : index
      %get3A_3585 = vector.load %arg14[%get3A_3583, %get3A_3584] : memref<4096x128xf32, #tpu.memory_space<vmem>>, vector<256x128xf32>
      %get3A_3586 = arith.constant 3584 : index
      %get3A_3587 = arith.constant 0 : index
      %get3A_3588 = vector.load %arg15[%get3A_3586, %get3A_3587] : memref<4096x128xf32, #tpu.memory_space<vmem>>, vector<256x128xf32>
      %get3A_3589 = arith.constant 3584 : index
      %get3A_3590 = arith.constant 0 : index
      %get3A_3591 = vector.load %arg16[%get3A_3589, %get3A_3590] : memref<4096x128xf32, #tpu.memory_space<vmem>>, vector<256x128xf32>
      %mul3A_3592 = arith.mulf %get3A_3585, %get3A_3585 : vector<256x128xf32>
      %mul3A_3593 = arith.mulf %get3A_3588, %get3A_3588 : vector<256x128xf32>
      %add3A_3594 = arith.addf %mul3A_3592, %mul3A_3593 : vector<256x128xf32>
      %mul3A_3595 = arith.mulf %get3A_3591, %get3A_3591 : vector<256x128xf32>
      %add3A_3596 = arith.addf %add3A_3594, %mul3A_3595 : vector<256x128xf32>
      %broadcast_in_dim3A_3597 = arith.constant 0x7F800000 : f32
      %broadcast_in_dim3A_3598 = vector.broadcast %broadcast_in_dim3A_3597 : f32 to vector<256x128xf32>
      %broadcast_in_dim3A_3599 = arith.constant 0 : i32
      %broadcast_in_dim3A_3600 = vector.broadcast %broadcast_in_dim3A_3599 : i32 to vector<256x128xi32>
      %scan3A_3601 = arith.constant 0x7F800000 : f32
      %scan3A_3602 = arith.constant 0 : i32
      %scan3A_3603 = arith.constant 64 : i32
      %scan3A_3604 = arith.addi %scan3A_3602, %scan3A_3603 : i32
      %scan3A_3605 = arith.constant 1 : i32
      %scan3A_3606:2 = scf.for %scan3A_3663 = %scan3A_3602 to %scan3A_3604 step %scan3A_3605 iter_args(%scan3A_3664 = %broadcast_in_dim3A_3598, %scan3A_3665 = %broadcast_in_dim3A_3600) -> (vector<256x128xf32>, vector<256x128xi32>)  : i32 {
        %get3A_3666 = arith.constant 0 : index
        %get3A_3667 = arith.index_cast %scan3A_3663 : i32 to index
        %get3A_3668 = memref.load %arg13[%get3A_3666, %get3A_3667] : memref<8x128xf32, #tpu.memory_space<smem>>
        %get3A_3669 = arith.constant 1 : index
        %get3A_3670 = arith.index_cast %scan3A_3663 : i32 to index
        %get3A_3671 = memref.load %arg13[%get3A_3669, %get3A_3670] : memref<8x128xf32, #tpu.memory_space<smem>>
        %get3A_3672 = arith.constant 2 : index
        %get3A_3673 = arith.index_cast %scan3A_3663 : i32 to index
        %get3A_3674 = memref.load %arg13[%get3A_3672, %get3A_3673] : memref<8x128xf32, #tpu.memory_space<smem>>
        %get3A_3675 = arith.constant 3 : index
        %get3A_3676 = arith.index_cast %scan3A_3663 : i32 to index
        %get3A_3677 = memref.load %arg13[%get3A_3675, %get3A_3676] : memref<8x128xf32, #tpu.memory_space<smem>>
        %mul3A_3678 = arith.mulf %get3A_3668, %get3A_3668 : f32
        %mul3A_3679 = arith.mulf %get3A_3671, %get3A_3671 : f32
        %add3A_3680 = arith.addf %mul3A_3678, %mul3A_3679 : f32
        %mul3A_3681 = arith.mulf %get3A_3674, %get3A_3674 : f32
        %add3A_3682 = arith.addf %add3A_3680, %mul3A_3681 : f32
        %mul3A_3683 = vector.broadcast %get3A_3668 : f32 to vector<256x128xf32>
        %mul3A_3684 = arith.mulf %get3A_3585, %mul3A_3683 : vector<256x128xf32>
        %mul3A_3685 = vector.broadcast %get3A_3671 : f32 to vector<256x128xf32>
        %mul3A_3686 = arith.mulf %get3A_3588, %mul3A_3685 : vector<256x128xf32>
        %add3A_3687 = arith.addf %mul3A_3684, %mul3A_3686 : vector<256x128xf32>
        %mul3A_3688 = vector.broadcast %get3A_3674 : f32 to vector<256x128xf32>
        %mul3A_3689 = arith.mulf %get3A_3591, %mul3A_3688 : vector<256x128xf32>
        %add3A_3690 = arith.addf %add3A_3687, %mul3A_3689 : vector<256x128xf32>
        %add3A_3691 = vector.broadcast %add3A_3682 : f32 to vector<256x128xf32>
        %add3A_3692 = arith.addf %add3A_3596, %add3A_3691 : vector<256x128xf32>
        %mul3A_3693 = arith.constant 2.000000e+00 : f32
        %mul3A_3694 = vector.broadcast %mul3A_3693 : f32 to vector<256x128xf32>
        %mul3A_3695 = arith.mulf %mul3A_3694, %add3A_3690 : vector<256x128xf32>
        %sub3A = arith.subf %add3A_3692, %mul3A_3695 : vector<256x128xf32>
        %gt3A_3696 = arith.constant 0.000000e+00 : f32
        %gt3A_3697 = arith.cmpf ogt, %get3A_3677, %gt3A_3696 : f32
        %broadcast_in_dim3A_3698 = vector.broadcast %scan3A_3601 : f32 to vector<256x128xf32>
        %select_n3A_3699 = arith.select %gt3A_3697, %sub3A, %broadcast_in_dim3A_3698 : vector<256x128xf32>
        %lt3A = arith.cmpf olt, %select_n3A_3699, %scan3A_3664 : vector<256x128xf32>
        %select_n3A_3700 = arith.select %lt3A, %select_n3A_3699, %scan3A_3664 : vector<256x128xi1>, vector<256x128xf32>
        %broadcast_in_dim3A_3701 = vector.broadcast %scan3A_3663 : i32 to vector<256x128xi32>
        %select_n3A_3702 = arith.select %lt3A, %broadcast_in_dim3A_3701, %scan3A_3665 : vector<256x128xi1>, vector<256x128xi32>
        scf.yield %select_n3A_3700, %select_n3A_3702 : vector<256x128xf32>, vector<256x128xi32>
      }
      %scan3A_3607 = arith.constant 64 : i32
      %get3A_3608 = arith.constant 3584 : index
      %get3A_3609 = arith.constant 0 : index
      %get3A_3610 = vector.load %arg17[%get3A_3608, %get3A_3609] : memref<4096x128xf32, #tpu.memory_space<vmem>>, vector<256x128xf32>
      %gt3A_3611 = arith.constant 0.000000e+00 : f32
      %gt3A_3612 = vector.broadcast %gt3A_3611 : f32 to vector<256x128xf32>
      %gt3A_3613 = arith.cmpf ogt, %get3A_3610, %gt3A_3612 : vector<256x128xf32>
      %add3A_3614 = arith.constant 1 : i32
      %add3A_3615 = vector.broadcast %add3A_3614 : i32 to vector<256x128xi32>
      %add3A_3616 = arith.addi %scan3A_3606#1, %add3A_3615 : vector<256x128xi32>
      %jit3A_3617 = arith.constant 0 : i32
      %broadcast_in_dim3A_3618 = vector.broadcast %jit3A_3617 : i32 to vector<256x128xi32>
      %select_n3A_3619 = arith.select %gt3A_3613, %add3A_3616, %broadcast_in_dim3A_3618 : vector<256x128xi1>, vector<256x128xi32>
      %swap3A_3620 = arith.constant 3584 : index
      %swap3A_3621 = arith.constant 0 : index
      %swap3A_3622 = vector.load %arg5[%swap3A_3620, %swap3A_3621] : memref<4096x128xi32, #tpu.memory_space<vmem>>, vector<256x128xi32>
      tpu.vector_store %arg5[%swap3A_3620, %swap3A_3621], %select_n3A_3619 {strides = array<i32>} : memref<4096x128xi32, #tpu.memory_space<vmem>>, vector<256x128xi32>,
      %get3A_3623 = arith.constant 3840 : index
      %get3A_3624 = arith.constant 0 : index
      %get3A_3625 = vector.load %arg14[%get3A_3623, %get3A_3624] : memref<4096x128xf32, #tpu.memory_space<vmem>>, vector<256x128xf32>
      %get3A_3626 = arith.constant 3840 : index
      %get3A_3627 = arith.constant 0 : index
      %get3A_3628 = vector.load %arg15[%get3A_3626, %get3A_3627] : memref<4096x128xf32, #tpu.memory_space<vmem>>, vector<256x128xf32>
      %get3A_3629 = arith.constant 3840 : index
      %get3A_3630 = arith.constant 0 : index
      %get3A_3631 = vector.load %arg16[%get3A_3629, %get3A_3630] : memref<4096x128xf32, #tpu.memory_space<vmem>>, vector<256x128xf32>
      %mul3A_3632 = arith.mulf %get3A_3625, %get3A_3625 : vector<256x128xf32>
      %mul3A_3633 = arith.mulf %get3A_3628, %get3A_3628 : vector<256x128xf32>
      %add3A_3634 = arith.addf %mul3A_3632, %mul3A_3633 : vector<256x128xf32>
      %mul3A_3635 = arith.mulf %get3A_3631, %get3A_3631 : vector<256x128xf32>
      %add3A_3636 = arith.addf %add3A_3634, %mul3A_3635 : vector<256x128xf32>
      %broadcast_in_dim3A_3637 = arith.constant 0x7F800000 : f32
      %broadcast_in_dim3A_3638 = vector.broadcast %broadcast_in_dim3A_3637 : f32 to vector<256x128xf32>
      %broadcast_in_dim3A_3639 = arith.constant 0 : i32
      %broadcast_in_dim3A_3640 = vector.broadcast %broadcast_in_dim3A_3639 : i32 to vector<256x128xi32>
      %scan3A_3641 = arith.constant 0x7F800000 : f32
      %scan3A_3642 = arith.constant 0 : i32
      %scan3A_3643 = arith.constant 64 : i32
      %scan3A_3644 = arith.addi %scan3A_3642, %scan3A_3643 : i32
      %scan3A_3645 = arith.constant 1 : i32
      %scan3A_3646:2 = scf.for %scan3A_3663 = %scan3A_3642 to %scan3A_3644 step %scan3A_3645 iter_args(%scan3A_3664 = %broadcast_in_dim3A_3638, %scan3A_3665 = %broadcast_in_dim3A_3640) -> (vector<256x128xf32>, vector<256x128xi32>)  : i32 {
        %get3A_3666 = arith.constant 0 : index
        %get3A_3667 = arith.index_cast %scan3A_3663 : i32 to index
        %get3A_3668 = memref.load %arg13[%get3A_3666, %get3A_3667] : memref<8x128xf32, #tpu.memory_space<smem>>
        %get3A_3669 = arith.constant 1 : index
        %get3A_3670 = arith.index_cast %scan3A_3663 : i32 to index
        %get3A_3671 = memref.load %arg13[%get3A_3669, %get3A_3670] : memref<8x128xf32, #tpu.memory_space<smem>>
        %get3A_3672 = arith.constant 2 : index
        %get3A_3673 = arith.index_cast %scan3A_3663 : i32 to index
        %get3A_3674 = memref.load %arg13[%get3A_3672, %get3A_3673] : memref<8x128xf32, #tpu.memory_space<smem>>
        %get3A_3675 = arith.constant 3 : index
        %get3A_3676 = arith.index_cast %scan3A_3663 : i32 to index
        %get3A_3677 = memref.load %arg13[%get3A_3675, %get3A_3676] : memref<8x128xf32, #tpu.memory_space<smem>>
        %mul3A_3678 = arith.mulf %get3A_3668, %get3A_3668 : f32
        %mul3A_3679 = arith.mulf %get3A_3671, %get3A_3671 : f32
        %add3A_3680 = arith.addf %mul3A_3678, %mul3A_3679 : f32
        %mul3A_3681 = arith.mulf %get3A_3674, %get3A_3674 : f32
        %add3A_3682 = arith.addf %add3A_3680, %mul3A_3681 : f32
        %mul3A_3683 = vector.broadcast %get3A_3668 : f32 to vector<256x128xf32>
        %mul3A_3684 = arith.mulf %get3A_3625, %mul3A_3683 : vector<256x128xf32>
        %mul3A_3685 = vector.broadcast %get3A_3671 : f32 to vector<256x128xf32>
        %mul3A_3686 = arith.mulf %get3A_3628, %mul3A_3685 : vector<256x128xf32>
        %add3A_3687 = arith.addf %mul3A_3684, %mul3A_3686 : vector<256x128xf32>
        %mul3A_3688 = vector.broadcast %get3A_3674 : f32 to vector<256x128xf32>
        %mul3A_3689 = arith.mulf %get3A_3631, %mul3A_3688 : vector<256x128xf32>
        %add3A_3690 = arith.addf %add3A_3687, %mul3A_3689 : vector<256x128xf32>
        %add3A_3691 = vector.broadcast %add3A_3682 : f32 to vector<256x128xf32>
        %add3A_3692 = arith.addf %add3A_3636, %add3A_3691 : vector<256x128xf32>
        %mul3A_3693 = arith.constant 2.000000e+00 : f32
        %mul3A_3694 = vector.broadcast %mul3A_3693 : f32 to vector<256x128xf32>
        %mul3A_3695 = arith.mulf %mul3A_3694, %add3A_3690 : vector<256x128xf32>
        %sub3A = arith.subf %add3A_3692, %mul3A_3695 : vector<256x128xf32>
        %gt3A_3696 = arith.constant 0.000000e+00 : f32
        %gt3A_3697 = arith.cmpf ogt, %get3A_3677, %gt3A_3696 : f32
        %broadcast_in_dim3A_3698 = vector.broadcast %scan3A_3641 : f32 to vector<256x128xf32>
        %select_n3A_3699 = arith.select %gt3A_3697, %sub3A, %broadcast_in_dim3A_3698 : vector<256x128xf32>
        %lt3A = arith.cmpf olt, %select_n3A_3699, %scan3A_3664 : vector<256x128xf32>
        %select_n3A_3700 = arith.select %lt3A, %select_n3A_3699, %scan3A_3664 : vector<256x128xi1>, vector<256x128xf32>
        %broadcast_in_dim3A_3701 = vector.broadcast %scan3A_3663 : i32 to vector<256x128xi32>
        %select_n3A_3702 = arith.select %lt3A, %broadcast_in_dim3A_3701, %scan3A_3665 : vector<256x128xi1>, vector<256x128xi32>
        scf.yield %select_n3A_3700, %select_n3A_3702 : vector<256x128xf32>, vector<256x128xi32>
      }
      %scan3A_3647 = arith.constant 64 : i32
      %get3A_3648 = arith.constant 3840 : index
      %get3A_3649 = arith.constant 0 : index
      %get3A_3650 = vector.load %arg17[%get3A_3648, %get3A_3649] : memref<4096x128xf32, #tpu.memory_space<vmem>>, vector<256x128xf32>
      %gt3A_3651 = arith.constant 0.000000e+00 : f32
      %gt3A_3652 = vector.broadcast %gt3A_3651 : f32 to vector<256x128xf32>
      %gt3A_3653 = arith.cmpf ogt, %get3A_3650, %gt3A_3652 : vector<256x128xf32>
      %add3A_3654 = arith.constant 1 : i32
      %add3A_3655 = vector.broadcast %add3A_3654 : i32 to vector<256x128xi32>
      %add3A_3656 = arith.addi %scan3A_3646#1, %add3A_3655 : vector<256x128xi32>
      %jit3A_3657 = arith.constant 0 : i32
      %broadcast_in_dim3A_3658 = vector.broadcast %jit3A_3657 : i32 to vector<256x128xi32>
      %select_n3A_3659 = arith.select %gt3A_3653, %add3A_3656, %broadcast_in_dim3A_3658 : vector<256x128xi1>, vector<256x128xi32>
      %swap3A_3660 = arith.constant 3840 : index
      %swap3A_3661 = arith.constant 0 : index
      %swap3A_3662 = vector.load %arg5[%swap3A_3660, %swap3A_3661] : memref<4096x128xi32, #tpu.memory_space<vmem>>, vector<256x128xi32>
      tpu.vector_store %arg5[%swap3A_3660, %swap3A_3661], %select_n3A_3659 {strides = array<i32>} : memref<4096x128xi32, #tpu.memory_space<vmem>>, vector<256x128xi32>,
    } else {
    }
    return
  }
}

</mosaic_0001>

<sc_bundles>
// kernel: kernel.5.cloned.1.call-start
scs
__scs_entry_jumppad:
0x0: {  	(pc) =	sbr.rel $0x88, $3  }
0x1: {  	(tag) =	ssettag $0x0;
	lr =	simm.s32 $0x1  }
0x2: {  	[smem:$0x3F9F] =	sst lr;
	_ =	strace $0xD0000000  }
0x3: {  	_ = 	snop  }
0x4: {  	_ = 	snop  }
0x5: {  	_ = 	snop  }
0x6: {  	_ = 	snop  }
0x7: {  	_ = 	snop  }
__scs_overlays_trampoline_lowered:
0x8: {  	[smem:$0x3FAE] =	sst s0  }
0x9: {  	[smem:$0x3FAF] =	sst s1  }
0xa: {  	[smem:$0x3FB0] =	sst s2  }
0xb: {  	[smem:$0x3FB1] =	sst s3  }
0xc: {  	[smem:$0x3FB2] =	sst s4  }
0xd: {  	[smem:$0x3FB3] =	sst s5  }
0xe: {  	[smem:$0x3FB4] =	sst s6  }
0xf: {  	[smem:$0x3FB5] =	sst s7  }
0x10: {  	[smem:$0x3FB6] =	sst s8  }
0x11: {  	[smem:$0x3FB7] =	sst s9;
	s0 =	simm.s32 @!p0 $0x0  }
0x12: {  	s1 =	sld [smem:$0x3F9D];
	s0 =	simm.s32 @p0 $0x1  }
0x13: {  	[smem:$0x3FB8] =	sst s0;
	s0 =	simm.s32 @!p1 $0x0  }
0x14: {  	s2 =	sld [smem:$0x3F9C];
	s0 =	simm.s32 @p1 $0x1  }
0x15: {  	[smem:$0x3FB9] =	sst s0;
	s0 =	simm.s32 @!p2 $0x0  }
0x16: {  	s3 =	sld [smem:$0x3FDB];
	s0 =	simm.s32 @p2 $0x1  }
0x17: {  	s4 =	simm.s32 $0x1BF5;
	[smem:$0x3FBB] =	sst s0  }
0x18: {  	s0 =	sld [smem:$0x3F9E];
	_ =	swait.ge [sflag:s4], $0x0  }
0x19: {  	s7 =	sld [smem:$0x3F9F]  }
0x1a: {  	s8 =	sadd.s32 $0xFFFFE003, lr  }
0x1b: {  	s9 =	sadd.s32 $0xFFFFFEF7, lr;
	s5 =	simm.s32 $0xFFFFFFFF;
	p2 =	slt.u32 s8, $0xFFFFF086  }
0x1c: {  	p1 =	slt.u32 s9, $0xF7A;
	s5 =	simm.s32 @!p2 $0x0  }
0x1d: {  	s5 =	simm.s32 @p1 $0x1;
	p0 =	seq.s32 s7, s2  }
0x1e: {  	s7 =	smul.u32 @!p0 $0xF7A, s2;
	p2 =	seq.s32 @!p0 s5, $0x0  }
0x1f: {  	s9 =	smul.u32 $0xF7A, s1;
	s8 =	simm.s32 @!p0 $0x1BF5;
	p2 =	por !p2, p0  }
0x20: {  	[sflag:s8] =	ssyncset.s32 @!p0 $0xFFFFF086;
	s6 =	sadd.s32 @!p0 s3, s7;
	s7 =	simm.s32 @!p0 $0x108  }
0x21: {  	s3 =	sadd.s32 s3, s9;
	s6 =	sadd.s32 @!p0 $0x88, s6;
	s7 =	simm.s32 @p2 $0x1082  }
0x22: {  	[simem:s7], [sflag:s8] =	dma.local @!p0 [hbm:s6], $0xF7A  }
0x23: {  	s9 =	sor.u32 $0xD0000000, s2;
	s6 =	simm.s32 $0x108;
	_ =	swait.ge @!p0 [sflag:s8], $0x0  }
0x24: {  	s3 =	sadd.s32 $0x88, s3;
	s6 =	simm.s32 @!p1 $0x1082;
	[sflag:s4] =	ssyncset.s32 $0xFFFFF086  }
0x25: {  	[simem:s6], [sflag:s4] =	dma.local [hbm:s3], $0xF7A  }
0x26: {  	[smem:$0x3F9F] =	sst s1;
	(tag) =	ssettag s2;
	_ =	strace s9  }
0x27: {  	s1 =	sld [smem:$0x3FAF]  }
0x28: {  	s2 =	sld [smem:$0x3FB0]  }
0x29: {  	s4 =	sld [smem:$0x3FB2]  }
0x2a: {  	p0 =	seq.s32 s5, $0x0;
	s5 =	sld [smem:$0x3FB3]  }
0x2b: {  	s6 =	sld [smem:$0x3FB4]  }
0x2c: {  	s7 =	sld [smem:$0x3FB5]  }
0x2d: {  	s3 =	simm.s32 $0x108;
	s8 =	sld [smem:$0x3FB6]  }
0x2e: {  	s3 =	simm.s32 @!p0 $0x1082;
	s9 =	sld [smem:$0x3FB7]  }
0x2f: {  	lr =	sadd.s32 s0, s3;
	s0 =	sld [smem:$0x3FAE]  }
0x30: {  	s3 =	sld [smem:$0x3FB1]  }
0x31: {  	[smem:$0x3FBA] =	sst s10  }
0x32: {  	s10 =	sld [smem:$0x3FB8];
	_ =	sdelay $0x3  }
0x33: {  	p0 =	seq.s32 s10, $0x1;
	s10 =	sld [smem:$0x3FBA];
	_ =	sdelay $0x3  }
0x34: {  	[smem:$0x3FBA] =	sst s10  }
0x35: {  	s10 =	sld [smem:$0x3FB9];
	_ =	sdelay $0x3  }
0x36: {  	p1 =	seq.s32 s10, $0x1;
	s10 =	sld [smem:$0x3FBA];
	_ =	sdelay $0x3  }
0x37: {  	[smem:$0x3FBA] =	sst s10  }
0x38: {  	s10 =	sld [smem:$0x3FBB]  }
0x39: {  	_ = 	snop;
	(pc) =	sbr.ind lr, $3  }
0x3a: {  	_ = 	snop  }
0x3b: {  	_ = 	snop  }
0x3c: {  	p2 =	seq.s32 s10, $0x1;
	s10 =	sld [smem:$0x3FBA]  }
0x3d: {  	_ =	shalt  }
0x3e: {  	_ =	shalt  }
0x3f: {  	_ =	shalt  }
0x40: {  	_ =	shalt  }
0x41: {  	_ =	shalt  }
0x42: {  	_ =	shalt  }
0x43: {  	_ =	shalt  }
0x44: {  	_ =	shalt  }
0x45: {  	_ =	shalt  }
0x46: {  	_ =	shalt  }
0x47: {  	_ =	shalt  }
0x48: {  	_ =	shalt  }
0x49: {  	_ =	shalt  }
0x4a: {  	_ =	shalt  }
0x4b: {  	_ =	shalt  }
0x4c: {  	_ =	shalt  }
0x4d: {  	_ =	shalt  }
0x4e: {  	_ =	shalt  }
0x4f: {  	_ =	shalt  }
0x50: {  	_ =	shalt  }
0x51: {  	_ =	shalt  }
0x52: {  	_ =	shalt  }
0x53: {  	_ =	shalt  }
0x54: {  	_ =	shalt  }
0x55: {  	_ =	shalt  }
0x56: {  	_ =	shalt  }
0x57: {  	_ =	shalt  }
0x58: {  	_ =	shalt  }
0x59: {  	_ =	shalt  }
0x5a: {  	_ =	shalt  }
0x5b: {  	_ =	shalt  }
0x5c: {  	_ =	shalt  }
0x5d: {  	_ =	shalt  }
0x5e: {  	_ =	shalt  }
0x5f: {  	_ =	shalt  }
0x60: {  	_ =	shalt  }
0x61: {  	_ =	shalt  }
0x62: {  	_ =	shalt  }
0x63: {  	_ =	shalt  }
0x64: {  	_ =	shalt  }
0x65: {  	_ =	shalt  }
0x66: {  	_ =	shalt  }
0x67: {  	_ =	shalt  }
0x68: {  	_ =	shalt  }
0x69: {  	_ =	shalt  }
0x6a: {  	_ =	shalt  }
0x6b: {  	_ =	shalt  }
0x6c: {  	_ =	shalt  }
0x6d: {  	_ =	shalt  }
0x6e: {  	_ =	shalt  }
0x6f: {  	_ =	shalt  }
0x70: {  	_ =	shalt  }
0x71: {  	_ =	shalt  }
0x72: {  	_ =	shalt  }
0x73: {  	_ =	shalt  }
0x74: {  	_ =	shalt  }
0x75: {  	_ =	shalt  }
0x76: {  	_ =	shalt  }
0x77: {  	_ =	shalt  }
0x78: {  	_ =	shalt  }
0x79: {  	_ =	shalt  }
0x7a: {  	_ =	shalt  }
0x7b: {  	_ =	shalt  }
0x7c: {  	_ =	shalt  }
0x7d: {  	_ =	shalt  }
0x7e: {  	_ =	shalt  }
0x7f: {  	_ =	shalt  }
0x80: {  	_ =	shalt  }
0x81: {  	_ =	shalt  }
0x82: {  	_ =	shalt  }
0x83: {  	_ =	shalt  }
0x84: {  	_ =	shalt  }
0x85: {  	_ =	shalt  }
0x86: {  	_ =	shalt  }
0x87: {  	_ =	shalt  }
.Lfunc_end0:
.L_simem_size_0:
called_computation_lowered:
.L_overlay_start_0:
0x88: {  	s2 =	sld [smem:$0x3FD9]  }
0x89: {  	s3 =	sld [smem:$0x3FFE];
	_ =	sdelay $0x1  }
0x8a: {  	s1 =	srdreg.scid  }
0x8b: {  	s0 =	sand.u32 $0x1, s1  }
0x8c: {  	s17 =	sshll.u32 s0, $0xA;
	s2 =	sadd.s32 s3, s2  }
0x8d: {  	s2 =	sadd.s32 s2, s17  }
0x8e: {  	[smem:$0x3FC6] =	sst s2  }
0x8f: {  	_ = 	snop  }
0x90: {  	s2 =	sld [smem:$0x3FD0];
	(tm) =	ssettm $0x1  }
0x91: {  	s18 =	sld [smem:$0x3FFB];
	_ =	sdelay $0x3  }
0x92: {  	_ =	strace s18  }
0x93: {  	s3 =	sld [smem:$0x3FFC];
	_ =	sdelay $0x3  }
0x94: {  	_ =	strace s3  }
0x95: {  	s3 =	sld [smem:$0x3FFD];
	_ =	sdelay $0x3  }
0x96: {  	_ =	strace s3  }
0x97: {  	_ =	strace $0x8FFFFFFF  }
0x98: {  	s19 =	sld [smem:$0x3FDB];
	_ =	sdelay $0x1  }
0x99: {  	s4 =	simm.s32 $_scs_section_size  }
0x9a: {  	s5 =	simm.s32 $_size__tile_overlayer_lowered;
	s6 =	simm.s32 $_tile_overlayer_lowered  }
0x9b: {  	s22 =	simm.s32 $0x1BFF;
	s21 =	sshll.u32 s6, $0x1;
	s3 =	sadd.s32 s4, s19  }
0x9c: {  	s7 =	simm.s32 $0x0;
	s20 =	sshll.u32 s5, $0x1;
	s5 =	sadd.s32 s21, s3  }
0x9d: {  	[timem:s7], [sflag:s22] =	dma.local [hbm:s5], s20  }
0x9e: {  	_ =	swait.ge [sflag:s22], s20  }
0x9f: {  	s4 =	ssub.s32 $0x0, s20;
	[sflag:s22] =	ssyncset.done $0x0  }
0xa0: {  	[sflag:s22] =	ssyncadd.s32 s4;
	_ =	sdelay $0x1  }
0xa1: {  	s23 =	simm.s32 $0x1B8B  }
0xa2: {  	_ =	swait.ge [sflag:s23], $0x1  }
0xa3: {  	[sflag:s23] =	ssyncset.done $0x0  }
0xa4: {  	s25 =	simm.s32 $0x1B8E;
	s24 =	sld [smem:$0x3FFE];
	[sflag:s23] =	ssyncadd.s32 $0xFFFFFFFF  }
0xa5: {  	s26 =	simm.s32 $execute0_lowered;
	[smem:$0x3FD2] =	sst s25  }
0xa6: {  	s5 =	sshll.u32 s26, $0x1;
	_ =	strace $0x80000046;
	[dreg:$0x1] =	wrdreg $0xFFFFFFFF  }
0xa7: {  	s28 =	simm.s32 $_size_execute0_lowered;
	s3 =	sadd.s32 s3, s5;
	[dreg:$0x0] =	wrdreg $0x0  }
0xa8: {  	s5 =	sshll.u32 s28, $0x1;
	[dreg:$0x2] =	wrdreg s3  }
0xa9: {  	[dreg:$0x3] =	wrdreg s5  }
0xaa: {  	[dreg:$0x4] =	wrdreg $0xC0  }
0xab: {  	_ =	task [dreg:s7], $0x5FFFF  }
0xac: {  	[dreg:$0x1] =	wrdreg $0xFFFFFFFF  }
0xad: {  	[dreg:$0x0] =	wrdreg $0x60  }
0xae: {  	[dreg:$0x2] =	wrdreg s2  }
0xaf: {  	[dreg:$0x3] =	wrdreg s24  }
0xb0: {  	[dreg:$0x4] =	wrdreg $0x100000  }
0xb1: {  	[dreg:$0x5] =	wrdreg $0x9  }
0xb2: {  	_ =	task.clear_ibuf [dreg:s7], $0x6FFFF;
	_ =	strace $0x90000046  }
0xb3: {  	s29 =	simm.s32 $0x9;
	_ =	strace $0x80000048  }
0xb4: {  	_ =	swait.ge [sflag:s29], $0x1  }
0xb5: {  	[sflag:s29] =	ssyncadd.s32 $0xFFFFFFFF  }
0xb6: {  	_ =	strace $0x90000048  }
0xb7: {  	_ =	sfence  }
0xb8: {  	s30 =	sld [smem:$0x0];
	_ =	sdelay $0x2  }
0xb9: {  	s31 =	sshll.u32 s1, $0xD;
	s1 =	sshrl.u32 s1, $0x2  }
0xba: {  	s3 =	sand.u32 $0x4000, s31;
	s1 =	sadd.s32 s1, s30  }
0xbb: {  	s0 =	sor.u32 s3, s0;
	s1 =	sshll.u32 s1, $0x11  }
0xbc: {  	s0 =	sor.u32 s1, s0  }
0xbd: {  	s0 =	sadd.s32 $0x8F2B, s0  }
0xbe: {  	[sflag:s0] =	ssyncadd.remote.s32 $0x1  }
0xbf: {  	_ =	sfence.sel $0xFFFF  }
0xc0: {  	[dreg:$0x0] =	wrdreg $0xFFFFFFFF;
	(pc) =	sbr.abs _section_cstart, $3  }
0xc1: {  	[dreg:$0x1] =	wrdreg $0xFFFFFFFF  }
0xc2: {  	_ =	task.clear_ibuf [dreg:s7], $0x2FFFF;
	_ =	strace $0x9FFFFFFF  }
0xc3: {  	(tm) =	ssettm $0x7FFFFFFF  }
tec
execute0_lowered:
.L_overlay_start_1:
0x0: {  	(tag) =	ssettag $0x1  }
0x1: {  	s4 =	rddreg [dreg:$0x0]  }
0x2: {  	s5 =	rddreg [dreg:$0x1]  }
0x3: {  	s1 =	rddreg [dreg:$0x2]  }
0x4: {  	s0 =	rddreg [dreg:$0x3]  }
0x5: {  	s3 =	simm.s32 $0x0;
	s6 =	srdreg.scid;
	s2 =	stileid.u32  }
0x6: {  	s12 =	simm.s32 $0x1;
	s13 =	simm.s32 $0x80;
	s14 =	simm.s32 $0x100  }
0x7: {  	s15 =	simm.s32 $0x0;
	[smem:$0x7FF] =	sst s3;
	s6 =	sand.u32 $0x1, s6  }
0x8: {  	s8 =	sshll.u32 s2, $0xB;
	s30 =	sshll.u32 s2, $0xF;
	s31 =	sshll.u32 s2, $0xD  }
0x9: {  	_ =	strace $0x80000047;
	s7 =	sshll.u32 s6, $0xF;
	s9 =	ssub.s32 $0x2, s6  }
0xa: {  	s6 =	sshll.u32 s6, $0x4;
	s7 =	sor.u32 s8, s7;
	s29 =	sshrl.u32 s9, $0x1  }
0xb: {  	s11 =	sadd.s32 s6, s5;
	s6 =	sadd.s32 s30, s1;
	s10 =	sadd.s32 s7, s5  }
0xc: {  	s8 =	ssub.s32 s9, s29;
	s4 =	sadd.s32 s4, s7;
	s7 =	sadd.s32 s31, s11  }
0xd: {  	s9 =	simm.s32 $0x4000;
	s11 =	simm.s32 $0x2;
	s5 =	sadd.s32 $0xA00, s10  }
0xe: {  	v0 =	vimm.f32 $0.0e+00;
	s7 =	sadd.s32 $0x10A00, s7;
	s8 =	smax.u32 s8, $0x1;
	s10 =	simm.s32 $0x8000  }
.LBB2_1:
0xf: {  	[tilespmem:s3], [sflag:$0x1] =	stream.linear.gather [hbm4b:s4+s3], $0x4000, $0x38;
	[tilespmem:$0x18000] =	vst v63  }
0x10: {  	s16 =	simm.s32 $0x0;
	s17 =	simm.s32 $0x800  }
0x11: {  	[tilespmem:s9], [sflag:$0x1] =	stream.linear.gather [hbm4b:s5+s3], $0x4000, $0x38;
	[tilespmem:$0x18000] =	vst v63  }
.LBB2_2:
0x12: {  	p0 =	sne.s32 s17, $0x1F800;
	[tilespmem:s16+$0x81F0] =	vst v0  }
0x13: {  	[tilespmem:s16+$0x8000] =	vst v0  }
0x14: {  	[tilespmem:s16+$0x8010] =	vst v0  }
0x15: {  	[tilespmem:s16+$0x8020] =	vst v0  }
0x16: {  	[tilespmem:s16+$0x8030] =	vst v0  }
0x17: {  	[tilespmem:s16+$0x8040] =	vst v0  }
0x18: {  	[tilespmem:s16+$0x8050] =	vst v0  }
0x19: {  	[tilespmem:s16+$0x8060] =	vst v0  }
0x1a: {  	[tilespmem:s16+$0x8070] =	vst v0  }
0x1b: {  	[tilespmem:s16+$0x8080] =	vst v0  }
0x1c: {  	[tilespmem:s16+$0x8090] =	vst v0  }
0x1d: {  	[tilespmem:s16+$0x80A0] =	vst v0  }
0x1e: {  	[tilespmem:s16+$0x80B0] =	vst v0  }
0x1f: {  	[tilespmem:s16+$0x80C0] =	vst v0  }
0x20: {  	[tilespmem:s16+$0x80D0] =	vst v0  }
0x21: {  	[tilespmem:s16+$0x80E0] =	vst v0  }
0x22: {  	[tilespmem:s16+$0x80F0] =	vst v0  }
0x23: {  	[tilespmem:s16+$0x8100] =	vst v0  }
0x24: {  	[tilespmem:s16+$0x8110] =	vst v0  }
0x25: {  	[tilespmem:s16+$0x8120] =	vst v0  }
0x26: {  	[tilespmem:s16+$0x8130] =	vst v0  }
0x27: {  	[tilespmem:s16+$0x8140] =	vst v0  }
0x28: {  	[tilespmem:s16+$0x8150] =	vst v0  }
0x29: {  	[tilespmem:s16+$0x8160] =	vst v0  }
0x2a: {  	[tilespmem:s16+$0x8170] =	vst v0  }
0x2b: {  	[tilespmem:s16+$0x8180] =	vst v0  }
0x2c: {  	[tilespmem:s16+$0x8190] =	vst v0  }
.Ltmp0:
0x2d: {  	[tilespmem:s16+$0x81A0] =	vst v0;
	(pc) =	sbr.rel @p0 .LBB2_2-.Ltmp0, $4  }
0x2e: {  	[tilespmem:s16+$0x81B0] =	vst v0  }
0x2f: {  	[tilespmem:s16+$0x81C0] =	vst v0  }
0x30: {  	[tilespmem:s16+$0x81D0] =	vst v0  }
0x31: {  	[tilespmem:s16+$0x81E0] =	vst v0;
	s16 =	sshra.s32 s17, $0x2;
	s17 =	sadd.s32 $0x800, s17  }
0x32: {  	[tilespmem:s16+$0x81F0] =	vst v0  }
0x33: {  	[tilespmem:s16+$0x8000] =	vst v0  }
0x34: {  	[tilespmem:s16+$0x8010] =	vst v0  }
0x35: {  	[tilespmem:s16+$0x8020] =	vst v0  }
0x36: {  	[tilespmem:s16+$0x8030] =	vst v0  }
0x37: {  	[tilespmem:s16+$0x8040] =	vst v0  }
0x38: {  	[tilespmem:s16+$0x8050] =	vst v0  }
0x39: {  	[tilespmem:s16+$0x8060] =	vst v0  }
0x3a: {  	[tilespmem:s16+$0x8070] =	vst v0  }
0x3b: {  	[tilespmem:s16+$0x8080] =	vst v0  }
0x3c: {  	[tilespmem:s16+$0x8090] =	vst v0  }
0x3d: {  	[tilespmem:s16+$0x80A0] =	vst v0  }
0x3e: {  	[tilespmem:s16+$0x80B0] =	vst v0  }
0x3f: {  	[tilespmem:s16+$0x80C0] =	vst v0  }
0x40: {  	[tilespmem:s16+$0x80D0] =	vst v0  }
0x41: {  	[tilespmem:s16+$0x80E0] =	vst v0  }
0x42: {  	[tilespmem:s16+$0x80F0] =	vst v0  }
0x43: {  	[tilespmem:s16+$0x8100] =	vst v0  }
0x44: {  	[tilespmem:s16+$0x8110] =	vst v0  }
0x45: {  	[tilespmem:s16+$0x8120] =	vst v0  }
0x46: {  	[tilespmem:s16+$0x8130] =	vst v0  }
0x47: {  	[tilespmem:s16+$0x8140] =	vst v0  }
0x48: {  	[tilespmem:s16+$0x8150] =	vst v0  }
0x49: {  	[tilespmem:s16+$0x8160] =	vst v0  }
0x4a: {  	[tilespmem:s16+$0x8170] =	vst v0  }
0x4b: {  	[tilespmem:s16+$0x8180] =	vst v0  }
0x4c: {  	[tilespmem:s16+$0x8190] =	vst v0  }
0x4d: {  	[tilespmem:s16+$0x81A0] =	vst v0  }
0x4e: {  	[tilespmem:s16+$0x81B0] =	vst v0  }
0x4f: {  	[tilespmem:s16+$0x81C0] =	vst v0  }
0x50: {  	[tilespmem:s16+$0x81D0] =	vst v0  }
0x51: {  	[tilespmem:s16+$0x81E0] =	vst v0  }
0x52: {  	[spmem:s6] =	stream.linear.scatter [tilespmem:s10], [sflag:$0x2], $0x8000, $0x38;
	[tilespmem:$0x18000] =	vst v63  }
0x53: {  	_ =	swait.ge [sflag:s11], $0x8000  }
0x54: {  	[sflag:s11] =	ssyncset.done $0x0  }
0x55: {  	[sflag:s11] =	ssyncadd.s32 $0xFFFF8000  }
0x56: {  	_ =	swait.ge [sflag:s12], $0x4000  }
0x57: {  	[sflag:s12] =	ssyncset.done $0x0  }
0x58: {  	[sflag:s12] =	ssyncadd.s32 $0xFFFFC000  }
0x59: {  	_ =	swait.ge [sflag:s12], $0x4000  }
0x5a: {  	[sflag:s12] =	ssyncset.done $0x0  }
0x5b: {  	[sflag:s12] =	ssyncadd.s32 $0xFFFFC000  }
0x5c: {  	[bflag:$0x0] =	sbarrier.arrive $0xFFFF  }
0x5d: {  	[spmem:s1] =	stream.indirect.scatter.add.f32 [tilespmem:s9], [sflag:$0x2], $0x1, s3, s9, $0xb8;
	[tilespmem:$0x18000] =	vst v63  }
0x5e: {  	_ =	swait.ge [sflag:s11], $0x4000  }
0x5f: {  	[sflag:s11] =	ssyncset.done $0x0  }
0x60: {  	[sflag:s11] =	ssyncadd.s32 $0xFFFFC000  }
0x61: {  	[bflag:$0x0] =	sbarrier.arrive $0xFFFF  }
0x62: {  	[tilespmem:s10], [sflag:$0x2] =	stream.linear.gather [spmem:s6], $0x8000, $0x38;
	[tilespmem:$0x18000] =	vst v63  }
0x63: {  	s15 =	sadd.s32 $0x1, s15;
	_ =	swait.ge [sflag:s11], $0x8000  }
0x64: {  	p0 =	sne.s32 s15, s8;
	[sflag:s11] =	ssyncset.done $0x0  }
.Ltmp1:
0x65: {  	[sflag:s11] =	ssyncadd.s32 $0xFFFF8000;
	(pc) =	sbr.rel @p0 .LBB2_1-.Ltmp1, $4  }
0x66: {  	[hbm4b:s7+s13] =	stream.strided.scatter [tilespmem:s10], [sflag:$0x2], $0x8000, s14, s13, $0x38;
	[tilespmem:$0x18000] =	vst v63  }
0x67: {  	_ =	swait.ge [sflag:s11], $0x8000  }
0x68: {  	[sflag:s11] =	ssyncset.done $0x0  }
0x69: {  	[sflag:s11] =	ssyncadd.s32 $0xFFFF8000  }
0x6a: {  	_ =	sfence.sel $0x180000  }
0x6b: {  	[bflag:$0x0] =	sbarrier.arrive $0xFFFF  }
0x6c: {  	p0 =	sne.s32 s2, $0x0;
	_ =	strace $0x90000047  }
0x6d: {  	s0 =	sadd.s32 @!p0 $0x100000, s0;
	[bflag:$0x2] =	sbarrier.arrive $0xFFFF  }
0x6e: {  	[sflag:s0] =	ssyncadd.tile.s32 @!p0 $0x1;
	_ =	shalt  }
.Lfunc_end2:
_tile_overlayer_lowered:
.L_overlay_start_2:
0x6f: {  	(tag) =	ssettag $0x2  }
0x70: {  	s0 =	rddreg [dreg:$0x0];
	s2 =	stileid.u32  }
0x71: {  	s1 =	rddreg [dreg:$0x1];
	p0 =	sne.s32 s2, $0x0  }
0x72: {  	s3 =	rddreg [dreg:$0x2];
	[bflag:$0x3] =	sbarrier.arrive $0xFFFF;
	s2 =	simm.s32 @!p0 $0x1C02  }
0x73: {  	[timem:s3], [sflag:s2] =	dma.local @!p0 [hbm:s0], s1  }
0x74: {  	s0 =	simm.s32 @!p0 $0x2  }
0x75: {  	_ =	swait.ge @!p0 [sflag:s0], s1  }
0x76: {  	s1 =	ssub.s32 @!p0 $0x0, s1;
	[sflag:s0] =	ssyncset.done @!p0 $0x0  }
0x77: {  	[sflag:s0] =	ssyncadd.s32 @!p0 s1  }
0x78: {  	[bflag:$0x3] =	sbarrier.arrive $0xFFFF  }
0x79: {  	_ =	shalt  }

</sc_bundles>
